<compile_context>
chip_gen: v7x
topology: tpu7x:2x2x1
jax: 0.10.2.dev20260603
libtpu: 0.0.44.dev20260713+nightly
codegen_flags: <defaults>
</compile_context>

<pallas_src>
import jax
import jax.numpy as jnp
from jax import lax
from jax.experimental import pallas as pl
from jax.experimental.pallas import tpu as pltpu
from jax.experimental.pallas import tpu_sc as plsc

_K = 64
_FACTOR = 6.26
_NC, _NS, _L = 2, 16, 16
_ROWS, _COLS = 128, 8192
_RPW = _ROWS // (_NC * _NS)
_NV = _COLS // _L
_U = 8
_CU = 8
_B30 = 0x40000000


def _f32(bits):
    return plsc.bitcast(bits, jnp.float32)


def _i32(vals):
    return plsc.bitcast(vals, jnp.int32)


def _popcnt(mask):
    return plsc.all_reduce_population_count(mask)


def _select(ck, off0, n0, k0, t0, s_sel0, s_cand0):
    lanes = lax.iota(jnp.int32, _L)

    def count_pass(bit, off, n):
        nv = ((n + _L * _U - 1) // (_L * _U)) * _U

        def body(i, carry):
            cnt_v, s_v = carry
            v = ck[pl.ds(off + i * _L, _L)]
            valid = (i * _L + lanes) < n
            hi = valid & (((v >> bit) & 1) == 1)
            cnt_v = cnt_v + jnp.where(hi, 1, 0)
            s_v = s_v + jnp.where(hi, _f32(v), 0.0)
            return cnt_v, s_v

        cnt_v, s_v = plsc.parallel_loop(
            0, nv, 1, unroll=_U,
            carry=(jnp.zeros((_L,), jnp.int32), jnp.zeros((_L,), jnp.float32))
        )(body)
        return jnp.sum(cnt_v), jnp.sum(s_v)

    def compact_pass(bit, off, n, want_hi):
        ng = (n + _L * _CU - 1) // (_L * _CU)

        def body(g, wp_v):
            vs = [ck[pl.ds(off + (g * _CU + j) * _L, _L)]
                  for j in range(_CU)]
            for j in range(_CU):
                valid = ((g * _CU + j) * _L + lanes) < n
                hi = ((vs[j] >> bit) & 1) == 1
                keep = valid & (hi == want_hi)
                pos = wp_v + plsc.cumsum(keep.astype(jnp.int32)) - 1
                plsc.store_scatter(ck, [pos], vs[j], mask=keep)
                wp_v = wp_v + _popcnt(keep)
            return wp_v

        wp_v = lax.fori_loop(0, ng, body, jnp.zeros((_L,), jnp.int32))
        return jnp.max(wp_v)

    def cond(state):
        bit, off, k, n, t, s_sel, s_cand = state
        return (bit >= 0) & (k < n) & (n > _L)

    def step(state):
        bit, off, k, n, t, s_sel, s_cand = state
        cnt, s_hi = count_pass(bit, off, n)
        take_hi = cnt >= k
        new_n = compact_pass(bit, off, n, take_hi)
        t = jnp.where(take_hi, t | (1 << bit), t)
        k = jnp.where(take_hi, k, k - cnt)
        s_sel = jnp.where(take_hi, s_sel, s_sel + s_hi)
        s_cand = jnp.where(take_hi, s_hi, s_cand - s_hi)
        return bit - 1, jnp.int32(0), k, new_n, t, s_sel, s_cand

    init = (jnp.int32(29), off0, k0, n0, t0, s_sel0, s_cand0)
    bit, off, k, n, t, s_sel, s_cand = lax.while_loop(cond, step, init)

    v = ck[pl.ds(off, _L)]
    vf = _f32(v)
    k_v = jnp.full((_L,), k, jnp.int32)
    t_v = jnp.full((_L,), t, jnp.int32)

    def eg_step(i, st):
        k2_v, t2_v, valid = st
        b = bit - i
        hi = valid & (((v >> b) & 1) == 1)
        cnt_v = _popcnt(hi)
        take_hi = cnt_v >= k2_v
        t2_v = jnp.where(take_hi, t2_v | (1 << b), t2_v)
        k2_v = jnp.where(take_hi, k2_v, k2_v - cnt_v)
        valid = valid & (hi == take_hi)
        return k2_v, t2_v, valid

    active = (k < n)
    valid0 = lanes < n
    k2_v, t2_v, _ = lax.fori_loop(
        0, jnp.where(active, bit + 1, 0), eg_step,
        (k_v, t_v, valid0))

    s_gt = jnp.sum(jnp.where(valid0 & (v > t2_v), vf, 0.0))
    val_t = jnp.sum(jnp.where(lanes == 0, _f32(t2_v), 0.0))
    k2 = jnp.max(k2_v)
    t2 = jnp.max(t2_v)
    fin = jnp.where(active, s_sel + s_gt + k2.astype(jnp.float32) * val_t,
                    s_sel + s_cand)
    cnt_ties = jnp.max(_popcnt(valid0 & (v == t2_v)))
    no_surplus = (~active) | ((bit >= 0) & (cnt_ties == k2))
    t = jnp.where(active, t2, t)
    k = jnp.where(active, k2, k)
    return t, k, fin, no_surplus


def _row_compute(xrow, orow, ckp, ckn):
    mask7f = jnp.full((_L,), 0x7FFFFFFF, jnp.int32)
    iota1 = lax.iota(jnp.int32, _L) + 1

    def p0(i, carry):
        sp_v, sn_v, shp_v, shn_v, whp, wlp, whn, wln = carry
        v = xrow[pl.ds(i * _L, _L)]
        p = jnp.maximum(v, 0.0)
        nn = jnp.maximum(-v, 0.0)
        pk = _i32(p) & mask7f
        nk = _i32(nn) & mask7f
        hip = pk >= _B30
        hin = nk >= _B30

        csp = plsc.cumsum(jnp.where(hip, 1, 0))
        plsc.store_scatter(ckp, [whp + csp - 1], pk, mask=hip)
        plsc.store_scatter(ckp, [(_COLS - wlp) - (iota1 - csp)], pk,
                           mask=~hip)
        pc_p = _popcnt(hip)
        whp = whp + pc_p
        wlp = wlp + (_L - pc_p)

        csn = plsc.cumsum(jnp.where(hin, 1, 0))
        plsc.store_scatter(ckn, [whn + csn - 1], nk, mask=hin)
        plsc.store_scatter(ckn, [(_COLS - wln) - (iota1 - csn)], nk,
                           mask=~hin)
        pc_n = _popcnt(hin)
        whn = whn + pc_n
        wln = wln + (_L - pc_n)

        return (sp_v + p, sn_v + nn,
                shp_v + jnp.where(hip, p, 0.0),
                shn_v + jnp.where(hin, nn, 0.0),
                whp, wlp, whn, wln)

    z_i = jnp.zeros((_L,), jnp.int32)
    z_f = jnp.zeros((_L,), jnp.float32)
    sp_v, sn_v, shp_v, shn_v, whp, wlp, whn, wln = plsc.parallel_loop(
        0, _NV, 1, unroll=_U,
        carry=(z_f, z_f, z_f, z_f, z_i, z_i, z_i, z_i))(p0)
    sum_p, sum_n = jnp.sum(sp_v), jnp.sum(sn_v)
    s30p, s30n = jnp.sum(shp_v), jnp.sum(shn_v)
    cnt30p = jnp.max(whp)
    cnt30n = jnp.max(whn)

    def side_init(cnt30, s30, sum_all):
        take_hi = cnt30 >= _K
        off = jnp.where(take_hi, 0, cnt30)
        n = jnp.where(take_hi, cnt30, _COLS - cnt30)
        k = jnp.where(take_hi, _K, _K - cnt30)
        t = jnp.where(take_hi, jnp.int32(_B30), jnp.int32(0))
        s_sel = jnp.where(take_hi, 0.0, s30)
        s_cand = jnp.where(take_hi, s30, sum_all - s30)
        return off, n, k, t, s_sel, s_cand

    offp, np_, kp_, tp0, sselp, scandp = side_init(cnt30p, s30p, sum_p)
    offn, nn_, kn_, tn0, sseln, scandn = side_init(cnt30n, s30n, sum_n)
    tp, krp, ssp, okp = _select(ckp, offp, np_, kp_, tp0, sselp, scandp)
    tn, krn, ssn, okn = _select(ckn, offn, nn_, kn_, tn0, sseln, scandn)

    p_tmp = _FACTOR * (sum_p - ssp)
    n_tmp = _FACTOR * (sum_n - ssn)
    vtp = jnp.sum(jnp.where(lax.iota(jnp.int32, _L) == 0,
                            _f32(jnp.full((_L,), tp, jnp.int32)), 0.0))
    vtn = jnp.sum(jnp.where(lax.iota(jnp.int32, _L) == 0,
                            _f32(jnp.full((_L,), tn, jnp.int32)), 0.0))

    def fast_out():
        def body(i, carry):
            v = xrow[pl.ds(i * _L, _L)]
            p = jnp.maximum(v, 0.0)
            nn = jnp.maximum(-v, 0.0)
            out = (jnp.where(p >= vtp, p + p_tmp, 0.0)
                   - jnp.where(nn >= vtn, nn + n_tmp, 0.0))
            orow[pl.ds(i * _L, _L)] = out
            return carry

        plsc.parallel_loop(0, _NV, 1, unroll=_U,
                           carry=jnp.int32(0))(body)

    def slow_out():
        def body(i, carry):
            tcp_v, tcn_v = carry
            v = xrow[pl.ds(i * _L, _L)]
            p = jnp.maximum(v, 0.0)
            nn = jnp.maximum(-v, 0.0)
            pk = _i32(p) & mask7f
            nk = _i32(nn) & mask7f

            tie_p = pk == tp
            rank_p = tcp_v + plsc.cumsum(tie_p.astype(jnp.int32))
            sel_p = (pk > tp) | (tie_p & (rank_p <= krp))
            tcp_v = tcp_v + _popcnt(tie_p)

            tie_n = nk == tn
            rank_n = tcn_v + plsc.cumsum(tie_n.astype(jnp.int32))
            sel_n = (nk > tn) | (tie_n & (rank_n <= krn))
            tcn_v = tcn_v + _popcnt(tie_n)

            out = (jnp.where(sel_p, p + p_tmp, 0.0)
                   - jnp.where(sel_n, nn + n_tmp, 0.0))
            orow[pl.ds(i * _L, _L)] = out
            return tcp_v, tcn_v

        plsc.parallel_loop(
            0, _NV, 1, unroll=_U,
            carry=(jnp.zeros((_L,), jnp.int32), jnp.zeros((_L,), jnp.int32))
        )(body)

    lax.cond(okp & okn, fast_out, slow_out)


def _sc_body(rpw, x_hbm, o_hbm, xrow, orow, ckp, ckn):
    wid = lax.axis_index("s") * _NC + lax.axis_index("c")

    def per_row(r, carry):
        row = wid * rpw + r
        pltpu.sync_copy(x_hbm.at[row], xrow)
        _row_compute(xrow, orow, ckp, ckn)
        pltpu.sync_copy(orow, o_hbm.at[row])
        return carry

    lax.fori_loop(0, rpw, per_row, jnp.int32(0))


def sc_kernel(x):
    rows = x.shape[0]
    rpw = rows // (_NC * _NS)
    mesh = plsc.VectorSubcoreMesh(core_axis_name="c", subcore_axis_name="s",
                                  num_cores=_NC, num_subcores=_NS)
    f = pl.kernel(
        lambda *a: _sc_body(rpw, *a),
        out_type=jax.ShapeDtypeStruct((rows, _COLS), jnp.float32),
        mesh=mesh,
        compiler_params=pltpu.CompilerParams(needs_layout_passes=False),
        scratch_types=[
            pltpu.VMEM((_COLS,), jnp.float32),
            pltpu.VMEM((_COLS,), jnp.float32),
            pltpu.VMEM((_COLS + _U * _L,), jnp.int32),
            pltpu.VMEM((_COLS + _U * _L,), jnp.int32),
        ],
    )
    return f(x)




def _tc_search_ge(keys, valid, k, nbits, rows):
    def tc_step(i, t):
        cand = t | (1 << (nbits - 1 - i))
        hit = valid & (keys >= cand)
        cnt = jnp.sum(hit.astype(jnp.int32), axis=1, keepdims=True)
        return jnp.where(cnt >= k, cand, t)
    return jax.lax.fori_loop(0, nbits, tc_step,
                             jnp.zeros((rows, 1), jnp.int32))


def _tc_side_mask(bits, rcol, rows):
    ones = bits >= 0
    t = _tc_search_ge(bits, ones, _K, 31, rows)
    gt = bits > t
    cnt_gt = jnp.sum(gt.astype(jnp.int32), axis=1, keepdims=True)
    needed = _K - cnt_gt
    tie = bits == t
    tie_cnt = jnp.sum(tie.astype(jnp.int32), axis=1, keepdims=True)

    t2 = lax.cond(
        jnp.all(tie_cnt == needed),
        lambda: jnp.zeros((rows, 1), jnp.int32),
        lambda: _tc_search_ge(rcol, tie, needed, 13, rows))
    return gt | (tie & (rcol >= t2))


def _tc_body(x_ref, o_ref):
    x = x_ref[...]
    p = jnp.maximum(x, 0.0)
    n = jnp.maximum(-x, 0.0)
    pb = jax.lax.bitcast_convert_type(p, jnp.int32)
    nb = jax.lax.bitcast_convert_type(n, jnp.int32)
    rows, cols = x.shape
    rcol = jax.lax.broadcasted_iota(jnp.int32, (rows, cols), 1)
    rcol = (cols - 1) - rcol

    mp = _tc_side_mask(pb, rcol, rows)
    mn = _tc_side_mask(nb, rcol, rows)
    p_tmp = _FACTOR * jnp.sum(jnp.where(mp, 0.0, p), axis=1, keepdims=True)
    n_tmp = _FACTOR * jnp.sum(jnp.where(mn, 0.0, n), axis=1, keepdims=True)
    o_ref[...] = (jnp.where(mp, p + p_tmp, 0.0)
                  - jnp.where(mn, n + n_tmp, 0.0))


def tc_kernel(x):
    rows, cols = x.shape
    blk = 16
    return pl.pallas_call(
        _tc_body,
        grid=(rows // blk,),
        in_specs=[pl.BlockSpec((blk, cols), lambda i: (i, 0))],
        out_specs=pl.BlockSpec((blk, cols), lambda i: (i, 0)),
        out_shape=jax.ShapeDtypeStruct((rows, cols), x.dtype),
    )(x)


_SC_ROWS = 96


def kernel(x):
    if _SC_ROWS >= x.shape[0]:
        return sc_kernel(x)
    out_sc = sc_kernel(x[:_SC_ROWS])
    out_tc = tc_kernel(x[_SC_ROWS:])
    return jnp.concatenate([out_sc, out_tc], axis=0)

# --- scband reference (transcript-rebuilt; emitter-appended) ---
"""Pipeline reference for scband-kcompetitive-22703197127201 (READ-ONLY COPY).

The authoritative reference and input builder live on the scoring server;
editing this copy changes nothing except your own understanding.
"""

import jax, jax.numpy as jnp
import numpy as np

TOPK = 128
FACTOR = 6.26


def setup_inputs(seed: int = 0) -> dict:
    key = jax.random.key(seed)
    x = jax.random.normal(key, (128, 8192), dtype=jnp.float32)
    return {"x": x}


def _scatter_rows(vals, idx, shape):
    # Equivalent of tf.sparse_to_dense with per-row column indices (no duplicates
    # within a row since they come from top_k), default_value=0.0.
    rows = jnp.arange(shape[0])[:, None]
    return jnp.zeros(shape, vals.dtype).at[rows, idx].set(vals)


def reference(x):
    # Faithful port of KCompetitive.k_comp_tanh (the training-phase path for
    # ctype='kcomp'). Inference path is identity, so we implement the
    # interesting competitive top-k masking computation.
    topk = TOPK
    factor = FACTOR
    P = (x + jnp.abs(x)) / 2.0  # positive part
    N = (x - jnp.abs(x)) / 2.0  # negative part
    kp = int(topk / 2)
    kn = topk - kp

    values, indices = jax.lax.top_k(P, kp)
    P_reset = _scatter_rows(values, indices, x.shape)

    values2, indices2 = jax.lax.top_k(-N, kn)
    N_reset = _scatter_rows(values2, indices2, x.shape)

    P_tmp = factor * jnp.sum(P - P_reset, axis=1, keepdims=True)
    N_tmp = factor * jnp.sum(-N - N_reset, axis=1, keepdims=True)

    P_reset = _scatter_rows(values + P_tmp, indices, x.shape)
    N_reset = _scatter_rows(values2 + N_tmp, indices2, x.shape)

    res = P_reset - N_reset
    return res

if __name__ == "__main__":
    import jax
    _d = setup_inputs()
    print(jax.jit(kernel)(*tuple(_d.values())))

</pallas_src>

<mosaic_0001>
#map = affine_map<(d0, d1) -> (0, 0)>
module attributes {stable_mosaic.version = 14 : i64} {
  func.func @_lambda_(%arg0: i32, %arg1: i32, %arg2: memref<96x8192xf32, #tpu.memory_space<hbm>>, %arg3: memref<96x8192xf32, #tpu.memory_space<hbm>>, %arg4: memref<8192xf32, #tpu.memory_space<vmem>>, %arg5: memref<8192xf32, #tpu.memory_space<vmem>>, %arg6: memref<8320xi32, #tpu.memory_space<vmem>>, %arg7: memref<8320xi32, #tpu.memory_space<vmem>>) attributes {dimension_semantics = [#tpu.dimension_semantics<core_parallel>, #tpu.dimension_semantics<subcore_parallel>], iteration_bounds = array<i64: 2, 16>, scalar_prefetch = 0 : i64, scratch_operands = 4 : i64, tpu.core_type = #tpu.core_type<sc_vector_subcore>, window_params = [{transform_indices = #map}, {transform_indices = #map}]} {
    %mul3A = arith.constant 2 : i32
    %mul3A_0 = arith.muli %arg1, %mul3A : i32
    %add3A = arith.addi %mul3A_0, %arg0 : i32
    %scan3A = arith.constant 0 : i32
    %scan3A_1 = arith.constant 0 : i32
    %scan3A_2 = arith.constant 3 : i32
    %scan3A_3 = arith.addi %scan3A_1, %scan3A_2 : i32
    %scan3A_4 = arith.constant 1 : i32
    scf.for %scan3A_6 = %scan3A_1 to %scan3A_3 step %scan3A_4  : i32 {
      %mul3A_7 = arith.constant 3 : i32
      %mul3A_8 = arith.muli %add3A, %mul3A_7 : i32
      %add3A_9 = arith.addi %mul3A_8, %scan3A_6 : i32
      "tpu.region"() ({
        %run_scoped3A = tpu.sem_alloc : memref<!tpu.dma_semaphore, #tpu.memory_space<semaphore_mem>>
        %dma_start3A = arith.constant 0 : i32
        %dma_start3A_283 = tpu.memref_slice %arg2[%add3A_9, %dma_start3A] : memref<96x8192xf32, #tpu.memory_space<hbm>> -> memref<1x8192xf32, #tpu.memory_space<hbm>>
        %dma_start3A_284 = tpu.memref_squeeze %dma_start3A_283 : memref<1x8192xf32, #tpu.memory_space<hbm>> -> memref<8192xf32, #tpu.memory_space<hbm>>
        %dma_start3A_285 = arith.constant 0 : i32
        %dma_start3A_286 = tpu.memref_slice %arg2[%add3A_9, %dma_start3A_285] : memref<96x8192xf32, #tpu.memory_space<hbm>> -> memref<1x8192xf32, #tpu.memory_space<hbm>>
        %dma_start3A_287 = tpu.memref_squeeze %dma_start3A_286 : memref<1x8192xf32, #tpu.memory_space<hbm>> -> memref<8192xf32, #tpu.memory_space<hbm>>
        tpu.enqueue_dma source(%dma_start3A_287 : memref<8192xf32, #tpu.memory_space<hbm>>) target(%arg4 : memref<8192xf32, #tpu.memory_space<vmem>>) target_semaphore(%run_scoped3A : memref<!tpu.dma_semaphore, #tpu.memory_space<semaphore_mem>>)
        %dma_wait3A = arith.constant 0 : i32
        %dma_wait3A_288 = tpu.memref_slice %arg2[%add3A_9, %dma_wait3A] : memref<96x8192xf32, #tpu.memory_space<hbm>> -> memref<1x8192xf32, #tpu.memory_space<hbm>>
        %dma_wait3A_289 = tpu.memref_squeeze %dma_wait3A_288 : memref<1x8192xf32, #tpu.memory_space<hbm>> -> memref<8192xf32, #tpu.memory_space<hbm>>
        %dma_wait3A_290 = arith.constant 0 : i32
        %dma_wait3A_291 = tpu.memref_slice %arg2[%add3A_9, %dma_wait3A_290] : memref<96x8192xf32, #tpu.memory_space<hbm>> -> memref<1x8192xf32, #tpu.memory_space<hbm>>
        %dma_wait3A_292 = tpu.memref_squeeze %dma_wait3A_291 : memref<1x8192xf32, #tpu.memory_space<hbm>> -> memref<8192xf32, #tpu.memory_space<hbm>>
        tpu.wait_dma2 semaphore(%run_scoped3A : memref<!tpu.dma_semaphore, #tpu.memory_space<semaphore_mem>>) src(%dma_wait3A_292 : memref<8192xf32, #tpu.memory_space<hbm>>) dst(%arg4 : memref<8192xf32, #tpu.memory_space<vmem>>)
        tpu.yield
      }) : () -> ()
      %broadcast_in_dim3A = arith.constant 2147483647 : i32
      %broadcast_in_dim3A_10 = vector.broadcast %broadcast_in_dim3A : i32 to vector<16xi32>
      %iota3A = tpu.iota {dimensions = array<i32: 0>} : vector<16xi32>
      %add3A_11 = arith.constant 1 : i32
      %add3A_12 = vector.broadcast %add3A_11 : i32 to vector<16xi32>
      %add3A_13 = arith.addi %iota3A, %add3A_12 : vector<16xi32>
      %broadcast_in_dim3A_14 = arith.constant 0 : i32
      %broadcast_in_dim3A_15 = vector.broadcast %broadcast_in_dim3A_14 : i32 to vector<16xi32>
      %broadcast_in_dim3A_16 = arith.constant 0.000000e+00 : f32
      %broadcast_in_dim3A_17 = vector.broadcast %broadcast_in_dim3A_16 : f32 to vector<16xf32>
      %parallel_loop3A = arith.constant 0 : i32
      %parallel_loop3A_18 = arith.constant 512 : i32
      %parallel_loop3A_19 = arith.constant 1 : i32
      %parallel_loop3A_20:8 = scf.for %parallel_loop3A_283 = %parallel_loop3A to %parallel_loop3A_18 step %parallel_loop3A_19 iter_args(%parallel_loop3A_284 = %broadcast_in_dim3A_17, %parallel_loop3A_285 = %broadcast_in_dim3A_17, %parallel_loop3A_286 = %broadcast_in_dim3A_17, %parallel_loop3A_287 = %broadcast_in_dim3A_17, %parallel_loop3A_288 = %broadcast_in_dim3A_15, %parallel_loop3A_289 = %broadcast_in_dim3A_15, %parallel_loop3A_290 = %broadcast_in_dim3A_15, %parallel_loop3A_291 = %broadcast_in_dim3A_15) -> (vector<16xf32>, vector<16xf32>, vector<16xf32>, vector<16xf32>, vector<16xi32>, vector<16xi32>, vector<16xi32>, vector<16xi32>)  : i32 {
        %parallel_loop3A_292 = arith.constant 16 : i32
        %parallel_loop3A_293 = arith.muli %parallel_loop3A_283, %parallel_loop3A_292 : i32
        %parallel_loop3A_294 = arith.index_cast %parallel_loop3A_293 : i32 to index
        %parallel_loop3A_295 = tpu.vector_load %arg4[%parallel_loop3A_294] {strides = array<i32>} : memref<8192xf32, #tpu.memory_space<vmem>>, vector<16xf32>,
        %parallel_loop3A_296 = arith.constant 0.000000e+00 : f32
        %parallel_loop3A_297 = vector.broadcast %parallel_loop3A_296 : f32 to vector<16xf32>
        %parallel_loop3A_298 = arith.maximumf %parallel_loop3A_295, %parallel_loop3A_297 : vector<16xf32>
        %parallel_loop3A_299 = arith.constant 0.000000e+00 : f32
        %parallel_loop3A_300 = vector.broadcast %parallel_loop3A_299 : f32 to vector<16xf32>
        %parallel_loop3A_301 = arith.subf %parallel_loop3A_300, %parallel_loop3A_295 : vector<16xf32>
        %parallel_loop3A_302 = arith.constant 0.000000e+00 : f32
        %parallel_loop3A_303 = vector.broadcast %parallel_loop3A_302 : f32 to vector<16xf32>
        %parallel_loop3A_304 = arith.maximumf %parallel_loop3A_301, %parallel_loop3A_303 : vector<16xf32>
        %parallel_loop3A_305 = vector.bitcast %parallel_loop3A_298 : vector<16xf32> to vector<16xi32>
        %parallel_loop3A_306 = arith.andi %parallel_loop3A_305, %broadcast_in_dim3A_10 : vector<16xi32>
        %parallel_loop3A_307 = vector.bitcast %parallel_loop3A_304 : vector<16xf32> to vector<16xi32>
        %parallel_loop3A_308 = arith.andi %parallel_loop3A_307, %broadcast_in_dim3A_10 : vector<16xi32>
        %parallel_loop3A_309 = arith.constant 1073741824 : i32
        %parallel_loop3A_310 = vector.broadcast %parallel_loop3A_309 : i32 to vector<16xi32>
        %parallel_loop3A_311 = arith.cmpi sge, %parallel_loop3A_306, %parallel_loop3A_310 : vector<16xi32>
        %parallel_loop3A_312 = arith.constant 1073741824 : i32
        %parallel_loop3A_313 = vector.broadcast %parallel_loop3A_312 : i32 to vector<16xi32>
        %parallel_loop3A_314 = arith.cmpi sge, %parallel_loop3A_308, %parallel_loop3A_313 : vector<16xi32>
        %parallel_loop3A_315 = arith.constant 1 : i32
        %parallel_loop3A_316 = arith.constant 0 : i32
        %parallel_loop3A_317 = vector.broadcast %parallel_loop3A_315 : i32 to vector<16xi32>
        %parallel_loop3A_318 = vector.broadcast %parallel_loop3A_316 : i32 to vector<16xi32>
        %parallel_loop3A_319 = arith.select %parallel_loop3A_311, %parallel_loop3A_317, %parallel_loop3A_318 : vector<16xi1>, vector<16xi32>
        %parallel_loop3A_320 = arith.constant true
        %parallel_loop3A_321 = vector.broadcast %parallel_loop3A_320 : i1 to vector<16xi1>
        %parallel_loop3A_322 = tpu.scan <sum>, %parallel_loop3A_319 masked %parallel_loop3A_321 : vector<16xi32>, vector<16xi1> -> vector<16xi32>
        %parallel_loop3A_323 = arith.addi %parallel_loop3A_288, %parallel_loop3A_322 : vector<16xi32>
        %parallel_loop3A_324 = arith.constant 1 : i32
        %parallel_loop3A_325 = vector.broadcast %parallel_loop3A_324 : i32 to vector<16xi32>
        %parallel_loop3A_326 = arith.subi %parallel_loop3A_323, %parallel_loop3A_325 : vector<16xi32>
        tpu.vector_store_idx %arg6[%parallel_loop3A_326], %parallel_loop3A_306 masked %parallel_loop3A_311 : memref<8320xi32, #tpu.memory_space<vmem>>[vector<16xi32>], vector<16xi32>, vector<16xi1>
        %parallel_loop3A_327 = arith.constant 8192 : i32
        %parallel_loop3A_328 = vector.broadcast %parallel_loop3A_327 : i32 to vector<16xi32>
        %parallel_loop3A_329 = arith.subi %parallel_loop3A_328, %parallel_loop3A_289 : vector<16xi32>
        %parallel_loop3A_330 = arith.subi %add3A_13, %parallel_loop3A_322 : vector<16xi32>
        %parallel_loop3A_331 = arith.subi %parallel_loop3A_329, %parallel_loop3A_330 : vector<16xi32>
        %parallel_loop3A_332 = arith.constant dense<true> : vector<16xi1>
        %parallel_loop3A_333 = arith.xori %parallel_loop3A_311, %parallel_loop3A_332 : vector<16xi1>
        tpu.vector_store_idx %arg6[%parallel_loop3A_331], %parallel_loop3A_306 masked %parallel_loop3A_333 : memref<8320xi32, #tpu.memory_space<vmem>>[vector<16xi32>], vector<16xi32>, vector<16xi1>
        %parallel_loop3A_334 = tpu.all_reduce %parallel_loop3A_311 {dim = 0 : i64, kind = #tpu.reduction_kind<sum>} : vector<16xi1> -> vector<16xi32>
        %parallel_loop3A_335 = arith.addi %parallel_loop3A_288, %parallel_loop3A_334 : vector<16xi32>
        %parallel_loop3A_336 = arith.constant 16 : i32
        %parallel_loop3A_337 = vector.broadcast %parallel_loop3A_336 : i32 to vector<16xi32>
        %parallel_loop3A_338 = arith.subi %parallel_loop3A_337, %parallel_loop3A_334 : vector<16xi32>
        %parallel_loop3A_339 = arith.addi %parallel_loop3A_289, %parallel_loop3A_338 : vector<16xi32>
        %parallel_loop3A_340 = arith.constant 1 : i32
        %parallel_loop3A_341 = arith.constant 0 : i32
        %parallel_loop3A_342 = vector.broadcast %parallel_loop3A_340 : i32 to vector<16xi32>
        %parallel_loop3A_343 = vector.broadcast %parallel_loop3A_341 : i32 to vector<16xi32>
        %parallel_loop3A_344 = arith.select %parallel_loop3A_314, %parallel_loop3A_342, %parallel_loop3A_343 : vector<16xi1>, vector<16xi32>
        %parallel_loop3A_345 = arith.constant true
        %parallel_loop3A_346 = vector.broadcast %parallel_loop3A_345 : i1 to vector<16xi1>
        %parallel_loop3A_347 = tpu.scan <sum>, %parallel_loop3A_344 masked %parallel_loop3A_346 : vector<16xi32>, vector<16xi1> -> vector<16xi32>
        %parallel_loop3A_348 = arith.addi %parallel_loop3A_290, %parallel_loop3A_347 : vector<16xi32>
        %parallel_loop3A_349 = arith.constant 1 : i32
        %parallel_loop3A_350 = vector.broadcast %parallel_loop3A_349 : i32 to vector<16xi32>
        %parallel_loop3A_351 = arith.subi %parallel_loop3A_348, %parallel_loop3A_350 : vector<16xi32>
        tpu.vector_store_idx %arg7[%parallel_loop3A_351], %parallel_loop3A_308 masked %parallel_loop3A_314 : memref<8320xi32, #tpu.memory_space<vmem>>[vector<16xi32>], vector<16xi32>, vector<16xi1>
        %parallel_loop3A_352 = arith.constant 8192 : i32
        %parallel_loop3A_353 = vector.broadcast %parallel_loop3A_352 : i32 to vector<16xi32>
        %parallel_loop3A_354 = arith.subi %parallel_loop3A_353, %parallel_loop3A_291 : vector<16xi32>
        %parallel_loop3A_355 = arith.subi %add3A_13, %parallel_loop3A_347 : vector<16xi32>
        %parallel_loop3A_356 = arith.subi %parallel_loop3A_354, %parallel_loop3A_355 : vector<16xi32>
        %parallel_loop3A_357 = arith.constant dense<true> : vector<16xi1>
        %parallel_loop3A_358 = arith.xori %parallel_loop3A_314, %parallel_loop3A_357 : vector<16xi1>
        tpu.vector_store_idx %arg7[%parallel_loop3A_356], %parallel_loop3A_308 masked %parallel_loop3A_358 : memref<8320xi32, #tpu.memory_space<vmem>>[vector<16xi32>], vector<16xi32>, vector<16xi1>
        %parallel_loop3A_359 = tpu.all_reduce %parallel_loop3A_314 {dim = 0 : i64, kind = #tpu.reduction_kind<sum>} : vector<16xi1> -> vector<16xi32>
        %parallel_loop3A_360 = arith.addi %parallel_loop3A_290, %parallel_loop3A_359 : vector<16xi32>
        %parallel_loop3A_361 = arith.constant 16 : i32
        %parallel_loop3A_362 = vector.broadcast %parallel_loop3A_361 : i32 to vector<16xi32>
        %parallel_loop3A_363 = arith.subi %parallel_loop3A_362, %parallel_loop3A_359 : vector<16xi32>
        %parallel_loop3A_364 = arith.addi %parallel_loop3A_291, %parallel_loop3A_363 : vector<16xi32>
        %parallel_loop3A_365 = arith.addf %parallel_loop3A_284, %parallel_loop3A_298 : vector<16xf32>
        %parallel_loop3A_366 = arith.addf %parallel_loop3A_285, %parallel_loop3A_304 : vector<16xf32>
        %parallel_loop3A_367 = arith.constant 0.000000e+00 : f32
        %parallel_loop3A_368 = vector.broadcast %parallel_loop3A_367 : f32 to vector<16xf32>
        %parallel_loop3A_369 = arith.select %parallel_loop3A_311, %parallel_loop3A_298, %parallel_loop3A_368 : vector<16xi1>, vector<16xf32>
        %parallel_loop3A_370 = arith.addf %parallel_loop3A_286, %parallel_loop3A_369 : vector<16xf32>
        %parallel_loop3A_371 = arith.constant 0.000000e+00 : f32
        %parallel_loop3A_372 = vector.broadcast %parallel_loop3A_371 : f32 to vector<16xf32>
        %parallel_loop3A_373 = arith.select %parallel_loop3A_314, %parallel_loop3A_304, %parallel_loop3A_372 : vector<16xi1>, vector<16xf32>
        %parallel_loop3A_374 = arith.addf %parallel_loop3A_287, %parallel_loop3A_373 : vector<16xf32>
        scf.yield %parallel_loop3A_365, %parallel_loop3A_366, %parallel_loop3A_370, %parallel_loop3A_374, %parallel_loop3A_335, %parallel_loop3A_339, %parallel_loop3A_360, %parallel_loop3A_364 : vector<16xf32>, vector<16xf32>, vector<16xf32>, vector<16xf32>, vector<16xi32>, vector<16xi32>, vector<16xi32>, vector<16xi32>
      } {sc.loop_unroll_factor = 8 : i64, sc.parallel_access}
      %reduce_sum3A = arith.constant true
      %reduce_sum3A_21 = vector.broadcast %reduce_sum3A : i1 to vector<16xi1>
      %reduce_sum3A_22 = tpu.scan <sum>, %parallel_loop3A_20#0 masked %reduce_sum3A_21 : vector<16xf32>, vector<16xi1> -> vector<16xf32>
      %reduce_sum3A_23 = vector.extract %reduce_sum3A_22[15] : f32 from vector<16xf32>
      %reduce_sum3A_24 = arith.constant true
      %reduce_sum3A_25 = vector.broadcast %reduce_sum3A_24 : i1 to vector<16xi1>
      %reduce_sum3A_26 = tpu.scan <sum>, %parallel_loop3A_20#1 masked %reduce_sum3A_25 : vector<16xf32>, vector<16xi1> -> vector<16xf32>
      %reduce_sum3A_27 = vector.extract %reduce_sum3A_26[15] : f32 from vector<16xf32>
      %reduce_sum3A_28 = arith.constant true
      %reduce_sum3A_29 = vector.broadcast %reduce_sum3A_28 : i1 to vector<16xi1>
      %reduce_sum3A_30 = tpu.scan <sum>, %parallel_loop3A_20#2 masked %reduce_sum3A_29 : vector<16xf32>, vector<16xi1> -> vector<16xf32>
      %reduce_sum3A_31 = vector.extract %reduce_sum3A_30[15] : f32 from vector<16xf32>
      %reduce_sum3A_32 = arith.constant true
      %reduce_sum3A_33 = vector.broadcast %reduce_sum3A_32 : i1 to vector<16xi1>
      %reduce_sum3A_34 = tpu.scan <sum>, %parallel_loop3A_20#3 masked %reduce_sum3A_33 : vector<16xf32>, vector<16xi1> -> vector<16xf32>
      %reduce_sum3A_35 = vector.extract %reduce_sum3A_34[15] : f32 from vector<16xf32>
      %reduce_max3A = arith.constant true
      %reduce_max3A_36 = vector.broadcast %reduce_max3A : i1 to vector<16xi1>
      %reduce_max3A_37 = arith.constant -2147483648 : i32
      %reduce_max3A_38 = vector.broadcast %reduce_max3A_37 : i32 to vector<16xi32>
      %reduce_max3A_39 = arith.xori %parallel_loop3A_20#4, %reduce_max3A_38 : vector<16xi32>
      %reduce_max3A_40 = tpu.scan <max>, %reduce_max3A_39 masked %reduce_max3A_36 : vector<16xi32>, vector<16xi1> -> vector<16xi32>
      %reduce_max3A_41 = arith.xori %reduce_max3A_40, %reduce_max3A_38 : vector<16xi32>
      %reduce_max3A_42 = vector.extract %reduce_max3A_41[15] : i32 from vector<16xi32>
      %reduce_max3A_43 = arith.constant true
      %reduce_max3A_44 = vector.broadcast %reduce_max3A_43 : i1 to vector<16xi1>
      %reduce_max3A_45 = arith.constant -2147483648 : i32
      %reduce_max3A_46 = vector.broadcast %reduce_max3A_45 : i32 to vector<16xi32>
      %reduce_max3A_47 = arith.xori %parallel_loop3A_20#6, %reduce_max3A_46 : vector<16xi32>
      %reduce_max3A_48 = tpu.scan <max>, %reduce_max3A_47 masked %reduce_max3A_44 : vector<16xi32>, vector<16xi1> -> vector<16xi32>
      %reduce_max3A_49 = arith.xori %reduce_max3A_48, %reduce_max3A_46 : vector<16xi32>
      %reduce_max3A_50 = vector.extract %reduce_max3A_49[15] : i32 from vector<16xi32>
      %ge3A = arith.constant 64 : i32
      %ge3A_51 = arith.cmpi sge, %reduce_max3A_42, %ge3A : i32
      %jit3A = arith.constant 0 : i32
      %select_n3A = arith.select %ge3A_51, %jit3A, %reduce_max3A_42 : i32
      %sub3A = arith.constant 8192 : i32
      %sub3A_52 = arith.subi %sub3A, %reduce_max3A_42 : i32
      %select_n3A_53 = arith.select %ge3A_51, %reduce_max3A_42, %sub3A_52 : i32
      %sub3A_54 = arith.constant 64 : i32
      %sub3A_55 = arith.subi %sub3A_54, %reduce_max3A_42 : i32
      %jit3A_56 = arith.constant 64 : i32
      %select_n3A_57 = arith.select %ge3A_51, %jit3A_56, %sub3A_55 : i32
      %jit3A_58 = arith.constant 1073741824 : i32
      %jit3A_59 = arith.constant 0 : i32
      %select_n3A_60 = arith.select %ge3A_51, %jit3A_58, %jit3A_59 : i32
      %jit3A_61 = arith.constant 0.000000e+00 : f32
      %select_n3A_62 = arith.select %ge3A_51, %jit3A_61, %reduce_sum3A_31 : f32
      %sub3A_63 = arith.subf %reduce_sum3A_23, %reduce_sum3A_31 : f32
      %select_n3A_64 = arith.select %ge3A_51, %reduce_sum3A_31, %sub3A_63 : f32
      %ge3A_65 = arith.constant 64 : i32
      %ge3A_66 = arith.cmpi sge, %reduce_max3A_50, %ge3A_65 : i32
      %jit3A_67 = arith.constant 0 : i32
      %select_n3A_68 = arith.select %ge3A_66, %jit3A_67, %reduce_max3A_50 : i32
      %sub3A_69 = arith.constant 8192 : i32
      %sub3A_70 = arith.subi %sub3A_69, %reduce_max3A_50 : i32
      %select_n3A_71 = arith.select %ge3A_66, %reduce_max3A_50, %sub3A_70 : i32
      %sub3A_72 = arith.constant 64 : i32
      %sub3A_73 = arith.subi %sub3A_72, %reduce_max3A_50 : i32
      %jit3A_74 = arith.constant 64 : i32
      %select_n3A_75 = arith.select %ge3A_66, %jit3A_74, %sub3A_73 : i32
      %jit3A_76 = arith.constant 1073741824 : i32
      %jit3A_77 = arith.constant 0 : i32
      %select_n3A_78 = arith.select %ge3A_66, %jit3A_76, %jit3A_77 : i32
      %jit3A_79 = arith.constant 0.000000e+00 : f32
      %select_n3A_80 = arith.select %ge3A_66, %jit3A_79, %reduce_sum3A_35 : f32
      %sub3A_81 = arith.subf %reduce_sum3A_27, %reduce_sum3A_35 : f32
      %select_n3A_82 = arith.select %ge3A_66, %reduce_sum3A_35, %sub3A_81 : f32
      %iota3A_83 = tpu.iota {dimensions = array<i32: 0>} : vector<16xi32>
      %while3A = arith.constant 29 : i32
      %while3A_84:7 = scf.while (%while3A_283 = %while3A, %while3A_284 = %select_n3A, %while3A_285 = %select_n3A_57, %while3A_286 = %select_n3A_53, %while3A_287 = %select_n3A_60, %while3A_288 = %select_n3A_62, %while3A_289 = %select_n3A_64) : (i32, i32, i32, i32, i32, f32, f32) -> (i32, i32, i32, i32, i32, f32, f32) {
        %ge3A_290 = arith.constant 0 : i32
        %ge3A_291 = arith.cmpi sge, %while3A_283, %ge3A_290 : i32
        %lt3A_292 = arith.cmpi slt, %while3A_285, %while3A_286 : i32
        %and3A_293 = arith.andi %ge3A_291, %lt3A_292 : i1
        %gt3A_294 = arith.constant 16 : i32
        %gt3A_295 = arith.cmpi sgt, %while3A_286, %gt3A_294 : i32
        %and3A_296 = arith.andi %and3A_293, %gt3A_295 : i1
        scf.condition(%and3A_296) %while3A_283, %while3A_284, %while3A_285, %while3A_286, %while3A_287, %while3A_288, %while3A_289 : i32, i32, i32, i32, i32, f32, f32
      } do {
      ^bb0(%while3A_283: i32, %while3A_284: i32, %while3A_285: i32, %while3A_286: i32, %while3A_287: i32, %while3A_288: f32, %while3A_289: f32):
        %add3A_290 = arith.constant 128 : i32
        %add3A_291 = arith.addi %while3A_286, %add3A_290 : i32
        %sub3A_292 = arith.constant 1 : i32
        %sub3A_293 = arith.subi %add3A_291, %sub3A_292 : i32
        %jit3A_294 = arith.constant 128 : i32
        %div3A = arith.divsi %sub3A_293, %jit3A_294 : i32
        %sign3A = arith.constant 0 : i32
        %sign3A_295 = arith.cmpi sgt, %sub3A_293, %sign3A : i32
        %sign3A_296 = arith.extui %sign3A_295 : i1 to i32
        %sign3A_297 = arith.constant 0 : i32
        %sign3A_298 = arith.cmpi slt, %sub3A_293, %sign3A_297 : i32
        %sign3A_299 = arith.extui %sign3A_298 : i1 to i32
        %sign3A_300 = arith.subi %sign3A_296, %sign3A_299 : i32
        %sign3A_301 = arith.constant 0 : i32
        %sign3A_302 = arith.cmpi sgt, %jit3A_294, %sign3A_301 : i32
        %sign3A_303 = arith.extui %sign3A_302 : i1 to i32
        %sign3A_304 = arith.constant 0 : i32
        %sign3A_305 = arith.cmpi slt, %jit3A_294, %sign3A_304 : i32
        %sign3A_306 = arith.extui %sign3A_305 : i1 to i32
        %sign3A_307 = arith.subi %sign3A_303, %sign3A_306 : i32
        %ne3A = arith.cmpi ne, %sign3A_300, %sign3A_307 : i32
        %rem3A = arith.remsi %sub3A_293, %jit3A_294 : i32
        %ne3A_308 = arith.constant 0 : i32
        %ne3A_309 = arith.cmpi ne, %rem3A, %ne3A_308 : i32
        %and3A_310 = arith.andi %ne3A, %ne3A_309 : i1
        %sub3A_311 = arith.constant 1 : i32
        %sub3A_312 = arith.subi %div3A, %sub3A_311 : i32
        %select_n3A_313 = arith.select %and3A_310, %sub3A_312, %div3A : i32
        %mul3A_314 = arith.constant 8 : i32
        %mul3A_315 = arith.muli %select_n3A_313, %mul3A_314 : i32
        %broadcast_in_dim3A_316 = arith.constant 0 : i32
        %broadcast_in_dim3A_317 = vector.broadcast %broadcast_in_dim3A_316 : i32 to vector<16xi32>
        %broadcast_in_dim3A_318 = arith.constant 0.000000e+00 : f32
        %broadcast_in_dim3A_319 = vector.broadcast %broadcast_in_dim3A_318 : f32 to vector<16xf32>
        %parallel_loop3A_320 = arith.constant 0 : i32
        %parallel_loop3A_321 = arith.constant 1 : i32
        %parallel_loop3A_322:2 = scf.for %parallel_loop3A_393 = %parallel_loop3A_320 to %mul3A_315 step %parallel_loop3A_321 iter_args(%parallel_loop3A_394 = %broadcast_in_dim3A_317, %parallel_loop3A_395 = %broadcast_in_dim3A_319) -> (vector<16xi32>, vector<16xf32>)  : i32 {
          %parallel_loop3A_396 = arith.constant 16 : i32
          %parallel_loop3A_397 = arith.muli %parallel_loop3A_393, %parallel_loop3A_396 : i32
          %parallel_loop3A_398 = arith.addi %while3A_284, %parallel_loop3A_397 : i32
          %parallel_loop3A_399 = arith.index_cast %parallel_loop3A_398 : i32 to index
          %parallel_loop3A_400 = tpu.vector_load %arg6[%parallel_loop3A_399] {strides = array<i32>} : memref<8320xi32, #tpu.memory_space<vmem>>, vector<16xi32>,
          %parallel_loop3A_401 = arith.constant 16 : i32
          %parallel_loop3A_402 = arith.muli %parallel_loop3A_393, %parallel_loop3A_401 : i32
          %parallel_loop3A_403 = vector.broadcast %parallel_loop3A_402 : i32 to vector<16xi32>
          %parallel_loop3A_404 = arith.addi %parallel_loop3A_403, %iota3A_83 : vector<16xi32>
          %parallel_loop3A_405 = vector.broadcast %while3A_286 : i32 to vector<16xi32>
          %parallel_loop3A_406 = arith.cmpi slt, %parallel_loop3A_404, %parallel_loop3A_405 : vector<16xi32>
          %parallel_loop3A_407 = vector.broadcast %while3A_283 : i32 to vector<16xi32>
          %parallel_loop3A_408 = arith.shrsi %parallel_loop3A_400, %parallel_loop3A_407 : vector<16xi32>
          %parallel_loop3A_409 = arith.constant 1 : i32
          %parallel_loop3A_410 = vector.broadcast %parallel_loop3A_409 : i32 to vector<16xi32>
          %parallel_loop3A_411 = arith.andi %parallel_loop3A_408, %parallel_loop3A_410 : vector<16xi32>
          %parallel_loop3A_412 = arith.constant 1 : i32
          %parallel_loop3A_413 = vector.broadcast %parallel_loop3A_412 : i32 to vector<16xi32>
          %parallel_loop3A_414 = arith.cmpi eq, %parallel_loop3A_411, %parallel_loop3A_413 : vector<16xi32>
          %parallel_loop3A_415 = arith.andi %parallel_loop3A_406, %parallel_loop3A_414 : vector<16xi1>
          %parallel_loop3A_416 = arith.constant 1 : i32
          %parallel_loop3A_417 = arith.constant 0 : i32
          %parallel_loop3A_418 = vector.broadcast %parallel_loop3A_416 : i32 to vector<16xi32>
          %parallel_loop3A_419 = vector.broadcast %parallel_loop3A_417 : i32 to vector<16xi32>
          %parallel_loop3A_420 = arith.select %parallel_loop3A_415, %parallel_loop3A_418, %parallel_loop3A_419 : vector<16xi1>, vector<16xi32>
          %parallel_loop3A_421 = arith.addi %parallel_loop3A_394, %parallel_loop3A_420 : vector<16xi32>
          %parallel_loop3A_422 = vector.bitcast %parallel_loop3A_400 : vector<16xi32> to vector<16xf32>
          %parallel_loop3A_423 = arith.constant 0.000000e+00 : f32
          %parallel_loop3A_424 = vector.broadcast %parallel_loop3A_423 : f32 to vector<16xf32>
          %parallel_loop3A_425 = arith.select %parallel_loop3A_415, %parallel_loop3A_422, %parallel_loop3A_424 : vector<16xi1>, vector<16xf32>
          %parallel_loop3A_426 = arith.addf %parallel_loop3A_395, %parallel_loop3A_425 : vector<16xf32>
          scf.yield %parallel_loop3A_421, %parallel_loop3A_426 : vector<16xi32>, vector<16xf32>
        } {sc.loop_unroll_factor = 8 : i64, sc.parallel_access}
        %reduce_sum3A_323 = arith.constant true
        %reduce_sum3A_324 = vector.broadcast %reduce_sum3A_323 : i1 to vector<16xi1>
        %reduce_sum3A_325 = tpu.scan <sum>, %parallel_loop3A_322#0 masked %reduce_sum3A_324 : vector<16xi32>, vector<16xi1> -> vector<16xi32>
        %reduce_sum3A_326 = vector.extract %reduce_sum3A_325[15] : i32 from vector<16xi32>
        %reduce_sum3A_327 = arith.constant true
        %reduce_sum3A_328 = vector.broadcast %reduce_sum3A_327 : i1 to vector<16xi1>
        %reduce_sum3A_329 = tpu.scan <sum>, %parallel_loop3A_322#1 masked %reduce_sum3A_328 : vector<16xf32>, vector<16xi1> -> vector<16xf32>
        %reduce_sum3A_330 = vector.extract %reduce_sum3A_329[15] : f32 from vector<16xf32>
        %ge3A_331 = arith.cmpi sge, %reduce_sum3A_326, %while3A_285 : i32
        %add3A_332 = arith.constant 128 : i32
        %add3A_333 = arith.addi %while3A_286, %add3A_332 : i32
        %sub3A_334 = arith.constant 1 : i32
        %sub3A_335 = arith.subi %add3A_333, %sub3A_334 : i32
        %jit3A_336 = arith.constant 128 : i32
        %div3A_337 = arith.divsi %sub3A_335, %jit3A_336 : i32
        %sign3A_338 = arith.constant 0 : i32
        %sign3A_339 = arith.cmpi sgt, %sub3A_335, %sign3A_338 : i32
        %sign3A_340 = arith.extui %sign3A_339 : i1 to i32
        %sign3A_341 = arith.constant 0 : i32
        %sign3A_342 = arith.cmpi slt, %sub3A_335, %sign3A_341 : i32
        %sign3A_343 = arith.extui %sign3A_342 : i1 to i32
        %sign3A_344 = arith.subi %sign3A_340, %sign3A_343 : i32
        %sign3A_345 = arith.constant 0 : i32
        %sign3A_346 = arith.cmpi sgt, %jit3A_336, %sign3A_345 : i32
        %sign3A_347 = arith.extui %sign3A_346 : i1 to i32
        %sign3A_348 = arith.constant 0 : i32
        %sign3A_349 = arith.cmpi slt, %jit3A_336, %sign3A_348 : i32
        %sign3A_350 = arith.extui %sign3A_349 : i1 to i32
        %sign3A_351 = arith.subi %sign3A_347, %sign3A_350 : i32
        %ne3A_352 = arith.cmpi ne, %sign3A_344, %sign3A_351 : i32
        %rem3A_353 = arith.remsi %sub3A_335, %jit3A_336 : i32
        %ne3A_354 = arith.constant 0 : i32
        %ne3A_355 = arith.cmpi ne, %rem3A_353, %ne3A_354 : i32
        %and3A_356 = arith.andi %ne3A_352, %ne3A_355 : i1
        %sub3A_357 = arith.constant 1 : i32
        %sub3A_358 = arith.subi %div3A_337, %sub3A_357 : i32
        %select_n3A_359 = arith.select %and3A_356, %sub3A_358, %div3A_337 : i32
        %broadcast_in_dim3A_360 = arith.constant 0 : i32
        %broadcast_in_dim3A_361 = vector.broadcast %broadcast_in_dim3A_360 : i32 to vector<16xi32>
        %while3A_362 = arith.constant 0 : i32
        %while3A_363 = arith.subi %select_n3A_359, %while3A_362 : i32
        %while3A_364 = arith.addi %while3A_362, %while3A_363 : i32
        %while3A_365 = arith.constant 1 : i32
        %while3A_366 = arith.divsi %while3A_363, %while3A_365 : i32
        %while3A_367 = arith.muli %while3A_366, %while3A_365 : i32
        %while3A_368 = arith.addi %while3A_362, %while3A_367 : i32
        %while3A_369 = arith.constant 1 : i32
        %while3A_370 = scf.for %while3A_393 = %while3A_362 to %while3A_368 step %while3A_369 iter_args(%while3A_394 = %broadcast_in_dim3A_361) -> (vector<16xi32>)  : i32 {
          %mul3A_395 = arith.constant 8 : i32
          %mul3A_396 = arith.muli %while3A_393, %mul3A_395 : i32
          %add3A_397 = arith.constant 0 : i32
          %add3A_398 = arith.addi %mul3A_396, %add3A_397 : i32
          %mul3A_399 = arith.constant 16 : i32
          %mul3A_400 = arith.muli %add3A_398, %mul3A_399 : i32
          %add3A_401 = arith.addi %while3A_284, %mul3A_400 : i32
          %get3A_402 = arith.index_cast %add3A_401 : i32 to index
          %get3A_403 = tpu.vector_load %arg6[%get3A_402] {strides = array<i32>} : memref<8320xi32, #tpu.memory_space<vmem>>, vector<16xi32>,
          %mul3A_404 = arith.constant 8 : i32
          %mul3A_405 = arith.muli %while3A_393, %mul3A_404 : i32
          %add3A_406 = arith.constant 1 : i32
          %add3A_407 = arith.addi %mul3A_405, %add3A_406 : i32
          %mul3A_408 = arith.constant 16 : i32
          %mul3A_409 = arith.muli %add3A_407, %mul3A_408 : i32
          %add3A_410 = arith.addi %while3A_284, %mul3A_409 : i32
          %get3A_411 = arith.index_cast %add3A_410 : i32 to index
          %get3A_412 = tpu.vector_load %arg6[%get3A_411] {strides = array<i32>} : memref<8320xi32, #tpu.memory_space<vmem>>, vector<16xi32>,
          %mul3A_413 = arith.constant 8 : i32
          %mul3A_414 = arith.muli %while3A_393, %mul3A_413 : i32
          %add3A_415 = arith.constant 2 : i32
          %add3A_416 = arith.addi %mul3A_414, %add3A_415 : i32
          %mul3A_417 = arith.constant 16 : i32
          %mul3A_418 = arith.muli %add3A_416, %mul3A_417 : i32
          %add3A_419 = arith.addi %while3A_284, %mul3A_418 : i32
          %get3A_420 = arith.index_cast %add3A_419 : i32 to index
          %get3A_421 = tpu.vector_load %arg6[%get3A_420] {strides = array<i32>} : memref<8320xi32, #tpu.memory_space<vmem>>, vector<16xi32>,
          %mul3A_422 = arith.constant 8 : i32
          %mul3A_423 = arith.muli %while3A_393, %mul3A_422 : i32
          %add3A_424 = arith.constant 3 : i32
          %add3A_425 = arith.addi %mul3A_423, %add3A_424 : i32
          %mul3A_426 = arith.constant 16 : i32
          %mul3A_427 = arith.muli %add3A_425, %mul3A_426 : i32
          %add3A_428 = arith.addi %while3A_284, %mul3A_427 : i32
          %get3A_429 = arith.index_cast %add3A_428 : i32 to index
          %get3A_430 = tpu.vector_load %arg6[%get3A_429] {strides = array<i32>} : memref<8320xi32, #tpu.memory_space<vmem>>, vector<16xi32>,
          %mul3A_431 = arith.constant 8 : i32
          %mul3A_432 = arith.muli %while3A_393, %mul3A_431 : i32
          %add3A_433 = arith.constant 4 : i32
          %add3A_434 = arith.addi %mul3A_432, %add3A_433 : i32
          %mul3A_435 = arith.constant 16 : i32
          %mul3A_436 = arith.muli %add3A_434, %mul3A_435 : i32
          %add3A_437 = arith.addi %while3A_284, %mul3A_436 : i32
          %get3A_438 = arith.index_cast %add3A_437 : i32 to index
          %get3A_439 = tpu.vector_load %arg6[%get3A_438] {strides = array<i32>} : memref<8320xi32, #tpu.memory_space<vmem>>, vector<16xi32>,
          %mul3A_440 = arith.constant 8 : i32
          %mul3A_441 = arith.muli %while3A_393, %mul3A_440 : i32
          %add3A_442 = arith.constant 5 : i32
          %add3A_443 = arith.addi %mul3A_441, %add3A_442 : i32
          %mul3A_444 = arith.constant 16 : i32
          %mul3A_445 = arith.muli %add3A_443, %mul3A_444 : i32
          %add3A_446 = arith.addi %while3A_284, %mul3A_445 : i32
          %get3A_447 = arith.index_cast %add3A_446 : i32 to index
          %get3A_448 = tpu.vector_load %arg6[%get3A_447] {strides = array<i32>} : memref<8320xi32, #tpu.memory_space<vmem>>, vector<16xi32>,
          %mul3A_449 = arith.constant 8 : i32
          %mul3A_450 = arith.muli %while3A_393, %mul3A_449 : i32
          %add3A_451 = arith.constant 6 : i32
          %add3A_452 = arith.addi %mul3A_450, %add3A_451 : i32
          %mul3A_453 = arith.constant 16 : i32
          %mul3A_454 = arith.muli %add3A_452, %mul3A_453 : i32
          %add3A_455 = arith.addi %while3A_284, %mul3A_454 : i32
          %get3A_456 = arith.index_cast %add3A_455 : i32 to index
          %get3A_457 = tpu.vector_load %arg6[%get3A_456] {strides = array<i32>} : memref<8320xi32, #tpu.memory_space<vmem>>, vector<16xi32>,
          %mul3A_458 = arith.constant 8 : i32
          %mul3A_459 = arith.muli %while3A_393, %mul3A_458 : i32
          %add3A_460 = arith.constant 7 : i32
          %add3A_461 = arith.addi %mul3A_459, %add3A_460 : i32
          %mul3A_462 = arith.constant 16 : i32
          %mul3A_463 = arith.muli %add3A_461, %mul3A_462 : i32
          %add3A_464 = arith.addi %while3A_284, %mul3A_463 : i32
          %get3A_465 = arith.index_cast %add3A_464 : i32 to index
          %get3A_466 = tpu.vector_load %arg6[%get3A_465] {strides = array<i32>} : memref<8320xi32, #tpu.memory_space<vmem>>, vector<16xi32>,
          %mul3A_467 = arith.constant 8 : i32
          %mul3A_468 = arith.muli %while3A_393, %mul3A_467 : i32
          %add3A_469 = arith.constant 0 : i32
          %add3A_470 = arith.addi %mul3A_468, %add3A_469 : i32
          %mul3A_471 = arith.constant 16 : i32
          %mul3A_472 = arith.muli %add3A_470, %mul3A_471 : i32
          %add3A_473 = vector.broadcast %mul3A_472 : i32 to vector<16xi32>
          %add3A_474 = arith.addi %add3A_473, %iota3A_83 : vector<16xi32>
          %lt3A_475 = vector.broadcast %while3A_286 : i32 to vector<16xi32>
          %lt3A_476 = arith.cmpi slt, %add3A_474, %lt3A_475 : vector<16xi32>
          %shift_right_arithmetic3A = vector.broadcast %while3A_283 : i32 to vector<16xi32>
          %shift_right_arithmetic3A_477 = arith.shrsi %get3A_403, %shift_right_arithmetic3A : vector<16xi32>
          %and3A_478 = arith.constant 1 : i32
          %and3A_479 = vector.broadcast %and3A_478 : i32 to vector<16xi32>
          %and3A_480 = arith.andi %shift_right_arithmetic3A_477, %and3A_479 : vector<16xi32>
          %eq3A_481 = arith.constant 1 : i32
          %eq3A_482 = vector.broadcast %eq3A_481 : i32 to vector<16xi32>
          %eq3A_483 = arith.cmpi eq, %and3A_480, %eq3A_482 : vector<16xi32>
          %eq3A_484 = vector.broadcast %ge3A_331 : i1 to vector<16xi1>
          %eq3A_485 = vector.broadcast %eq3A_484 : vector<16xi1> to vector<16xi1>
          %eq3A_486 = arith.xori %eq3A_483, %eq3A_485 : vector<16xi1>
          %eq3A_487 = arith.constant dense<true> : vector<16xi1>
          %eq3A_488 = arith.xori %eq3A_486, %eq3A_487 : vector<16xi1>
          %and3A_489 = arith.andi %lt3A_476, %eq3A_488 : vector<16xi1>
          %convert_element_type3A_490 = arith.extui %and3A_489 : vector<16xi1> to vector<16xi32>
          %broadcast_in_dim3A_491 = arith.constant true
          %broadcast_in_dim3A_492 = vector.broadcast %broadcast_in_dim3A_491 : i1 to vector<16xi1>
          %masked_cumsum3A = tpu.scan <sum>, %convert_element_type3A_490 masked %broadcast_in_dim3A_492 : vector<16xi32>, vector<16xi1> -> vector<16xi32>
          %add3A_493 = arith.addi %while3A_394, %masked_cumsum3A : vector<16xi32>
          %sub3A_494 = arith.constant 1 : i32
          %sub3A_495 = vector.broadcast %sub3A_494 : i32 to vector<16xi32>
          %sub3A_496 = arith.subi %add3A_493, %sub3A_495 : vector<16xi32>
          tpu.vector_store_idx %arg6[%sub3A_496], %get3A_403 masked %and3A_489 : memref<8320xi32, #tpu.memory_space<vmem>>[vector<16xi32>], vector<16xi32>, vector<16xi1>
          %all_reduce_population_count3A_497 = tpu.all_reduce %and3A_489 {dim = 0 : i64, kind = #tpu.reduction_kind<sum>} : vector<16xi1> -> vector<16xi32>
          %add3A_498 = arith.addi %while3A_394, %all_reduce_population_count3A_497 : vector<16xi32>
          %mul3A_499 = arith.constant 8 : i32
          %mul3A_500 = arith.muli %while3A_393, %mul3A_499 : i32
          %add3A_501 = arith.constant 1 : i32
          %add3A_502 = arith.addi %mul3A_500, %add3A_501 : i32
          %mul3A_503 = arith.constant 16 : i32
          %mul3A_504 = arith.muli %add3A_502, %mul3A_503 : i32
          %add3A_505 = vector.broadcast %mul3A_504 : i32 to vector<16xi32>
          %add3A_506 = arith.addi %add3A_505, %iota3A_83 : vector<16xi32>
          %lt3A_507 = vector.broadcast %while3A_286 : i32 to vector<16xi32>
          %lt3A_508 = arith.cmpi slt, %add3A_506, %lt3A_507 : vector<16xi32>
          %shift_right_arithmetic3A_509 = vector.broadcast %while3A_283 : i32 to vector<16xi32>
          %shift_right_arithmetic3A_510 = arith.shrsi %get3A_412, %shift_right_arithmetic3A_509 : vector<16xi32>
          %and3A_511 = arith.constant 1 : i32
          %and3A_512 = vector.broadcast %and3A_511 : i32 to vector<16xi32>
          %and3A_513 = arith.andi %shift_right_arithmetic3A_510, %and3A_512 : vector<16xi32>
          %eq3A_514 = arith.constant 1 : i32
          %eq3A_515 = vector.broadcast %eq3A_514 : i32 to vector<16xi32>
          %eq3A_516 = arith.cmpi eq, %and3A_513, %eq3A_515 : vector<16xi32>
          %eq3A_517 = vector.broadcast %ge3A_331 : i1 to vector<16xi1>
          %eq3A_518 = vector.broadcast %eq3A_517 : vector<16xi1> to vector<16xi1>
          %eq3A_519 = arith.xori %eq3A_516, %eq3A_518 : vector<16xi1>
          %eq3A_520 = arith.constant dense<true> : vector<16xi1>
          %eq3A_521 = arith.xori %eq3A_519, %eq3A_520 : vector<16xi1>
          %and3A_522 = arith.andi %lt3A_508, %eq3A_521 : vector<16xi1>
          %convert_element_type3A_523 = arith.extui %and3A_522 : vector<16xi1> to vector<16xi32>
          %broadcast_in_dim3A_524 = arith.constant true
          %broadcast_in_dim3A_525 = vector.broadcast %broadcast_in_dim3A_524 : i1 to vector<16xi1>
          %masked_cumsum3A_526 = tpu.scan <sum>, %convert_element_type3A_523 masked %broadcast_in_dim3A_525 : vector<16xi32>, vector<16xi1> -> vector<16xi32>
          %add3A_527 = arith.addi %add3A_498, %masked_cumsum3A_526 : vector<16xi32>
          %sub3A_528 = arith.constant 1 : i32
          %sub3A_529 = vector.broadcast %sub3A_528 : i32 to vector<16xi32>
          %sub3A_530 = arith.subi %add3A_527, %sub3A_529 : vector<16xi32>
          tpu.vector_store_idx %arg6[%sub3A_530], %get3A_412 masked %and3A_522 : memref<8320xi32, #tpu.memory_space<vmem>>[vector<16xi32>], vector<16xi32>, vector<16xi1>
          %all_reduce_population_count3A_531 = tpu.all_reduce %and3A_522 {dim = 0 : i64, kind = #tpu.reduction_kind<sum>} : vector<16xi1> -> vector<16xi32>
          %add3A_532 = arith.addi %add3A_498, %all_reduce_population_count3A_531 : vector<16xi32>
          %mul3A_533 = arith.constant 8 : i32
          %mul3A_534 = arith.muli %while3A_393, %mul3A_533 : i32
          %add3A_535 = arith.constant 2 : i32
          %add3A_536 = arith.addi %mul3A_534, %add3A_535 : i32
          %mul3A_537 = arith.constant 16 : i32
          %mul3A_538 = arith.muli %add3A_536, %mul3A_537 : i32
          %add3A_539 = vector.broadcast %mul3A_538 : i32 to vector<16xi32>
          %add3A_540 = arith.addi %add3A_539, %iota3A_83 : vector<16xi32>
          %lt3A_541 = vector.broadcast %while3A_286 : i32 to vector<16xi32>
          %lt3A_542 = arith.cmpi slt, %add3A_540, %lt3A_541 : vector<16xi32>
          %shift_right_arithmetic3A_543 = vector.broadcast %while3A_283 : i32 to vector<16xi32>
          %shift_right_arithmetic3A_544 = arith.shrsi %get3A_421, %shift_right_arithmetic3A_543 : vector<16xi32>
          %and3A_545 = arith.constant 1 : i32
          %and3A_546 = vector.broadcast %and3A_545 : i32 to vector<16xi32>
          %and3A_547 = arith.andi %shift_right_arithmetic3A_544, %and3A_546 : vector<16xi32>
          %eq3A_548 = arith.constant 1 : i32
          %eq3A_549 = vector.broadcast %eq3A_548 : i32 to vector<16xi32>
          %eq3A_550 = arith.cmpi eq, %and3A_547, %eq3A_549 : vector<16xi32>
          %eq3A_551 = vector.broadcast %ge3A_331 : i1 to vector<16xi1>
          %eq3A_552 = vector.broadcast %eq3A_551 : vector<16xi1> to vector<16xi1>
          %eq3A_553 = arith.xori %eq3A_550, %eq3A_552 : vector<16xi1>
          %eq3A_554 = arith.constant dense<true> : vector<16xi1>
          %eq3A_555 = arith.xori %eq3A_553, %eq3A_554 : vector<16xi1>
          %and3A_556 = arith.andi %lt3A_542, %eq3A_555 : vector<16xi1>
          %convert_element_type3A_557 = arith.extui %and3A_556 : vector<16xi1> to vector<16xi32>
          %broadcast_in_dim3A_558 = arith.constant true
          %broadcast_in_dim3A_559 = vector.broadcast %broadcast_in_dim3A_558 : i1 to vector<16xi1>
          %masked_cumsum3A_560 = tpu.scan <sum>, %convert_element_type3A_557 masked %broadcast_in_dim3A_559 : vector<16xi32>, vector<16xi1> -> vector<16xi32>
          %add3A_561 = arith.addi %add3A_532, %masked_cumsum3A_560 : vector<16xi32>
          %sub3A_562 = arith.constant 1 : i32
          %sub3A_563 = vector.broadcast %sub3A_562 : i32 to vector<16xi32>
          %sub3A_564 = arith.subi %add3A_561, %sub3A_563 : vector<16xi32>
          tpu.vector_store_idx %arg6[%sub3A_564], %get3A_421 masked %and3A_556 : memref<8320xi32, #tpu.memory_space<vmem>>[vector<16xi32>], vector<16xi32>, vector<16xi1>
          %all_reduce_population_count3A_565 = tpu.all_reduce %and3A_556 {dim = 0 : i64, kind = #tpu.reduction_kind<sum>} : vector<16xi1> -> vector<16xi32>
          %add3A_566 = arith.addi %add3A_532, %all_reduce_population_count3A_565 : vector<16xi32>
          %mul3A_567 = arith.constant 8 : i32
          %mul3A_568 = arith.muli %while3A_393, %mul3A_567 : i32
          %add3A_569 = arith.constant 3 : i32
          %add3A_570 = arith.addi %mul3A_568, %add3A_569 : i32
          %mul3A_571 = arith.constant 16 : i32
          %mul3A_572 = arith.muli %add3A_570, %mul3A_571 : i32
          %add3A_573 = vector.broadcast %mul3A_572 : i32 to vector<16xi32>
          %add3A_574 = arith.addi %add3A_573, %iota3A_83 : vector<16xi32>
          %lt3A_575 = vector.broadcast %while3A_286 : i32 to vector<16xi32>
          %lt3A_576 = arith.cmpi slt, %add3A_574, %lt3A_575 : vector<16xi32>
          %shift_right_arithmetic3A_577 = vector.broadcast %while3A_283 : i32 to vector<16xi32>
          %shift_right_arithmetic3A_578 = arith.shrsi %get3A_430, %shift_right_arithmetic3A_577 : vector<16xi32>
          %and3A_579 = arith.constant 1 : i32
          %and3A_580 = vector.broadcast %and3A_579 : i32 to vector<16xi32>
          %and3A_581 = arith.andi %shift_right_arithmetic3A_578, %and3A_580 : vector<16xi32>
          %eq3A_582 = arith.constant 1 : i32
          %eq3A_583 = vector.broadcast %eq3A_582 : i32 to vector<16xi32>
          %eq3A_584 = arith.cmpi eq, %and3A_581, %eq3A_583 : vector<16xi32>
          %eq3A_585 = vector.broadcast %ge3A_331 : i1 to vector<16xi1>
          %eq3A_586 = vector.broadcast %eq3A_585 : vector<16xi1> to vector<16xi1>
          %eq3A_587 = arith.xori %eq3A_584, %eq3A_586 : vector<16xi1>
          %eq3A_588 = arith.constant dense<true> : vector<16xi1>
          %eq3A_589 = arith.xori %eq3A_587, %eq3A_588 : vector<16xi1>
          %and3A_590 = arith.andi %lt3A_576, %eq3A_589 : vector<16xi1>
          %convert_element_type3A_591 = arith.extui %and3A_590 : vector<16xi1> to vector<16xi32>
          %broadcast_in_dim3A_592 = arith.constant true
          %broadcast_in_dim3A_593 = vector.broadcast %broadcast_in_dim3A_592 : i1 to vector<16xi1>
          %masked_cumsum3A_594 = tpu.scan <sum>, %convert_element_type3A_591 masked %broadcast_in_dim3A_593 : vector<16xi32>, vector<16xi1> -> vector<16xi32>
          %add3A_595 = arith.addi %add3A_566, %masked_cumsum3A_594 : vector<16xi32>
          %sub3A_596 = arith.constant 1 : i32
          %sub3A_597 = vector.broadcast %sub3A_596 : i32 to vector<16xi32>
          %sub3A_598 = arith.subi %add3A_595, %sub3A_597 : vector<16xi32>
          tpu.vector_store_idx %arg6[%sub3A_598], %get3A_430 masked %and3A_590 : memref<8320xi32, #tpu.memory_space<vmem>>[vector<16xi32>], vector<16xi32>, vector<16xi1>
          %all_reduce_population_count3A_599 = tpu.all_reduce %and3A_590 {dim = 0 : i64, kind = #tpu.reduction_kind<sum>} : vector<16xi1> -> vector<16xi32>
          %add3A_600 = arith.addi %add3A_566, %all_reduce_population_count3A_599 : vector<16xi32>
          %mul3A_601 = arith.constant 8 : i32
          %mul3A_602 = arith.muli %while3A_393, %mul3A_601 : i32
          %add3A_603 = arith.constant 4 : i32
          %add3A_604 = arith.addi %mul3A_602, %add3A_603 : i32
          %mul3A_605 = arith.constant 16 : i32
          %mul3A_606 = arith.muli %add3A_604, %mul3A_605 : i32
          %add3A_607 = vector.broadcast %mul3A_606 : i32 to vector<16xi32>
          %add3A_608 = arith.addi %add3A_607, %iota3A_83 : vector<16xi32>
          %lt3A_609 = vector.broadcast %while3A_286 : i32 to vector<16xi32>
          %lt3A_610 = arith.cmpi slt, %add3A_608, %lt3A_609 : vector<16xi32>
          %shift_right_arithmetic3A_611 = vector.broadcast %while3A_283 : i32 to vector<16xi32>
          %shift_right_arithmetic3A_612 = arith.shrsi %get3A_439, %shift_right_arithmetic3A_611 : vector<16xi32>
          %and3A_613 = arith.constant 1 : i32
          %and3A_614 = vector.broadcast %and3A_613 : i32 to vector<16xi32>
          %and3A_615 = arith.andi %shift_right_arithmetic3A_612, %and3A_614 : vector<16xi32>
          %eq3A_616 = arith.constant 1 : i32
          %eq3A_617 = vector.broadcast %eq3A_616 : i32 to vector<16xi32>
          %eq3A_618 = arith.cmpi eq, %and3A_615, %eq3A_617 : vector<16xi32>
          %eq3A_619 = vector.broadcast %ge3A_331 : i1 to vector<16xi1>
          %eq3A_620 = vector.broadcast %eq3A_619 : vector<16xi1> to vector<16xi1>
          %eq3A_621 = arith.xori %eq3A_618, %eq3A_620 : vector<16xi1>
          %eq3A_622 = arith.constant dense<true> : vector<16xi1>
          %eq3A_623 = arith.xori %eq3A_621, %eq3A_622 : vector<16xi1>
          %and3A_624 = arith.andi %lt3A_610, %eq3A_623 : vector<16xi1>
          %convert_element_type3A_625 = arith.extui %and3A_624 : vector<16xi1> to vector<16xi32>
          %broadcast_in_dim3A_626 = arith.constant true
          %broadcast_in_dim3A_627 = vector.broadcast %broadcast_in_dim3A_626 : i1 to vector<16xi1>
          %masked_cumsum3A_628 = tpu.scan <sum>, %convert_element_type3A_625 masked %broadcast_in_dim3A_627 : vector<16xi32>, vector<16xi1> -> vector<16xi32>
          %add3A_629 = arith.addi %add3A_600, %masked_cumsum3A_628 : vector<16xi32>
          %sub3A_630 = arith.constant 1 : i32
          %sub3A_631 = vector.broadcast %sub3A_630 : i32 to vector<16xi32>
          %sub3A_632 = arith.subi %add3A_629, %sub3A_631 : vector<16xi32>
          tpu.vector_store_idx %arg6[%sub3A_632], %get3A_439 masked %and3A_624 : memref<8320xi32, #tpu.memory_space<vmem>>[vector<16xi32>], vector<16xi32>, vector<16xi1>
          %all_reduce_population_count3A_633 = tpu.all_reduce %and3A_624 {dim = 0 : i64, kind = #tpu.reduction_kind<sum>} : vector<16xi1> -> vector<16xi32>
          %add3A_634 = arith.addi %add3A_600, %all_reduce_population_count3A_633 : vector<16xi32>
          %mul3A_635 = arith.constant 8 : i32
          %mul3A_636 = arith.muli %while3A_393, %mul3A_635 : i32
          %add3A_637 = arith.constant 5 : i32
          %add3A_638 = arith.addi %mul3A_636, %add3A_637 : i32
          %mul3A_639 = arith.constant 16 : i32
          %mul3A_640 = arith.muli %add3A_638, %mul3A_639 : i32
          %add3A_641 = vector.broadcast %mul3A_640 : i32 to vector<16xi32>
          %add3A_642 = arith.addi %add3A_641, %iota3A_83 : vector<16xi32>
          %lt3A_643 = vector.broadcast %while3A_286 : i32 to vector<16xi32>
          %lt3A_644 = arith.cmpi slt, %add3A_642, %lt3A_643 : vector<16xi32>
          %shift_right_arithmetic3A_645 = vector.broadcast %while3A_283 : i32 to vector<16xi32>
          %shift_right_arithmetic3A_646 = arith.shrsi %get3A_448, %shift_right_arithmetic3A_645 : vector<16xi32>
          %and3A_647 = arith.constant 1 : i32
          %and3A_648 = vector.broadcast %and3A_647 : i32 to vector<16xi32>
          %and3A_649 = arith.andi %shift_right_arithmetic3A_646, %and3A_648 : vector<16xi32>
          %eq3A_650 = arith.constant 1 : i32
          %eq3A_651 = vector.broadcast %eq3A_650 : i32 to vector<16xi32>
          %eq3A_652 = arith.cmpi eq, %and3A_649, %eq3A_651 : vector<16xi32>
          %eq3A_653 = vector.broadcast %ge3A_331 : i1 to vector<16xi1>
          %eq3A_654 = vector.broadcast %eq3A_653 : vector<16xi1> to vector<16xi1>
          %eq3A_655 = arith.xori %eq3A_652, %eq3A_654 : vector<16xi1>
          %eq3A_656 = arith.constant dense<true> : vector<16xi1>
          %eq3A_657 = arith.xori %eq3A_655, %eq3A_656 : vector<16xi1>
          %and3A_658 = arith.andi %lt3A_644, %eq3A_657 : vector<16xi1>
          %convert_element_type3A_659 = arith.extui %and3A_658 : vector<16xi1> to vector<16xi32>
          %broadcast_in_dim3A_660 = arith.constant true
          %broadcast_in_dim3A_661 = vector.broadcast %broadcast_in_dim3A_660 : i1 to vector<16xi1>
          %masked_cumsum3A_662 = tpu.scan <sum>, %convert_element_type3A_659 masked %broadcast_in_dim3A_661 : vector<16xi32>, vector<16xi1> -> vector<16xi32>
          %add3A_663 = arith.addi %add3A_634, %masked_cumsum3A_662 : vector<16xi32>
          %sub3A_664 = arith.constant 1 : i32
          %sub3A_665 = vector.broadcast %sub3A_664 : i32 to vector<16xi32>
          %sub3A_666 = arith.subi %add3A_663, %sub3A_665 : vector<16xi32>
          tpu.vector_store_idx %arg6[%sub3A_666], %get3A_448 masked %and3A_658 : memref<8320xi32, #tpu.memory_space<vmem>>[vector<16xi32>], vector<16xi32>, vector<16xi1>
          %all_reduce_population_count3A_667 = tpu.all_reduce %and3A_658 {dim = 0 : i64, kind = #tpu.reduction_kind<sum>} : vector<16xi1> -> vector<16xi32>
          %add3A_668 = arith.addi %add3A_634, %all_reduce_population_count3A_667 : vector<16xi32>
          %mul3A_669 = arith.constant 8 : i32
          %mul3A_670 = arith.muli %while3A_393, %mul3A_669 : i32
          %add3A_671 = arith.constant 6 : i32
          %add3A_672 = arith.addi %mul3A_670, %add3A_671 : i32
          %mul3A_673 = arith.constant 16 : i32
          %mul3A_674 = arith.muli %add3A_672, %mul3A_673 : i32
          %add3A_675 = vector.broadcast %mul3A_674 : i32 to vector<16xi32>
          %add3A_676 = arith.addi %add3A_675, %iota3A_83 : vector<16xi32>
          %lt3A_677 = vector.broadcast %while3A_286 : i32 to vector<16xi32>
          %lt3A_678 = arith.cmpi slt, %add3A_676, %lt3A_677 : vector<16xi32>
          %shift_right_arithmetic3A_679 = vector.broadcast %while3A_283 : i32 to vector<16xi32>
          %shift_right_arithmetic3A_680 = arith.shrsi %get3A_457, %shift_right_arithmetic3A_679 : vector<16xi32>
          %and3A_681 = arith.constant 1 : i32
          %and3A_682 = vector.broadcast %and3A_681 : i32 to vector<16xi32>
          %and3A_683 = arith.andi %shift_right_arithmetic3A_680, %and3A_682 : vector<16xi32>
          %eq3A_684 = arith.constant 1 : i32
          %eq3A_685 = vector.broadcast %eq3A_684 : i32 to vector<16xi32>
          %eq3A_686 = arith.cmpi eq, %and3A_683, %eq3A_685 : vector<16xi32>
          %eq3A_687 = vector.broadcast %ge3A_331 : i1 to vector<16xi1>
          %eq3A_688 = vector.broadcast %eq3A_687 : vector<16xi1> to vector<16xi1>
          %eq3A_689 = arith.xori %eq3A_686, %eq3A_688 : vector<16xi1>
          %eq3A_690 = arith.constant dense<true> : vector<16xi1>
          %eq3A_691 = arith.xori %eq3A_689, %eq3A_690 : vector<16xi1>
          %and3A_692 = arith.andi %lt3A_678, %eq3A_691 : vector<16xi1>
          %convert_element_type3A_693 = arith.extui %and3A_692 : vector<16xi1> to vector<16xi32>
          %broadcast_in_dim3A_694 = arith.constant true
          %broadcast_in_dim3A_695 = vector.broadcast %broadcast_in_dim3A_694 : i1 to vector<16xi1>
          %masked_cumsum3A_696 = tpu.scan <sum>, %convert_element_type3A_693 masked %broadcast_in_dim3A_695 : vector<16xi32>, vector<16xi1> -> vector<16xi32>
          %add3A_697 = arith.addi %add3A_668, %masked_cumsum3A_696 : vector<16xi32>
          %sub3A_698 = arith.constant 1 : i32
          %sub3A_699 = vector.broadcast %sub3A_698 : i32 to vector<16xi32>
          %sub3A_700 = arith.subi %add3A_697, %sub3A_699 : vector<16xi32>
          tpu.vector_store_idx %arg6[%sub3A_700], %get3A_457 masked %and3A_692 : memref<8320xi32, #tpu.memory_space<vmem>>[vector<16xi32>], vector<16xi32>, vector<16xi1>
          %all_reduce_population_count3A_701 = tpu.all_reduce %and3A_692 {dim = 0 : i64, kind = #tpu.reduction_kind<sum>} : vector<16xi1> -> vector<16xi32>
          %add3A_702 = arith.addi %add3A_668, %all_reduce_population_count3A_701 : vector<16xi32>
          %mul3A_703 = arith.constant 8 : i32
          %mul3A_704 = arith.muli %while3A_393, %mul3A_703 : i32
          %add3A_705 = arith.constant 7 : i32
          %add3A_706 = arith.addi %mul3A_704, %add3A_705 : i32
          %mul3A_707 = arith.constant 16 : i32
          %mul3A_708 = arith.muli %add3A_706, %mul3A_707 : i32
          %add3A_709 = vector.broadcast %mul3A_708 : i32 to vector<16xi32>
          %add3A_710 = arith.addi %add3A_709, %iota3A_83 : vector<16xi32>
          %lt3A_711 = vector.broadcast %while3A_286 : i32 to vector<16xi32>
          %lt3A_712 = arith.cmpi slt, %add3A_710, %lt3A_711 : vector<16xi32>
          %shift_right_arithmetic3A_713 = vector.broadcast %while3A_283 : i32 to vector<16xi32>
          %shift_right_arithmetic3A_714 = arith.shrsi %get3A_466, %shift_right_arithmetic3A_713 : vector<16xi32>
          %and3A_715 = arith.constant 1 : i32
          %and3A_716 = vector.broadcast %and3A_715 : i32 to vector<16xi32>
          %and3A_717 = arith.andi %shift_right_arithmetic3A_714, %and3A_716 : vector<16xi32>
          %eq3A_718 = arith.constant 1 : i32
          %eq3A_719 = vector.broadcast %eq3A_718 : i32 to vector<16xi32>
          %eq3A_720 = arith.cmpi eq, %and3A_717, %eq3A_719 : vector<16xi32>
          %eq3A_721 = vector.broadcast %ge3A_331 : i1 to vector<16xi1>
          %eq3A_722 = vector.broadcast %eq3A_721 : vector<16xi1> to vector<16xi1>
          %eq3A_723 = arith.xori %eq3A_720, %eq3A_722 : vector<16xi1>
          %eq3A_724 = arith.constant dense<true> : vector<16xi1>
          %eq3A_725 = arith.xori %eq3A_723, %eq3A_724 : vector<16xi1>
          %and3A_726 = arith.andi %lt3A_712, %eq3A_725 : vector<16xi1>
          %convert_element_type3A_727 = arith.extui %and3A_726 : vector<16xi1> to vector<16xi32>
          %broadcast_in_dim3A_728 = arith.constant true
          %broadcast_in_dim3A_729 = vector.broadcast %broadcast_in_dim3A_728 : i1 to vector<16xi1>
          %masked_cumsum3A_730 = tpu.scan <sum>, %convert_element_type3A_727 masked %broadcast_in_dim3A_729 : vector<16xi32>, vector<16xi1> -> vector<16xi32>
          %add3A_731 = arith.addi %add3A_702, %masked_cumsum3A_730 : vector<16xi32>
          %sub3A_732 = arith.constant 1 : i32
          %sub3A_733 = vector.broadcast %sub3A_732 : i32 to vector<16xi32>
          %sub3A_734 = arith.subi %add3A_731, %sub3A_733 : vector<16xi32>
          tpu.vector_store_idx %arg6[%sub3A_734], %get3A_466 masked %and3A_726 : memref<8320xi32, #tpu.memory_space<vmem>>[vector<16xi32>], vector<16xi32>, vector<16xi1>
          %all_reduce_population_count3A_735 = tpu.all_reduce %and3A_726 {dim = 0 : i64, kind = #tpu.reduction_kind<sum>} : vector<16xi1> -> vector<16xi32>
          %add3A_736 = arith.addi %add3A_702, %all_reduce_population_count3A_735 : vector<16xi32>
          scf.yield %add3A_736 : vector<16xi32>
        }
        %while3A_371 = arith.constant 1 : i32
        %while3A_372 = scf.for %while3A_393 = %while3A_368 to %while3A_364 step %while3A_371 iter_args(%while3A_394 = %while3A_370) -> (vector<16xi32>)  : i32 {
          %mul3A_395 = arith.constant 8 : i32
          %mul3A_396 = arith.muli %while3A_393, %mul3A_395 : i32
          %add3A_397 = arith.constant 0 : i32
          %add3A_398 = arith.addi %mul3A_396, %add3A_397 : i32
          %mul3A_399 = arith.constant 16 : i32
          %mul3A_400 = arith.muli %add3A_398, %mul3A_399 : i32
          %add3A_401 = arith.addi %while3A_284, %mul3A_400 : i32
          %get3A_402 = arith.index_cast %add3A_401 : i32 to index
          %get3A_403 = tpu.vector_load %arg6[%get3A_402] {strides = array<i32>} : memref<8320xi32, #tpu.memory_space<vmem>>, vector<16xi32>,
          %mul3A_404 = arith.constant 8 : i32
          %mul3A_405 = arith.muli %while3A_393, %mul3A_404 : i32
          %add3A_406 = arith.constant 1 : i32
          %add3A_407 = arith.addi %mul3A_405, %add3A_406 : i32
          %mul3A_408 = arith.constant 16 : i32
          %mul3A_409 = arith.muli %add3A_407, %mul3A_408 : i32
          %add3A_410 = arith.addi %while3A_284, %mul3A_409 : i32
          %get3A_411 = arith.index_cast %add3A_410 : i32 to index
          %get3A_412 = tpu.vector_load %arg6[%get3A_411] {strides = array<i32>} : memref<8320xi32, #tpu.memory_space<vmem>>, vector<16xi32>,
          %mul3A_413 = arith.constant 8 : i32
          %mul3A_414 = arith.muli %while3A_393, %mul3A_413 : i32
          %add3A_415 = arith.constant 2 : i32
          %add3A_416 = arith.addi %mul3A_414, %add3A_415 : i32
          %mul3A_417 = arith.constant 16 : i32
          %mul3A_418 = arith.muli %add3A_416, %mul3A_417 : i32
          %add3A_419 = arith.addi %while3A_284, %mul3A_418 : i32
          %get3A_420 = arith.index_cast %add3A_419 : i32 to index
          %get3A_421 = tpu.vector_load %arg6[%get3A_420] {strides = array<i32>} : memref<8320xi32, #tpu.memory_space<vmem>>, vector<16xi32>,
          %mul3A_422 = arith.constant 8 : i32
          %mul3A_423 = arith.muli %while3A_393, %mul3A_422 : i32
          %add3A_424 = arith.constant 3 : i32
          %add3A_425 = arith.addi %mul3A_423, %add3A_424 : i32
          %mul3A_426 = arith.constant 16 : i32
          %mul3A_427 = arith.muli %add3A_425, %mul3A_426 : i32
          %add3A_428 = arith.addi %while3A_284, %mul3A_427 : i32
          %get3A_429 = arith.index_cast %add3A_428 : i32 to index
          %get3A_430 = tpu.vector_load %arg6[%get3A_429] {strides = array<i32>} : memref<8320xi32, #tpu.memory_space<vmem>>, vector<16xi32>,
          %mul3A_431 = arith.constant 8 : i32
          %mul3A_432 = arith.muli %while3A_393, %mul3A_431 : i32
          %add3A_433 = arith.constant 4 : i32
          %add3A_434 = arith.addi %mul3A_432, %add3A_433 : i32
          %mul3A_435 = arith.constant 16 : i32
          %mul3A_436 = arith.muli %add3A_434, %mul3A_435 : i32
          %add3A_437 = arith.addi %while3A_284, %mul3A_436 : i32
          %get3A_438 = arith.index_cast %add3A_437 : i32 to index
          %get3A_439 = tpu.vector_load %arg6[%get3A_438] {strides = array<i32>} : memref<8320xi32, #tpu.memory_space<vmem>>, vector<16xi32>,
          %mul3A_440 = arith.constant 8 : i32
          %mul3A_441 = arith.muli %while3A_393, %mul3A_440 : i32
          %add3A_442 = arith.constant 5 : i32
          %add3A_443 = arith.addi %mul3A_441, %add3A_442 : i32
          %mul3A_444 = arith.constant 16 : i32
          %mul3A_445 = arith.muli %add3A_443, %mul3A_444 : i32
          %add3A_446 = arith.addi %while3A_284, %mul3A_445 : i32
          %get3A_447 = arith.index_cast %add3A_446 : i32 to index
          %get3A_448 = tpu.vector_load %arg6[%get3A_447] {strides = array<i32>} : memref<8320xi32, #tpu.memory_space<vmem>>, vector<16xi32>,
          %mul3A_449 = arith.constant 8 : i32
          %mul3A_450 = arith.muli %while3A_393, %mul3A_449 : i32
          %add3A_451 = arith.constant 6 : i32
          %add3A_452 = arith.addi %mul3A_450, %add3A_451 : i32
          %mul3A_453 = arith.constant 16 : i32
          %mul3A_454 = arith.muli %add3A_452, %mul3A_453 : i32
          %add3A_455 = arith.addi %while3A_284, %mul3A_454 : i32
          %get3A_456 = arith.index_cast %add3A_455 : i32 to index
          %get3A_457 = tpu.vector_load %arg6[%get3A_456] {strides = array<i32>} : memref<8320xi32, #tpu.memory_space<vmem>>, vector<16xi32>,
          %mul3A_458 = arith.constant 8 : i32
          %mul3A_459 = arith.muli %while3A_393, %mul3A_458 : i32
          %add3A_460 = arith.constant 7 : i32
          %add3A_461 = arith.addi %mul3A_459, %add3A_460 : i32
          %mul3A_462 = arith.constant 16 : i32
          %mul3A_463 = arith.muli %add3A_461, %mul3A_462 : i32
          %add3A_464 = arith.addi %while3A_284, %mul3A_463 : i32
          %get3A_465 = arith.index_cast %add3A_464 : i32 to index
          %get3A_466 = tpu.vector_load %arg6[%get3A_465] {strides = array<i32>} : memref<8320xi32, #tpu.memory_space<vmem>>, vector<16xi32>,
          %mul3A_467 = arith.constant 8 : i32
          %mul3A_468 = arith.muli %while3A_393, %mul3A_467 : i32
          %add3A_469 = arith.constant 0 : i32
          %add3A_470 = arith.addi %mul3A_468, %add3A_469 : i32
          %mul3A_471 = arith.constant 16 : i32
          %mul3A_472 = arith.muli %add3A_470, %mul3A_471 : i32
          %add3A_473 = vector.broadcast %mul3A_472 : i32 to vector<16xi32>
          %add3A_474 = arith.addi %add3A_473, %iota3A_83 : vector<16xi32>
          %lt3A_475 = vector.broadcast %while3A_286 : i32 to vector<16xi32>
          %lt3A_476 = arith.cmpi slt, %add3A_474, %lt3A_475 : vector<16xi32>
          %shift_right_arithmetic3A = vector.broadcast %while3A_283 : i32 to vector<16xi32>
          %shift_right_arithmetic3A_477 = arith.shrsi %get3A_403, %shift_right_arithmetic3A : vector<16xi32>
          %and3A_478 = arith.constant 1 : i32
          %and3A_479 = vector.broadcast %and3A_478 : i32 to vector<16xi32>
          %and3A_480 = arith.andi %shift_right_arithmetic3A_477, %and3A_479 : vector<16xi32>
          %eq3A_481 = arith.constant 1 : i32
          %eq3A_482 = vector.broadcast %eq3A_481 : i32 to vector<16xi32>
          %eq3A_483 = arith.cmpi eq, %and3A_480, %eq3A_482 : vector<16xi32>
          %eq3A_484 = vector.broadcast %ge3A_331 : i1 to vector<16xi1>
          %eq3A_485 = vector.broadcast %eq3A_484 : vector<16xi1> to vector<16xi1>
          %eq3A_486 = arith.xori %eq3A_483, %eq3A_485 : vector<16xi1>
          %eq3A_487 = arith.constant dense<true> : vector<16xi1>
          %eq3A_488 = arith.xori %eq3A_486, %eq3A_487 : vector<16xi1>
          %and3A_489 = arith.andi %lt3A_476, %eq3A_488 : vector<16xi1>
          %convert_element_type3A_490 = arith.extui %and3A_489 : vector<16xi1> to vector<16xi32>
          %broadcast_in_dim3A_491 = arith.constant true
          %broadcast_in_dim3A_492 = vector.broadcast %broadcast_in_dim3A_491 : i1 to vector<16xi1>
          %masked_cumsum3A = tpu.scan <sum>, %convert_element_type3A_490 masked %broadcast_in_dim3A_492 : vector<16xi32>, vector<16xi1> -> vector<16xi32>
          %add3A_493 = arith.addi %while3A_394, %masked_cumsum3A : vector<16xi32>
          %sub3A_494 = arith.constant 1 : i32
          %sub3A_495 = vector.broadcast %sub3A_494 : i32 to vector<16xi32>
          %sub3A_496 = arith.subi %add3A_493, %sub3A_495 : vector<16xi32>
          tpu.vector_store_idx %arg6[%sub3A_496], %get3A_403 masked %and3A_489 : memref<8320xi32, #tpu.memory_space<vmem>>[vector<16xi32>], vector<16xi32>, vector<16xi1>
          %all_reduce_population_count3A_497 = tpu.all_reduce %and3A_489 {dim = 0 : i64, kind = #tpu.reduction_kind<sum>} : vector<16xi1> -> vector<16xi32>
          %add3A_498 = arith.addi %while3A_394, %all_reduce_population_count3A_497 : vector<16xi32>
          %mul3A_499 = arith.constant 8 : i32
          %mul3A_500 = arith.muli %while3A_393, %mul3A_499 : i32
          %add3A_501 = arith.constant 1 : i32
          %add3A_502 = arith.addi %mul3A_500, %add3A_501 : i32
          %mul3A_503 = arith.constant 16 : i32
          %mul3A_504 = arith.muli %add3A_502, %mul3A_503 : i32
          %add3A_505 = vector.broadcast %mul3A_504 : i32 to vector<16xi32>
          %add3A_506 = arith.addi %add3A_505, %iota3A_83 : vector<16xi32>
          %lt3A_507 = vector.broadcast %while3A_286 : i32 to vector<16xi32>
          %lt3A_508 = arith.cmpi slt, %add3A_506, %lt3A_507 : vector<16xi32>
          %shift_right_arithmetic3A_509 = vector.broadcast %while3A_283 : i32 to vector<16xi32>
          %shift_right_arithmetic3A_510 = arith.shrsi %get3A_412, %shift_right_arithmetic3A_509 : vector<16xi32>
          %and3A_511 = arith.constant 1 : i32
          %and3A_512 = vector.broadcast %and3A_511 : i32 to vector<16xi32>
          %and3A_513 = arith.andi %shift_right_arithmetic3A_510, %and3A_512 : vector<16xi32>
          %eq3A_514 = arith.constant 1 : i32
          %eq3A_515 = vector.broadcast %eq3A_514 : i32 to vector<16xi32>
          %eq3A_516 = arith.cmpi eq, %and3A_513, %eq3A_515 : vector<16xi32>
          %eq3A_517 = vector.broadcast %ge3A_331 : i1 to vector<16xi1>
          %eq3A_518 = vector.broadcast %eq3A_517 : vector<16xi1> to vector<16xi1>
          %eq3A_519 = arith.xori %eq3A_516, %eq3A_518 : vector<16xi1>
          %eq3A_520 = arith.constant dense<true> : vector<16xi1>
          %eq3A_521 = arith.xori %eq3A_519, %eq3A_520 : vector<16xi1>
          %and3A_522 = arith.andi %lt3A_508, %eq3A_521 : vector<16xi1>
          %convert_element_type3A_523 = arith.extui %and3A_522 : vector<16xi1> to vector<16xi32>
          %broadcast_in_dim3A_524 = arith.constant true
          %broadcast_in_dim3A_525 = vector.broadcast %broadcast_in_dim3A_524 : i1 to vector<16xi1>
          %masked_cumsum3A_526 = tpu.scan <sum>, %convert_element_type3A_523 masked %broadcast_in_dim3A_525 : vector<16xi32>, vector<16xi1> -> vector<16xi32>
          %add3A_527 = arith.addi %add3A_498, %masked_cumsum3A_526 : vector<16xi32>
          %sub3A_528 = arith.constant 1 : i32
          %sub3A_529 = vector.broadcast %sub3A_528 : i32 to vector<16xi32>
          %sub3A_530 = arith.subi %add3A_527, %sub3A_529 : vector<16xi32>
          tpu.vector_store_idx %arg6[%sub3A_530], %get3A_412 masked %and3A_522 : memref<8320xi32, #tpu.memory_space<vmem>>[vector<16xi32>], vector<16xi32>, vector<16xi1>
          %all_reduce_population_count3A_531 = tpu.all_reduce %and3A_522 {dim = 0 : i64, kind = #tpu.reduction_kind<sum>} : vector<16xi1> -> vector<16xi32>
          %add3A_532 = arith.addi %add3A_498, %all_reduce_population_count3A_531 : vector<16xi32>
          %mul3A_533 = arith.constant 8 : i32
          %mul3A_534 = arith.muli %while3A_393, %mul3A_533 : i32
          %add3A_535 = arith.constant 2 : i32
          %add3A_536 = arith.addi %mul3A_534, %add3A_535 : i32
          %mul3A_537 = arith.constant 16 : i32
          %mul3A_538 = arith.muli %add3A_536, %mul3A_537 : i32
          %add3A_539 = vector.broadcast %mul3A_538 : i32 to vector<16xi32>
          %add3A_540 = arith.addi %add3A_539, %iota3A_83 : vector<16xi32>
          %lt3A_541 = vector.broadcast %while3A_286 : i32 to vector<16xi32>
          %lt3A_542 = arith.cmpi slt, %add3A_540, %lt3A_541 : vector<16xi32>
          %shift_right_arithmetic3A_543 = vector.broadcast %while3A_283 : i32 to vector<16xi32>
          %shift_right_arithmetic3A_544 = arith.shrsi %get3A_421, %shift_right_arithmetic3A_543 : vector<16xi32>
          %and3A_545 = arith.constant 1 : i32
          %and3A_546 = vector.broadcast %and3A_545 : i32 to vector<16xi32>
          %and3A_547 = arith.andi %shift_right_arithmetic3A_544, %and3A_546 : vector<16xi32>
          %eq3A_548 = arith.constant 1 : i32
          %eq3A_549 = vector.broadcast %eq3A_548 : i32 to vector<16xi32>
          %eq3A_550 = arith.cmpi eq, %and3A_547, %eq3A_549 : vector<16xi32>
          %eq3A_551 = vector.broadcast %ge3A_331 : i1 to vector<16xi1>
          %eq3A_552 = vector.broadcast %eq3A_551 : vector<16xi1> to vector<16xi1>
          %eq3A_553 = arith.xori %eq3A_550, %eq3A_552 : vector<16xi1>
          %eq3A_554 = arith.constant dense<true> : vector<16xi1>
          %eq3A_555 = arith.xori %eq3A_553, %eq3A_554 : vector<16xi1>
          %and3A_556 = arith.andi %lt3A_542, %eq3A_555 : vector<16xi1>
          %convert_element_type3A_557 = arith.extui %and3A_556 : vector<16xi1> to vector<16xi32>
          %broadcast_in_dim3A_558 = arith.constant true
          %broadcast_in_dim3A_559 = vector.broadcast %broadcast_in_dim3A_558 : i1 to vector<16xi1>
          %masked_cumsum3A_560 = tpu.scan <sum>, %convert_element_type3A_557 masked %broadcast_in_dim3A_559 : vector<16xi32>, vector<16xi1> -> vector<16xi32>
          %add3A_561 = arith.addi %add3A_532, %masked_cumsum3A_560 : vector<16xi32>
          %sub3A_562 = arith.constant 1 : i32
          %sub3A_563 = vector.broadcast %sub3A_562 : i32 to vector<16xi32>
          %sub3A_564 = arith.subi %add3A_561, %sub3A_563 : vector<16xi32>
          tpu.vector_store_idx %arg6[%sub3A_564], %get3A_421 masked %and3A_556 : memref<8320xi32, #tpu.memory_space<vmem>>[vector<16xi32>], vector<16xi32>, vector<16xi1>
          %all_reduce_population_count3A_565 = tpu.all_reduce %and3A_556 {dim = 0 : i64, kind = #tpu.reduction_kind<sum>} : vector<16xi1> -> vector<16xi32>
          %add3A_566 = arith.addi %add3A_532, %all_reduce_population_count3A_565 : vector<16xi32>
          %mul3A_567 = arith.constant 8 : i32
          %mul3A_568 = arith.muli %while3A_393, %mul3A_567 : i32
          %add3A_569 = arith.constant 3 : i32
          %add3A_570 = arith.addi %mul3A_568, %add3A_569 : i32
          %mul3A_571 = arith.constant 16 : i32
          %mul3A_572 = arith.muli %add3A_570, %mul3A_571 : i32
          %add3A_573 = vector.broadcast %mul3A_572 : i32 to vector<16xi32>
          %add3A_574 = arith.addi %add3A_573, %iota3A_83 : vector<16xi32>
          %lt3A_575 = vector.broadcast %while3A_286 : i32 to vector<16xi32>
          %lt3A_576 = arith.cmpi slt, %add3A_574, %lt3A_575 : vector<16xi32>
          %shift_right_arithmetic3A_577 = vector.broadcast %while3A_283 : i32 to vector<16xi32>
          %shift_right_arithmetic3A_578 = arith.shrsi %get3A_430, %shift_right_arithmetic3A_577 : vector<16xi32>
          %and3A_579 = arith.constant 1 : i32
          %and3A_580 = vector.broadcast %and3A_579 : i32 to vector<16xi32>
          %and3A_581 = arith.andi %shift_right_arithmetic3A_578, %and3A_580 : vector<16xi32>
          %eq3A_582 = arith.constant 1 : i32
          %eq3A_583 = vector.broadcast %eq3A_582 : i32 to vector<16xi32>
          %eq3A_584 = arith.cmpi eq, %and3A_581, %eq3A_583 : vector<16xi32>
          %eq3A_585 = vector.broadcast %ge3A_331 : i1 to vector<16xi1>
          %eq3A_586 = vector.broadcast %eq3A_585 : vector<16xi1> to vector<16xi1>
          %eq3A_587 = arith.xori %eq3A_584, %eq3A_586 : vector<16xi1>
          %eq3A_588 = arith.constant dense<true> : vector<16xi1>
          %eq3A_589 = arith.xori %eq3A_587, %eq3A_588 : vector<16xi1>
          %and3A_590 = arith.andi %lt3A_576, %eq3A_589 : vector<16xi1>
          %convert_element_type3A_591 = arith.extui %and3A_590 : vector<16xi1> to vector<16xi32>
          %broadcast_in_dim3A_592 = arith.constant true
          %broadcast_in_dim3A_593 = vector.broadcast %broadcast_in_dim3A_592 : i1 to vector<16xi1>
          %masked_cumsum3A_594 = tpu.scan <sum>, %convert_element_type3A_591 masked %broadcast_in_dim3A_593 : vector<16xi32>, vector<16xi1> -> vector<16xi32>
          %add3A_595 = arith.addi %add3A_566, %masked_cumsum3A_594 : vector<16xi32>
          %sub3A_596 = arith.constant 1 : i32
          %sub3A_597 = vector.broadcast %sub3A_596 : i32 to vector<16xi32>
          %sub3A_598 = arith.subi %add3A_595, %sub3A_597 : vector<16xi32>
          tpu.vector_store_idx %arg6[%sub3A_598], %get3A_430 masked %and3A_590 : memref<8320xi32, #tpu.memory_space<vmem>>[vector<16xi32>], vector<16xi32>, vector<16xi1>
          %all_reduce_population_count3A_599 = tpu.all_reduce %and3A_590 {dim = 0 : i64, kind = #tpu.reduction_kind<sum>} : vector<16xi1> -> vector<16xi32>
          %add3A_600 = arith.addi %add3A_566, %all_reduce_population_count3A_599 : vector<16xi32>
          %mul3A_601 = arith.constant 8 : i32
          %mul3A_602 = arith.muli %while3A_393, %mul3A_601 : i32
          %add3A_603 = arith.constant 4 : i32
          %add3A_604 = arith.addi %mul3A_602, %add3A_603 : i32
          %mul3A_605 = arith.constant 16 : i32
          %mul3A_606 = arith.muli %add3A_604, %mul3A_605 : i32
          %add3A_607 = vector.broadcast %mul3A_606 : i32 to vector<16xi32>
          %add3A_608 = arith.addi %add3A_607, %iota3A_83 : vector<16xi32>
          %lt3A_609 = vector.broadcast %while3A_286 : i32 to vector<16xi32>
          %lt3A_610 = arith.cmpi slt, %add3A_608, %lt3A_609 : vector<16xi32>
          %shift_right_arithmetic3A_611 = vector.broadcast %while3A_283 : i32 to vector<16xi32>
          %shift_right_arithmetic3A_612 = arith.shrsi %get3A_439, %shift_right_arithmetic3A_611 : vector<16xi32>
          %and3A_613 = arith.constant 1 : i32
          %and3A_614 = vector.broadcast %and3A_613 : i32 to vector<16xi32>
          %and3A_615 = arith.andi %shift_right_arithmetic3A_612, %and3A_614 : vector<16xi32>
          %eq3A_616 = arith.constant 1 : i32
          %eq3A_617 = vector.broadcast %eq3A_616 : i32 to vector<16xi32>
          %eq3A_618 = arith.cmpi eq, %and3A_615, %eq3A_617 : vector<16xi32>
          %eq3A_619 = vector.broadcast %ge3A_331 : i1 to vector<16xi1>
          %eq3A_620 = vector.broadcast %eq3A_619 : vector<16xi1> to vector<16xi1>
          %eq3A_621 = arith.xori %eq3A_618, %eq3A_620 : vector<16xi1>
          %eq3A_622 = arith.constant dense<true> : vector<16xi1>
          %eq3A_623 = arith.xori %eq3A_621, %eq3A_622 : vector<16xi1>
          %and3A_624 = arith.andi %lt3A_610, %eq3A_623 : vector<16xi1>
          %convert_element_type3A_625 = arith.extui %and3A_624 : vector<16xi1> to vector<16xi32>
          %broadcast_in_dim3A_626 = arith.constant true
          %broadcast_in_dim3A_627 = vector.broadcast %broadcast_in_dim3A_626 : i1 to vector<16xi1>
          %masked_cumsum3A_628 = tpu.scan <sum>, %convert_element_type3A_625 masked %broadcast_in_dim3A_627 : vector<16xi32>, vector<16xi1> -> vector<16xi32>
          %add3A_629 = arith.addi %add3A_600, %masked_cumsum3A_628 : vector<16xi32>
          %sub3A_630 = arith.constant 1 : i32
          %sub3A_631 = vector.broadcast %sub3A_630 : i32 to vector<16xi32>
          %sub3A_632 = arith.subi %add3A_629, %sub3A_631 : vector<16xi32>
          tpu.vector_store_idx %arg6[%sub3A_632], %get3A_439 masked %and3A_624 : memref<8320xi32, #tpu.memory_space<vmem>>[vector<16xi32>], vector<16xi32>, vector<16xi1>
          %all_reduce_population_count3A_633 = tpu.all_reduce %and3A_624 {dim = 0 : i64, kind = #tpu.reduction_kind<sum>} : vector<16xi1> -> vector<16xi32>
          %add3A_634 = arith.addi %add3A_600, %all_reduce_population_count3A_633 : vector<16xi32>
          %mul3A_635 = arith.constant 8 : i32
          %mul3A_636 = arith.muli %while3A_393, %mul3A_635 : i32
          %add3A_637 = arith.constant 5 : i32
          %add3A_638 = arith.addi %mul3A_636, %add3A_637 : i32
          %mul3A_639 = arith.constant 16 : i32
          %mul3A_640 = arith.muli %add3A_638, %mul3A_639 : i32
          %add3A_641 = vector.broadcast %mul3A_640 : i32 to vector<16xi32>
          %add3A_642 = arith.addi %add3A_641, %iota3A_83 : vector<16xi32>
          %lt3A_643 = vector.broadcast %while3A_286 : i32 to vector<16xi32>
          %lt3A_644 = arith.cmpi slt, %add3A_642, %lt3A_643 : vector<16xi32>
          %shift_right_arithmetic3A_645 = vector.broadcast %while3A_283 : i32 to vector<16xi32>
          %shift_right_arithmetic3A_646 = arith.shrsi %get3A_448, %shift_right_arithmetic3A_645 : vector<16xi32>
          %and3A_647 = arith.constant 1 : i32
          %and3A_648 = vector.broadcast %and3A_647 : i32 to vector<16xi32>
          %and3A_649 = arith.andi %shift_right_arithmetic3A_646, %and3A_648 : vector<16xi32>
          %eq3A_650 = arith.constant 1 : i32
          %eq3A_651 = vector.broadcast %eq3A_650 : i32 to vector<16xi32>
          %eq3A_652 = arith.cmpi eq, %and3A_649, %eq3A_651 : vector<16xi32>
          %eq3A_653 = vector.broadcast %ge3A_331 : i1 to vector<16xi1>
          %eq3A_654 = vector.broadcast %eq3A_653 : vector<16xi1> to vector<16xi1>
          %eq3A_655 = arith.xori %eq3A_652, %eq3A_654 : vector<16xi1>
          %eq3A_656 = arith.constant dense<true> : vector<16xi1>
          %eq3A_657 = arith.xori %eq3A_655, %eq3A_656 : vector<16xi1>
          %and3A_658 = arith.andi %lt3A_644, %eq3A_657 : vector<16xi1>
          %convert_element_type3A_659 = arith.extui %and3A_658 : vector<16xi1> to vector<16xi32>
          %broadcast_in_dim3A_660 = arith.constant true
          %broadcast_in_dim3A_661 = vector.broadcast %broadcast_in_dim3A_660 : i1 to vector<16xi1>
          %masked_cumsum3A_662 = tpu.scan <sum>, %convert_element_type3A_659 masked %broadcast_in_dim3A_661 : vector<16xi32>, vector<16xi1> -> vector<16xi32>
          %add3A_663 = arith.addi %add3A_634, %masked_cumsum3A_662 : vector<16xi32>
          %sub3A_664 = arith.constant 1 : i32
          %sub3A_665 = vector.broadcast %sub3A_664 : i32 to vector<16xi32>
          %sub3A_666 = arith.subi %add3A_663, %sub3A_665 : vector<16xi32>
          tpu.vector_store_idx %arg6[%sub3A_666], %get3A_448 masked %and3A_658 : memref<8320xi32, #tpu.memory_space<vmem>>[vector<16xi32>], vector<16xi32>, vector<16xi1>
          %all_reduce_population_count3A_667 = tpu.all_reduce %and3A_658 {dim = 0 : i64, kind = #tpu.reduction_kind<sum>} : vector<16xi1> -> vector<16xi32>
          %add3A_668 = arith.addi %add3A_634, %all_reduce_population_count3A_667 : vector<16xi32>
          %mul3A_669 = arith.constant 8 : i32
          %mul3A_670 = arith.muli %while3A_393, %mul3A_669 : i32
          %add3A_671 = arith.constant 6 : i32
          %add3A_672 = arith.addi %mul3A_670, %add3A_671 : i32
          %mul3A_673 = arith.constant 16 : i32
          %mul3A_674 = arith.muli %add3A_672, %mul3A_673 : i32
          %add3A_675 = vector.broadcast %mul3A_674 : i32 to vector<16xi32>
          %add3A_676 = arith.addi %add3A_675, %iota3A_83 : vector<16xi32>
          %lt3A_677 = vector.broadcast %while3A_286 : i32 to vector<16xi32>
          %lt3A_678 = arith.cmpi slt, %add3A_676, %lt3A_677 : vector<16xi32>
          %shift_right_arithmetic3A_679 = vector.broadcast %while3A_283 : i32 to vector<16xi32>
          %shift_right_arithmetic3A_680 = arith.shrsi %get3A_457, %shift_right_arithmetic3A_679 : vector<16xi32>
          %and3A_681 = arith.constant 1 : i32
          %and3A_682 = vector.broadcast %and3A_681 : i32 to vector<16xi32>
          %and3A_683 = arith.andi %shift_right_arithmetic3A_680, %and3A_682 : vector<16xi32>
          %eq3A_684 = arith.constant 1 : i32
          %eq3A_685 = vector.broadcast %eq3A_684 : i32 to vector<16xi32>
          %eq3A_686 = arith.cmpi eq, %and3A_683, %eq3A_685 : vector<16xi32>
          %eq3A_687 = vector.broadcast %ge3A_331 : i1 to vector<16xi1>
          %eq3A_688 = vector.broadcast %eq3A_687 : vector<16xi1> to vector<16xi1>
          %eq3A_689 = arith.xori %eq3A_686, %eq3A_688 : vector<16xi1>
          %eq3A_690 = arith.constant dense<true> : vector<16xi1>
          %eq3A_691 = arith.xori %eq3A_689, %eq3A_690 : vector<16xi1>
          %and3A_692 = arith.andi %lt3A_678, %eq3A_691 : vector<16xi1>
          %convert_element_type3A_693 = arith.extui %and3A_692 : vector<16xi1> to vector<16xi32>
          %broadcast_in_dim3A_694 = arith.constant true
          %broadcast_in_dim3A_695 = vector.broadcast %broadcast_in_dim3A_694 : i1 to vector<16xi1>
          %masked_cumsum3A_696 = tpu.scan <sum>, %convert_element_type3A_693 masked %broadcast_in_dim3A_695 : vector<16xi32>, vector<16xi1> -> vector<16xi32>
          %add3A_697 = arith.addi %add3A_668, %masked_cumsum3A_696 : vector<16xi32>
          %sub3A_698 = arith.constant 1 : i32
          %sub3A_699 = vector.broadcast %sub3A_698 : i32 to vector<16xi32>
          %sub3A_700 = arith.subi %add3A_697, %sub3A_699 : vector<16xi32>
          tpu.vector_store_idx %arg6[%sub3A_700], %get3A_457 masked %and3A_692 : memref<8320xi32, #tpu.memory_space<vmem>>[vector<16xi32>], vector<16xi32>, vector<16xi1>
          %all_reduce_population_count3A_701 = tpu.all_reduce %and3A_692 {dim = 0 : i64, kind = #tpu.reduction_kind<sum>} : vector<16xi1> -> vector<16xi32>
          %add3A_702 = arith.addi %add3A_668, %all_reduce_population_count3A_701 : vector<16xi32>
          %mul3A_703 = arith.constant 8 : i32
          %mul3A_704 = arith.muli %while3A_393, %mul3A_703 : i32
          %add3A_705 = arith.constant 7 : i32
          %add3A_706 = arith.addi %mul3A_704, %add3A_705 : i32
          %mul3A_707 = arith.constant 16 : i32
          %mul3A_708 = arith.muli %add3A_706, %mul3A_707 : i32
          %add3A_709 = vector.broadcast %mul3A_708 : i32 to vector<16xi32>
          %add3A_710 = arith.addi %add3A_709, %iota3A_83 : vector<16xi32>
          %lt3A_711 = vector.broadcast %while3A_286 : i32 to vector<16xi32>
          %lt3A_712 = arith.cmpi slt, %add3A_710, %lt3A_711 : vector<16xi32>
          %shift_right_arithmetic3A_713 = vector.broadcast %while3A_283 : i32 to vector<16xi32>
          %shift_right_arithmetic3A_714 = arith.shrsi %get3A_466, %shift_right_arithmetic3A_713 : vector<16xi32>
          %and3A_715 = arith.constant 1 : i32
          %and3A_716 = vector.broadcast %and3A_715 : i32 to vector<16xi32>
          %and3A_717 = arith.andi %shift_right_arithmetic3A_714, %and3A_716 : vector<16xi32>
          %eq3A_718 = arith.constant 1 : i32
          %eq3A_719 = vector.broadcast %eq3A_718 : i32 to vector<16xi32>
          %eq3A_720 = arith.cmpi eq, %and3A_717, %eq3A_719 : vector<16xi32>
          %eq3A_721 = vector.broadcast %ge3A_331 : i1 to vector<16xi1>
          %eq3A_722 = vector.broadcast %eq3A_721 : vector<16xi1> to vector<16xi1>
          %eq3A_723 = arith.xori %eq3A_720, %eq3A_722 : vector<16xi1>
          %eq3A_724 = arith.constant dense<true> : vector<16xi1>
          %eq3A_725 = arith.xori %eq3A_723, %eq3A_724 : vector<16xi1>
          %and3A_726 = arith.andi %lt3A_712, %eq3A_725 : vector<16xi1>
          %convert_element_type3A_727 = arith.extui %and3A_726 : vector<16xi1> to vector<16xi32>
          %broadcast_in_dim3A_728 = arith.constant true
          %broadcast_in_dim3A_729 = vector.broadcast %broadcast_in_dim3A_728 : i1 to vector<16xi1>
          %masked_cumsum3A_730 = tpu.scan <sum>, %convert_element_type3A_727 masked %broadcast_in_dim3A_729 : vector<16xi32>, vector<16xi1> -> vector<16xi32>
          %add3A_731 = arith.addi %add3A_702, %masked_cumsum3A_730 : vector<16xi32>
          %sub3A_732 = arith.constant 1 : i32
          %sub3A_733 = vector.broadcast %sub3A_732 : i32 to vector<16xi32>
          %sub3A_734 = arith.subi %add3A_731, %sub3A_733 : vector<16xi32>
          tpu.vector_store_idx %arg6[%sub3A_734], %get3A_466 masked %and3A_726 : memref<8320xi32, #tpu.memory_space<vmem>>[vector<16xi32>], vector<16xi32>, vector<16xi1>
          %all_reduce_population_count3A_735 = tpu.all_reduce %and3A_726 {dim = 0 : i64, kind = #tpu.reduction_kind<sum>} : vector<16xi1> -> vector<16xi32>
          %add3A_736 = arith.addi %add3A_702, %all_reduce_population_count3A_735 : vector<16xi32>
          scf.yield %add3A_736 : vector<16xi32>
        }
        %reduce_max3A_373 = arith.constant true
        %reduce_max3A_374 = vector.broadcast %reduce_max3A_373 : i1 to vector<16xi1>
        %reduce_max3A_375 = arith.constant -2147483648 : i32
        %reduce_max3A_376 = vector.broadcast %reduce_max3A_375 : i32 to vector<16xi32>
        %reduce_max3A_377 = arith.xori %while3A_372, %reduce_max3A_376 : vector<16xi32>
        %reduce_max3A_378 = tpu.scan <max>, %reduce_max3A_377 masked %reduce_max3A_374 : vector<16xi32>, vector<16xi1> -> vector<16xi32>
        %reduce_max3A_379 = arith.xori %reduce_max3A_378, %reduce_max3A_376 : vector<16xi32>
        %reduce_max3A_380 = vector.extract %reduce_max3A_379[15] : i32 from vector<16xi32>
        %shift_left3A = arith.constant 1 : i32
        %shift_left3A_381 = arith.shli %shift_left3A, %while3A_283 : i32
        %or3A_382 = arith.ori %while3A_287, %shift_left3A_381 : i32
        %select_n3A_383 = arith.select %ge3A_331, %or3A_382, %while3A_287 : i32
        %sub3A_384 = arith.subi %while3A_285, %reduce_sum3A_326 : i32
        %select_n3A_385 = arith.select %ge3A_331, %while3A_285, %sub3A_384 : i32
        %add3A_386 = arith.addf %while3A_288, %reduce_sum3A_330 : f32
        %select_n3A_387 = arith.select %ge3A_331, %while3A_288, %add3A_386 : f32
        %sub3A_388 = arith.subf %while3A_289, %reduce_sum3A_330 : f32
        %select_n3A_389 = arith.select %ge3A_331, %reduce_sum3A_330, %sub3A_388 : f32
        %sub3A_390 = arith.constant 1 : i32
        %sub3A_391 = arith.subi %while3A_283, %sub3A_390 : i32
        %while3A_392 = arith.constant 0 : i32
        scf.yield %sub3A_391, %while3A_392, %select_n3A_385, %reduce_max3A_380, %select_n3A_383, %select_n3A_387, %select_n3A_389 : i32, i32, i32, i32, i32, f32, f32
      }
      %get3A = arith.index_cast %while3A_84#1 : i32 to index
      %get3A_85 = tpu.vector_load %arg6[%get3A] {strides = array<i32>} : memref<8320xi32, #tpu.memory_space<vmem>>, vector<16xi32>,
      %bitcast3A = vector.bitcast %get3A_85 : vector<16xi32> to vector<16xf32>
      %broadcast_in_dim3A_86 = vector.broadcast %while3A_84#2 : i32 to vector<16xi32>
      %broadcast_in_dim3A_87 = vector.broadcast %while3A_84#4 : i32 to vector<16xi32>
      %lt3A = arith.cmpi slt, %while3A_84#2, %while3A_84#3 : i32
      %lt3A_88 = vector.broadcast %while3A_84#3 : i32 to vector<16xi32>
      %lt3A_89 = arith.cmpi slt, %iota3A_83, %lt3A_88 : vector<16xi32>
      %add3A_90 = arith.constant 1 : i32
      %add3A_91 = arith.addi %while3A_84#0, %add3A_90 : i32
      %jit3A_92 = arith.constant 0 : i32
      %select_n3A_93 = arith.select %lt3A, %add3A_91, %jit3A_92 : i32
      %while3A_94 = arith.constant 0 : i32
      %while3A_95 = arith.subi %select_n3A_93, %while3A_94 : i32
      %while3A_96 = arith.addi %while3A_94, %while3A_95 : i32
      %while3A_97 = arith.constant 1 : i32
      %while3A_98 = arith.divsi %while3A_95, %while3A_97 : i32
      %while3A_99 = arith.muli %while3A_98, %while3A_97 : i32
      %while3A_100 = arith.addi %while3A_94, %while3A_99 : i32
      %while3A_101 = arith.constant 1 : i32
      %while3A_102:3 = scf.for %while3A_283 = %while3A_94 to %while3A_100 step %while3A_101 iter_args(%while3A_284 = %broadcast_in_dim3A_86, %while3A_285 = %broadcast_in_dim3A_87, %while3A_286 = %lt3A_89) -> (vector<16xi32>, vector<16xi32>, vector<16xi1>)  : i32 {
        %sub3A_287 = arith.subi %while3A_84#0, %while3A_283 : i32
        %shift_right_arithmetic3A = vector.broadcast %sub3A_287 : i32 to vector<16xi32>
        %shift_right_arithmetic3A_288 = arith.shrsi %get3A_85, %shift_right_arithmetic3A : vector<16xi32>
        %and3A_289 = arith.constant 1 : i32
        %and3A_290 = vector.broadcast %and3A_289 : i32 to vector<16xi32>
        %and3A_291 = arith.andi %shift_right_arithmetic3A_288, %and3A_290 : vector<16xi32>
        %eq3A_292 = arith.constant 1 : i32
        %eq3A_293 = vector.broadcast %eq3A_292 : i32 to vector<16xi32>
        %eq3A_294 = arith.cmpi eq, %and3A_291, %eq3A_293 : vector<16xi32>
        %and3A_295 = arith.andi %while3A_286, %eq3A_294 : vector<16xi1>
        %all_reduce_population_count3A_296 = tpu.all_reduce %and3A_295 {dim = 0 : i64, kind = #tpu.reduction_kind<sum>} : vector<16xi1> -> vector<16xi32>
        %ge3A_297 = arith.cmpi sge, %all_reduce_population_count3A_296, %while3A_284 : vector<16xi32>
        %shift_left3A = arith.constant 1 : i32
        %shift_left3A_298 = arith.shli %shift_left3A, %sub3A_287 : i32
        %or3A_299 = vector.broadcast %shift_left3A_298 : i32 to vector<16xi32>
        %or3A_300 = arith.ori %while3A_285, %or3A_299 : vector<16xi32>
        %select_n3A_301 = arith.select %ge3A_297, %or3A_300, %while3A_285 : vector<16xi1>, vector<16xi32>
        %sub3A_302 = arith.subi %while3A_284, %all_reduce_population_count3A_296 : vector<16xi32>
        %select_n3A_303 = arith.select %ge3A_297, %while3A_284, %sub3A_302 : vector<16xi1>, vector<16xi32>
        %eq3A_304 = arith.xori %and3A_295, %ge3A_297 : vector<16xi1>
        %eq3A_305 = arith.constant dense<true> : vector<16xi1>
        %eq3A_306 = arith.xori %eq3A_304, %eq3A_305 : vector<16xi1>
        %and3A_307 = arith.andi %while3A_286, %eq3A_306 : vector<16xi1>
        scf.yield %select_n3A_303, %select_n3A_301, %and3A_307 : vector<16xi32>, vector<16xi32>, vector<16xi1>
      }
      %while3A_103 = arith.constant 1 : i32
      %while3A_104:3 = scf.for %while3A_283 = %while3A_100 to %while3A_96 step %while3A_103 iter_args(%while3A_284 = %while3A_102#0, %while3A_285 = %while3A_102#1, %while3A_286 = %while3A_102#2) -> (vector<16xi32>, vector<16xi32>, vector<16xi1>)  : i32 {
        %sub3A_287 = arith.subi %while3A_84#0, %while3A_283 : i32
        %shift_right_arithmetic3A = vector.broadcast %sub3A_287 : i32 to vector<16xi32>
        %shift_right_arithmetic3A_288 = arith.shrsi %get3A_85, %shift_right_arithmetic3A : vector<16xi32>
        %and3A_289 = arith.constant 1 : i32
        %and3A_290 = vector.broadcast %and3A_289 : i32 to vector<16xi32>
        %and3A_291 = arith.andi %shift_right_arithmetic3A_288, %and3A_290 : vector<16xi32>
        %eq3A_292 = arith.constant 1 : i32
        %eq3A_293 = vector.broadcast %eq3A_292 : i32 to vector<16xi32>
        %eq3A_294 = arith.cmpi eq, %and3A_291, %eq3A_293 : vector<16xi32>
        %and3A_295 = arith.andi %while3A_286, %eq3A_294 : vector<16xi1>
        %all_reduce_population_count3A_296 = tpu.all_reduce %and3A_295 {dim = 0 : i64, kind = #tpu.reduction_kind<sum>} : vector<16xi1> -> vector<16xi32>
        %ge3A_297 = arith.cmpi sge, %all_reduce_population_count3A_296, %while3A_284 : vector<16xi32>
        %shift_left3A = arith.constant 1 : i32
        %shift_left3A_298 = arith.shli %shift_left3A, %sub3A_287 : i32
        %or3A_299 = vector.broadcast %shift_left3A_298 : i32 to vector<16xi32>
        %or3A_300 = arith.ori %while3A_285, %or3A_299 : vector<16xi32>
        %select_n3A_301 = arith.select %ge3A_297, %or3A_300, %while3A_285 : vector<16xi1>, vector<16xi32>
        %sub3A_302 = arith.subi %while3A_284, %all_reduce_population_count3A_296 : vector<16xi32>
        %select_n3A_303 = arith.select %ge3A_297, %while3A_284, %sub3A_302 : vector<16xi1>, vector<16xi32>
        %eq3A_304 = arith.xori %and3A_295, %ge3A_297 : vector<16xi1>
        %eq3A_305 = arith.constant dense<true> : vector<16xi1>
        %eq3A_306 = arith.xori %eq3A_304, %eq3A_305 : vector<16xi1>
        %and3A_307 = arith.andi %while3A_286, %eq3A_306 : vector<16xi1>
        scf.yield %select_n3A_303, %select_n3A_301, %and3A_307 : vector<16xi32>, vector<16xi32>, vector<16xi1>
      }
      %gt3A = arith.cmpi sgt, %get3A_85, %while3A_104#1 : vector<16xi32>
      %and3A = arith.andi %lt3A_89, %gt3A : vector<16xi1>
      %jit3A_105 = arith.constant 0.000000e+00 : f32
      %broadcast_in_dim3A_106 = vector.broadcast %jit3A_105 : f32 to vector<16xf32>
      %select_n3A_107 = arith.select %and3A, %bitcast3A, %broadcast_in_dim3A_106 : vector<16xi1>, vector<16xf32>
      %reduce_sum3A_108 = arith.constant true
      %reduce_sum3A_109 = vector.broadcast %reduce_sum3A_108 : i1 to vector<16xi1>
      %reduce_sum3A_110 = tpu.scan <sum>, %select_n3A_107 masked %reduce_sum3A_109 : vector<16xf32>, vector<16xi1> -> vector<16xf32>
      %reduce_sum3A_111 = vector.extract %reduce_sum3A_110[15] : f32 from vector<16xf32>
      %eq3A = arith.constant 0 : i32
      %eq3A_112 = vector.broadcast %eq3A : i32 to vector<16xi32>
      %eq3A_113 = arith.cmpi eq, %iota3A_83, %eq3A_112 : vector<16xi32>
      %bitcast3A_114 = vector.bitcast %while3A_104#1 : vector<16xi32> to vector<16xf32>
      %jit3A_115 = arith.constant 0.000000e+00 : f32
      %broadcast_in_dim3A_116 = vector.broadcast %jit3A_115 : f32 to vector<16xf32>
      %select_n3A_117 = arith.select %eq3A_113, %bitcast3A_114, %broadcast_in_dim3A_116 : vector<16xi1>, vector<16xf32>
      %reduce_sum3A_118 = arith.constant true
      %reduce_sum3A_119 = vector.broadcast %reduce_sum3A_118 : i1 to vector<16xi1>
      %reduce_sum3A_120 = tpu.scan <sum>, %select_n3A_117 masked %reduce_sum3A_119 : vector<16xf32>, vector<16xi1> -> vector<16xf32>
      %reduce_sum3A_121 = vector.extract %reduce_sum3A_120[15] : f32 from vector<16xf32>
      %reduce_max3A_122 = arith.constant true
      %reduce_max3A_123 = vector.broadcast %reduce_max3A_122 : i1 to vector<16xi1>
      %reduce_max3A_124 = arith.constant -2147483648 : i32
      %reduce_max3A_125 = vector.broadcast %reduce_max3A_124 : i32 to vector<16xi32>
      %reduce_max3A_126 = arith.xori %while3A_104#0, %reduce_max3A_125 : vector<16xi32>
      %reduce_max3A_127 = tpu.scan <max>, %reduce_max3A_126 masked %reduce_max3A_123 : vector<16xi32>, vector<16xi1> -> vector<16xi32>
      %reduce_max3A_128 = arith.xori %reduce_max3A_127, %reduce_max3A_125 : vector<16xi32>
      %reduce_max3A_129 = vector.extract %reduce_max3A_128[15] : i32 from vector<16xi32>
      %reduce_max3A_130 = arith.constant true
      %reduce_max3A_131 = vector.broadcast %reduce_max3A_130 : i1 to vector<16xi1>
      %reduce_max3A_132 = arith.constant -2147483648 : i32
      %reduce_max3A_133 = vector.broadcast %reduce_max3A_132 : i32 to vector<16xi32>
      %reduce_max3A_134 = arith.xori %while3A_104#1, %reduce_max3A_133 : vector<16xi32>
      %reduce_max3A_135 = tpu.scan <max>, %reduce_max3A_134 masked %reduce_max3A_131 : vector<16xi32>, vector<16xi1> -> vector<16xi32>
      %reduce_max3A_136 = arith.xori %reduce_max3A_135, %reduce_max3A_133 : vector<16xi32>
      %reduce_max3A_137 = vector.extract %reduce_max3A_136[15] : i32 from vector<16xi32>
      %add3A_138 = arith.addf %while3A_84#5, %reduce_sum3A_111 : f32
      %convert_element_type3A = arith.sitofp %reduce_max3A_129 : i32 to f32
      %mul3A_139 = arith.mulf %convert_element_type3A, %reduce_sum3A_121 : f32
      %add3A_140 = arith.addf %add3A_138, %mul3A_139 : f32
      %add3A_141 = arith.addf %while3A_84#5, %while3A_84#6 : f32
      %select_n3A_142 = arith.select %lt3A, %add3A_140, %add3A_141 : f32
      %eq3A_143 = arith.cmpi eq, %get3A_85, %while3A_104#1 : vector<16xi32>
      %and3A_144 = arith.andi %lt3A_89, %eq3A_143 : vector<16xi1>
      %all_reduce_population_count3A = tpu.all_reduce %and3A_144 {dim = 0 : i64, kind = #tpu.reduction_kind<sum>} : vector<16xi1> -> vector<16xi32>
      %reduce_max3A_145 = arith.constant true
      %reduce_max3A_146 = vector.broadcast %reduce_max3A_145 : i1 to vector<16xi1>
      %reduce_max3A_147 = arith.constant -2147483648 : i32
      %reduce_max3A_148 = vector.broadcast %reduce_max3A_147 : i32 to vector<16xi32>
      %reduce_max3A_149 = arith.xori %all_reduce_population_count3A, %reduce_max3A_148 : vector<16xi32>
      %reduce_max3A_150 = tpu.scan <max>, %reduce_max3A_149 masked %reduce_max3A_146 : vector<16xi32>, vector<16xi1> -> vector<16xi32>
      %reduce_max3A_151 = arith.xori %reduce_max3A_150, %reduce_max3A_148 : vector<16xi32>
      %reduce_max3A_152 = vector.extract %reduce_max3A_151[15] : i32 from vector<16xi32>
      %not3A = arith.constant true
      %not3A_153 = arith.xori %lt3A, %not3A : i1
      %ge3A_154 = arith.constant 0 : i32
      %ge3A_155 = arith.cmpi sge, %while3A_84#0, %ge3A_154 : i32
      %eq3A_156 = arith.cmpi eq, %reduce_max3A_152, %reduce_max3A_129 : i32
      %and3A_157 = arith.andi %ge3A_155, %eq3A_156 : i1
      %or3A = arith.ori %not3A_153, %and3A_157 : i1
      %select_n3A_158 = arith.select %lt3A, %reduce_max3A_137, %while3A_84#4 : i32
      %select_n3A_159 = arith.select %lt3A, %reduce_max3A_129, %while3A_84#2 : i32
      %iota3A_160 = tpu.iota {dimensions = array<i32: 0>} : vector<16xi32>
      %while3A_161 = arith.constant 29 : i32
      %while3A_162:7 = scf.while (%while3A_283 = %while3A_161, %while3A_284 = %select_n3A_68, %while3A_285 = %select_n3A_75, %while3A_286 = %select_n3A_71, %while3A_287 = %select_n3A_78, %while3A_288 = %select_n3A_80, %while3A_289 = %select_n3A_82) : (i32, i32, i32, i32, i32, f32, f32) -> (i32, i32, i32, i32, i32, f32, f32) {
        %ge3A_290 = arith.constant 0 : i32
        %ge3A_291 = arith.cmpi sge, %while3A_283, %ge3A_290 : i32
        %lt3A_292 = arith.cmpi slt, %while3A_285, %while3A_286 : i32
        %and3A_293 = arith.andi %ge3A_291, %lt3A_292 : i1
        %gt3A_294 = arith.constant 16 : i32
        %gt3A_295 = arith.cmpi sgt, %while3A_286, %gt3A_294 : i32
        %and3A_296 = arith.andi %and3A_293, %gt3A_295 : i1
        scf.condition(%and3A_296) %while3A_283, %while3A_284, %while3A_285, %while3A_286, %while3A_287, %while3A_288, %while3A_289 : i32, i32, i32, i32, i32, f32, f32
      } do {
      ^bb0(%while3A_283: i32, %while3A_284: i32, %while3A_285: i32, %while3A_286: i32, %while3A_287: i32, %while3A_288: f32, %while3A_289: f32):
        %add3A_290 = arith.constant 128 : i32
        %add3A_291 = arith.addi %while3A_286, %add3A_290 : i32
        %sub3A_292 = arith.constant 1 : i32
        %sub3A_293 = arith.subi %add3A_291, %sub3A_292 : i32
        %jit3A_294 = arith.constant 128 : i32
        %div3A = arith.divsi %sub3A_293, %jit3A_294 : i32
        %sign3A = arith.constant 0 : i32
        %sign3A_295 = arith.cmpi sgt, %sub3A_293, %sign3A : i32
        %sign3A_296 = arith.extui %sign3A_295 : i1 to i32
        %sign3A_297 = arith.constant 0 : i32
        %sign3A_298 = arith.cmpi slt, %sub3A_293, %sign3A_297 : i32
        %sign3A_299 = arith.extui %sign3A_298 : i1 to i32
        %sign3A_300 = arith.subi %sign3A_296, %sign3A_299 : i32
        %sign3A_301 = arith.constant 0 : i32
        %sign3A_302 = arith.cmpi sgt, %jit3A_294, %sign3A_301 : i32
        %sign3A_303 = arith.extui %sign3A_302 : i1 to i32
        %sign3A_304 = arith.constant 0 : i32
        %sign3A_305 = arith.cmpi slt, %jit3A_294, %sign3A_304 : i32
        %sign3A_306 = arith.extui %sign3A_305 : i1 to i32
        %sign3A_307 = arith.subi %sign3A_303, %sign3A_306 : i32
        %ne3A = arith.cmpi ne, %sign3A_300, %sign3A_307 : i32
        %rem3A = arith.remsi %sub3A_293, %jit3A_294 : i32
        %ne3A_308 = arith.constant 0 : i32
        %ne3A_309 = arith.cmpi ne, %rem3A, %ne3A_308 : i32
        %and3A_310 = arith.andi %ne3A, %ne3A_309 : i1
        %sub3A_311 = arith.constant 1 : i32
        %sub3A_312 = arith.subi %div3A, %sub3A_311 : i32
        %select_n3A_313 = arith.select %and3A_310, %sub3A_312, %div3A : i32
        %mul3A_314 = arith.constant 8 : i32
        %mul3A_315 = arith.muli %select_n3A_313, %mul3A_314 : i32
        %broadcast_in_dim3A_316 = arith.constant 0 : i32
        %broadcast_in_dim3A_317 = vector.broadcast %broadcast_in_dim3A_316 : i32 to vector<16xi32>
        %broadcast_in_dim3A_318 = arith.constant 0.000000e+00 : f32
        %broadcast_in_dim3A_319 = vector.broadcast %broadcast_in_dim3A_318 : f32 to vector<16xf32>
        %parallel_loop3A_320 = arith.constant 0 : i32
        %parallel_loop3A_321 = arith.constant 1 : i32
        %parallel_loop3A_322:2 = scf.for %parallel_loop3A_393 = %parallel_loop3A_320 to %mul3A_315 step %parallel_loop3A_321 iter_args(%parallel_loop3A_394 = %broadcast_in_dim3A_317, %parallel_loop3A_395 = %broadcast_in_dim3A_319) -> (vector<16xi32>, vector<16xf32>)  : i32 {
          %parallel_loop3A_396 = arith.constant 16 : i32
          %parallel_loop3A_397 = arith.muli %parallel_loop3A_393, %parallel_loop3A_396 : i32
          %parallel_loop3A_398 = arith.addi %while3A_284, %parallel_loop3A_397 : i32
          %parallel_loop3A_399 = arith.index_cast %parallel_loop3A_398 : i32 to index
          %parallel_loop3A_400 = tpu.vector_load %arg7[%parallel_loop3A_399] {strides = array<i32>} : memref<8320xi32, #tpu.memory_space<vmem>>, vector<16xi32>,
          %parallel_loop3A_401 = arith.constant 16 : i32
          %parallel_loop3A_402 = arith.muli %parallel_loop3A_393, %parallel_loop3A_401 : i32
          %parallel_loop3A_403 = vector.broadcast %parallel_loop3A_402 : i32 to vector<16xi32>
          %parallel_loop3A_404 = arith.addi %parallel_loop3A_403, %iota3A_160 : vector<16xi32>
          %parallel_loop3A_405 = vector.broadcast %while3A_286 : i32 to vector<16xi32>
          %parallel_loop3A_406 = arith.cmpi slt, %parallel_loop3A_404, %parallel_loop3A_405 : vector<16xi32>
          %parallel_loop3A_407 = vector.broadcast %while3A_283 : i32 to vector<16xi32>
          %parallel_loop3A_408 = arith.shrsi %parallel_loop3A_400, %parallel_loop3A_407 : vector<16xi32>
          %parallel_loop3A_409 = arith.constant 1 : i32
          %parallel_loop3A_410 = vector.broadcast %parallel_loop3A_409 : i32 to vector<16xi32>
          %parallel_loop3A_411 = arith.andi %parallel_loop3A_408, %parallel_loop3A_410 : vector<16xi32>
          %parallel_loop3A_412 = arith.constant 1 : i32
          %parallel_loop3A_413 = vector.broadcast %parallel_loop3A_412 : i32 to vector<16xi32>
          %parallel_loop3A_414 = arith.cmpi eq, %parallel_loop3A_411, %parallel_loop3A_413 : vector<16xi32>
          %parallel_loop3A_415 = arith.andi %parallel_loop3A_406, %parallel_loop3A_414 : vector<16xi1>
          %parallel_loop3A_416 = arith.constant 1 : i32
          %parallel_loop3A_417 = arith.constant 0 : i32
          %parallel_loop3A_418 = vector.broadcast %parallel_loop3A_416 : i32 to vector<16xi32>
          %parallel_loop3A_419 = vector.broadcast %parallel_loop3A_417 : i32 to vector<16xi32>
          %parallel_loop3A_420 = arith.select %parallel_loop3A_415, %parallel_loop3A_418, %parallel_loop3A_419 : vector<16xi1>, vector<16xi32>
          %parallel_loop3A_421 = arith.addi %parallel_loop3A_394, %parallel_loop3A_420 : vector<16xi32>
          %parallel_loop3A_422 = vector.bitcast %parallel_loop3A_400 : vector<16xi32> to vector<16xf32>
          %parallel_loop3A_423 = arith.constant 0.000000e+00 : f32
          %parallel_loop3A_424 = vector.broadcast %parallel_loop3A_423 : f32 to vector<16xf32>
          %parallel_loop3A_425 = arith.select %parallel_loop3A_415, %parallel_loop3A_422, %parallel_loop3A_424 : vector<16xi1>, vector<16xf32>
          %parallel_loop3A_426 = arith.addf %parallel_loop3A_395, %parallel_loop3A_425 : vector<16xf32>
          scf.yield %parallel_loop3A_421, %parallel_loop3A_426 : vector<16xi32>, vector<16xf32>
        } {sc.loop_unroll_factor = 8 : i64, sc.parallel_access}
        %reduce_sum3A_323 = arith.constant true
        %reduce_sum3A_324 = vector.broadcast %reduce_sum3A_323 : i1 to vector<16xi1>
        %reduce_sum3A_325 = tpu.scan <sum>, %parallel_loop3A_322#0 masked %reduce_sum3A_324 : vector<16xi32>, vector<16xi1> -> vector<16xi32>
        %reduce_sum3A_326 = vector.extract %reduce_sum3A_325[15] : i32 from vector<16xi32>
        %reduce_sum3A_327 = arith.constant true
        %reduce_sum3A_328 = vector.broadcast %reduce_sum3A_327 : i1 to vector<16xi1>
        %reduce_sum3A_329 = tpu.scan <sum>, %parallel_loop3A_322#1 masked %reduce_sum3A_328 : vector<16xf32>, vector<16xi1> -> vector<16xf32>
        %reduce_sum3A_330 = vector.extract %reduce_sum3A_329[15] : f32 from vector<16xf32>
        %ge3A_331 = arith.cmpi sge, %reduce_sum3A_326, %while3A_285 : i32
        %add3A_332 = arith.constant 128 : i32
        %add3A_333 = arith.addi %while3A_286, %add3A_332 : i32
        %sub3A_334 = arith.constant 1 : i32
        %sub3A_335 = arith.subi %add3A_333, %sub3A_334 : i32
        %jit3A_336 = arith.constant 128 : i32
        %div3A_337 = arith.divsi %sub3A_335, %jit3A_336 : i32
        %sign3A_338 = arith.constant 0 : i32
        %sign3A_339 = arith.cmpi sgt, %sub3A_335, %sign3A_338 : i32
        %sign3A_340 = arith.extui %sign3A_339 : i1 to i32
        %sign3A_341 = arith.constant 0 : i32
        %sign3A_342 = arith.cmpi slt, %sub3A_335, %sign3A_341 : i32
        %sign3A_343 = arith.extui %sign3A_342 : i1 to i32
        %sign3A_344 = arith.subi %sign3A_340, %sign3A_343 : i32
        %sign3A_345 = arith.constant 0 : i32
        %sign3A_346 = arith.cmpi sgt, %jit3A_336, %sign3A_345 : i32
        %sign3A_347 = arith.extui %sign3A_346 : i1 to i32
        %sign3A_348 = arith.constant 0 : i32
        %sign3A_349 = arith.cmpi slt, %jit3A_336, %sign3A_348 : i32
        %sign3A_350 = arith.extui %sign3A_349 : i1 to i32
        %sign3A_351 = arith.subi %sign3A_347, %sign3A_350 : i32
        %ne3A_352 = arith.cmpi ne, %sign3A_344, %sign3A_351 : i32
        %rem3A_353 = arith.remsi %sub3A_335, %jit3A_336 : i32
        %ne3A_354 = arith.constant 0 : i32
        %ne3A_355 = arith.cmpi ne, %rem3A_353, %ne3A_354 : i32
        %and3A_356 = arith.andi %ne3A_352, %ne3A_355 : i1
        %sub3A_357 = arith.constant 1 : i32
        %sub3A_358 = arith.subi %div3A_337, %sub3A_357 : i32
        %select_n3A_359 = arith.select %and3A_356, %sub3A_358, %div3A_337 : i32
        %broadcast_in_dim3A_360 = arith.constant 0 : i32
        %broadcast_in_dim3A_361 = vector.broadcast %broadcast_in_dim3A_360 : i32 to vector<16xi32>
        %while3A_362 = arith.constant 0 : i32
        %while3A_363 = arith.subi %select_n3A_359, %while3A_362 : i32
        %while3A_364 = arith.addi %while3A_362, %while3A_363 : i32
        %while3A_365 = arith.constant 1 : i32
        %while3A_366 = arith.divsi %while3A_363, %while3A_365 : i32
        %while3A_367 = arith.muli %while3A_366, %while3A_365 : i32
        %while3A_368 = arith.addi %while3A_362, %while3A_367 : i32
        %while3A_369 = arith.constant 1 : i32
        %while3A_370 = scf.for %while3A_393 = %while3A_362 to %while3A_368 step %while3A_369 iter_args(%while3A_394 = %broadcast_in_dim3A_361) -> (vector<16xi32>)  : i32 {
          %mul3A_395 = arith.constant 8 : i32
          %mul3A_396 = arith.muli %while3A_393, %mul3A_395 : i32
          %add3A_397 = arith.constant 0 : i32
          %add3A_398 = arith.addi %mul3A_396, %add3A_397 : i32
          %mul3A_399 = arith.constant 16 : i32
          %mul3A_400 = arith.muli %add3A_398, %mul3A_399 : i32
          %add3A_401 = arith.addi %while3A_284, %mul3A_400 : i32
          %get3A_402 = arith.index_cast %add3A_401 : i32 to index
          %get3A_403 = tpu.vector_load %arg7[%get3A_402] {strides = array<i32>} : memref<8320xi32, #tpu.memory_space<vmem>>, vector<16xi32>,
          %mul3A_404 = arith.constant 8 : i32
          %mul3A_405 = arith.muli %while3A_393, %mul3A_404 : i32
          %add3A_406 = arith.constant 1 : i32
          %add3A_407 = arith.addi %mul3A_405, %add3A_406 : i32
          %mul3A_408 = arith.constant 16 : i32
          %mul3A_409 = arith.muli %add3A_407, %mul3A_408 : i32
          %add3A_410 = arith.addi %while3A_284, %mul3A_409 : i32
          %get3A_411 = arith.index_cast %add3A_410 : i32 to index
          %get3A_412 = tpu.vector_load %arg7[%get3A_411] {strides = array<i32>} : memref<8320xi32, #tpu.memory_space<vmem>>, vector<16xi32>,
          %mul3A_413 = arith.constant 8 : i32
          %mul3A_414 = arith.muli %while3A_393, %mul3A_413 : i32
          %add3A_415 = arith.constant 2 : i32
          %add3A_416 = arith.addi %mul3A_414, %add3A_415 : i32
          %mul3A_417 = arith.constant 16 : i32
          %mul3A_418 = arith.muli %add3A_416, %mul3A_417 : i32
          %add3A_419 = arith.addi %while3A_284, %mul3A_418 : i32
          %get3A_420 = arith.index_cast %add3A_419 : i32 to index
          %get3A_421 = tpu.vector_load %arg7[%get3A_420] {strides = array<i32>} : memref<8320xi32, #tpu.memory_space<vmem>>, vector<16xi32>,
          %mul3A_422 = arith.constant 8 : i32
          %mul3A_423 = arith.muli %while3A_393, %mul3A_422 : i32
          %add3A_424 = arith.constant 3 : i32
          %add3A_425 = arith.addi %mul3A_423, %add3A_424 : i32
          %mul3A_426 = arith.constant 16 : i32
          %mul3A_427 = arith.muli %add3A_425, %mul3A_426 : i32
          %add3A_428 = arith.addi %while3A_284, %mul3A_427 : i32
          %get3A_429 = arith.index_cast %add3A_428 : i32 to index
          %get3A_430 = tpu.vector_load %arg7[%get3A_429] {strides = array<i32>} : memref<8320xi32, #tpu.memory_space<vmem>>, vector<16xi32>,
          %mul3A_431 = arith.constant 8 : i32
          %mul3A_432 = arith.muli %while3A_393, %mul3A_431 : i32
          %add3A_433 = arith.constant 4 : i32
          %add3A_434 = arith.addi %mul3A_432, %add3A_433 : i32
          %mul3A_435 = arith.constant 16 : i32
          %mul3A_436 = arith.muli %add3A_434, %mul3A_435 : i32
          %add3A_437 = arith.addi %while3A_284, %mul3A_436 : i32
          %get3A_438 = arith.index_cast %add3A_437 : i32 to index
          %get3A_439 = tpu.vector_load %arg7[%get3A_438] {strides = array<i32>} : memref<8320xi32, #tpu.memory_space<vmem>>, vector<16xi32>,
          %mul3A_440 = arith.constant 8 : i32
          %mul3A_441 = arith.muli %while3A_393, %mul3A_440 : i32
          %add3A_442 = arith.constant 5 : i32
          %add3A_443 = arith.addi %mul3A_441, %add3A_442 : i32
          %mul3A_444 = arith.constant 16 : i32
          %mul3A_445 = arith.muli %add3A_443, %mul3A_444 : i32
          %add3A_446 = arith.addi %while3A_284, %mul3A_445 : i32
          %get3A_447 = arith.index_cast %add3A_446 : i32 to index
          %get3A_448 = tpu.vector_load %arg7[%get3A_447] {strides = array<i32>} : memref<8320xi32, #tpu.memory_space<vmem>>, vector<16xi32>,
          %mul3A_449 = arith.constant 8 : i32
          %mul3A_450 = arith.muli %while3A_393, %mul3A_449 : i32
          %add3A_451 = arith.constant 6 : i32
          %add3A_452 = arith.addi %mul3A_450, %add3A_451 : i32
          %mul3A_453 = arith.constant 16 : i32
          %mul3A_454 = arith.muli %add3A_452, %mul3A_453 : i32
          %add3A_455 = arith.addi %while3A_284, %mul3A_454 : i32
          %get3A_456 = arith.index_cast %add3A_455 : i32 to index
          %get3A_457 = tpu.vector_load %arg7[%get3A_456] {strides = array<i32>} : memref<8320xi32, #tpu.memory_space<vmem>>, vector<16xi32>,
          %mul3A_458 = arith.constant 8 : i32
          %mul3A_459 = arith.muli %while3A_393, %mul3A_458 : i32
          %add3A_460 = arith.constant 7 : i32
          %add3A_461 = arith.addi %mul3A_459, %add3A_460 : i32
          %mul3A_462 = arith.constant 16 : i32
          %mul3A_463 = arith.muli %add3A_461, %mul3A_462 : i32
          %add3A_464 = arith.addi %while3A_284, %mul3A_463 : i32
          %get3A_465 = arith.index_cast %add3A_464 : i32 to index
          %get3A_466 = tpu.vector_load %arg7[%get3A_465] {strides = array<i32>} : memref<8320xi32, #tpu.memory_space<vmem>>, vector<16xi32>,
          %mul3A_467 = arith.constant 8 : i32
          %mul3A_468 = arith.muli %while3A_393, %mul3A_467 : i32
          %add3A_469 = arith.constant 0 : i32
          %add3A_470 = arith.addi %mul3A_468, %add3A_469 : i32
          %mul3A_471 = arith.constant 16 : i32
          %mul3A_472 = arith.muli %add3A_470, %mul3A_471 : i32
          %add3A_473 = vector.broadcast %mul3A_472 : i32 to vector<16xi32>
          %add3A_474 = arith.addi %add3A_473, %iota3A_160 : vector<16xi32>
          %lt3A_475 = vector.broadcast %while3A_286 : i32 to vector<16xi32>
          %lt3A_476 = arith.cmpi slt, %add3A_474, %lt3A_475 : vector<16xi32>
          %shift_right_arithmetic3A = vector.broadcast %while3A_283 : i32 to vector<16xi32>
          %shift_right_arithmetic3A_477 = arith.shrsi %get3A_403, %shift_right_arithmetic3A : vector<16xi32>
          %and3A_478 = arith.constant 1 : i32
          %and3A_479 = vector.broadcast %and3A_478 : i32 to vector<16xi32>
          %and3A_480 = arith.andi %shift_right_arithmetic3A_477, %and3A_479 : vector<16xi32>
          %eq3A_481 = arith.constant 1 : i32
          %eq3A_482 = vector.broadcast %eq3A_481 : i32 to vector<16xi32>
          %eq3A_483 = arith.cmpi eq, %and3A_480, %eq3A_482 : vector<16xi32>
          %eq3A_484 = vector.broadcast %ge3A_331 : i1 to vector<16xi1>
          %eq3A_485 = vector.broadcast %eq3A_484 : vector<16xi1> to vector<16xi1>
          %eq3A_486 = arith.xori %eq3A_483, %eq3A_485 : vector<16xi1>
          %eq3A_487 = arith.constant dense<true> : vector<16xi1>
          %eq3A_488 = arith.xori %eq3A_486, %eq3A_487 : vector<16xi1>
          %and3A_489 = arith.andi %lt3A_476, %eq3A_488 : vector<16xi1>
          %convert_element_type3A_490 = arith.extui %and3A_489 : vector<16xi1> to vector<16xi32>
          %broadcast_in_dim3A_491 = arith.constant true
          %broadcast_in_dim3A_492 = vector.broadcast %broadcast_in_dim3A_491 : i1 to vector<16xi1>
          %masked_cumsum3A = tpu.scan <sum>, %convert_element_type3A_490 masked %broadcast_in_dim3A_492 : vector<16xi32>, vector<16xi1> -> vector<16xi32>
          %add3A_493 = arith.addi %while3A_394, %masked_cumsum3A : vector<16xi32>
          %sub3A_494 = arith.constant 1 : i32
          %sub3A_495 = vector.broadcast %sub3A_494 : i32 to vector<16xi32>
          %sub3A_496 = arith.subi %add3A_493, %sub3A_495 : vector<16xi32>
          tpu.vector_store_idx %arg7[%sub3A_496], %get3A_403 masked %and3A_489 : memref<8320xi32, #tpu.memory_space<vmem>>[vector<16xi32>], vector<16xi32>, vector<16xi1>
          %all_reduce_population_count3A_497 = tpu.all_reduce %and3A_489 {dim = 0 : i64, kind = #tpu.reduction_kind<sum>} : vector<16xi1> -> vector<16xi32>
          %add3A_498 = arith.addi %while3A_394, %all_reduce_population_count3A_497 : vector<16xi32>
          %mul3A_499 = arith.constant 8 : i32
          %mul3A_500 = arith.muli %while3A_393, %mul3A_499 : i32
          %add3A_501 = arith.constant 1 : i32
          %add3A_502 = arith.addi %mul3A_500, %add3A_501 : i32
          %mul3A_503 = arith.constant 16 : i32
          %mul3A_504 = arith.muli %add3A_502, %mul3A_503 : i32
          %add3A_505 = vector.broadcast %mul3A_504 : i32 to vector<16xi32>
          %add3A_506 = arith.addi %add3A_505, %iota3A_160 : vector<16xi32>
          %lt3A_507 = vector.broadcast %while3A_286 : i32 to vector<16xi32>
          %lt3A_508 = arith.cmpi slt, %add3A_506, %lt3A_507 : vector<16xi32>
          %shift_right_arithmetic3A_509 = vector.broadcast %while3A_283 : i32 to vector<16xi32>
          %shift_right_arithmetic3A_510 = arith.shrsi %get3A_412, %shift_right_arithmetic3A_509 : vector<16xi32>
          %and3A_511 = arith.constant 1 : i32
          %and3A_512 = vector.broadcast %and3A_511 : i32 to vector<16xi32>
          %and3A_513 = arith.andi %shift_right_arithmetic3A_510, %and3A_512 : vector<16xi32>
          %eq3A_514 = arith.constant 1 : i32
          %eq3A_515 = vector.broadcast %eq3A_514 : i32 to vector<16xi32>
          %eq3A_516 = arith.cmpi eq, %and3A_513, %eq3A_515 : vector<16xi32>
          %eq3A_517 = vector.broadcast %ge3A_331 : i1 to vector<16xi1>
          %eq3A_518 = vector.broadcast %eq3A_517 : vector<16xi1> to vector<16xi1>
          %eq3A_519 = arith.xori %eq3A_516, %eq3A_518 : vector<16xi1>
          %eq3A_520 = arith.constant dense<true> : vector<16xi1>
          %eq3A_521 = arith.xori %eq3A_519, %eq3A_520 : vector<16xi1>
          %and3A_522 = arith.andi %lt3A_508, %eq3A_521 : vector<16xi1>
          %convert_element_type3A_523 = arith.extui %and3A_522 : vector<16xi1> to vector<16xi32>
          %broadcast_in_dim3A_524 = arith.constant true
          %broadcast_in_dim3A_525 = vector.broadcast %broadcast_in_dim3A_524 : i1 to vector<16xi1>
          %masked_cumsum3A_526 = tpu.scan <sum>, %convert_element_type3A_523 masked %broadcast_in_dim3A_525 : vector<16xi32>, vector<16xi1> -> vector<16xi32>
          %add3A_527 = arith.addi %add3A_498, %masked_cumsum3A_526 : vector<16xi32>
          %sub3A_528 = arith.constant 1 : i32
          %sub3A_529 = vector.broadcast %sub3A_528 : i32 to vector<16xi32>
          %sub3A_530 = arith.subi %add3A_527, %sub3A_529 : vector<16xi32>
          tpu.vector_store_idx %arg7[%sub3A_530], %get3A_412 masked %and3A_522 : memref<8320xi32, #tpu.memory_space<vmem>>[vector<16xi32>], vector<16xi32>, vector<16xi1>
          %all_reduce_population_count3A_531 = tpu.all_reduce %and3A_522 {dim = 0 : i64, kind = #tpu.reduction_kind<sum>} : vector<16xi1> -> vector<16xi32>
          %add3A_532 = arith.addi %add3A_498, %all_reduce_population_count3A_531 : vector<16xi32>
          %mul3A_533 = arith.constant 8 : i32
          %mul3A_534 = arith.muli %while3A_393, %mul3A_533 : i32
          %add3A_535 = arith.constant 2 : i32
          %add3A_536 = arith.addi %mul3A_534, %add3A_535 : i32
          %mul3A_537 = arith.constant 16 : i32
          %mul3A_538 = arith.muli %add3A_536, %mul3A_537 : i32
          %add3A_539 = vector.broadcast %mul3A_538 : i32 to vector<16xi32>
          %add3A_540 = arith.addi %add3A_539, %iota3A_160 : vector<16xi32>
          %lt3A_541 = vector.broadcast %while3A_286 : i32 to vector<16xi32>
          %lt3A_542 = arith.cmpi slt, %add3A_540, %lt3A_541 : vector<16xi32>
          %shift_right_arithmetic3A_543 = vector.broadcast %while3A_283 : i32 to vector<16xi32>
          %shift_right_arithmetic3A_544 = arith.shrsi %get3A_421, %shift_right_arithmetic3A_543 : vector<16xi32>
          %and3A_545 = arith.constant 1 : i32
          %and3A_546 = vector.broadcast %and3A_545 : i32 to vector<16xi32>
          %and3A_547 = arith.andi %shift_right_arithmetic3A_544, %and3A_546 : vector<16xi32>
          %eq3A_548 = arith.constant 1 : i32
          %eq3A_549 = vector.broadcast %eq3A_548 : i32 to vector<16xi32>
          %eq3A_550 = arith.cmpi eq, %and3A_547, %eq3A_549 : vector<16xi32>
          %eq3A_551 = vector.broadcast %ge3A_331 : i1 to vector<16xi1>
          %eq3A_552 = vector.broadcast %eq3A_551 : vector<16xi1> to vector<16xi1>
          %eq3A_553 = arith.xori %eq3A_550, %eq3A_552 : vector<16xi1>
          %eq3A_554 = arith.constant dense<true> : vector<16xi1>
          %eq3A_555 = arith.xori %eq3A_553, %eq3A_554 : vector<16xi1>
          %and3A_556 = arith.andi %lt3A_542, %eq3A_555 : vector<16xi1>
          %convert_element_type3A_557 = arith.extui %and3A_556 : vector<16xi1> to vector<16xi32>
          %broadcast_in_dim3A_558 = arith.constant true
          %broadcast_in_dim3A_559 = vector.broadcast %broadcast_in_dim3A_558 : i1 to vector<16xi1>
          %masked_cumsum3A_560 = tpu.scan <sum>, %convert_element_type3A_557 masked %broadcast_in_dim3A_559 : vector<16xi32>, vector<16xi1> -> vector<16xi32>
          %add3A_561 = arith.addi %add3A_532, %masked_cumsum3A_560 : vector<16xi32>
          %sub3A_562 = arith.constant 1 : i32
          %sub3A_563 = vector.broadcast %sub3A_562 : i32 to vector<16xi32>
          %sub3A_564 = arith.subi %add3A_561, %sub3A_563 : vector<16xi32>
          tpu.vector_store_idx %arg7[%sub3A_564], %get3A_421 masked %and3A_556 : memref<8320xi32, #tpu.memory_space<vmem>>[vector<16xi32>], vector<16xi32>, vector<16xi1>
          %all_reduce_population_count3A_565 = tpu.all_reduce %and3A_556 {dim = 0 : i64, kind = #tpu.reduction_kind<sum>} : vector<16xi1> -> vector<16xi32>
          %add3A_566 = arith.addi %add3A_532, %all_reduce_population_count3A_565 : vector<16xi32>
          %mul3A_567 = arith.constant 8 : i32
          %mul3A_568 = arith.muli %while3A_393, %mul3A_567 : i32
          %add3A_569 = arith.constant 3 : i32
          %add3A_570 = arith.addi %mul3A_568, %add3A_569 : i32
          %mul3A_571 = arith.constant 16 : i32
          %mul3A_572 = arith.muli %add3A_570, %mul3A_571 : i32
          %add3A_573 = vector.broadcast %mul3A_572 : i32 to vector<16xi32>
          %add3A_574 = arith.addi %add3A_573, %iota3A_160 : vector<16xi32>
          %lt3A_575 = vector.broadcast %while3A_286 : i32 to vector<16xi32>
          %lt3A_576 = arith.cmpi slt, %add3A_574, %lt3A_575 : vector<16xi32>
          %shift_right_arithmetic3A_577 = vector.broadcast %while3A_283 : i32 to vector<16xi32>
          %shift_right_arithmetic3A_578 = arith.shrsi %get3A_430, %shift_right_arithmetic3A_577 : vector<16xi32>
          %and3A_579 = arith.constant 1 : i32
          %and3A_580 = vector.broadcast %and3A_579 : i32 to vector<16xi32>
          %and3A_581 = arith.andi %shift_right_arithmetic3A_578, %and3A_580 : vector<16xi32>
          %eq3A_582 = arith.constant 1 : i32
          %eq3A_583 = vector.broadcast %eq3A_582 : i32 to vector<16xi32>
          %eq3A_584 = arith.cmpi eq, %and3A_581, %eq3A_583 : vector<16xi32>
          %eq3A_585 = vector.broadcast %ge3A_331 : i1 to vector<16xi1>
          %eq3A_586 = vector.broadcast %eq3A_585 : vector<16xi1> to vector<16xi1>
          %eq3A_587 = arith.xori %eq3A_584, %eq3A_586 : vector<16xi1>
          %eq3A_588 = arith.constant dense<true> : vector<16xi1>
          %eq3A_589 = arith.xori %eq3A_587, %eq3A_588 : vector<16xi1>
          %and3A_590 = arith.andi %lt3A_576, %eq3A_589 : vector<16xi1>
          %convert_element_type3A_591 = arith.extui %and3A_590 : vector<16xi1> to vector<16xi32>
          %broadcast_in_dim3A_592 = arith.constant true
          %broadcast_in_dim3A_593 = vector.broadcast %broadcast_in_dim3A_592 : i1 to vector<16xi1>
          %masked_cumsum3A_594 = tpu.scan <sum>, %convert_element_type3A_591 masked %broadcast_in_dim3A_593 : vector<16xi32>, vector<16xi1> -> vector<16xi32>
          %add3A_595 = arith.addi %add3A_566, %masked_cumsum3A_594 : vector<16xi32>
          %sub3A_596 = arith.constant 1 : i32
          %sub3A_597 = vector.broadcast %sub3A_596 : i32 to vector<16xi32>
          %sub3A_598 = arith.subi %add3A_595, %sub3A_597 : vector<16xi32>
          tpu.vector_store_idx %arg7[%sub3A_598], %get3A_430 masked %and3A_590 : memref<8320xi32, #tpu.memory_space<vmem>>[vector<16xi32>], vector<16xi32>, vector<16xi1>
          %all_reduce_population_count3A_599 = tpu.all_reduce %and3A_590 {dim = 0 : i64, kind = #tpu.reduction_kind<sum>} : vector<16xi1> -> vector<16xi32>
          %add3A_600 = arith.addi %add3A_566, %all_reduce_population_count3A_599 : vector<16xi32>
          %mul3A_601 = arith.constant 8 : i32
          %mul3A_602 = arith.muli %while3A_393, %mul3A_601 : i32
          %add3A_603 = arith.constant 4 : i32
          %add3A_604 = arith.addi %mul3A_602, %add3A_603 : i32
          %mul3A_605 = arith.constant 16 : i32
          %mul3A_606 = arith.muli %add3A_604, %mul3A_605 : i32
          %add3A_607 = vector.broadcast %mul3A_606 : i32 to vector<16xi32>
          %add3A_608 = arith.addi %add3A_607, %iota3A_160 : vector<16xi32>
          %lt3A_609 = vector.broadcast %while3A_286 : i32 to vector<16xi32>
          %lt3A_610 = arith.cmpi slt, %add3A_608, %lt3A_609 : vector<16xi32>
          %shift_right_arithmetic3A_611 = vector.broadcast %while3A_283 : i32 to vector<16xi32>
          %shift_right_arithmetic3A_612 = arith.shrsi %get3A_439, %shift_right_arithmetic3A_611 : vector<16xi32>
          %and3A_613 = arith.constant 1 : i32
          %and3A_614 = vector.broadcast %and3A_613 : i32 to vector<16xi32>
          %and3A_615 = arith.andi %shift_right_arithmetic3A_612, %and3A_614 : vector<16xi32>
          %eq3A_616 = arith.constant 1 : i32
          %eq3A_617 = vector.broadcast %eq3A_616 : i32 to vector<16xi32>
          %eq3A_618 = arith.cmpi eq, %and3A_615, %eq3A_617 : vector<16xi32>
          %eq3A_619 = vector.broadcast %ge3A_331 : i1 to vector<16xi1>
          %eq3A_620 = vector.broadcast %eq3A_619 : vector<16xi1> to vector<16xi1>
          %eq3A_621 = arith.xori %eq3A_618, %eq3A_620 : vector<16xi1>
          %eq3A_622 = arith.constant dense<true> : vector<16xi1>
          %eq3A_623 = arith.xori %eq3A_621, %eq3A_622 : vector<16xi1>
          %and3A_624 = arith.andi %lt3A_610, %eq3A_623 : vector<16xi1>
          %convert_element_type3A_625 = arith.extui %and3A_624 : vector<16xi1> to vector<16xi32>
          %broadcast_in_dim3A_626 = arith.constant true
          %broadcast_in_dim3A_627 = vector.broadcast %broadcast_in_dim3A_626 : i1 to vector<16xi1>
          %masked_cumsum3A_628 = tpu.scan <sum>, %convert_element_type3A_625 masked %broadcast_in_dim3A_627 : vector<16xi32>, vector<16xi1> -> vector<16xi32>
          %add3A_629 = arith.addi %add3A_600, %masked_cumsum3A_628 : vector<16xi32>
          %sub3A_630 = arith.constant 1 : i32
          %sub3A_631 = vector.broadcast %sub3A_630 : i32 to vector<16xi32>
          %sub3A_632 = arith.subi %add3A_629, %sub3A_631 : vector<16xi32>
          tpu.vector_store_idx %arg7[%sub3A_632], %get3A_439 masked %and3A_624 : memref<8320xi32, #tpu.memory_space<vmem>>[vector<16xi32>], vector<16xi32>, vector<16xi1>
          %all_reduce_population_count3A_633 = tpu.all_reduce %and3A_624 {dim = 0 : i64, kind = #tpu.reduction_kind<sum>} : vector<16xi1> -> vector<16xi32>
          %add3A_634 = arith.addi %add3A_600, %all_reduce_population_count3A_633 : vector<16xi32>
          %mul3A_635 = arith.constant 8 : i32
          %mul3A_636 = arith.muli %while3A_393, %mul3A_635 : i32
          %add3A_637 = arith.constant 5 : i32
          %add3A_638 = arith.addi %mul3A_636, %add3A_637 : i32
          %mul3A_639 = arith.constant 16 : i32
          %mul3A_640 = arith.muli %add3A_638, %mul3A_639 : i32
          %add3A_641 = vector.broadcast %mul3A_640 : i32 to vector<16xi32>
          %add3A_642 = arith.addi %add3A_641, %iota3A_160 : vector<16xi32>
          %lt3A_643 = vector.broadcast %while3A_286 : i32 to vector<16xi32>
          %lt3A_644 = arith.cmpi slt, %add3A_642, %lt3A_643 : vector<16xi32>
          %shift_right_arithmetic3A_645 = vector.broadcast %while3A_283 : i32 to vector<16xi32>
          %shift_right_arithmetic3A_646 = arith.shrsi %get3A_448, %shift_right_arithmetic3A_645 : vector<16xi32>
          %and3A_647 = arith.constant 1 : i32
          %and3A_648 = vector.broadcast %and3A_647 : i32 to vector<16xi32>
          %and3A_649 = arith.andi %shift_right_arithmetic3A_646, %and3A_648 : vector<16xi32>
          %eq3A_650 = arith.constant 1 : i32
          %eq3A_651 = vector.broadcast %eq3A_650 : i32 to vector<16xi32>
          %eq3A_652 = arith.cmpi eq, %and3A_649, %eq3A_651 : vector<16xi32>
          %eq3A_653 = vector.broadcast %ge3A_331 : i1 to vector<16xi1>
          %eq3A_654 = vector.broadcast %eq3A_653 : vector<16xi1> to vector<16xi1>
          %eq3A_655 = arith.xori %eq3A_652, %eq3A_654 : vector<16xi1>
          %eq3A_656 = arith.constant dense<true> : vector<16xi1>
          %eq3A_657 = arith.xori %eq3A_655, %eq3A_656 : vector<16xi1>
          %and3A_658 = arith.andi %lt3A_644, %eq3A_657 : vector<16xi1>
          %convert_element_type3A_659 = arith.extui %and3A_658 : vector<16xi1> to vector<16xi32>
          %broadcast_in_dim3A_660 = arith.constant true
          %broadcast_in_dim3A_661 = vector.broadcast %broadcast_in_dim3A_660 : i1 to vector<16xi1>
          %masked_cumsum3A_662 = tpu.scan <sum>, %convert_element_type3A_659 masked %broadcast_in_dim3A_661 : vector<16xi32>, vector<16xi1> -> vector<16xi32>
          %add3A_663 = arith.addi %add3A_634, %masked_cumsum3A_662 : vector<16xi32>
          %sub3A_664 = arith.constant 1 : i32
          %sub3A_665 = vector.broadcast %sub3A_664 : i32 to vector<16xi32>
          %sub3A_666 = arith.subi %add3A_663, %sub3A_665 : vector<16xi32>
          tpu.vector_store_idx %arg7[%sub3A_666], %get3A_448 masked %and3A_658 : memref<8320xi32, #tpu.memory_space<vmem>>[vector<16xi32>], vector<16xi32>, vector<16xi1>
          %all_reduce_population_count3A_667 = tpu.all_reduce %and3A_658 {dim = 0 : i64, kind = #tpu.reduction_kind<sum>} : vector<16xi1> -> vector<16xi32>
          %add3A_668 = arith.addi %add3A_634, %all_reduce_population_count3A_667 : vector<16xi32>
          %mul3A_669 = arith.constant 8 : i32
          %mul3A_670 = arith.muli %while3A_393, %mul3A_669 : i32
          %add3A_671 = arith.constant 6 : i32
          %add3A_672 = arith.addi %mul3A_670, %add3A_671 : i32
          %mul3A_673 = arith.constant 16 : i32
          %mul3A_674 = arith.muli %add3A_672, %mul3A_673 : i32
          %add3A_675 = vector.broadcast %mul3A_674 : i32 to vector<16xi32>
          %add3A_676 = arith.addi %add3A_675, %iota3A_160 : vector<16xi32>
          %lt3A_677 = vector.broadcast %while3A_286 : i32 to vector<16xi32>
          %lt3A_678 = arith.cmpi slt, %add3A_676, %lt3A_677 : vector<16xi32>
          %shift_right_arithmetic3A_679 = vector.broadcast %while3A_283 : i32 to vector<16xi32>
          %shift_right_arithmetic3A_680 = arith.shrsi %get3A_457, %shift_right_arithmetic3A_679 : vector<16xi32>
          %and3A_681 = arith.constant 1 : i32
          %and3A_682 = vector.broadcast %and3A_681 : i32 to vector<16xi32>
          %and3A_683 = arith.andi %shift_right_arithmetic3A_680, %and3A_682 : vector<16xi32>
          %eq3A_684 = arith.constant 1 : i32
          %eq3A_685 = vector.broadcast %eq3A_684 : i32 to vector<16xi32>
          %eq3A_686 = arith.cmpi eq, %and3A_683, %eq3A_685 : vector<16xi32>
          %eq3A_687 = vector.broadcast %ge3A_331 : i1 to vector<16xi1>
          %eq3A_688 = vector.broadcast %eq3A_687 : vector<16xi1> to vector<16xi1>
          %eq3A_689 = arith.xori %eq3A_686, %eq3A_688 : vector<16xi1>
          %eq3A_690 = arith.constant dense<true> : vector<16xi1>
          %eq3A_691 = arith.xori %eq3A_689, %eq3A_690 : vector<16xi1>
          %and3A_692 = arith.andi %lt3A_678, %eq3A_691 : vector<16xi1>
          %convert_element_type3A_693 = arith.extui %and3A_692 : vector<16xi1> to vector<16xi32>
          %broadcast_in_dim3A_694 = arith.constant true
          %broadcast_in_dim3A_695 = vector.broadcast %broadcast_in_dim3A_694 : i1 to vector<16xi1>
          %masked_cumsum3A_696 = tpu.scan <sum>, %convert_element_type3A_693 masked %broadcast_in_dim3A_695 : vector<16xi32>, vector<16xi1> -> vector<16xi32>
          %add3A_697 = arith.addi %add3A_668, %masked_cumsum3A_696 : vector<16xi32>
          %sub3A_698 = arith.constant 1 : i32
          %sub3A_699 = vector.broadcast %sub3A_698 : i32 to vector<16xi32>
          %sub3A_700 = arith.subi %add3A_697, %sub3A_699 : vector<16xi32>
          tpu.vector_store_idx %arg7[%sub3A_700], %get3A_457 masked %and3A_692 : memref<8320xi32, #tpu.memory_space<vmem>>[vector<16xi32>], vector<16xi32>, vector<16xi1>
          %all_reduce_population_count3A_701 = tpu.all_reduce %and3A_692 {dim = 0 : i64, kind = #tpu.reduction_kind<sum>} : vector<16xi1> -> vector<16xi32>
          %add3A_702 = arith.addi %add3A_668, %all_reduce_population_count3A_701 : vector<16xi32>
          %mul3A_703 = arith.constant 8 : i32
          %mul3A_704 = arith.muli %while3A_393, %mul3A_703 : i32
          %add3A_705 = arith.constant 7 : i32
          %add3A_706 = arith.addi %mul3A_704, %add3A_705 : i32
          %mul3A_707 = arith.constant 16 : i32
          %mul3A_708 = arith.muli %add3A_706, %mul3A_707 : i32
          %add3A_709 = vector.broadcast %mul3A_708 : i32 to vector<16xi32>
          %add3A_710 = arith.addi %add3A_709, %iota3A_160 : vector<16xi32>
          %lt3A_711 = vector.broadcast %while3A_286 : i32 to vector<16xi32>
          %lt3A_712 = arith.cmpi slt, %add3A_710, %lt3A_711 : vector<16xi32>
          %shift_right_arithmetic3A_713 = vector.broadcast %while3A_283 : i32 to vector<16xi32>
          %shift_right_arithmetic3A_714 = arith.shrsi %get3A_466, %shift_right_arithmetic3A_713 : vector<16xi32>
          %and3A_715 = arith.constant 1 : i32
          %and3A_716 = vector.broadcast %and3A_715 : i32 to vector<16xi32>
          %and3A_717 = arith.andi %shift_right_arithmetic3A_714, %and3A_716 : vector<16xi32>
          %eq3A_718 = arith.constant 1 : i32
          %eq3A_719 = vector.broadcast %eq3A_718 : i32 to vector<16xi32>
          %eq3A_720 = arith.cmpi eq, %and3A_717, %eq3A_719 : vector<16xi32>
          %eq3A_721 = vector.broadcast %ge3A_331 : i1 to vector<16xi1>
          %eq3A_722 = vector.broadcast %eq3A_721 : vector<16xi1> to vector<16xi1>
          %eq3A_723 = arith.xori %eq3A_720, %eq3A_722 : vector<16xi1>
          %eq3A_724 = arith.constant dense<true> : vector<16xi1>
          %eq3A_725 = arith.xori %eq3A_723, %eq3A_724 : vector<16xi1>
          %and3A_726 = arith.andi %lt3A_712, %eq3A_725 : vector<16xi1>
          %convert_element_type3A_727 = arith.extui %and3A_726 : vector<16xi1> to vector<16xi32>
          %broadcast_in_dim3A_728 = arith.constant true
          %broadcast_in_dim3A_729 = vector.broadcast %broadcast_in_dim3A_728 : i1 to vector<16xi1>
          %masked_cumsum3A_730 = tpu.scan <sum>, %convert_element_type3A_727 masked %broadcast_in_dim3A_729 : vector<16xi32>, vector<16xi1> -> vector<16xi32>
          %add3A_731 = arith.addi %add3A_702, %masked_cumsum3A_730 : vector<16xi32>
          %sub3A_732 = arith.constant 1 : i32
          %sub3A_733 = vector.broadcast %sub3A_732 : i32 to vector<16xi32>
          %sub3A_734 = arith.subi %add3A_731, %sub3A_733 : vector<16xi32>
          tpu.vector_store_idx %arg7[%sub3A_734], %get3A_466 masked %and3A_726 : memref<8320xi32, #tpu.memory_space<vmem>>[vector<16xi32>], vector<16xi32>, vector<16xi1>
          %all_reduce_population_count3A_735 = tpu.all_reduce %and3A_726 {dim = 0 : i64, kind = #tpu.reduction_kind<sum>} : vector<16xi1> -> vector<16xi32>
          %add3A_736 = arith.addi %add3A_702, %all_reduce_population_count3A_735 : vector<16xi32>
          scf.yield %add3A_736 : vector<16xi32>
        }
        %while3A_371 = arith.constant 1 : i32
        %while3A_372 = scf.for %while3A_393 = %while3A_368 to %while3A_364 step %while3A_371 iter_args(%while3A_394 = %while3A_370) -> (vector<16xi32>)  : i32 {
          %mul3A_395 = arith.constant 8 : i32
          %mul3A_396 = arith.muli %while3A_393, %mul3A_395 : i32
          %add3A_397 = arith.constant 0 : i32
          %add3A_398 = arith.addi %mul3A_396, %add3A_397 : i32
          %mul3A_399 = arith.constant 16 : i32
          %mul3A_400 = arith.muli %add3A_398, %mul3A_399 : i32
          %add3A_401 = arith.addi %while3A_284, %mul3A_400 : i32
          %get3A_402 = arith.index_cast %add3A_401 : i32 to index
          %get3A_403 = tpu.vector_load %arg7[%get3A_402] {strides = array<i32>} : memref<8320xi32, #tpu.memory_space<vmem>>, vector<16xi32>,
          %mul3A_404 = arith.constant 8 : i32
          %mul3A_405 = arith.muli %while3A_393, %mul3A_404 : i32
          %add3A_406 = arith.constant 1 : i32
          %add3A_407 = arith.addi %mul3A_405, %add3A_406 : i32
          %mul3A_408 = arith.constant 16 : i32
          %mul3A_409 = arith.muli %add3A_407, %mul3A_408 : i32
          %add3A_410 = arith.addi %while3A_284, %mul3A_409 : i32
          %get3A_411 = arith.index_cast %add3A_410 : i32 to index
          %get3A_412 = tpu.vector_load %arg7[%get3A_411] {strides = array<i32>} : memref<8320xi32, #tpu.memory_space<vmem>>, vector<16xi32>,
          %mul3A_413 = arith.constant 8 : i32
          %mul3A_414 = arith.muli %while3A_393, %mul3A_413 : i32
          %add3A_415 = arith.constant 2 : i32
          %add3A_416 = arith.addi %mul3A_414, %add3A_415 : i32
          %mul3A_417 = arith.constant 16 : i32
          %mul3A_418 = arith.muli %add3A_416, %mul3A_417 : i32
          %add3A_419 = arith.addi %while3A_284, %mul3A_418 : i32
          %get3A_420 = arith.index_cast %add3A_419 : i32 to index
          %get3A_421 = tpu.vector_load %arg7[%get3A_420] {strides = array<i32>} : memref<8320xi32, #tpu.memory_space<vmem>>, vector<16xi32>,
          %mul3A_422 = arith.constant 8 : i32
          %mul3A_423 = arith.muli %while3A_393, %mul3A_422 : i32
          %add3A_424 = arith.constant 3 : i32
          %add3A_425 = arith.addi %mul3A_423, %add3A_424 : i32
          %mul3A_426 = arith.constant 16 : i32
          %mul3A_427 = arith.muli %add3A_425, %mul3A_426 : i32
          %add3A_428 = arith.addi %while3A_284, %mul3A_427 : i32
          %get3A_429 = arith.index_cast %add3A_428 : i32 to index
          %get3A_430 = tpu.vector_load %arg7[%get3A_429] {strides = array<i32>} : memref<8320xi32, #tpu.memory_space<vmem>>, vector<16xi32>,
          %mul3A_431 = arith.constant 8 : i32
          %mul3A_432 = arith.muli %while3A_393, %mul3A_431 : i32
          %add3A_433 = arith.constant 4 : i32
          %add3A_434 = arith.addi %mul3A_432, %add3A_433 : i32
          %mul3A_435 = arith.constant 16 : i32
          %mul3A_436 = arith.muli %add3A_434, %mul3A_435 : i32
          %add3A_437 = arith.addi %while3A_284, %mul3A_436 : i32
          %get3A_438 = arith.index_cast %add3A_437 : i32 to index
          %get3A_439 = tpu.vector_load %arg7[%get3A_438] {strides = array<i32>} : memref<8320xi32, #tpu.memory_space<vmem>>, vector<16xi32>,
          %mul3A_440 = arith.constant 8 : i32
          %mul3A_441 = arith.muli %while3A_393, %mul3A_440 : i32
          %add3A_442 = arith.constant 5 : i32
          %add3A_443 = arith.addi %mul3A_441, %add3A_442 : i32
          %mul3A_444 = arith.constant 16 : i32
          %mul3A_445 = arith.muli %add3A_443, %mul3A_444 : i32
          %add3A_446 = arith.addi %while3A_284, %mul3A_445 : i32
          %get3A_447 = arith.index_cast %add3A_446 : i32 to index
          %get3A_448 = tpu.vector_load %arg7[%get3A_447] {strides = array<i32>} : memref<8320xi32, #tpu.memory_space<vmem>>, vector<16xi32>,
          %mul3A_449 = arith.constant 8 : i32
          %mul3A_450 = arith.muli %while3A_393, %mul3A_449 : i32
          %add3A_451 = arith.constant 6 : i32
          %add3A_452 = arith.addi %mul3A_450, %add3A_451 : i32
          %mul3A_453 = arith.constant 16 : i32
          %mul3A_454 = arith.muli %add3A_452, %mul3A_453 : i32
          %add3A_455 = arith.addi %while3A_284, %mul3A_454 : i32
          %get3A_456 = arith.index_cast %add3A_455 : i32 to index
          %get3A_457 = tpu.vector_load %arg7[%get3A_456] {strides = array<i32>} : memref<8320xi32, #tpu.memory_space<vmem>>, vector<16xi32>,
          %mul3A_458 = arith.constant 8 : i32
          %mul3A_459 = arith.muli %while3A_393, %mul3A_458 : i32
          %add3A_460 = arith.constant 7 : i32
          %add3A_461 = arith.addi %mul3A_459, %add3A_460 : i32
          %mul3A_462 = arith.constant 16 : i32
          %mul3A_463 = arith.muli %add3A_461, %mul3A_462 : i32
          %add3A_464 = arith.addi %while3A_284, %mul3A_463 : i32
          %get3A_465 = arith.index_cast %add3A_464 : i32 to index
          %get3A_466 = tpu.vector_load %arg7[%get3A_465] {strides = array<i32>} : memref<8320xi32, #tpu.memory_space<vmem>>, vector<16xi32>,
          %mul3A_467 = arith.constant 8 : i32
          %mul3A_468 = arith.muli %while3A_393, %mul3A_467 : i32
          %add3A_469 = arith.constant 0 : i32
          %add3A_470 = arith.addi %mul3A_468, %add3A_469 : i32
          %mul3A_471 = arith.constant 16 : i32
          %mul3A_472 = arith.muli %add3A_470, %mul3A_471 : i32
          %add3A_473 = vector.broadcast %mul3A_472 : i32 to vector<16xi32>
          %add3A_474 = arith.addi %add3A_473, %iota3A_160 : vector<16xi32>
          %lt3A_475 = vector.broadcast %while3A_286 : i32 to vector<16xi32>
          %lt3A_476 = arith.cmpi slt, %add3A_474, %lt3A_475 : vector<16xi32>
          %shift_right_arithmetic3A = vector.broadcast %while3A_283 : i32 to vector<16xi32>
          %shift_right_arithmetic3A_477 = arith.shrsi %get3A_403, %shift_right_arithmetic3A : vector<16xi32>
          %and3A_478 = arith.constant 1 : i32
          %and3A_479 = vector.broadcast %and3A_478 : i32 to vector<16xi32>
          %and3A_480 = arith.andi %shift_right_arithmetic3A_477, %and3A_479 : vector<16xi32>
          %eq3A_481 = arith.constant 1 : i32
          %eq3A_482 = vector.broadcast %eq3A_481 : i32 to vector<16xi32>
          %eq3A_483 = arith.cmpi eq, %and3A_480, %eq3A_482 : vector<16xi32>
          %eq3A_484 = vector.broadcast %ge3A_331 : i1 to vector<16xi1>
          %eq3A_485 = vector.broadcast %eq3A_484 : vector<16xi1> to vector<16xi1>
          %eq3A_486 = arith.xori %eq3A_483, %eq3A_485 : vector<16xi1>
          %eq3A_487 = arith.constant dense<true> : vector<16xi1>
          %eq3A_488 = arith.xori %eq3A_486, %eq3A_487 : vector<16xi1>
          %and3A_489 = arith.andi %lt3A_476, %eq3A_488 : vector<16xi1>
          %convert_element_type3A_490 = arith.extui %and3A_489 : vector<16xi1> to vector<16xi32>
          %broadcast_in_dim3A_491 = arith.constant true
          %broadcast_in_dim3A_492 = vector.broadcast %broadcast_in_dim3A_491 : i1 to vector<16xi1>
          %masked_cumsum3A = tpu.scan <sum>, %convert_element_type3A_490 masked %broadcast_in_dim3A_492 : vector<16xi32>, vector<16xi1> -> vector<16xi32>
          %add3A_493 = arith.addi %while3A_394, %masked_cumsum3A : vector<16xi32>
          %sub3A_494 = arith.constant 1 : i32
          %sub3A_495 = vector.broadcast %sub3A_494 : i32 to vector<16xi32>
          %sub3A_496 = arith.subi %add3A_493, %sub3A_495 : vector<16xi32>
          tpu.vector_store_idx %arg7[%sub3A_496], %get3A_403 masked %and3A_489 : memref<8320xi32, #tpu.memory_space<vmem>>[vector<16xi32>], vector<16xi32>, vector<16xi1>
          %all_reduce_population_count3A_497 = tpu.all_reduce %and3A_489 {dim = 0 : i64, kind = #tpu.reduction_kind<sum>} : vector<16xi1> -> vector<16xi32>
          %add3A_498 = arith.addi %while3A_394, %all_reduce_population_count3A_497 : vector<16xi32>
          %mul3A_499 = arith.constant 8 : i32
          %mul3A_500 = arith.muli %while3A_393, %mul3A_499 : i32
          %add3A_501 = arith.constant 1 : i32
          %add3A_502 = arith.addi %mul3A_500, %add3A_501 : i32
          %mul3A_503 = arith.constant 16 : i32
          %mul3A_504 = arith.muli %add3A_502, %mul3A_503 : i32
          %add3A_505 = vector.broadcast %mul3A_504 : i32 to vector<16xi32>
          %add3A_506 = arith.addi %add3A_505, %iota3A_160 : vector<16xi32>
          %lt3A_507 = vector.broadcast %while3A_286 : i32 to vector<16xi32>
          %lt3A_508 = arith.cmpi slt, %add3A_506, %lt3A_507 : vector<16xi32>
          %shift_right_arithmetic3A_509 = vector.broadcast %while3A_283 : i32 to vector<16xi32>
          %shift_right_arithmetic3A_510 = arith.shrsi %get3A_412, %shift_right_arithmetic3A_509 : vector<16xi32>
          %and3A_511 = arith.constant 1 : i32
          %and3A_512 = vector.broadcast %and3A_511 : i32 to vector<16xi32>
          %and3A_513 = arith.andi %shift_right_arithmetic3A_510, %and3A_512 : vector<16xi32>
          %eq3A_514 = arith.constant 1 : i32
          %eq3A_515 = vector.broadcast %eq3A_514 : i32 to vector<16xi32>
          %eq3A_516 = arith.cmpi eq, %and3A_513, %eq3A_515 : vector<16xi32>
          %eq3A_517 = vector.broadcast %ge3A_331 : i1 to vector<16xi1>
          %eq3A_518 = vector.broadcast %eq3A_517 : vector<16xi1> to vector<16xi1>
          %eq3A_519 = arith.xori %eq3A_516, %eq3A_518 : vector<16xi1>
          %eq3A_520 = arith.constant dense<true> : vector<16xi1>
          %eq3A_521 = arith.xori %eq3A_519, %eq3A_520 : vector<16xi1>
          %and3A_522 = arith.andi %lt3A_508, %eq3A_521 : vector<16xi1>
          %convert_element_type3A_523 = arith.extui %and3A_522 : vector<16xi1> to vector<16xi32>
          %broadcast_in_dim3A_524 = arith.constant true
          %broadcast_in_dim3A_525 = vector.broadcast %broadcast_in_dim3A_524 : i1 to vector<16xi1>
          %masked_cumsum3A_526 = tpu.scan <sum>, %convert_element_type3A_523 masked %broadcast_in_dim3A_525 : vector<16xi32>, vector<16xi1> -> vector<16xi32>
          %add3A_527 = arith.addi %add3A_498, %masked_cumsum3A_526 : vector<16xi32>
          %sub3A_528 = arith.constant 1 : i32
          %sub3A_529 = vector.broadcast %sub3A_528 : i32 to vector<16xi32>
          %sub3A_530 = arith.subi %add3A_527, %sub3A_529 : vector<16xi32>
          tpu.vector_store_idx %arg7[%sub3A_530], %get3A_412 masked %and3A_522 : memref<8320xi32, #tpu.memory_space<vmem>>[vector<16xi32>], vector<16xi32>, vector<16xi1>
          %all_reduce_population_count3A_531 = tpu.all_reduce %and3A_522 {dim = 0 : i64, kind = #tpu.reduction_kind<sum>} : vector<16xi1> -> vector<16xi32>
          %add3A_532 = arith.addi %add3A_498, %all_reduce_population_count3A_531 : vector<16xi32>
          %mul3A_533 = arith.constant 8 : i32
          %mul3A_534 = arith.muli %while3A_393, %mul3A_533 : i32
          %add3A_535 = arith.constant 2 : i32
          %add3A_536 = arith.addi %mul3A_534, %add3A_535 : i32
          %mul3A_537 = arith.constant 16 : i32
          %mul3A_538 = arith.muli %add3A_536, %mul3A_537 : i32
          %add3A_539 = vector.broadcast %mul3A_538 : i32 to vector<16xi32>
          %add3A_540 = arith.addi %add3A_539, %iota3A_160 : vector<16xi32>
          %lt3A_541 = vector.broadcast %while3A_286 : i32 to vector<16xi32>
          %lt3A_542 = arith.cmpi slt, %add3A_540, %lt3A_541 : vector<16xi32>
          %shift_right_arithmetic3A_543 = vector.broadcast %while3A_283 : i32 to vector<16xi32>
          %shift_right_arithmetic3A_544 = arith.shrsi %get3A_421, %shift_right_arithmetic3A_543 : vector<16xi32>
          %and3A_545 = arith.constant 1 : i32
          %and3A_546 = vector.broadcast %and3A_545 : i32 to vector<16xi32>
          %and3A_547 = arith.andi %shift_right_arithmetic3A_544, %and3A_546 : vector<16xi32>
          %eq3A_548 = arith.constant 1 : i32
          %eq3A_549 = vector.broadcast %eq3A_548 : i32 to vector<16xi32>
          %eq3A_550 = arith.cmpi eq, %and3A_547, %eq3A_549 : vector<16xi32>
          %eq3A_551 = vector.broadcast %ge3A_331 : i1 to vector<16xi1>
          %eq3A_552 = vector.broadcast %eq3A_551 : vector<16xi1> to vector<16xi1>
          %eq3A_553 = arith.xori %eq3A_550, %eq3A_552 : vector<16xi1>
          %eq3A_554 = arith.constant dense<true> : vector<16xi1>
          %eq3A_555 = arith.xori %eq3A_553, %eq3A_554 : vector<16xi1>
          %and3A_556 = arith.andi %lt3A_542, %eq3A_555 : vector<16xi1>
          %convert_element_type3A_557 = arith.extui %and3A_556 : vector<16xi1> to vector<16xi32>
          %broadcast_in_dim3A_558 = arith.constant true
          %broadcast_in_dim3A_559 = vector.broadcast %broadcast_in_dim3A_558 : i1 to vector<16xi1>
          %masked_cumsum3A_560 = tpu.scan <sum>, %convert_element_type3A_557 masked %broadcast_in_dim3A_559 : vector<16xi32>, vector<16xi1> -> vector<16xi32>
          %add3A_561 = arith.addi %add3A_532, %masked_cumsum3A_560 : vector<16xi32>
          %sub3A_562 = arith.constant 1 : i32
          %sub3A_563 = vector.broadcast %sub3A_562 : i32 to vector<16xi32>
          %sub3A_564 = arith.subi %add3A_561, %sub3A_563 : vector<16xi32>
          tpu.vector_store_idx %arg7[%sub3A_564], %get3A_421 masked %and3A_556 : memref<8320xi32, #tpu.memory_space<vmem>>[vector<16xi32>], vector<16xi32>, vector<16xi1>
          %all_reduce_population_count3A_565 = tpu.all_reduce %and3A_556 {dim = 0 : i64, kind = #tpu.reduction_kind<sum>} : vector<16xi1> -> vector<16xi32>
          %add3A_566 = arith.addi %add3A_532, %all_reduce_population_count3A_565 : vector<16xi32>
          %mul3A_567 = arith.constant 8 : i32
          %mul3A_568 = arith.muli %while3A_393, %mul3A_567 : i32
          %add3A_569 = arith.constant 3 : i32
          %add3A_570 = arith.addi %mul3A_568, %add3A_569 : i32
          %mul3A_571 = arith.constant 16 : i32
          %mul3A_572 = arith.muli %add3A_570, %mul3A_571 : i32
          %add3A_573 = vector.broadcast %mul3A_572 : i32 to vector<16xi32>
          %add3A_574 = arith.addi %add3A_573, %iota3A_160 : vector<16xi32>
          %lt3A_575 = vector.broadcast %while3A_286 : i32 to vector<16xi32>
          %lt3A_576 = arith.cmpi slt, %add3A_574, %lt3A_575 : vector<16xi32>
          %shift_right_arithmetic3A_577 = vector.broadcast %while3A_283 : i32 to vector<16xi32>
          %shift_right_arithmetic3A_578 = arith.shrsi %get3A_430, %shift_right_arithmetic3A_577 : vector<16xi32>
          %and3A_579 = arith.constant 1 : i32
          %and3A_580 = vector.broadcast %and3A_579 : i32 to vector<16xi32>
          %and3A_581 = arith.andi %shift_right_arithmetic3A_578, %and3A_580 : vector<16xi32>
          %eq3A_582 = arith.constant 1 : i32
          %eq3A_583 = vector.broadcast %eq3A_582 : i32 to vector<16xi32>
          %eq3A_584 = arith.cmpi eq, %and3A_581, %eq3A_583 : vector<16xi32>
          %eq3A_585 = vector.broadcast %ge3A_331 : i1 to vector<16xi1>
          %eq3A_586 = vector.broadcast %eq3A_585 : vector<16xi1> to vector<16xi1>
          %eq3A_587 = arith.xori %eq3A_584, %eq3A_586 : vector<16xi1>
          %eq3A_588 = arith.constant dense<true> : vector<16xi1>
          %eq3A_589 = arith.xori %eq3A_587, %eq3A_588 : vector<16xi1>
          %and3A_590 = arith.andi %lt3A_576, %eq3A_589 : vector<16xi1>
          %convert_element_type3A_591 = arith.extui %and3A_590 : vector<16xi1> to vector<16xi32>
          %broadcast_in_dim3A_592 = arith.constant true
          %broadcast_in_dim3A_593 = vector.broadcast %broadcast_in_dim3A_592 : i1 to vector<16xi1>
          %masked_cumsum3A_594 = tpu.scan <sum>, %convert_element_type3A_591 masked %broadcast_in_dim3A_593 : vector<16xi32>, vector<16xi1> -> vector<16xi32>
          %add3A_595 = arith.addi %add3A_566, %masked_cumsum3A_594 : vector<16xi32>
          %sub3A_596 = arith.constant 1 : i32
          %sub3A_597 = vector.broadcast %sub3A_596 : i32 to vector<16xi32>
          %sub3A_598 = arith.subi %add3A_595, %sub3A_597 : vector<16xi32>
          tpu.vector_store_idx %arg7[%sub3A_598], %get3A_430 masked %and3A_590 : memref<8320xi32, #tpu.memory_space<vmem>>[vector<16xi32>], vector<16xi32>, vector<16xi1>
          %all_reduce_population_count3A_599 = tpu.all_reduce %and3A_590 {dim = 0 : i64, kind = #tpu.reduction_kind<sum>} : vector<16xi1> -> vector<16xi32>
          %add3A_600 = arith.addi %add3A_566, %all_reduce_population_count3A_599 : vector<16xi32>
          %mul3A_601 = arith.constant 8 : i32
          %mul3A_602 = arith.muli %while3A_393, %mul3A_601 : i32
          %add3A_603 = arith.constant 4 : i32
          %add3A_604 = arith.addi %mul3A_602, %add3A_603 : i32
          %mul3A_605 = arith.constant 16 : i32
          %mul3A_606 = arith.muli %add3A_604, %mul3A_605 : i32
          %add3A_607 = vector.broadcast %mul3A_606 : i32 to vector<16xi32>
          %add3A_608 = arith.addi %add3A_607, %iota3A_160 : vector<16xi32>
          %lt3A_609 = vector.broadcast %while3A_286 : i32 to vector<16xi32>
          %lt3A_610 = arith.cmpi slt, %add3A_608, %lt3A_609 : vector<16xi32>
          %shift_right_arithmetic3A_611 = vector.broadcast %while3A_283 : i32 to vector<16xi32>
          %shift_right_arithmetic3A_612 = arith.shrsi %get3A_439, %shift_right_arithmetic3A_611 : vector<16xi32>
          %and3A_613 = arith.constant 1 : i32
          %and3A_614 = vector.broadcast %and3A_613 : i32 to vector<16xi32>
          %and3A_615 = arith.andi %shift_right_arithmetic3A_612, %and3A_614 : vector<16xi32>
          %eq3A_616 = arith.constant 1 : i32
          %eq3A_617 = vector.broadcast %eq3A_616 : i32 to vector<16xi32>
          %eq3A_618 = arith.cmpi eq, %and3A_615, %eq3A_617 : vector<16xi32>
          %eq3A_619 = vector.broadcast %ge3A_331 : i1 to vector<16xi1>
          %eq3A_620 = vector.broadcast %eq3A_619 : vector<16xi1> to vector<16xi1>
          %eq3A_621 = arith.xori %eq3A_618, %eq3A_620 : vector<16xi1>
          %eq3A_622 = arith.constant dense<true> : vector<16xi1>
          %eq3A_623 = arith.xori %eq3A_621, %eq3A_622 : vector<16xi1>
          %and3A_624 = arith.andi %lt3A_610, %eq3A_623 : vector<16xi1>
          %convert_element_type3A_625 = arith.extui %and3A_624 : vector<16xi1> to vector<16xi32>
          %broadcast_in_dim3A_626 = arith.constant true
          %broadcast_in_dim3A_627 = vector.broadcast %broadcast_in_dim3A_626 : i1 to vector<16xi1>
          %masked_cumsum3A_628 = tpu.scan <sum>, %convert_element_type3A_625 masked %broadcast_in_dim3A_627 : vector<16xi32>, vector<16xi1> -> vector<16xi32>
          %add3A_629 = arith.addi %add3A_600, %masked_cumsum3A_628 : vector<16xi32>
          %sub3A_630 = arith.constant 1 : i32
          %sub3A_631 = vector.broadcast %sub3A_630 : i32 to vector<16xi32>
          %sub3A_632 = arith.subi %add3A_629, %sub3A_631 : vector<16xi32>
          tpu.vector_store_idx %arg7[%sub3A_632], %get3A_439 masked %and3A_624 : memref<8320xi32, #tpu.memory_space<vmem>>[vector<16xi32>], vector<16xi32>, vector<16xi1>
          %all_reduce_population_count3A_633 = tpu.all_reduce %and3A_624 {dim = 0 : i64, kind = #tpu.reduction_kind<sum>} : vector<16xi1> -> vector<16xi32>
          %add3A_634 = arith.addi %add3A_600, %all_reduce_population_count3A_633 : vector<16xi32>
          %mul3A_635 = arith.constant 8 : i32
          %mul3A_636 = arith.muli %while3A_393, %mul3A_635 : i32
          %add3A_637 = arith.constant 5 : i32
          %add3A_638 = arith.addi %mul3A_636, %add3A_637 : i32
          %mul3A_639 = arith.constant 16 : i32
          %mul3A_640 = arith.muli %add3A_638, %mul3A_639 : i32
          %add3A_641 = vector.broadcast %mul3A_640 : i32 to vector<16xi32>
          %add3A_642 = arith.addi %add3A_641, %iota3A_160 : vector<16xi32>
          %lt3A_643 = vector.broadcast %while3A_286 : i32 to vector<16xi32>
          %lt3A_644 = arith.cmpi slt, %add3A_642, %lt3A_643 : vector<16xi32>
          %shift_right_arithmetic3A_645 = vector.broadcast %while3A_283 : i32 to vector<16xi32>
          %shift_right_arithmetic3A_646 = arith.shrsi %get3A_448, %shift_right_arithmetic3A_645 : vector<16xi32>
          %and3A_647 = arith.constant 1 : i32
          %and3A_648 = vector.broadcast %and3A_647 : i32 to vector<16xi32>
          %and3A_649 = arith.andi %shift_right_arithmetic3A_646, %and3A_648 : vector<16xi32>
          %eq3A_650 = arith.constant 1 : i32
          %eq3A_651 = vector.broadcast %eq3A_650 : i32 to vector<16xi32>
          %eq3A_652 = arith.cmpi eq, %and3A_649, %eq3A_651 : vector<16xi32>
          %eq3A_653 = vector.broadcast %ge3A_331 : i1 to vector<16xi1>
          %eq3A_654 = vector.broadcast %eq3A_653 : vector<16xi1> to vector<16xi1>
          %eq3A_655 = arith.xori %eq3A_652, %eq3A_654 : vector<16xi1>
          %eq3A_656 = arith.constant dense<true> : vector<16xi1>
          %eq3A_657 = arith.xori %eq3A_655, %eq3A_656 : vector<16xi1>
          %and3A_658 = arith.andi %lt3A_644, %eq3A_657 : vector<16xi1>
          %convert_element_type3A_659 = arith.extui %and3A_658 : vector<16xi1> to vector<16xi32>
          %broadcast_in_dim3A_660 = arith.constant true
          %broadcast_in_dim3A_661 = vector.broadcast %broadcast_in_dim3A_660 : i1 to vector<16xi1>
          %masked_cumsum3A_662 = tpu.scan <sum>, %convert_element_type3A_659 masked %broadcast_in_dim3A_661 : vector<16xi32>, vector<16xi1> -> vector<16xi32>
          %add3A_663 = arith.addi %add3A_634, %masked_cumsum3A_662 : vector<16xi32>
          %sub3A_664 = arith.constant 1 : i32
          %sub3A_665 = vector.broadcast %sub3A_664 : i32 to vector<16xi32>
          %sub3A_666 = arith.subi %add3A_663, %sub3A_665 : vector<16xi32>
          tpu.vector_store_idx %arg7[%sub3A_666], %get3A_448 masked %and3A_658 : memref<8320xi32, #tpu.memory_space<vmem>>[vector<16xi32>], vector<16xi32>, vector<16xi1>
          %all_reduce_population_count3A_667 = tpu.all_reduce %and3A_658 {dim = 0 : i64, kind = #tpu.reduction_kind<sum>} : vector<16xi1> -> vector<16xi32>
          %add3A_668 = arith.addi %add3A_634, %all_reduce_population_count3A_667 : vector<16xi32>
          %mul3A_669 = arith.constant 8 : i32
          %mul3A_670 = arith.muli %while3A_393, %mul3A_669 : i32
          %add3A_671 = arith.constant 6 : i32
          %add3A_672 = arith.addi %mul3A_670, %add3A_671 : i32
          %mul3A_673 = arith.constant 16 : i32
          %mul3A_674 = arith.muli %add3A_672, %mul3A_673 : i32
          %add3A_675 = vector.broadcast %mul3A_674 : i32 to vector<16xi32>
          %add3A_676 = arith.addi %add3A_675, %iota3A_160 : vector<16xi32>
          %lt3A_677 = vector.broadcast %while3A_286 : i32 to vector<16xi32>
          %lt3A_678 = arith.cmpi slt, %add3A_676, %lt3A_677 : vector<16xi32>
          %shift_right_arithmetic3A_679 = vector.broadcast %while3A_283 : i32 to vector<16xi32>
          %shift_right_arithmetic3A_680 = arith.shrsi %get3A_457, %shift_right_arithmetic3A_679 : vector<16xi32>
          %and3A_681 = arith.constant 1 : i32
          %and3A_682 = vector.broadcast %and3A_681 : i32 to vector<16xi32>
          %and3A_683 = arith.andi %shift_right_arithmetic3A_680, %and3A_682 : vector<16xi32>
          %eq3A_684 = arith.constant 1 : i32
          %eq3A_685 = vector.broadcast %eq3A_684 : i32 to vector<16xi32>
          %eq3A_686 = arith.cmpi eq, %and3A_683, %eq3A_685 : vector<16xi32>
          %eq3A_687 = vector.broadcast %ge3A_331 : i1 to vector<16xi1>
          %eq3A_688 = vector.broadcast %eq3A_687 : vector<16xi1> to vector<16xi1>
          %eq3A_689 = arith.xori %eq3A_686, %eq3A_688 : vector<16xi1>
          %eq3A_690 = arith.constant dense<true> : vector<16xi1>
          %eq3A_691 = arith.xori %eq3A_689, %eq3A_690 : vector<16xi1>
          %and3A_692 = arith.andi %lt3A_678, %eq3A_691 : vector<16xi1>
          %convert_element_type3A_693 = arith.extui %and3A_692 : vector<16xi1> to vector<16xi32>
          %broadcast_in_dim3A_694 = arith.constant true
          %broadcast_in_dim3A_695 = vector.broadcast %broadcast_in_dim3A_694 : i1 to vector<16xi1>
          %masked_cumsum3A_696 = tpu.scan <sum>, %convert_element_type3A_693 masked %broadcast_in_dim3A_695 : vector<16xi32>, vector<16xi1> -> vector<16xi32>
          %add3A_697 = arith.addi %add3A_668, %masked_cumsum3A_696 : vector<16xi32>
          %sub3A_698 = arith.constant 1 : i32
          %sub3A_699 = vector.broadcast %sub3A_698 : i32 to vector<16xi32>
          %sub3A_700 = arith.subi %add3A_697, %sub3A_699 : vector<16xi32>
          tpu.vector_store_idx %arg7[%sub3A_700], %get3A_457 masked %and3A_692 : memref<8320xi32, #tpu.memory_space<vmem>>[vector<16xi32>], vector<16xi32>, vector<16xi1>
          %all_reduce_population_count3A_701 = tpu.all_reduce %and3A_692 {dim = 0 : i64, kind = #tpu.reduction_kind<sum>} : vector<16xi1> -> vector<16xi32>
          %add3A_702 = arith.addi %add3A_668, %all_reduce_population_count3A_701 : vector<16xi32>
          %mul3A_703 = arith.constant 8 : i32
          %mul3A_704 = arith.muli %while3A_393, %mul3A_703 : i32
          %add3A_705 = arith.constant 7 : i32
          %add3A_706 = arith.addi %mul3A_704, %add3A_705 : i32
          %mul3A_707 = arith.constant 16 : i32
          %mul3A_708 = arith.muli %add3A_706, %mul3A_707 : i32
          %add3A_709 = vector.broadcast %mul3A_708 : i32 to vector<16xi32>
          %add3A_710 = arith.addi %add3A_709, %iota3A_160 : vector<16xi32>
          %lt3A_711 = vector.broadcast %while3A_286 : i32 to vector<16xi32>
          %lt3A_712 = arith.cmpi slt, %add3A_710, %lt3A_711 : vector<16xi32>
          %shift_right_arithmetic3A_713 = vector.broadcast %while3A_283 : i32 to vector<16xi32>
          %shift_right_arithmetic3A_714 = arith.shrsi %get3A_466, %shift_right_arithmetic3A_713 : vector<16xi32>
          %and3A_715 = arith.constant 1 : i32
          %and3A_716 = vector.broadcast %and3A_715 : i32 to vector<16xi32>
          %and3A_717 = arith.andi %shift_right_arithmetic3A_714, %and3A_716 : vector<16xi32>
          %eq3A_718 = arith.constant 1 : i32
          %eq3A_719 = vector.broadcast %eq3A_718 : i32 to vector<16xi32>
          %eq3A_720 = arith.cmpi eq, %and3A_717, %eq3A_719 : vector<16xi32>
          %eq3A_721 = vector.broadcast %ge3A_331 : i1 to vector<16xi1>
          %eq3A_722 = vector.broadcast %eq3A_721 : vector<16xi1> to vector<16xi1>
          %eq3A_723 = arith.xori %eq3A_720, %eq3A_722 : vector<16xi1>
          %eq3A_724 = arith.constant dense<true> : vector<16xi1>
          %eq3A_725 = arith.xori %eq3A_723, %eq3A_724 : vector<16xi1>
          %and3A_726 = arith.andi %lt3A_712, %eq3A_725 : vector<16xi1>
          %convert_element_type3A_727 = arith.extui %and3A_726 : vector<16xi1> to vector<16xi32>
          %broadcast_in_dim3A_728 = arith.constant true
          %broadcast_in_dim3A_729 = vector.broadcast %broadcast_in_dim3A_728 : i1 to vector<16xi1>
          %masked_cumsum3A_730 = tpu.scan <sum>, %convert_element_type3A_727 masked %broadcast_in_dim3A_729 : vector<16xi32>, vector<16xi1> -> vector<16xi32>
          %add3A_731 = arith.addi %add3A_702, %masked_cumsum3A_730 : vector<16xi32>
          %sub3A_732 = arith.constant 1 : i32
          %sub3A_733 = vector.broadcast %sub3A_732 : i32 to vector<16xi32>
          %sub3A_734 = arith.subi %add3A_731, %sub3A_733 : vector<16xi32>
          tpu.vector_store_idx %arg7[%sub3A_734], %get3A_466 masked %and3A_726 : memref<8320xi32, #tpu.memory_space<vmem>>[vector<16xi32>], vector<16xi32>, vector<16xi1>
          %all_reduce_population_count3A_735 = tpu.all_reduce %and3A_726 {dim = 0 : i64, kind = #tpu.reduction_kind<sum>} : vector<16xi1> -> vector<16xi32>
          %add3A_736 = arith.addi %add3A_702, %all_reduce_population_count3A_735 : vector<16xi32>
          scf.yield %add3A_736 : vector<16xi32>
        }
        %reduce_max3A_373 = arith.constant true
        %reduce_max3A_374 = vector.broadcast %reduce_max3A_373 : i1 to vector<16xi1>
        %reduce_max3A_375 = arith.constant -2147483648 : i32
        %reduce_max3A_376 = vector.broadcast %reduce_max3A_375 : i32 to vector<16xi32>
        %reduce_max3A_377 = arith.xori %while3A_372, %reduce_max3A_376 : vector<16xi32>
        %reduce_max3A_378 = tpu.scan <max>, %reduce_max3A_377 masked %reduce_max3A_374 : vector<16xi32>, vector<16xi1> -> vector<16xi32>
        %reduce_max3A_379 = arith.xori %reduce_max3A_378, %reduce_max3A_376 : vector<16xi32>
        %reduce_max3A_380 = vector.extract %reduce_max3A_379[15] : i32 from vector<16xi32>
        %shift_left3A = arith.constant 1 : i32
        %shift_left3A_381 = arith.shli %shift_left3A, %while3A_283 : i32
        %or3A_382 = arith.ori %while3A_287, %shift_left3A_381 : i32
        %select_n3A_383 = arith.select %ge3A_331, %or3A_382, %while3A_287 : i32
        %sub3A_384 = arith.subi %while3A_285, %reduce_sum3A_326 : i32
        %select_n3A_385 = arith.select %ge3A_331, %while3A_285, %sub3A_384 : i32
        %add3A_386 = arith.addf %while3A_288, %reduce_sum3A_330 : f32
        %select_n3A_387 = arith.select %ge3A_331, %while3A_288, %add3A_386 : f32
        %sub3A_388 = arith.subf %while3A_289, %reduce_sum3A_330 : f32
        %select_n3A_389 = arith.select %ge3A_331, %reduce_sum3A_330, %sub3A_388 : f32
        %sub3A_390 = arith.constant 1 : i32
        %sub3A_391 = arith.subi %while3A_283, %sub3A_390 : i32
        %while3A_392 = arith.constant 0 : i32
        scf.yield %sub3A_391, %while3A_392, %select_n3A_385, %reduce_max3A_380, %select_n3A_383, %select_n3A_387, %select_n3A_389 : i32, i32, i32, i32, i32, f32, f32
      }
      %get3A_163 = arith.index_cast %while3A_162#1 : i32 to index
      %get3A_164 = tpu.vector_load %arg7[%get3A_163] {strides = array<i32>} : memref<8320xi32, #tpu.memory_space<vmem>>, vector<16xi32>,
      %bitcast3A_165 = vector.bitcast %get3A_164 : vector<16xi32> to vector<16xf32>
      %broadcast_in_dim3A_166 = vector.broadcast %while3A_162#2 : i32 to vector<16xi32>
      %broadcast_in_dim3A_167 = vector.broadcast %while3A_162#4 : i32 to vector<16xi32>
      %lt3A_168 = arith.cmpi slt, %while3A_162#2, %while3A_162#3 : i32
      %lt3A_169 = vector.broadcast %while3A_162#3 : i32 to vector<16xi32>
      %lt3A_170 = arith.cmpi slt, %iota3A_160, %lt3A_169 : vector<16xi32>
      %add3A_171 = arith.constant 1 : i32
      %add3A_172 = arith.addi %while3A_162#0, %add3A_171 : i32
      %jit3A_173 = arith.constant 0 : i32
      %select_n3A_174 = arith.select %lt3A_168, %add3A_172, %jit3A_173 : i32
      %while3A_175 = arith.constant 0 : i32
      %while3A_176 = arith.subi %select_n3A_174, %while3A_175 : i32
      %while3A_177 = arith.addi %while3A_175, %while3A_176 : i32
      %while3A_178 = arith.constant 1 : i32
      %while3A_179 = arith.divsi %while3A_176, %while3A_178 : i32
      %while3A_180 = arith.muli %while3A_179, %while3A_178 : i32
      %while3A_181 = arith.addi %while3A_175, %while3A_180 : i32
      %while3A_182 = arith.constant 1 : i32
      %while3A_183:3 = scf.for %while3A_283 = %while3A_175 to %while3A_181 step %while3A_182 iter_args(%while3A_284 = %broadcast_in_dim3A_166, %while3A_285 = %broadcast_in_dim3A_167, %while3A_286 = %lt3A_170) -> (vector<16xi32>, vector<16xi32>, vector<16xi1>)  : i32 {
        %sub3A_287 = arith.subi %while3A_162#0, %while3A_283 : i32
        %shift_right_arithmetic3A = vector.broadcast %sub3A_287 : i32 to vector<16xi32>
        %shift_right_arithmetic3A_288 = arith.shrsi %get3A_164, %shift_right_arithmetic3A : vector<16xi32>
        %and3A_289 = arith.constant 1 : i32
        %and3A_290 = vector.broadcast %and3A_289 : i32 to vector<16xi32>
        %and3A_291 = arith.andi %shift_right_arithmetic3A_288, %and3A_290 : vector<16xi32>
        %eq3A_292 = arith.constant 1 : i32
        %eq3A_293 = vector.broadcast %eq3A_292 : i32 to vector<16xi32>
        %eq3A_294 = arith.cmpi eq, %and3A_291, %eq3A_293 : vector<16xi32>
        %and3A_295 = arith.andi %while3A_286, %eq3A_294 : vector<16xi1>
        %all_reduce_population_count3A_296 = tpu.all_reduce %and3A_295 {dim = 0 : i64, kind = #tpu.reduction_kind<sum>} : vector<16xi1> -> vector<16xi32>
        %ge3A_297 = arith.cmpi sge, %all_reduce_population_count3A_296, %while3A_284 : vector<16xi32>
        %shift_left3A = arith.constant 1 : i32
        %shift_left3A_298 = arith.shli %shift_left3A, %sub3A_287 : i32
        %or3A_299 = vector.broadcast %shift_left3A_298 : i32 to vector<16xi32>
        %or3A_300 = arith.ori %while3A_285, %or3A_299 : vector<16xi32>
        %select_n3A_301 = arith.select %ge3A_297, %or3A_300, %while3A_285 : vector<16xi1>, vector<16xi32>
        %sub3A_302 = arith.subi %while3A_284, %all_reduce_population_count3A_296 : vector<16xi32>
        %select_n3A_303 = arith.select %ge3A_297, %while3A_284, %sub3A_302 : vector<16xi1>, vector<16xi32>
        %eq3A_304 = arith.xori %and3A_295, %ge3A_297 : vector<16xi1>
        %eq3A_305 = arith.constant dense<true> : vector<16xi1>
        %eq3A_306 = arith.xori %eq3A_304, %eq3A_305 : vector<16xi1>
        %and3A_307 = arith.andi %while3A_286, %eq3A_306 : vector<16xi1>
        scf.yield %select_n3A_303, %select_n3A_301, %and3A_307 : vector<16xi32>, vector<16xi32>, vector<16xi1>
      }
      %while3A_184 = arith.constant 1 : i32
      %while3A_185:3 = scf.for %while3A_283 = %while3A_181 to %while3A_177 step %while3A_184 iter_args(%while3A_284 = %while3A_183#0, %while3A_285 = %while3A_183#1, %while3A_286 = %while3A_183#2) -> (vector<16xi32>, vector<16xi32>, vector<16xi1>)  : i32 {
        %sub3A_287 = arith.subi %while3A_162#0, %while3A_283 : i32
        %shift_right_arithmetic3A = vector.broadcast %sub3A_287 : i32 to vector<16xi32>
        %shift_right_arithmetic3A_288 = arith.shrsi %get3A_164, %shift_right_arithmetic3A : vector<16xi32>
        %and3A_289 = arith.constant 1 : i32
        %and3A_290 = vector.broadcast %and3A_289 : i32 to vector<16xi32>
        %and3A_291 = arith.andi %shift_right_arithmetic3A_288, %and3A_290 : vector<16xi32>
        %eq3A_292 = arith.constant 1 : i32
        %eq3A_293 = vector.broadcast %eq3A_292 : i32 to vector<16xi32>
        %eq3A_294 = arith.cmpi eq, %and3A_291, %eq3A_293 : vector<16xi32>
        %and3A_295 = arith.andi %while3A_286, %eq3A_294 : vector<16xi1>
        %all_reduce_population_count3A_296 = tpu.all_reduce %and3A_295 {dim = 0 : i64, kind = #tpu.reduction_kind<sum>} : vector<16xi1> -> vector<16xi32>
        %ge3A_297 = arith.cmpi sge, %all_reduce_population_count3A_296, %while3A_284 : vector<16xi32>
        %shift_left3A = arith.constant 1 : i32
        %shift_left3A_298 = arith.shli %shift_left3A, %sub3A_287 : i32
        %or3A_299 = vector.broadcast %shift_left3A_298 : i32 to vector<16xi32>
        %or3A_300 = arith.ori %while3A_285, %or3A_299 : vector<16xi32>
        %select_n3A_301 = arith.select %ge3A_297, %or3A_300, %while3A_285 : vector<16xi1>, vector<16xi32>
        %sub3A_302 = arith.subi %while3A_284, %all_reduce_population_count3A_296 : vector<16xi32>
        %select_n3A_303 = arith.select %ge3A_297, %while3A_284, %sub3A_302 : vector<16xi1>, vector<16xi32>
        %eq3A_304 = arith.xori %and3A_295, %ge3A_297 : vector<16xi1>
        %eq3A_305 = arith.constant dense<true> : vector<16xi1>
        %eq3A_306 = arith.xori %eq3A_304, %eq3A_305 : vector<16xi1>
        %and3A_307 = arith.andi %while3A_286, %eq3A_306 : vector<16xi1>
        scf.yield %select_n3A_303, %select_n3A_301, %and3A_307 : vector<16xi32>, vector<16xi32>, vector<16xi1>
      }
      %gt3A_186 = arith.cmpi sgt, %get3A_164, %while3A_185#1 : vector<16xi32>
      %and3A_187 = arith.andi %lt3A_170, %gt3A_186 : vector<16xi1>
      %jit3A_188 = arith.constant 0.000000e+00 : f32
      %broadcast_in_dim3A_189 = vector.broadcast %jit3A_188 : f32 to vector<16xf32>
      %select_n3A_190 = arith.select %and3A_187, %bitcast3A_165, %broadcast_in_dim3A_189 : vector<16xi1>, vector<16xf32>
      %reduce_sum3A_191 = arith.constant true
      %reduce_sum3A_192 = vector.broadcast %reduce_sum3A_191 : i1 to vector<16xi1>
      %reduce_sum3A_193 = tpu.scan <sum>, %select_n3A_190 masked %reduce_sum3A_192 : vector<16xf32>, vector<16xi1> -> vector<16xf32>
      %reduce_sum3A_194 = vector.extract %reduce_sum3A_193[15] : f32 from vector<16xf32>
      %eq3A_195 = arith.constant 0 : i32
      %eq3A_196 = vector.broadcast %eq3A_195 : i32 to vector<16xi32>
      %eq3A_197 = arith.cmpi eq, %iota3A_160, %eq3A_196 : vector<16xi32>
      %bitcast3A_198 = vector.bitcast %while3A_185#1 : vector<16xi32> to vector<16xf32>
      %jit3A_199 = arith.constant 0.000000e+00 : f32
      %broadcast_in_dim3A_200 = vector.broadcast %jit3A_199 : f32 to vector<16xf32>
      %select_n3A_201 = arith.select %eq3A_197, %bitcast3A_198, %broadcast_in_dim3A_200 : vector<16xi1>, vector<16xf32>
      %reduce_sum3A_202 = arith.constant true
      %reduce_sum3A_203 = vector.broadcast %reduce_sum3A_202 : i1 to vector<16xi1>
      %reduce_sum3A_204 = tpu.scan <sum>, %select_n3A_201 masked %reduce_sum3A_203 : vector<16xf32>, vector<16xi1> -> vector<16xf32>
      %reduce_sum3A_205 = vector.extract %reduce_sum3A_204[15] : f32 from vector<16xf32>
      %reduce_max3A_206 = arith.constant true
      %reduce_max3A_207 = vector.broadcast %reduce_max3A_206 : i1 to vector<16xi1>
      %reduce_max3A_208 = arith.constant -2147483648 : i32
      %reduce_max3A_209 = vector.broadcast %reduce_max3A_208 : i32 to vector<16xi32>
      %reduce_max3A_210 = arith.xori %while3A_185#0, %reduce_max3A_209 : vector<16xi32>
      %reduce_max3A_211 = tpu.scan <max>, %reduce_max3A_210 masked %reduce_max3A_207 : vector<16xi32>, vector<16xi1> -> vector<16xi32>
      %reduce_max3A_212 = arith.xori %reduce_max3A_211, %reduce_max3A_209 : vector<16xi32>
      %reduce_max3A_213 = vector.extract %reduce_max3A_212[15] : i32 from vector<16xi32>
      %reduce_max3A_214 = arith.constant true
      %reduce_max3A_215 = vector.broadcast %reduce_max3A_214 : i1 to vector<16xi1>
      %reduce_max3A_216 = arith.constant -2147483648 : i32
      %reduce_max3A_217 = vector.broadcast %reduce_max3A_216 : i32 to vector<16xi32>
      %reduce_max3A_218 = arith.xori %while3A_185#1, %reduce_max3A_217 : vector<16xi32>
      %reduce_max3A_219 = tpu.scan <max>, %reduce_max3A_218 masked %reduce_max3A_215 : vector<16xi32>, vector<16xi1> -> vector<16xi32>
      %reduce_max3A_220 = arith.xori %reduce_max3A_219, %reduce_max3A_217 : vector<16xi32>
      %reduce_max3A_221 = vector.extract %reduce_max3A_220[15] : i32 from vector<16xi32>
      %add3A_222 = arith.addf %while3A_162#5, %reduce_sum3A_194 : f32
      %convert_element_type3A_223 = arith.sitofp %reduce_max3A_213 : i32 to f32
      %mul3A_224 = arith.mulf %convert_element_type3A_223, %reduce_sum3A_205 : f32
      %add3A_225 = arith.addf %add3A_222, %mul3A_224 : f32
      %add3A_226 = arith.addf %while3A_162#5, %while3A_162#6 : f32
      %select_n3A_227 = arith.select %lt3A_168, %add3A_225, %add3A_226 : f32
      %eq3A_228 = arith.cmpi eq, %get3A_164, %while3A_185#1 : vector<16xi32>
      %and3A_229 = arith.andi %lt3A_170, %eq3A_228 : vector<16xi1>
      %all_reduce_population_count3A_230 = tpu.all_reduce %and3A_229 {dim = 0 : i64, kind = #tpu.reduction_kind<sum>} : vector<16xi1> -> vector<16xi32>
      %reduce_max3A_231 = arith.constant true
      %reduce_max3A_232 = vector.broadcast %reduce_max3A_231 : i1 to vector<16xi1>
      %reduce_max3A_233 = arith.constant -2147483648 : i32
      %reduce_max3A_234 = vector.broadcast %reduce_max3A_233 : i32 to vector<16xi32>
      %reduce_max3A_235 = arith.xori %all_reduce_population_count3A_230, %reduce_max3A_234 : vector<16xi32>
      %reduce_max3A_236 = tpu.scan <max>, %reduce_max3A_235 masked %reduce_max3A_232 : vector<16xi32>, vector<16xi1> -> vector<16xi32>
      %reduce_max3A_237 = arith.xori %reduce_max3A_236, %reduce_max3A_234 : vector<16xi32>
      %reduce_max3A_238 = vector.extract %reduce_max3A_237[15] : i32 from vector<16xi32>
      %not3A_239 = arith.constant true
      %not3A_240 = arith.xori %lt3A_168, %not3A_239 : i1
      %ge3A_241 = arith.constant 0 : i32
      %ge3A_242 = arith.cmpi sge, %while3A_162#0, %ge3A_241 : i32
      %eq3A_243 = arith.cmpi eq, %reduce_max3A_238, %reduce_max3A_213 : i32
      %and3A_244 = arith.andi %ge3A_242, %eq3A_243 : i1
      %or3A_245 = arith.ori %not3A_240, %and3A_244 : i1
      %select_n3A_246 = arith.select %lt3A_168, %reduce_max3A_221, %while3A_162#4 : i32
      %select_n3A_247 = arith.select %lt3A_168, %reduce_max3A_213, %while3A_162#2 : i32
      %sub3A_248 = arith.subf %reduce_sum3A_23, %select_n3A_142 : f32
      %mul3A_249 = arith.constant 6.260000e+00 : f32
      %mul3A_250 = arith.mulf %mul3A_249, %sub3A_248 : f32
      %sub3A_251 = arith.subf %reduce_sum3A_27, %select_n3A_227 : f32
      %mul3A_252 = arith.constant 6.260000e+00 : f32
      %mul3A_253 = arith.mulf %mul3A_252, %sub3A_251 : f32
      %iota3A_254 = tpu.iota {dimensions = array<i32: 0>} : vector<16xi32>
      %eq3A_255 = arith.constant 0 : i32
      %eq3A_256 = vector.broadcast %eq3A_255 : i32 to vector<16xi32>
      %eq3A_257 = arith.cmpi eq, %iota3A_254, %eq3A_256 : vector<16xi32>
      %broadcast_in_dim3A_258 = vector.broadcast %select_n3A_158 : i32 to vector<16xi32>
      %bitcast3A_259 = vector.bitcast %broadcast_in_dim3A_258 : vector<16xi32> to vector<16xf32>
      %jit3A_260 = arith.constant 0.000000e+00 : f32
      %broadcast_in_dim3A_261 = vector.broadcast %jit3A_260 : f32 to vector<16xf32>
      %select_n3A_262 = arith.select %eq3A_257, %bitcast3A_259, %broadcast_in_dim3A_261 : vector<16xi1>, vector<16xf32>
      %reduce_sum3A_263 = arith.constant true
      %reduce_sum3A_264 = vector.broadcast %reduce_sum3A_263 : i1 to vector<16xi1>
      %reduce_sum3A_265 = tpu.scan <sum>, %select_n3A_262 masked %reduce_sum3A_264 : vector<16xf32>, vector<16xi1> -> vector<16xf32>
      %reduce_sum3A_266 = vector.extract %reduce_sum3A_265[15] : f32 from vector<16xf32>
      %iota3A_267 = tpu.iota {dimensions = array<i32: 0>} : vector<16xi32>
      %eq3A_268 = arith.constant 0 : i32
      %eq3A_269 = vector.broadcast %eq3A_268 : i32 to vector<16xi32>
      %eq3A_270 = arith.cmpi eq, %iota3A_267, %eq3A_269 : vector<16xi32>
      %broadcast_in_dim3A_271 = vector.broadcast %select_n3A_246 : i32 to vector<16xi32>
      %bitcast3A_272 = vector.bitcast %broadcast_in_dim3A_271 : vector<16xi32> to vector<16xf32>
      %jit3A_273 = arith.constant 0.000000e+00 : f32
      %broadcast_in_dim3A_274 = vector.broadcast %jit3A_273 : f32 to vector<16xf32>
      %select_n3A_275 = arith.select %eq3A_270, %bitcast3A_272, %broadcast_in_dim3A_274 : vector<16xi1>, vector<16xf32>
      %reduce_sum3A_276 = arith.constant true
      %reduce_sum3A_277 = vector.broadcast %reduce_sum3A_276 : i1 to vector<16xi1>
      %reduce_sum3A_278 = tpu.scan <sum>, %select_n3A_275 masked %reduce_sum3A_277 : vector<16xf32>, vector<16xi1> -> vector<16xf32>
      %reduce_sum3A_279 = vector.extract %reduce_sum3A_278[15] : f32 from vector<16xf32>
      %and3A_280 = arith.andi %or3A, %or3A_245 : i1
      %convert_element_type3A_281 = arith.extui %and3A_280 : i1 to i32
      %cond3A = arith.constant 0 : i32
      %cond3A_282 = arith.cmpi ne, %convert_element_type3A_281, %cond3A : i32
      scf.if %cond3A_282 {
        %parallel_loop3A_283 = arith.constant 0 : i32
        %parallel_loop3A_284 = arith.constant 512 : i32
        %parallel_loop3A_285 = arith.constant 1 : i32
        %parallel_loop3A_286 = arith.constant 0 : i32
        %parallel_loop3A_287 = scf.for %parallel_loop3A_288 = %parallel_loop3A_283 to %parallel_loop3A_284 step %parallel_loop3A_285 iter_args(%parallel_loop3A_289 = %parallel_loop3A_286) -> (i32)  : i32 {
          %parallel_loop3A_290 = arith.constant 16 : i32
          %parallel_loop3A_291 = arith.muli %parallel_loop3A_288, %parallel_loop3A_290 : i32
          %parallel_loop3A_292 = arith.index_cast %parallel_loop3A_291 : i32 to index
          %parallel_loop3A_293 = tpu.vector_load %arg4[%parallel_loop3A_292] {strides = array<i32>} : memref<8192xf32, #tpu.memory_space<vmem>>, vector<16xf32>,
          %parallel_loop3A_294 = arith.constant 0.000000e+00 : f32
          %parallel_loop3A_295 = vector.broadcast %parallel_loop3A_294 : f32 to vector<16xf32>
          %parallel_loop3A_296 = arith.maximumf %parallel_loop3A_293, %parallel_loop3A_295 : vector<16xf32>
          %parallel_loop3A_297 = arith.constant 0.000000e+00 : f32
          %parallel_loop3A_298 = vector.broadcast %parallel_loop3A_297 : f32 to vector<16xf32>
          %parallel_loop3A_299 = arith.subf %parallel_loop3A_298, %parallel_loop3A_293 : vector<16xf32>
          %parallel_loop3A_300 = arith.constant 0.000000e+00 : f32
          %parallel_loop3A_301 = vector.broadcast %parallel_loop3A_300 : f32 to vector<16xf32>
          %parallel_loop3A_302 = arith.maximumf %parallel_loop3A_299, %parallel_loop3A_301 : vector<16xf32>
          %parallel_loop3A_303 = vector.broadcast %reduce_sum3A_266 : f32 to vector<16xf32>
          %parallel_loop3A_304 = arith.cmpf oge, %parallel_loop3A_296, %parallel_loop3A_303 : vector<16xf32>
          %parallel_loop3A_305 = vector.broadcast %mul3A_250 : f32 to vector<16xf32>
          %parallel_loop3A_306 = arith.addf %parallel_loop3A_296, %parallel_loop3A_305 : vector<16xf32>
          %parallel_loop3A_307 = arith.constant 0.000000e+00 : f32
          %parallel_loop3A_308 = vector.broadcast %parallel_loop3A_307 : f32 to vector<16xf32>
          %parallel_loop3A_309 = arith.select %parallel_loop3A_304, %parallel_loop3A_306, %parallel_loop3A_308 : vector<16xi1>, vector<16xf32>
          %parallel_loop3A_310 = vector.broadcast %reduce_sum3A_279 : f32 to vector<16xf32>
          %parallel_loop3A_311 = arith.cmpf oge, %parallel_loop3A_302, %parallel_loop3A_310 : vector<16xf32>
          %parallel_loop3A_312 = vector.broadcast %mul3A_253 : f32 to vector<16xf32>
          %parallel_loop3A_313 = arith.addf %parallel_loop3A_302, %parallel_loop3A_312 : vector<16xf32>
          %parallel_loop3A_314 = arith.constant 0.000000e+00 : f32
          %parallel_loop3A_315 = vector.broadcast %parallel_loop3A_314 : f32 to vector<16xf32>
          %parallel_loop3A_316 = arith.select %parallel_loop3A_311, %parallel_loop3A_313, %parallel_loop3A_315 : vector<16xi1>, vector<16xf32>
          %parallel_loop3A_317 = arith.subf %parallel_loop3A_309, %parallel_loop3A_316 : vector<16xf32>
          %parallel_loop3A_318 = arith.constant 16 : i32
          %parallel_loop3A_319 = arith.muli %parallel_loop3A_288, %parallel_loop3A_318 : i32
          %parallel_loop3A_320 = arith.index_cast %parallel_loop3A_319 : i32 to index
          %parallel_loop3A_321 = tpu.vector_load %arg5[%parallel_loop3A_320] {strides = array<i32>} : memref<8192xf32, #tpu.memory_space<vmem>>, vector<16xf32>,
          tpu.vector_store %arg5[%parallel_loop3A_320], %parallel_loop3A_317 {strides = array<i32>} : memref<8192xf32, #tpu.memory_space<vmem>>, vector<16xf32>,
          scf.yield %parallel_loop3A_289 : i32
        } {sc.loop_unroll_factor = 8 : i64, sc.parallel_access}
      } else {
        %broadcast_in_dim3A_283 = arith.constant 0 : i32
        %broadcast_in_dim3A_284 = vector.broadcast %broadcast_in_dim3A_283 : i32 to vector<16xi32>
        %broadcast_in_dim3A_285 = arith.constant 0 : i32
        %broadcast_in_dim3A_286 = vector.broadcast %broadcast_in_dim3A_285 : i32 to vector<16xi32>
        %parallel_loop3A_287 = arith.constant 0 : i32
        %parallel_loop3A_288 = arith.constant 512 : i32
        %parallel_loop3A_289 = arith.constant 1 : i32
        %parallel_loop3A_290:2 = scf.for %parallel_loop3A_291 = %parallel_loop3A_287 to %parallel_loop3A_288 step %parallel_loop3A_289 iter_args(%parallel_loop3A_292 = %broadcast_in_dim3A_284, %parallel_loop3A_293 = %broadcast_in_dim3A_286) -> (vector<16xi32>, vector<16xi32>)  : i32 {
          %parallel_loop3A_294 = arith.constant 16 : i32
          %parallel_loop3A_295 = arith.muli %parallel_loop3A_291, %parallel_loop3A_294 : i32
          %parallel_loop3A_296 = arith.index_cast %parallel_loop3A_295 : i32 to index
          %parallel_loop3A_297 = tpu.vector_load %arg4[%parallel_loop3A_296] {strides = array<i32>} : memref<8192xf32, #tpu.memory_space<vmem>>, vector<16xf32>,
          %parallel_loop3A_298 = arith.constant 0.000000e+00 : f32
          %parallel_loop3A_299 = vector.broadcast %parallel_loop3A_298 : f32 to vector<16xf32>
          %parallel_loop3A_300 = arith.maximumf %parallel_loop3A_297, %parallel_loop3A_299 : vector<16xf32>
          %parallel_loop3A_301 = arith.constant 0.000000e+00 : f32
          %parallel_loop3A_302 = vector.broadcast %parallel_loop3A_301 : f32 to vector<16xf32>
          %parallel_loop3A_303 = arith.subf %parallel_loop3A_302, %parallel_loop3A_297 : vector<16xf32>
          %parallel_loop3A_304 = arith.constant 0.000000e+00 : f32
          %parallel_loop3A_305 = vector.broadcast %parallel_loop3A_304 : f32 to vector<16xf32>
          %parallel_loop3A_306 = arith.maximumf %parallel_loop3A_303, %parallel_loop3A_305 : vector<16xf32>
          %parallel_loop3A_307 = vector.bitcast %parallel_loop3A_300 : vector<16xf32> to vector<16xi32>
          %parallel_loop3A_308 = arith.andi %parallel_loop3A_307, %broadcast_in_dim3A_10 : vector<16xi32>
          %parallel_loop3A_309 = vector.bitcast %parallel_loop3A_306 : vector<16xf32> to vector<16xi32>
          %parallel_loop3A_310 = arith.andi %parallel_loop3A_309, %broadcast_in_dim3A_10 : vector<16xi32>
          %parallel_loop3A_311 = vector.broadcast %select_n3A_158 : i32 to vector<16xi32>
          %parallel_loop3A_312 = arith.cmpi eq, %parallel_loop3A_308, %parallel_loop3A_311 : vector<16xi32>
          %parallel_loop3A_313 = arith.extui %parallel_loop3A_312 : vector<16xi1> to vector<16xi32>
          %parallel_loop3A_314 = arith.constant true
          %parallel_loop3A_315 = vector.broadcast %parallel_loop3A_314 : i1 to vector<16xi1>
          %parallel_loop3A_316 = tpu.scan <sum>, %parallel_loop3A_313 masked %parallel_loop3A_315 : vector<16xi32>, vector<16xi1> -> vector<16xi32>
          %parallel_loop3A_317 = arith.addi %parallel_loop3A_292, %parallel_loop3A_316 : vector<16xi32>
          %parallel_loop3A_318 = vector.broadcast %select_n3A_158 : i32 to vector<16xi32>
          %parallel_loop3A_319 = arith.cmpi sgt, %parallel_loop3A_308, %parallel_loop3A_318 : vector<16xi32>
          %parallel_loop3A_320 = vector.broadcast %select_n3A_159 : i32 to vector<16xi32>
          %parallel_loop3A_321 = arith.cmpi sle, %parallel_loop3A_317, %parallel_loop3A_320 : vector<16xi32>
          %parallel_loop3A_322 = arith.andi %parallel_loop3A_312, %parallel_loop3A_321 : vector<16xi1>
          %parallel_loop3A_323 = arith.ori %parallel_loop3A_319, %parallel_loop3A_322 : vector<16xi1>
          %parallel_loop3A_324 = tpu.all_reduce %parallel_loop3A_312 {dim = 0 : i64, kind = #tpu.reduction_kind<sum>} : vector<16xi1> -> vector<16xi32>
          %parallel_loop3A_325 = arith.addi %parallel_loop3A_292, %parallel_loop3A_324 : vector<16xi32>
          %parallel_loop3A_326 = vector.broadcast %select_n3A_246 : i32 to vector<16xi32>
          %parallel_loop3A_327 = arith.cmpi eq, %parallel_loop3A_310, %parallel_loop3A_326 : vector<16xi32>
          %parallel_loop3A_328 = arith.extui %parallel_loop3A_327 : vector<16xi1> to vector<16xi32>
          %parallel_loop3A_329 = arith.constant true
          %parallel_loop3A_330 = vector.broadcast %parallel_loop3A_329 : i1 to vector<16xi1>
          %parallel_loop3A_331 = tpu.scan <sum>, %parallel_loop3A_328 masked %parallel_loop3A_330 : vector<16xi32>, vector<16xi1> -> vector<16xi32>
          %parallel_loop3A_332 = arith.addi %parallel_loop3A_293, %parallel_loop3A_331 : vector<16xi32>
          %parallel_loop3A_333 = vector.broadcast %select_n3A_246 : i32 to vector<16xi32>
          %parallel_loop3A_334 = arith.cmpi sgt, %parallel_loop3A_310, %parallel_loop3A_333 : vector<16xi32>
          %parallel_loop3A_335 = vector.broadcast %select_n3A_247 : i32 to vector<16xi32>
          %parallel_loop3A_336 = arith.cmpi sle, %parallel_loop3A_332, %parallel_loop3A_335 : vector<16xi32>
          %parallel_loop3A_337 = arith.andi %parallel_loop3A_327, %parallel_loop3A_336 : vector<16xi1>
          %parallel_loop3A_338 = arith.ori %parallel_loop3A_334, %parallel_loop3A_337 : vector<16xi1>
          %parallel_loop3A_339 = tpu.all_reduce %parallel_loop3A_327 {dim = 0 : i64, kind = #tpu.reduction_kind<sum>} : vector<16xi1> -> vector<16xi32>
          %parallel_loop3A_340 = arith.addi %parallel_loop3A_293, %parallel_loop3A_339 : vector<16xi32>
          %parallel_loop3A_341 = vector.broadcast %mul3A_250 : f32 to vector<16xf32>
          %parallel_loop3A_342 = arith.addf %parallel_loop3A_300, %parallel_loop3A_341 : vector<16xf32>
          %parallel_loop3A_343 = arith.constant 0.000000e+00 : f32
          %parallel_loop3A_344 = vector.broadcast %parallel_loop3A_343 : f32 to vector<16xf32>
          %parallel_loop3A_345 = arith.select %parallel_loop3A_323, %parallel_loop3A_342, %parallel_loop3A_344 : vector<16xi1>, vector<16xf32>
          %parallel_loop3A_346 = vector.broadcast %mul3A_253 : f32 to vector<16xf32>
          %parallel_loop3A_347 = arith.addf %parallel_loop3A_306, %parallel_loop3A_346 : vector<16xf32>
          %parallel_loop3A_348 = arith.constant 0.000000e+00 : f32
          %parallel_loop3A_349 = vector.broadcast %parallel_loop3A_348 : f32 to vector<16xf32>
          %parallel_loop3A_350 = arith.select %parallel_loop3A_338, %parallel_loop3A_347, %parallel_loop3A_349 : vector<16xi1>, vector<16xf32>
          %parallel_loop3A_351 = arith.subf %parallel_loop3A_345, %parallel_loop3A_350 : vector<16xf32>
          %parallel_loop3A_352 = arith.constant 16 : i32
          %parallel_loop3A_353 = arith.muli %parallel_loop3A_291, %parallel_loop3A_352 : i32
          %parallel_loop3A_354 = arith.index_cast %parallel_loop3A_353 : i32 to index
          %parallel_loop3A_355 = tpu.vector_load %arg5[%parallel_loop3A_354] {strides = array<i32>} : memref<8192xf32, #tpu.memory_space<vmem>>, vector<16xf32>,
          tpu.vector_store %arg5[%parallel_loop3A_354], %parallel_loop3A_351 {strides = array<i32>} : memref<8192xf32, #tpu.memory_space<vmem>>, vector<16xf32>,
          scf.yield %parallel_loop3A_325, %parallel_loop3A_340 : vector<16xi32>, vector<16xi32>
        } {sc.loop_unroll_factor = 8 : i64, sc.parallel_access}
      }
      "tpu.region"() ({
        %run_scoped3A = tpu.sem_alloc : memref<!tpu.dma_semaphore, #tpu.memory_space<semaphore_mem>>
        %dma_start3A = arith.constant 0 : i32
        %dma_start3A_283 = tpu.memref_slice %arg3[%add3A_9, %dma_start3A] : memref<96x8192xf32, #tpu.memory_space<hbm>> -> memref<1x8192xf32, #tpu.memory_space<hbm>>
        %dma_start3A_284 = tpu.memref_squeeze %dma_start3A_283 : memref<1x8192xf32, #tpu.memory_space<hbm>> -> memref<8192xf32, #tpu.memory_space<hbm>>
        %dma_start3A_285 = arith.constant 0 : i32
        %dma_start3A_286 = tpu.memref_slice %arg3[%add3A_9, %dma_start3A_285] : memref<96x8192xf32, #tpu.memory_space<hbm>> -> memref<1x8192xf32, #tpu.memory_space<hbm>>
        %dma_start3A_287 = tpu.memref_squeeze %dma_start3A_286 : memref<1x8192xf32, #tpu.memory_space<hbm>> -> memref<8192xf32, #tpu.memory_space<hbm>>
        tpu.enqueue_dma source(%arg5 : memref<8192xf32, #tpu.memory_space<vmem>>) target(%dma_start3A_287 : memref<8192xf32, #tpu.memory_space<hbm>>) target_semaphore(%run_scoped3A : memref<!tpu.dma_semaphore, #tpu.memory_space<semaphore_mem>>)
        %dma_wait3A = arith.constant 0 : i32
        %dma_wait3A_288 = tpu.memref_slice %arg3[%add3A_9, %dma_wait3A] : memref<96x8192xf32, #tpu.memory_space<hbm>> -> memref<1x8192xf32, #tpu.memory_space<hbm>>
        %dma_wait3A_289 = tpu.memref_squeeze %dma_wait3A_288 : memref<1x8192xf32, #tpu.memory_space<hbm>> -> memref<8192xf32, #tpu.memory_space<hbm>>
        %dma_wait3A_290 = arith.constant 0 : i32
        %dma_wait3A_291 = tpu.memref_slice %arg3[%add3A_9, %dma_wait3A_290] : memref<96x8192xf32, #tpu.memory_space<hbm>> -> memref<1x8192xf32, #tpu.memory_space<hbm>>
        %dma_wait3A_292 = tpu.memref_squeeze %dma_wait3A_291 : memref<1x8192xf32, #tpu.memory_space<hbm>> -> memref<8192xf32, #tpu.memory_space<hbm>>
        tpu.wait_dma2 semaphore(%run_scoped3A : memref<!tpu.dma_semaphore, #tpu.memory_space<semaphore_mem>>) src(%arg5 : memref<8192xf32, #tpu.memory_space<vmem>>) dst(%dma_wait3A_292 : memref<8192xf32, #tpu.memory_space<hbm>>)
        tpu.yield
      }) : () -> ()
    }
    %scan3A_5 = arith.constant 3 : i32
    return
  }
}

module attributes {stable_mosaic.version = 14 : i64} {
  func.func @_tc_body(%arg0: i32, %arg1: memref<16x8192xf32, #tpu.memory_space<vmem>>, %arg2: memref<16x8192xf32, #tpu.memory_space<vmem>>) attributes {dimension_semantics = [#tpu.dimension_semantics<arbitrary>], iteration_bounds = array<i64: 2>, scalar_prefetch = 0 : i64, scratch_operands = 0 : i64, tpu.core_type = #tpu.core_type<tc>, window_params = [{transform_indices = @transform_0, window_bounds = array<i64: 16, 8192>}, {transform_indices = @transform_1, window_bounds = array<i64: 16, 8192>}]} {
    %get3A = arith.constant 0 : index
    %get3A_0 = arith.constant 0 : index
    %get3A_1 = vector.load %arg1[%get3A, %get3A_0] : memref<16x8192xf32, #tpu.memory_space<vmem>>, vector<16x8192xf32>
    %max3A = arith.constant 0.000000e+00 : f32
    %max3A_2 = vector.broadcast %max3A : f32 to vector<16x8192xf32>
    %max3A_3 = arith.maximumf %get3A_1, %max3A_2 : vector<16x8192xf32>
    %neg3A = arith.constant 0.000000e+00 : f32
    %neg3A_4 = vector.broadcast %neg3A : f32 to vector<16x8192xf32>
    %neg3A_5 = arith.subf %neg3A_4, %get3A_1 : vector<16x8192xf32>
    %max3A_6 = arith.constant 0.000000e+00 : f32
    %max3A_7 = vector.broadcast %max3A_6 : f32 to vector<16x8192xf32>
    %max3A_8 = arith.maximumf %neg3A_5, %max3A_7 : vector<16x8192xf32>
    %bitcast_convert_type3A = tpu.bitcast %max3A_3 : vector<16x8192xf32> -> vector<16x8192xi32>
    %bitcast_convert_type3A_9 = tpu.bitcast %max3A_8 : vector<16x8192xf32> -> vector<16x8192xi32>
    %iota3A = tpu.iota {dimensions = array<i32: 1>} : vector<16x8192xi32>
    %sub3A = arith.constant 8191 : i32
    %sub3A_10 = vector.broadcast %sub3A : i32 to vector<16x8192xi32>
    %sub3A_11 = arith.subi %sub3A_10, %iota3A : vector<16x8192xi32>
    %ge3A = arith.constant 0 : i32
    %ge3A_12 = vector.broadcast %ge3A : i32 to vector<16x8192xi32>
    %ge3A_13 = arith.cmpi sge, %bitcast_convert_type3A, %ge3A_12 : vector<16x8192xi32>
    %broadcast_in_dim3A = arith.constant 0 : i32
    %broadcast_in_dim3A_14 = vector.broadcast %broadcast_in_dim3A : i32 to vector<16x1xi32>
    %scan3A = arith.constant 0 : i32
    %scan3A_15 = arith.constant 31 : i32
    %scan3A_16 = arith.addi %scan3A, %scan3A_15 : i32
    %scan3A_17 = arith.constant 1 : i32
    %scan3A_18 = scf.for %scan3A_122 = %scan3A to %scan3A_16 step %scan3A_17 iter_args(%scan3A_123 = %broadcast_in_dim3A_14) -> (vector<16x1xi32>)  : i32 {
      %sub3A_124 = arith.constant 30 : i32
      %sub3A_125 = arith.subi %sub3A_124, %scan3A_122 : i32
      %shift_left3A = arith.constant 1 : i32
      %shift_left3A_126 = arith.shli %shift_left3A, %sub3A_125 : i32
      %or3A_127 = vector.broadcast %shift_left3A_126 : i32 to vector<16x1xi32>
      %or3A_128 = arith.ori %scan3A_123, %or3A_127 : vector<16x1xi32>
      %ge3A_129 = vector.broadcast %or3A_128 : vector<16x1xi32> to vector<16x8192xi32>
      %ge3A_130 = arith.cmpi sge, %bitcast_convert_type3A, %ge3A_129 : vector<16x8192xi32>
      %and3A_131 = arith.andi %ge3A_13, %ge3A_130 : vector<16x8192xi1>
      %convert_element_type3A_132 = arith.extui %and3A_131 : vector<16x8192xi1> to vector<16x8192xi32>
      %reduce_sum3A_133 = arith.constant dense<0> : vector<16xi32>
      %reduce_sum3A_134 = vector.multi_reduction <add>, %convert_element_type3A_132, %reduce_sum3A_133 [1] : vector<16x8192xi32> to vector<16xi32>
      %broadcast_in_dim3A_135 = vector.shape_cast %reduce_sum3A_134 : vector<16xi32> to vector<16x1xi32>
      %ge3A_136 = arith.constant 64 : i32
      %ge3A_137 = vector.broadcast %ge3A_136 : i32 to vector<16x1xi32>
      %ge3A_138 = arith.cmpi sge, %broadcast_in_dim3A_135, %ge3A_137 : vector<16x1xi32>
      %select_n3A_139 = arith.select %ge3A_138, %or3A_128, %scan3A_123 : vector<16x1xi1>, vector<16x1xi32>
      scf.yield %select_n3A_139 : vector<16x1xi32>
    }
    %scan3A_19 = arith.constant 31 : i32
    %gt3A = vector.broadcast %scan3A_18 : vector<16x1xi32> to vector<16x8192xi32>
    %gt3A_20 = arith.cmpi sgt, %bitcast_convert_type3A, %gt3A : vector<16x8192xi32>
    %convert_element_type3A = arith.extui %gt3A_20 : vector<16x8192xi1> to vector<16x8192xi32>
    %reduce_sum3A = arith.constant dense<0> : vector<16xi32>
    %reduce_sum3A_21 = vector.multi_reduction <add>, %convert_element_type3A, %reduce_sum3A [1] : vector<16x8192xi32> to vector<16xi32>
    %broadcast_in_dim3A_22 = vector.shape_cast %reduce_sum3A_21 : vector<16xi32> to vector<16x1xi32>
    %sub3A_23 = arith.constant 64 : i32
    %sub3A_24 = vector.broadcast %sub3A_23 : i32 to vector<16x1xi32>
    %sub3A_25 = arith.subi %sub3A_24, %broadcast_in_dim3A_22 : vector<16x1xi32>
    %eq3A = vector.broadcast %scan3A_18 : vector<16x1xi32> to vector<16x8192xi32>
    %eq3A_26 = arith.cmpi eq, %bitcast_convert_type3A, %eq3A : vector<16x8192xi32>
    %convert_element_type3A_27 = arith.extui %eq3A_26 : vector<16x8192xi1> to vector<16x8192xi32>
    %reduce_sum3A_28 = arith.constant dense<0> : vector<16xi32>
    %reduce_sum3A_29 = vector.multi_reduction <add>, %convert_element_type3A_27, %reduce_sum3A_28 [1] : vector<16x8192xi32> to vector<16xi32>
    %broadcast_in_dim3A_30 = vector.shape_cast %reduce_sum3A_29 : vector<16xi32> to vector<16x1xi32>
    %eq3A_31 = arith.cmpi eq, %broadcast_in_dim3A_30, %sub3A_25 : vector<16x1xi32>
    %reduce_and3A = arith.constant 1.000000e+00 : f32
    %reduce_and3A_32 = arith.constant 0.000000e+00 : f32
    %reduce_and3A_33 = vector.broadcast %reduce_and3A : f32 to vector<16x1xf32>
    %reduce_and3A_34 = vector.broadcast %reduce_and3A_32 : f32 to vector<16x1xf32>
    %reduce_and3A_35 = arith.select %eq3A_31, %reduce_and3A_33, %reduce_and3A_34 : vector<16x1xi1>, vector<16x1xf32>
    %reduce_and3A_36 = vector.shape_cast %reduce_and3A_35 : vector<16x1xf32> to vector<1x16x1xf32>
    %reduce_and3A_37 = arith.constant dense<0x7F800000> : vector<1xf32>
    %reduce_and3A_38 = vector.multi_reduction <minimumf>, %reduce_and3A_36, %reduce_and3A_37 [1, 2] : vector<1x16x1xf32> to vector<1xf32>
    %reduce_and3A_39 = vector.shape_cast %reduce_and3A_38 : vector<1xf32> to vector<1x1x1xf32>
    %reduce_and3A_40 = vector.extract %reduce_and3A_39[0, 0, 0] : f32 from vector<1x1x1xf32>
    %reduce_and3A_41 = arith.constant 0.000000e+00 : f32
    %reduce_and3A_42 = arith.cmpf ogt, %reduce_and3A_40, %reduce_and3A_41 : f32
    %convert_element_type3A_43 = arith.extui %reduce_and3A_42 : i1 to i32
    %cond3A = arith.constant 0 : i32
    %cond3A_44 = arith.cmpi ne, %convert_element_type3A_43, %cond3A : i32
    %cond3A_45 = scf.if %cond3A_44 -> (vector<16x1xi32>) {
      %broadcast_in_dim3A_122 = arith.constant 0 : i32
      %broadcast_in_dim3A_123 = vector.broadcast %broadcast_in_dim3A_122 : i32 to vector<16x1xi32>
      scf.yield %broadcast_in_dim3A_123 : vector<16x1xi32>
    } else {
      %broadcast_in_dim3A_122 = arith.constant 0 : i32
      %broadcast_in_dim3A_123 = vector.broadcast %broadcast_in_dim3A_122 : i32 to vector<16x1xi32>
      %scan3A_124 = arith.constant 0 : i32
      %scan3A_125 = arith.constant 13 : i32
      %scan3A_126 = arith.addi %scan3A_124, %scan3A_125 : i32
      %scan3A_127 = arith.constant 1 : i32
      %scan3A_128 = scf.for %scan3A_130 = %scan3A_124 to %scan3A_126 step %scan3A_127 iter_args(%scan3A_131 = %broadcast_in_dim3A_123) -> (vector<16x1xi32>)  : i32 {
        %sub3A_132 = arith.constant 12 : i32
        %sub3A_133 = arith.subi %sub3A_132, %scan3A_130 : i32
        %shift_left3A = arith.constant 1 : i32
        %shift_left3A_134 = arith.shli %shift_left3A, %sub3A_133 : i32
        %or3A_135 = vector.broadcast %shift_left3A_134 : i32 to vector<16x1xi32>
        %or3A_136 = arith.ori %scan3A_131, %or3A_135 : vector<16x1xi32>
        %ge3A_137 = vector.broadcast %or3A_136 : vector<16x1xi32> to vector<16x8192xi32>
        %ge3A_138 = arith.cmpi sge, %sub3A_11, %ge3A_137 : vector<16x8192xi32>
        %and3A_139 = arith.andi %eq3A_26, %ge3A_138 : vector<16x8192xi1>
        %convert_element_type3A_140 = arith.extui %and3A_139 : vector<16x8192xi1> to vector<16x8192xi32>
        %reduce_sum3A_141 = arith.constant dense<0> : vector<16xi32>
        %reduce_sum3A_142 = vector.multi_reduction <add>, %convert_element_type3A_140, %reduce_sum3A_141 [1] : vector<16x8192xi32> to vector<16xi32>
        %broadcast_in_dim3A_143 = vector.shape_cast %reduce_sum3A_142 : vector<16xi32> to vector<16x1xi32>
        %ge3A_144 = arith.cmpi sge, %broadcast_in_dim3A_143, %sub3A_25 : vector<16x1xi32>
        %select_n3A_145 = arith.select %ge3A_144, %or3A_136, %scan3A_131 : vector<16x1xi1>, vector<16x1xi32>
        scf.yield %select_n3A_145 : vector<16x1xi32>
      }
      %scan3A_129 = arith.constant 13 : i32
      scf.yield %scan3A_128 : vector<16x1xi32>
    }
    %ge3A_46 = vector.broadcast %cond3A_45 : vector<16x1xi32> to vector<16x8192xi32>
    %ge3A_47 = arith.cmpi sge, %sub3A_11, %ge3A_46 : vector<16x8192xi32>
    %and3A = arith.andi %eq3A_26, %ge3A_47 : vector<16x8192xi1>
    %or3A = arith.ori %gt3A_20, %and3A : vector<16x8192xi1>
    %ge3A_48 = arith.constant 0 : i32
    %ge3A_49 = vector.broadcast %ge3A_48 : i32 to vector<16x8192xi32>
    %ge3A_50 = arith.cmpi sge, %bitcast_convert_type3A_9, %ge3A_49 : vector<16x8192xi32>
    %broadcast_in_dim3A_51 = arith.constant 0 : i32
    %broadcast_in_dim3A_52 = vector.broadcast %broadcast_in_dim3A_51 : i32 to vector<16x1xi32>
    %scan3A_53 = arith.constant 0 : i32
    %scan3A_54 = arith.constant 31 : i32
    %scan3A_55 = arith.addi %scan3A_53, %scan3A_54 : i32
    %scan3A_56 = arith.constant 1 : i32
    %scan3A_57 = scf.for %scan3A_122 = %scan3A_53 to %scan3A_55 step %scan3A_56 iter_args(%scan3A_123 = %broadcast_in_dim3A_52) -> (vector<16x1xi32>)  : i32 {
      %sub3A_124 = arith.constant 30 : i32
      %sub3A_125 = arith.subi %sub3A_124, %scan3A_122 : i32
      %shift_left3A = arith.constant 1 : i32
      %shift_left3A_126 = arith.shli %shift_left3A, %sub3A_125 : i32
      %or3A_127 = vector.broadcast %shift_left3A_126 : i32 to vector<16x1xi32>
      %or3A_128 = arith.ori %scan3A_123, %or3A_127 : vector<16x1xi32>
      %ge3A_129 = vector.broadcast %or3A_128 : vector<16x1xi32> to vector<16x8192xi32>
      %ge3A_130 = arith.cmpi sge, %bitcast_convert_type3A_9, %ge3A_129 : vector<16x8192xi32>
      %and3A_131 = arith.andi %ge3A_50, %ge3A_130 : vector<16x8192xi1>
      %convert_element_type3A_132 = arith.extui %and3A_131 : vector<16x8192xi1> to vector<16x8192xi32>
      %reduce_sum3A_133 = arith.constant dense<0> : vector<16xi32>
      %reduce_sum3A_134 = vector.multi_reduction <add>, %convert_element_type3A_132, %reduce_sum3A_133 [1] : vector<16x8192xi32> to vector<16xi32>
      %broadcast_in_dim3A_135 = vector.shape_cast %reduce_sum3A_134 : vector<16xi32> to vector<16x1xi32>
      %ge3A_136 = arith.constant 64 : i32
      %ge3A_137 = vector.broadcast %ge3A_136 : i32 to vector<16x1xi32>
      %ge3A_138 = arith.cmpi sge, %broadcast_in_dim3A_135, %ge3A_137 : vector<16x1xi32>
      %select_n3A_139 = arith.select %ge3A_138, %or3A_128, %scan3A_123 : vector<16x1xi1>, vector<16x1xi32>
      scf.yield %select_n3A_139 : vector<16x1xi32>
    }
    %scan3A_58 = arith.constant 31 : i32
    %gt3A_59 = vector.broadcast %scan3A_57 : vector<16x1xi32> to vector<16x8192xi32>
    %gt3A_60 = arith.cmpi sgt, %bitcast_convert_type3A_9, %gt3A_59 : vector<16x8192xi32>
    %convert_element_type3A_61 = arith.extui %gt3A_60 : vector<16x8192xi1> to vector<16x8192xi32>
    %reduce_sum3A_62 = arith.constant dense<0> : vector<16xi32>
    %reduce_sum3A_63 = vector.multi_reduction <add>, %convert_element_type3A_61, %reduce_sum3A_62 [1] : vector<16x8192xi32> to vector<16xi32>
    %broadcast_in_dim3A_64 = vector.shape_cast %reduce_sum3A_63 : vector<16xi32> to vector<16x1xi32>
    %sub3A_65 = arith.constant 64 : i32
    %sub3A_66 = vector.broadcast %sub3A_65 : i32 to vector<16x1xi32>
    %sub3A_67 = arith.subi %sub3A_66, %broadcast_in_dim3A_64 : vector<16x1xi32>
    %eq3A_68 = vector.broadcast %scan3A_57 : vector<16x1xi32> to vector<16x8192xi32>
    %eq3A_69 = arith.cmpi eq, %bitcast_convert_type3A_9, %eq3A_68 : vector<16x8192xi32>
    %convert_element_type3A_70 = arith.extui %eq3A_69 : vector<16x8192xi1> to vector<16x8192xi32>
    %reduce_sum3A_71 = arith.constant dense<0> : vector<16xi32>
    %reduce_sum3A_72 = vector.multi_reduction <add>, %convert_element_type3A_70, %reduce_sum3A_71 [1] : vector<16x8192xi32> to vector<16xi32>
    %broadcast_in_dim3A_73 = vector.shape_cast %reduce_sum3A_72 : vector<16xi32> to vector<16x1xi32>
    %eq3A_74 = arith.cmpi eq, %broadcast_in_dim3A_73, %sub3A_67 : vector<16x1xi32>
    %reduce_and3A_75 = arith.constant 1.000000e+00 : f32
    %reduce_and3A_76 = arith.constant 0.000000e+00 : f32
    %reduce_and3A_77 = vector.broadcast %reduce_and3A_75 : f32 to vector<16x1xf32>
    %reduce_and3A_78 = vector.broadcast %reduce_and3A_76 : f32 to vector<16x1xf32>
    %reduce_and3A_79 = arith.select %eq3A_74, %reduce_and3A_77, %reduce_and3A_78 : vector<16x1xi1>, vector<16x1xf32>
    %reduce_and3A_80 = vector.shape_cast %reduce_and3A_79 : vector<16x1xf32> to vector<1x16x1xf32>
    %reduce_and3A_81 = arith.constant dense<0x7F800000> : vector<1xf32>
    %reduce_and3A_82 = vector.multi_reduction <minimumf>, %reduce_and3A_80, %reduce_and3A_81 [1, 2] : vector<1x16x1xf32> to vector<1xf32>
    %reduce_and3A_83 = vector.shape_cast %reduce_and3A_82 : vector<1xf32> to vector<1x1x1xf32>
    %reduce_and3A_84 = vector.extract %reduce_and3A_83[0, 0, 0] : f32 from vector<1x1x1xf32>
    %reduce_and3A_85 = arith.constant 0.000000e+00 : f32
    %reduce_and3A_86 = arith.cmpf ogt, %reduce_and3A_84, %reduce_and3A_85 : f32
    %convert_element_type3A_87 = arith.extui %reduce_and3A_86 : i1 to i32
    %cond3A_88 = arith.constant 0 : i32
    %cond3A_89 = arith.cmpi ne, %convert_element_type3A_87, %cond3A_88 : i32
    %cond3A_90 = scf.if %cond3A_89 -> (vector<16x1xi32>) {
      %broadcast_in_dim3A_122 = arith.constant 0 : i32
      %broadcast_in_dim3A_123 = vector.broadcast %broadcast_in_dim3A_122 : i32 to vector<16x1xi32>
      scf.yield %broadcast_in_dim3A_123 : vector<16x1xi32>
    } else {
      %broadcast_in_dim3A_122 = arith.constant 0 : i32
      %broadcast_in_dim3A_123 = vector.broadcast %broadcast_in_dim3A_122 : i32 to vector<16x1xi32>
      %scan3A_124 = arith.constant 0 : i32
      %scan3A_125 = arith.constant 13 : i32
      %scan3A_126 = arith.addi %scan3A_124, %scan3A_125 : i32
      %scan3A_127 = arith.constant 1 : i32
      %scan3A_128 = scf.for %scan3A_130 = %scan3A_124 to %scan3A_126 step %scan3A_127 iter_args(%scan3A_131 = %broadcast_in_dim3A_123) -> (vector<16x1xi32>)  : i32 {
        %sub3A_132 = arith.constant 12 : i32
        %sub3A_133 = arith.subi %sub3A_132, %scan3A_130 : i32
        %shift_left3A = arith.constant 1 : i32
        %shift_left3A_134 = arith.shli %shift_left3A, %sub3A_133 : i32
        %or3A_135 = vector.broadcast %shift_left3A_134 : i32 to vector<16x1xi32>
        %or3A_136 = arith.ori %scan3A_131, %or3A_135 : vector<16x1xi32>
        %ge3A_137 = vector.broadcast %or3A_136 : vector<16x1xi32> to vector<16x8192xi32>
        %ge3A_138 = arith.cmpi sge, %sub3A_11, %ge3A_137 : vector<16x8192xi32>
        %and3A_139 = arith.andi %eq3A_69, %ge3A_138 : vector<16x8192xi1>
        %convert_element_type3A_140 = arith.extui %and3A_139 : vector<16x8192xi1> to vector<16x8192xi32>
        %reduce_sum3A_141 = arith.constant dense<0> : vector<16xi32>
        %reduce_sum3A_142 = vector.multi_reduction <add>, %convert_element_type3A_140, %reduce_sum3A_141 [1] : vector<16x8192xi32> to vector<16xi32>
        %broadcast_in_dim3A_143 = vector.shape_cast %reduce_sum3A_142 : vector<16xi32> to vector<16x1xi32>
        %ge3A_144 = arith.cmpi sge, %broadcast_in_dim3A_143, %sub3A_67 : vector<16x1xi32>
        %select_n3A_145 = arith.select %ge3A_144, %or3A_136, %scan3A_131 : vector<16x1xi1>, vector<16x1xi32>
        scf.yield %select_n3A_145 : vector<16x1xi32>
      }
      %scan3A_129 = arith.constant 13 : i32
      scf.yield %scan3A_128 : vector<16x1xi32>
    }
    %ge3A_91 = vector.broadcast %cond3A_90 : vector<16x1xi32> to vector<16x8192xi32>
    %ge3A_92 = arith.cmpi sge, %sub3A_11, %ge3A_91 : vector<16x8192xi32>
    %and3A_93 = arith.andi %eq3A_69, %ge3A_92 : vector<16x8192xi1>
    %or3A_94 = arith.ori %gt3A_60, %and3A_93 : vector<16x8192xi1>
    %jit3A = arith.constant 0.000000e+00 : f32
    %broadcast_in_dim3A_95 = vector.broadcast %jit3A : f32 to vector<16x8192xf32>
    %select_n3A = arith.select %or3A, %broadcast_in_dim3A_95, %max3A_3 : vector<16x8192xi1>, vector<16x8192xf32>
    %reduce_sum3A_96 = arith.constant dense<0.000000e+00> : vector<16xf32>
    %reduce_sum3A_97 = vector.multi_reduction <add>, %select_n3A, %reduce_sum3A_96 [1] : vector<16x8192xf32> to vector<16xf32>
    %broadcast_in_dim3A_98 = vector.shape_cast %reduce_sum3A_97 : vector<16xf32> to vector<16x1xf32>
    %mul3A = arith.constant 6.260000e+00 : f32
    %mul3A_99 = vector.broadcast %mul3A : f32 to vector<16x1xf32>
    %mul3A_100 = arith.mulf %mul3A_99, %broadcast_in_dim3A_98 : vector<16x1xf32>
    %jit3A_101 = arith.constant 0.000000e+00 : f32
    %broadcast_in_dim3A_102 = vector.broadcast %jit3A_101 : f32 to vector<16x8192xf32>
    %select_n3A_103 = arith.select %or3A_94, %broadcast_in_dim3A_102, %max3A_8 : vector<16x8192xi1>, vector<16x8192xf32>
    %reduce_sum3A_104 = arith.constant dense<0.000000e+00> : vector<16xf32>
    %reduce_sum3A_105 = vector.multi_reduction <add>, %select_n3A_103, %reduce_sum3A_104 [1] : vector<16x8192xf32> to vector<16xf32>
    %broadcast_in_dim3A_106 = vector.shape_cast %reduce_sum3A_105 : vector<16xf32> to vector<16x1xf32>
    %mul3A_107 = arith.constant 6.260000e+00 : f32
    %mul3A_108 = vector.broadcast %mul3A_107 : f32 to vector<16x1xf32>
    %mul3A_109 = arith.mulf %mul3A_108, %broadcast_in_dim3A_106 : vector<16x1xf32>
    %add3A = vector.broadcast %mul3A_100 : vector<16x1xf32> to vector<16x8192xf32>
    %add3A_110 = arith.addf %max3A_3, %add3A : vector<16x8192xf32>
    %jit3A_111 = arith.constant 0.000000e+00 : f32
    %broadcast_in_dim3A_112 = vector.broadcast %jit3A_111 : f32 to vector<16x8192xf32>
    %select_n3A_113 = arith.select %or3A, %add3A_110, %broadcast_in_dim3A_112 : vector<16x8192xi1>, vector<16x8192xf32>
    %add3A_114 = vector.broadcast %mul3A_109 : vector<16x1xf32> to vector<16x8192xf32>
    %add3A_115 = arith.addf %max3A_8, %add3A_114 : vector<16x8192xf32>
    %jit3A_116 = arith.constant 0.000000e+00 : f32
    %broadcast_in_dim3A_117 = vector.broadcast %jit3A_116 : f32 to vector<16x8192xf32>
    %select_n3A_118 = arith.select %or3A_94, %add3A_115, %broadcast_in_dim3A_117 : vector<16x8192xi1>, vector<16x8192xf32>
    %sub3A_119 = arith.subf %select_n3A_113, %select_n3A_118 : vector<16x8192xf32>
    %swap3A = arith.constant 0 : index
    %swap3A_120 = arith.constant 0 : index
    %swap3A_121 = vector.load %arg2[%swap3A, %swap3A_120] : memref<16x8192xf32, #tpu.memory_space<vmem>>, vector<16x8192xf32>
    tpu.vector_store %arg2[%swap3A, %swap3A_120], %sub3A_119 {strides = array<i32>} : memref<16x8192xf32, #tpu.memory_space<vmem>>, vector<16x8192xf32>,
    return
  }
  func.func @transform_0(%arg0: i32) -> (i32, i32) {
    %c0_i32 = arith.constant 0 : i32
    %c0_i32_0 = arith.constant 0 : i32
    return %arg0, %c0_i32 : i32, i32
  }
  func.func @transform_1(%arg0: i32) -> (i32, i32) {
    %c0_i32 = arith.constant 0 : i32
    %c0_i32_0 = arith.constant 0 : i32
    return %arg0, %c0_i32 : i32, i32
  }
}

</mosaic_0001>

<sc_bundles>
// kernel: kernel.4.cloned.1.call-start
scs
__scs_entry_jumppad:
0x0: {  	(pc) =	sbr.rel $0x88, $3  }
0x1: {  	(tag) =	ssettag $0x0;
	lr =	simm.s32 $0x1  }
0x2: {  	[smem:$0x3FA0] =	sst lr;
	_ =	strace $0xD0000000  }
0x3: {  	_ = 	snop  }
0x4: {  	_ = 	snop  }
0x5: {  	_ = 	snop  }
0x6: {  	_ = 	snop  }
0x7: {  	_ = 	snop  }
__scs_overlays_trampoline_lowered:
0x8: {  	[smem:$0x3FAF] =	sst s0  }
0x9: {  	[smem:$0x3FB0] =	sst s1  }
0xa: {  	[smem:$0x3FB1] =	sst s2  }
0xb: {  	[smem:$0x3FB2] =	sst s3  }
0xc: {  	[smem:$0x3FB3] =	sst s4  }
0xd: {  	[smem:$0x3FB4] =	sst s5  }
0xe: {  	[smem:$0x3FB5] =	sst s6  }
0xf: {  	[smem:$0x3FB6] =	sst s7  }
0x10: {  	[smem:$0x3FB7] =	sst s8  }
0x11: {  	[smem:$0x3FB8] =	sst s9;
	s0 =	simm.s32 @!p0 $0x0  }
0x12: {  	s1 =	sld [smem:$0x3F9E];
	s0 =	simm.s32 @p0 $0x1  }
0x13: {  	[smem:$0x3FB9] =	sst s0;
	s0 =	simm.s32 @!p1 $0x0  }
0x14: {  	s2 =	sld [smem:$0x3F9D];
	s0 =	simm.s32 @p1 $0x1  }
0x15: {  	[smem:$0x3FBA] =	sst s0;
	s0 =	simm.s32 @!p2 $0x0  }
0x16: {  	s3 =	sld [smem:$0x3FDB];
	s0 =	simm.s32 @p2 $0x1  }
0x17: {  	s4 =	simm.s32 $0x1BF5;
	[smem:$0x3FBC] =	sst s0  }
0x18: {  	s0 =	sld [smem:$0x3F9F];
	_ =	swait.ge [sflag:s4], $0x0  }
0x19: {  	s7 =	sld [smem:$0x3FA0]  }
0x1a: {  	s8 =	sadd.s32 $0xFFFFE003, lr  }
0x1b: {  	s9 =	sadd.s32 $0xFFFFFEF7, lr;
	s5 =	simm.s32 $0xFFFFFFFF;
	p2 =	slt.u32 s8, $0xFFFFF086  }
0x1c: {  	p1 =	slt.u32 s9, $0xF7A;
	s5 =	simm.s32 @!p2 $0x0  }
0x1d: {  	s5 =	simm.s32 @p1 $0x1;
	p0 =	seq.s32 s7, s2  }
0x1e: {  	s7 =	smul.u32 @!p0 $0xF7A, s2;
	p2 =	seq.s32 @!p0 s5, $0x0  }
0x1f: {  	s9 =	smul.u32 $0xF7A, s1;
	s8 =	simm.s32 @!p0 $0x1BF5;
	p2 =	por !p2, p0  }
0x20: {  	[sflag:s8] =	ssyncset.s32 @!p0 $0xFFFFF086;
	s6 =	sadd.s32 @!p0 s3, s7;
	s7 =	simm.s32 @!p0 $0x108  }
0x21: {  	s3 =	sadd.s32 s3, s9;
	s6 =	sadd.s32 @!p0 $0x88, s6;
	s7 =	simm.s32 @p2 $0x1082  }
0x22: {  	[simem:s7], [sflag:s8] =	dma.local @!p0 [hbm:s6], $0xF7A  }
0x23: {  	s9 =	sor.u32 $0xD0000000, s2;
	s6 =	simm.s32 $0x108;
	_ =	swait.ge @!p0 [sflag:s8], $0x0  }
0x24: {  	s3 =	sadd.s32 $0x88, s3;
	s6 =	simm.s32 @!p1 $0x1082;
	[sflag:s4] =	ssyncset.s32 $0xFFFFF086  }
0x25: {  	[simem:s6], [sflag:s4] =	dma.local [hbm:s3], $0xF7A  }
0x26: {  	[smem:$0x3FA0] =	sst s1;
	(tag) =	ssettag s2;
	_ =	strace s9  }
0x27: {  	s1 =	sld [smem:$0x3FB0]  }
0x28: {  	s2 =	sld [smem:$0x3FB1]  }
0x29: {  	s4 =	sld [smem:$0x3FB3]  }
0x2a: {  	p0 =	seq.s32 s5, $0x0;
	s5 =	sld [smem:$0x3FB4]  }
0x2b: {  	s6 =	sld [smem:$0x3FB5]  }
0x2c: {  	s7 =	sld [smem:$0x3FB6]  }
0x2d: {  	s3 =	simm.s32 $0x108;
	s8 =	sld [smem:$0x3FB7]  }
0x2e: {  	s3 =	simm.s32 @!p0 $0x1082;
	s9 =	sld [smem:$0x3FB8]  }
0x2f: {  	lr =	sadd.s32 s0, s3;
	s0 =	sld [smem:$0x3FAF]  }
0x30: {  	s3 =	sld [smem:$0x3FB2]  }
0x31: {  	[smem:$0x3FBB] =	sst s10  }
0x32: {  	s10 =	sld [smem:$0x3FB9];
	_ =	sdelay $0x3  }
0x33: {  	p0 =	seq.s32 s10, $0x1;
	s10 =	sld [smem:$0x3FBB];
	_ =	sdelay $0x3  }
0x34: {  	[smem:$0x3FBB] =	sst s10  }
0x35: {  	s10 =	sld [smem:$0x3FBA];
	_ =	sdelay $0x3  }
0x36: {  	p1 =	seq.s32 s10, $0x1;
	s10 =	sld [smem:$0x3FBB];
	_ =	sdelay $0x3  }
0x37: {  	[smem:$0x3FBB] =	sst s10  }
0x38: {  	s10 =	sld [smem:$0x3FBC]  }
0x39: {  	_ = 	snop;
	(pc) =	sbr.ind lr, $3  }
0x3a: {  	_ = 	snop  }
0x3b: {  	_ = 	snop  }
0x3c: {  	p2 =	seq.s32 s10, $0x1;
	s10 =	sld [smem:$0x3FBB]  }
0x3d: {  	_ =	shalt  }
0x3e: {  	_ =	shalt  }
0x3f: {  	_ =	shalt  }
0x40: {  	_ =	shalt  }
0x41: {  	_ =	shalt  }
0x42: {  	_ =	shalt  }
0x43: {  	_ =	shalt  }
0x44: {  	_ =	shalt  }
0x45: {  	_ =	shalt  }
0x46: {  	_ =	shalt  }
0x47: {  	_ =	shalt  }
0x48: {  	_ =	shalt  }
0x49: {  	_ =	shalt  }
0x4a: {  	_ =	shalt  }
0x4b: {  	_ =	shalt  }
0x4c: {  	_ =	shalt  }
0x4d: {  	_ =	shalt  }
0x4e: {  	_ =	shalt  }
0x4f: {  	_ =	shalt  }
0x50: {  	_ =	shalt  }
0x51: {  	_ =	shalt  }
0x52: {  	_ =	shalt  }
0x53: {  	_ =	shalt  }
0x54: {  	_ =	shalt  }
0x55: {  	_ =	shalt  }
0x56: {  	_ =	shalt  }
0x57: {  	_ =	shalt  }
0x58: {  	_ =	shalt  }
0x59: {  	_ =	shalt  }
0x5a: {  	_ =	shalt  }
0x5b: {  	_ =	shalt  }
0x5c: {  	_ =	shalt  }
0x5d: {  	_ =	shalt  }
0x5e: {  	_ =	shalt  }
0x5f: {  	_ =	shalt  }
0x60: {  	_ =	shalt  }
0x61: {  	_ =	shalt  }
0x62: {  	_ =	shalt  }
0x63: {  	_ =	shalt  }
0x64: {  	_ =	shalt  }
0x65: {  	_ =	shalt  }
0x66: {  	_ =	shalt  }
0x67: {  	_ =	shalt  }
0x68: {  	_ =	shalt  }
0x69: {  	_ =	shalt  }
0x6a: {  	_ =	shalt  }
0x6b: {  	_ =	shalt  }
0x6c: {  	_ =	shalt  }
0x6d: {  	_ =	shalt  }
0x6e: {  	_ =	shalt  }
0x6f: {  	_ =	shalt  }
0x70: {  	_ =	shalt  }
0x71: {  	_ =	shalt  }
0x72: {  	_ =	shalt  }
0x73: {  	_ =	shalt  }
0x74: {  	_ =	shalt  }
0x75: {  	_ =	shalt  }
0x76: {  	_ =	shalt  }
0x77: {  	_ =	shalt  }
0x78: {  	_ =	shalt  }
0x79: {  	_ =	shalt  }
0x7a: {  	_ =	shalt  }
0x7b: {  	_ =	shalt  }
0x7c: {  	_ =	shalt  }
0x7d: {  	_ =	shalt  }
0x7e: {  	_ =	shalt  }
0x7f: {  	_ =	shalt  }
0x80: {  	_ =	shalt  }
0x81: {  	_ =	shalt  }
0x82: {  	_ =	shalt  }
0x83: {  	_ =	shalt  }
0x84: {  	_ =	shalt  }
0x85: {  	_ =	shalt  }
0x86: {  	_ =	shalt  }
0x87: {  	_ =	shalt  }
.Lfunc_end0:
.L_simem_size_0:
called_computation_lowered:
.L_overlay_start_0:
0x88: {  	s2 =	sld [smem:$0x3FD9]  }
0x89: {  	s3 =	sld [smem:$0x3FFE];
	_ =	sdelay $0x1  }
0x8a: {  	s1 =	srdreg.scid  }
0x8b: {  	s0 =	sand.u32 $0x1, s1  }
0x8c: {  	s17 =	sshll.u32 s0, $0xA;
	s2 =	sadd.s32 s3, s2  }
0x8d: {  	s2 =	sadd.s32 s2, s17  }
0x8e: {  	[smem:$0x3FC7] =	sst s2  }
0x8f: {  	_ = 	snop  }
0x90: {  	s2 =	sld [smem:$0x3FD0];
	(tm) =	ssettm $0x1  }
0x91: {  	s18 =	sld [smem:$0x3FFB];
	_ =	sdelay $0x3  }
0x92: {  	_ =	strace s18  }
0x93: {  	s3 =	sld [smem:$0x3FFC];
	_ =	sdelay $0x3  }
0x94: {  	_ =	strace s3  }
0x95: {  	s3 =	sld [smem:$0x3FFD];
	_ =	sdelay $0x3  }
0x96: {  	_ =	strace s3  }
0x97: {  	_ =	strace $0x8FFFFFFF  }
0x98: {  	s19 =	sld [smem:$0x3FDB];
	_ =	sdelay $0x1  }
0x99: {  	s4 =	simm.s32 $_scs_section_size  }
0x9a: {  	s5 =	simm.s32 $_size__tile_overlayer_lowered;
	s6 =	simm.s32 $_tile_overlayer_lowered  }
0x9b: {  	s22 =	simm.s32 $0x1BFF;
	s21 =	sshll.u32 s6, $0x1;
	s3 =	sadd.s32 s4, s19  }
0x9c: {  	s7 =	simm.s32 $0x0;
	s20 =	sshll.u32 s5, $0x1;
	s5 =	sadd.s32 s21, s3  }
0x9d: {  	[timem:s7], [sflag:s22] =	dma.local [hbm:s5], s20  }
0x9e: {  	_ =	swait.ge [sflag:s22], s20  }
0x9f: {  	s4 =	ssub.s32 $0x0, s20;
	[sflag:s22] =	ssyncset.done $0x0  }
0xa0: {  	[sflag:s22] =	ssyncadd.s32 s4;
	_ =	sdelay $0x1  }
0xa1: {  	s23 =	simm.s32 $0x1B8B  }
0xa2: {  	_ =	swait.ge [sflag:s23], $0x1  }
0xa3: {  	[sflag:s23] =	ssyncset.done $0x0  }
0xa4: {  	s25 =	simm.s32 $0x1B8E;
	s24 =	sld [smem:$0x3FFE];
	[sflag:s23] =	ssyncadd.s32 $0xFFFFFFFF  }
0xa5: {  	s26 =	simm.s32 $execute0_lowered;
	[smem:$0x3FD2] =	sst s25  }
0xa6: {  	s5 =	sshll.u32 s26, $0x1;
	_ =	strace $0x80000046;
	[dreg:$0x1] =	wrdreg $0xFFFFFFFF  }
0xa7: {  	s28 =	simm.s32 $_size_execute0_lowered;
	s3 =	sadd.s32 s3, s5;
	[dreg:$0x0] =	wrdreg $0x0  }
0xa8: {  	s5 =	sshll.u32 s28, $0x1;
	[dreg:$0x2] =	wrdreg s3  }
0xa9: {  	[dreg:$0x3] =	wrdreg s5  }
0xaa: {  	[dreg:$0x4] =	wrdreg $0xC0  }
0xab: {  	_ =	task [dreg:s7], $0x5FFFF  }
0xac: {  	[dreg:$0x1] =	wrdreg $0xFFFFFFFF  }
0xad: {  	[dreg:$0x0] =	wrdreg $0x60  }
0xae: {  	[dreg:$0x2] =	wrdreg s2  }
0xaf: {  	[dreg:$0x3] =	wrdreg s24  }
0xb0: {  	[dreg:$0x4] =	wrdreg $0x9  }
0xb1: {  	_ =	task.clear_ibuf [dreg:s7], $0x5FFFF;
	_ =	strace $0x90000046  }
0xb2: {  	s29 =	simm.s32 $0x9;
	_ =	strace $0x80000048  }
0xb3: {  	_ =	swait.ge [sflag:s29], $0x1  }
0xb4: {  	[sflag:s29] =	ssyncadd.s32 $0xFFFFFFFF  }
0xb5: {  	_ =	strace $0x90000048  }
0xb6: {  	_ =	sfence  }
0xb7: {  	s30 =	sld [smem:$0x0];
	_ =	sdelay $0x2  }
0xb8: {  	s31 =	sshll.u32 s1, $0xD;
	s1 =	sshrl.u32 s1, $0x2  }
0xb9: {  	s3 =	sand.u32 $0x4000, s31;
	s1 =	sadd.s32 s1, s30  }
0xba: {  	s0 =	sor.u32 s3, s0;
	s1 =	sshll.u32 s1, $0x11  }
0xbb: {  	s0 =	sor.u32 s1, s0  }
0xbc: {  	s0 =	sadd.s32 $0x8F2B, s0  }
0xbd: {  	[sflag:s0] =	ssyncadd.remote.s32 $0x1  }
0xbe: {  	_ =	sfence.sel $0xFFFF  }
0xbf: {  	[dreg:$0x0] =	wrdreg $0xFFFFFFFF;
	(pc) =	sbr.abs _section_cstart, $3  }
0xc0: {  	[dreg:$0x1] =	wrdreg $0xFFFFFFFF  }
0xc1: {  	_ =	task.clear_ibuf [dreg:s7], $0x2FFFF;
	_ =	strace $0x9FFFFFFF  }
0xc2: {  	(tm) =	ssettm $0x7FFFFFFF  }
0xc3: {  	_ =	shalt  }
tec
execute0_lowered:
.L_overlay_start_1:
0x0: {  	(tag) =	ssettag $0x1  }
0x1: {  	v0 =	vlaneseq.u32  }
0x2: {  	v9 =	vmul.u32 $0xFFFFFFFF, v0  }
0x3: {  	s2 =	simm.s32 $0x0  }
0x4: {  	[smem:$0x7FF] =	sst s2;
	v2 =	vadd.s32 $0x1FFF, v9  }
0x5: {  	s0 =	rddreg [dreg:$0x1];
	_ =	strace $0x80000047;
	v3 =	vadd.s32 $0x1FEF, v9;
	[tilespmem:$0x1FF80] =	vst v2  }
0x6: {  	s1 =	srdreg.scid;
	s4 =	stileid.u32;
	s5 =	simm.s32 $0x400;
	v4 =	vadd.s32 $0x1FDF, v9;
	[tilespmem:$0x1FF90] =	vst v3  }
0x7: {  	s9 =	simm.s32 $0x1;
	s1 =	sand.u32 $0x1, s1;
	s4 =	sshll.u32 s4, $0x1;
	v5 =	vadd.s32 $0x1FCF, v9;
	[tilespmem:$0x1FFA0] =	vst v4  }
.Ltmp0:
0x8: {  	s30 =	ssub.s32 $0x2, s1;
	s1 =	sor.u32 s1, s4;
	v6 =	vadd.s32 $0x1FBF, v9;
	[tilespmem:$0x1FFB0] =	vst v5;
	(pc) =	sbr.rel .LBB2_1-.Ltmp0, $4  }
0x9: {  	s0 =	sadd.s32 $0x400, s0;
	s3 =	sshrl.u32 s30, $0x1;
	s1 =	smul.u32 $0x3, s1;
	v7 =	vadd.s32 $0x1FAF, v9;
	[tilespmem:$0x1FFC0] =	vst v6  }
0xa: {  	s10 =	simm.s32 $0x4000;
	[dreg:$0x3] =	wrdreg s0;
	v8 =	vadd.s32 $0x1F9F, v9;
	s31 =	ssub.s32 s30, s3;
	[tilespmem:$0x1FFD0] =	vst v7  }
0xb: {  	s11 =	simm.s32 $0x6080;
	v9 =	vadd.s32 $0x1F8F, v9;
	[tilespmem:$0x1FFE0] =	vst v8;
	[dreg:$0x4] =	wrdreg s1;
	s0 =	smax.u32 s31, $0x1  }
0xc: {  	v1 =	vimm.s32 $0x0;
	s4 =	simm.s32 $0x80;
	[tilespmem:$0x1FFF0] =	vst v9;
	s1 =	simm.s32 $0x0;
	[dreg:$0x5] =	wrdreg s0  }
.LBB2_48:
0xd: {  	s1 =	rddreg [dreg:$0x6]  }
0xe: {  	s0 =	rddreg [dreg:$0x5];
	s1 =	sadd.s32 $0x1, s1  }
0xf: {  	p0 =	sne.s32 s1, s0  }
.Ltmp1:
0x10: {  	_ = 	snop;
	(pc) =	sbr.rel @!p0 .LBB2_49-.Ltmp1, $1  }
0x11: {  	_ =	sdelay $0x3  }
.LBB2_1:
.Ltmp2:
0x12: {  	(pc) =	sbr.rel .LBB2_2-.Ltmp2, $2  }
0x13: {  	_ =	sdelay $0x2  }
0x14: {  	[dreg:$0x6] =	wrdreg s1;
	s14 =	simm.s32 $0x0  }
.LBB2_47:
0x15: {  	s14 =	sadd.s32 $0x1, s14  }
0x16: {  	s0 =	rddreg [dreg:$0x3];
	p0 =	sne.s32 s14, $0x3  }
.Ltmp3:
0x17: {  	s1 =	simm.s32 $0x2000;
	s0 =	sadd.s32 s0, s6;
	(pc) =	sbr.rel @!p0 .LBB2_48-.Ltmp3, $4  }
0x18: {  	[hbm4b:s0+s4] =	stream.strided.scatter [tilespmem:s1], [sflag:$0x1], $0x2000, s5, s4, $0x38;
	[tilespmem:$0x8100] =	vst v63  }
0x19: {  	_ =	swait.ge [sflag:s9], $0x2000  }
0x1a: {  	[sflag:s9] =	ssyncset.done $0x0  }
0x1b: {  	[sflag:s9] =	ssyncadd.s32 $0xFFFFE000  }
.LBB2_2:
0x1c: {  	s0 =	rddreg [dreg:$0x4]  }
0x1d: {  	s0 =	sadd.s32 s0, s14  }
0x1e: {  	s1 =	sshll.u32 s0, $0xA;
	s0 =	sshll.u32 s0, $0x4  }
0x1f: {  	s1 =	sand.u32 $0xFFFE000, s1;
	s0 =	sand.u32 $0x70, s0  }
0x20: {  	s30 =	rddreg [dreg:$0x0];
	s7 =	sor.u32 s0, s1  }
0x21: {  	s31 =	simm.s32 $0x0;
	s0 =	sadd.s32 s30, s7  }
0x22: {  	[tilespmem:s31], [sflag:$0x1] =	stream.strided.gather [hbm4b:s0+s4], $0x2000, s5, s4, $0x38;
	[tilespmem:$0x8100] =	vst v63  }
0x23: {  	v15 =	vimm.f32 $0.0e+00;
	v16 =	vimm.s32 $0x0;
	_ =	swait.ge [sflag:s9], $0x2000  }
0x24: {  	v14 =	vimm.s32 $0x0;
	v20 =	vimm.s32 $0x0;
	v12 =	vimm.s32 $0x0;
	[sflag:s9] =	ssyncset.done $0x0  }
0x25: {  	s2 =	simm.s32 $0x40;
	v17 =	vimm.f32 $0.0e+00;
	v18 =	vimm.f32 $0.0e+00;
	v19 =	vimm.f32 $0.0e+00;
	s0 =	simm.s32 $0xFFFFFFF8;
	[sflag:s9] =	ssyncadd.s32 $0xFFFFE000  }
.LBB2_3:
0x26: {  	v10 =	vld [tilespmem:s2+$0xFFFFFFC0]  }
0x27: {  	v23 =	vld [tilespmem:s2+$0xFFFFFFD0]  }
0x28: {  	v37 =	vld [tilespmem:s2+$0xFFFFFFF0];
	_ =	sdelay $0x3  }
0x29: {  	v21 =	vmax.f32 v10, $0.0e+00;
	v10 =	vsub.f32 $0.0e+00, v10;
	v25 =	vmax.f32 v23, $0.0e+00  }
0x2a: {  	v23 =	vsub.f32 $0.0e+00, v23;
	v56 =	vmax.f32 v37, $0.0e+00;
	v13 =	vand.u32 $0x7FFFFFFF, v21  }
0x2b: {  	v37 =	vsub.f32 $0.0e+00, v37;
	v19 =	vadd.f32 v21, v19;
	vm5 =	vgt.u32 v13, $0x3FFFFFFF  }
0x2c: {  	v22 =	vmax.f32 v10, $0.0e+00;
	vm0 =	vle.u32 v13, $0x3FFFFFFF;
	v23 =	vmax.f32 v23, $0.0e+00  }
0x2d: {  	v37 =	vmax.f32 v37, $0.0e+00;
	v11 =	vsel vm5, $0x1, v1;
	v10 =	vand.u32 $0x7FFFFFFF, v22  }
0x2e: {  	v27 =	vmpcnt.ones.xlane vm5;
	v18 =	vadd.f32 v22, v18;
	(xrf0) =	vadd.scan.msk.s32 $0xffff, v11;
	vm1 =	vgt.u32 v10, $0x3FFFFFFF  }
0x2f: {  	v21 =	vnsel vm5, $0x0, v21;
	v19 =	vadd.f32 v25, v19;
	v11 =	vsel vm1, $0x1, v1  }
0x30: {  	v31 =	vld [tilespmem:s2+$0xFFFFFFE0];
	v42 =	vand.u32 $0x7FFFFFFF, v37;
	vm9 =	vle.u32 v10, $0x3FFFFFFF;
	v17 =	vadd.f32 v21, v17;
	(xrf0) =	vadd.scan.msk.s32 $0xffff, v11  }
0x31: {  	vm13 =	vgt.u32 v42, $0x3FFFFFFF;
	v28 =	vadd.s32 v12, v27;
	v11 =	vimm.s32 $0x0  }
0x32: {  	v30 =	vmpcnt.ones.xlane vm1;
	v22 =	vnsel vm1, $0x0, v22;
	v11 =	vsel vm0, $0xFFFFFFFF, v11  }
0x33: {  	v18 =	vadd.f32 v23, v18;
	v60 =	vsel vm13, $0x1, v1;
	[tilespmem:$0x1FF60] =	vst v11;
	v11 =	vimm.s32 $0x0  }
0x34: {  	v47 =	vmpcnt.ones.xlane vm13;
	v21 =	vadd.f32 v22, v15;
	v11 =	vsel vm9, $0xFFFFFFFF, v11;
	v24, _, _ =	vpop (xrf0)  }
0x35: {  	v22 =	vmax.f32 v31, $0.0e+00;
	v31 =	vsub.f32 $0.0e+00, v31;
	[tilespmem:$0x1FF70] =	vst v11;
	v11 =	vadd.s32 v24, v12  }
0x36: {  	v32 =	vadd.s32 v14, v30;
	v26 =	vadd.s32 $0xFFFFFFFF, v11;
	v11 =	vand.u32 $0x7FFFFFFF, v25;
	v12, _, _ =	vpop (xrf0)  }
0x37: {  	v19 =	vadd.f32 v22, v19;
	vm3 =	vgt.u32 v11, $0x3FFFFFFF;
	v52 =	vadd.s32 v12, v14  }
0x38: {  	v53 =	vsub.s32 v12, v16;
	v12 =	vand.u32 $0x7FFFFFFF, v23;
	v29 =	vsel vm3, $0x1, v1  }
0x39: {  	vm0 =	vle.u32 v42, $0x3FFFFFFF;
	v31 =	vmax.f32 v31, $0.0e+00;
	vm4 =	vgt.u32 v12, $0x3FFFFFFF;
	(xrf0) =	vadd.scan.msk.s32 $0xffff, v29  }
0x3a: {  	v18 =	vadd.f32 v31, v18;
	v29 =	vadd.s32 v2, v53;
	v14 =	vsel vm4, $0x1, v1;
	v53 =	vld [tilespmem:$0x1FF60]  }
0x3b: {  	v19 =	vadd.f32 v56, v19;
	v24 =	vsub.s32 v24, v20;
	v20 =	vsub.s32 v20, v27;
	(xrf0) =	vadd.scan.msk.s32 $0xffff, v14  }
0x3c: {  	v24 =	vadd.s32 v2, v24;
	v16 =	vsub.s32 v16, v30;
	vm2 =	vle.u32 v11, $0x3FFFFFFF  }
0x3d: {  	v27 =	vadd.s32 $0xFFFFFFFF, v52;
	vm7 =	vle.u32 v12, $0x3FFFFFFF;
	v33 =	vmpcnt.ones.xlane vm3  }
0x3e: {  	v25 =	vnsel vm3, $0x0, v25;
	v36 =	vmpcnt.ones.xlane vm4;
	v23 =	vnsel vm4, $0x0, v23  }
0x3f: {  	v17 =	vadd.f32 v25, v17;
	v21 =	vadd.f32 v23, v21;
	[tilespmem:v26+s10+$0x0] =	vst.idx.msk vm5, v13;
	vm5 =	vnez.u8 v53;
	v14, _, _ =	vpop (xrf0)  }
0x40: {  	v15 =	vadd.s32 v14, v28;
	v54 =	vsub.s32 v14, v20;
	v14 =	vand.u32 $0x7FFFFFFF, v22  }
0x41: {  	v28 =	vadd.s32 v28, v33;
	v20 =	vsub.s32 v20, v33;
	v55, _, _ =	vpop (xrf0);
	vm8 =	vgt.u32 v14, $0x3FFFFFFF  }
0x42: {  	v34 =	vadd.s32 $0xFFFFFFFF, v15;
	v30 =	vadd.s32 v3, v54;
	v35 =	vadd.s32 v55, v32  }
0x43: {  	v33 =	vsub.s32 v55, v16;
	v32 =	vadd.s32 v32, v36;
	v15 =	vsel vm8, $0x1, v1  }
0x44: {  	v49 =	vld [tilespmem:s2+$0x10];
	v16 =	vsub.s32 v16, v36;
	vm12 =	vle.u32 v14, $0x3FFFFFFF;
	(xrf0) =	vadd.scan.msk.s32 $0xffff, v15;
	v15 =	vand.u32 $0x7FFFFFFF, v31  }
0x45: {  	v54 =	vnsel vm13, $0x0, v37;
	v35 =	vadd.s32 $0xFFFFFFFF, v35;
	vm9 =	vgt.u32 v15, $0x3FFFFFFF  }
0x46: {  	v33 =	vadd.s32 v3, v33;
	v22 =	vnsel vm8, $0x0, v22;
	v38 =	vsel vm9, $0x1, v1  }
0x47: {  	v39 =	vmpcnt.ones.xlane vm8;
	v17 =	vadd.f32 v22, v17;
	vm10 =	vle.u32 v15, $0x3FFFFFFF;
	(xrf0) =	vadd.scan.msk.s32 $0xffff, v38  }
0x48: {  	[tilespmem:v24+s10+$0x0] =	vst.idx.msk vm5, v13;
	v13 =	vadd.f32 v37, v18;
	v41 =	vmpcnt.ones.xlane vm9;
	v38 =	vand.u32 $0x7FFFFFFF, v56  }
0x49: {  	v31 =	vnsel vm9, $0x0, v31;
	[tilespmem:v27+s11+$0x0] =	vst.idx.msk vm1, v10;
	v27 =	vmax.f32 v49, $0.0e+00;
	vm11 =	vgt.u32 v38, $0x3FFFFFFF  }
0x4a: {  	v43 =	vld [tilespmem:s2+$0x0];
	v21 =	vadd.f32 v31, v21;
	vm6 =	vle.u32 v38, $0x3FFFFFFF;
	v18 =	vnsel vm11, $0x0, v56  }
0x4b: {  	v40 =	vsel vm11, $0x1, v1;
	v44 =	vmpcnt.ones.xlane vm11;
	v23, _, _ =	vpop (xrf0);
	v17 =	vadd.f32 v18, v17  }
0x4c: {  	v18 =	vadd.f32 v54, v21;
	v57 =	vadd.s32 v23, v28;
	v23 =	vsub.s32 v23, v20  }
0x4d: {  	(xrf0) =	vadd.scan.msk.s32 $0xffff, v40;
	v28 =	vadd.s32 v28, v39;
	v20 =	vsub.s32 v20, v39;
	v36 =	vadd.s32 $0xFFFFFFFF, v57;
	v58, _, _ =	vpop (xrf0)  }
0x4e: {  	v23 =	vadd.s32 v4, v23;
	v59 =	vadd.s32 v58, v32;
	v39 =	vsub.s32 v58, v16  }
0x4f: {  	[tilespmem:v34+s10+$0x0] =	vst.idx.msk vm3, v11;
	v32 =	vadd.s32 v32, v41;
	v16 =	vsub.s32 v16, v41;
	v41 =	vmax.f32 v43, $0.0e+00  }
0x50: {  	[tilespmem:v30+s10+$0x0] =	vst.idx.msk vm2, v11;
	v43 =	vsub.f32 $0.0e+00, v43;
	v58 =	vand.u32 $0x7FFFFFFF, v27;
	v40 =	vadd.s32 $0xFFFFFFFF, v59  }
0x51: {  	[tilespmem:v35+s11+$0x0] =	vst.idx.msk vm4, v12;
	v57 =	vld [tilespmem:$0x1FF70];
	v39 =	vadd.s32 v4, v39;
	v45 =	vand.u32 $0x7FFFFFFF, v41;
	v50 =	vadd.s32 v32, v47  }
0x52: {  	[tilespmem:v33+s11+$0x0] =	vst.idx.msk vm7, v12;
	v59 =	vsub.f32 $0.0e+00, v49;
	v12 =	vadd.f32 v41, v19;
	vm7 =	vle.u32 v58, $0x3FFFFFFF  }
0x53: {  	(xrf0) =	vadd.scan.msk.s32 $0xffff, v60;
	v22, _, _ =	vpop (xrf0);
	vm14 =	vgt.u32 v45, $0x3FFFFFFF;
	v43 =	vmax.f32 v43, $0.0e+00;
	vm5 =	vle.u32 v45, $0x3FFFFFFF  }
0x54: {  	v61 =	vadd.s32 v22, v28;
	v22 =	vsub.s32 v22, v20;
	v28 =	vadd.s32 v28, v44  }
0x55: {  	v46 =	vsel vm14, $0x1, v1;
	v20 =	vsub.s32 v20, v44;
	v48 =	vand.u32 $0x7FFFFFFF, v43  }
0x56: {  	v56 =	vmpcnt.ones.xlane vm14;
	vm1 =	vnez.u8 v57;
	v34 =	vmax.f32 v59, $0.0e+00  }
0x57: {  	v19 =	vnsel vm14, $0x0, v41;
	v13 =	vadd.f32 v43, v13;
	v12 =	vadd.f32 v27, v12  }
0x58: {  	v41 =	vld [tilespmem:s2+$0x20];
	v31 =	vadd.s32 $0xFFFFFFFF, v61;
	v22 =	vadd.s32 v5, v22;
	vm15 =	vgt.u32 v48, $0x3FFFFFFF  }
0x59: {  	vm4 =	vle.u32 v48, $0x3FFFFFFF;
	v17 =	vadd.f32 v19, v17;
	v62, _, _ =	vpop (xrf0);
	v51 =	vsel vm15, $0x1, v1  }
0x5a: {  	(xrf0) =	vadd.scan.msk.s32 $0xffff, v46;
	v11 =	vsub.s32 v20, v56;
	v60 =	vmpcnt.ones.xlane vm15;
	v63 =	vadd.s32 v62, v32  }
0x5b: {  	v44 =	vsub.s32 v62, v16;
	v16 =	vsub.s32 v16, v47;
	(xrf0) =	vadd.scan.msk.s32 $0xffff, v51;
	v52 =	vadd.s32 $0xFFFFFFFF, v63  }
0x5c: {  	[tilespmem:v36+s10+$0x0] =	vst.idx.msk vm8, v14;
	v55 =	vadd.s32 v5, v44;
	v26 =	vadd.s32 v50, v60;
	v63 =	vand.u32 $0x7FFFFFFF, v34  }
0x5d: {  	[tilespmem:v23+s10+$0x0] =	vst.idx.msk vm12, v14;
	vm2 =	vgt.u32 v63, $0x3FFFFFFF;
	v44 =	vmax.f32 v41, $0.0e+00;
	v46 =	vsub.f32 $0.0e+00, v41  }
0x5e: {  	[tilespmem:v29+s11+$0x0] =	vst.idx.msk vm1, v10;
	vm1 =	vgt.u32 v58, $0x3FFFFFFF;
	v19 =	vsel vm2, $0x1, v1;
	v47 =	vand.u32 $0x7FFFFFFF, v44  }
0x5f: {  	[tilespmem:v31+s10+$0x0] =	vst.idx.msk vm11, v38;
	v51 =	vmpcnt.ones.xlane vm2;
	v61 =	vsel vm1, $0x1, v1;
	v23 =	vmpcnt.ones.xlane vm1  }
0x60: {  	v21, _, _ =	vpop (xrf0);
	[tilespmem:v22+s10+$0x0] =	vst.idx.msk vm6, v38;
	vm6 =	vgt.u32 v47, $0x3FFFFFFF;
	v31 =	vmax.f32 v46, $0.0e+00;
	(xrf0) =	vadd.scan.msk.s32 $0xffff, v61  }
0x61: {  	v49 =	vld [tilespmem:s2+$0x30];
	v10 =	vadd.s32 v21, v28;
	v21 =	vsub.s32 v21, v20;
	v28 =	vadd.s32 v28, v56;
	v20, _, _ =	vpop (xrf0)  }
0x62: {  	(xrf0) =	vadd.scan.msk.s32 $0xffff, v19;
	v10 =	vadd.s32 $0xFFFFFFFF, v10;
	v62 =	vadd.s32 v20, v50;
	v20 =	vsub.s32 v20, v16  }
0x63: {  	[tilespmem:v40+s11+$0x0] =	vst.idx.msk vm9, v15;
	v19 =	vadd.s32 v6, v21;
	v14 =	vadd.s32 v6, v20;
	v20 =	vnsel vm15, $0x0, v43  }
0x64: {  	[tilespmem:v39+s11+$0x0] =	vst.idx.msk vm10, v15;
	v53 =	vand.u32 $0x7FFFFFFF, v31;
	v22 =	vadd.s32 v28, v23;
	v21 =	vadd.s32 $0xFFFFFFFF, v62  }
0x65: {  	[tilespmem:v52+s11+$0x0] =	vst.idx.msk vm13, v42;
	v52 =	vsel vm6, $0x1, v1;
	vm8 =	vgt.u32 v53, $0x3FFFFFFF;
	v16 =	vsub.s32 v16, v60  }
0x66: {  	[tilespmem:v55+s11+$0x0] =	vst.idx.msk vm0, v42;
	v55 =	vmax.f32 v49, $0.0e+00;
	v18 =	vadd.f32 v20, v18;
	v20, _, _ =	vpop (xrf0);
	(xrf0) =	vadd.scan.msk.s32 $0xffff, v52  }
0x67: {  	v56 =	vand.u32 $0x7FFFFFFF, v55;
	[tilespmem:v10+s10+$0x0] =	vst.idx.msk vm14, v45;
	v10 =	vsub.s32 v16, v51;
	v15 =	vadd.s32 v20, v28  }
0x68: {  	vm10 =	vgt.u32 v56, $0x3FFFFFFF;
	v20 =	vsub.s32 v20, v11;
	v50, _, _ =	vpop (xrf0);
	v11 =	vsub.s32 v11, v23;
	[tilespmem:v19+s10+$0x0] =	vst.idx.msk vm5, v45  }
0x69: {  	v15 =	vadd.s32 $0xFFFFFFFF, v15;
	v23 =	vadd.s32 v50, v26;
	[tilespmem:v21+s11+$0x0] =	vst.idx.msk vm15, v48;
	v21 =	vnsel vm1, $0x0, v27  }
0x6a: {  	v54 =	vsub.s32 v50, v16;
	v16 =	vsel vm8, $0x1, v1;
	v20 =	vadd.s32 v7, v20  }
0x6b: {  	(xrf0) =	vadd.scan.msk.s32 $0xffff, v16;
	v16 =	vsub.f32 $0.0e+00, v49;
	v19 =	vadd.s32 $0xFFFFFFFF, v23;
	v23 =	vsel vm10, $0x1, v1  }
0x6c: {  	v13 =	vadd.f32 v34, v13;
	v17 =	vadd.f32 v21, v17;
	v21, _, _ =	vpop (xrf0);
	(xrf0) =	vadd.scan.msk.s32 $0xffff, v23  }
0x6d: {  	vm11 =	vle.u32 v47, $0x3FFFFFFF;
	[tilespmem:v14+s11+$0x0] =	vst.idx.msk vm4, v48;
	v16 =	vmax.f32 v16, $0.0e+00;
	v14 =	vadd.s32 v21, v22  }
0x6e: {  	v23 =	vand.u32 $0x7FFFFFFF, v16;
	[tilespmem:v15+s10+$0x0] =	vst.idx.msk vm1, v58;
	v15 =	vsub.s32 v21, v11;
	v14 =	vadd.s32 $0xFFFFFFFF, v14  }
0x6f: {  	vm3 =	vle.u32 v63, $0x3FFFFFFF;
	vm12 =	vgt.u32 v23, $0x3FFFFFFF;
	v15 =	vadd.s32 v8, v15  }
0x70: {  	vm13 =	vle.u32 v53, $0x3FFFFFFF;
	v21 =	vsel vm12, $0x1, v1;
	[tilespmem:v20+s10+$0x0] =	vst.idx.msk vm7, v58;
	v20 =	vmpcnt.ones.xlane vm6  }
0x71: {  	v26 =	vadd.s32 v26, v51;
	v57, _, _ =	vpop (xrf0);
	(xrf0) =	vadd.scan.msk.s32 $0xffff, v21;
	v21 =	vnsel vm2, $0x0, v34;
	[tilespmem:v19+s11+$0x0] =	vst.idx.msk vm2, v63  }
0x72: {  	v18 =	vadd.f32 v21, v18;
	v21 =	vadd.s32 v57, v26;
	v22 =	vadd.s32 v22, v20;
	v58, _, _ =	vpop (xrf0)  }
0x73: {  	v11 =	vsub.s32 v11, v20;
	v19 =	vadd.s32 $0xFFFFFFFF, v21;
	[tilespmem:v14+s10+$0x0] =	vst.idx.msk vm6, v47;
	v20 =	vadd.s32 v58, v22  }
0x74: {  	v21 =	vsub.s32 v57, v10;
	[tilespmem:v15+s10+$0x0] =	vst.idx.msk vm11, v47;
	v15 =	vadd.s32 $0xFFFFFFFF, v20;
	v20 =	vsub.s32 v58, v11  }
0x75: {  	v59 =	vnsel vm6, $0x0, v44;
	v21 =	vadd.s32 v8, v21;
	v14 =	vmpcnt.ones.xlane vm8  }
0x76: {  	v61 =	vadd.f32 v44, v12;
	vm14 =	vle.u32 v56, $0x3FFFFFFF;
	v25 =	vadd.s32 v7, v54  }
0x77: {  	v60 =	vadd.s32 v26, v14;
	v10 =	vsub.s32 v10, v14;
	v14 =	vadd.s32 v9, v20;
	v20, _, _ =	vpop (xrf0)  }
0x78: {  	v13 =	vadd.f32 v31, v13;
	v17 =	vadd.f32 v59, v17;
	v26 =	vadd.s32 v20, v60  }
0x79: {  	s0 =	sadd.s32 $0x8, s0;
	vm15 =	vle.u32 v23, $0x3FFFFFFF;
	[tilespmem:v19+s11+$0x0] =	vst.idx.msk vm8, v53;
	v20 =	vsub.s32 v20, v10;
	v26 =	vadd.s32 $0xFFFFFFFF, v26  }
0x7a: {  	p0 =	slt.u32 s0, $0x1F8;
	v19 =	vnsel vm8, $0x0, v31;
	[tilespmem:v21+s11+$0x0] =	vst.idx.msk vm13, v53;
	v21 =	vmpcnt.ones.xlane vm10;
	v62 =	vadd.s32 v9, v20  }
.Ltmp4:
0x7b: {  	[tilespmem:v25+s11+$0x0] =	vst.idx.msk vm3, v63;
	v63 =	vadd.f32 v19, v18;
	v19 =	vadd.f32 v55, v61;
	(pc) =	sbr.rel @p0 .LBB2_3-.Ltmp4, $4  }
0x7c: {  	v18 =	vadd.f32 v16, v13;
	[tilespmem:v15+s10+$0x0] =	vst.idx.msk vm10, v56;
	v11 =	vsub.s32 v11, v21;
	v15 =	vmpcnt.ones.xlane vm12  }
0x7d: {  	v13 =	vnsel vm12, $0x0, v16;
	v12 =	vadd.s32 v22, v21;
	[tilespmem:v14+s10+$0x0] =	vst.idx.msk vm14, v56;
	v20 =	vadd.s32 $0x80, v11  }
0x7e: {  	v11 =	vnsel vm10, $0x0, v55;
	v14 =	vadd.s32 v60, v15;
	v10 =	vsub.s32 v10, v15;
	[tilespmem:v26+s11+$0x0] =	vst.idx.msk vm12, v23  }
0x7f: {  	s2 =	sadd.s32 $0x80, s2;
	v17 =	vadd.f32 v11, v17;
	v15 =	vadd.f32 v13, v63;
	v16 =	vadd.s32 $0x80, v10;
	[tilespmem:v62+s11+$0x0] =	vst.idx.msk vm15, v23  }
0x80: {  	(xrf2) =	vadd.scan.msk.f32 $0xffff, v19  }
0x81: {  	(xrf2) =	vadd.scan.msk.f32 $0xffff, v18  }
0x82: {  	(xrf2) =	vadd.scan.msk.f32 $0xffff, v17  }
0x83: {  	(xrf2) =	vadd.scan.msk.f32 $0xffff, v15;
	_ =	sdelay $0x3  }
0x84: {  	v10 =	vxor.u32 $0x80000000, v12  }
0x85: {  	(xrf0) =	vmax.scan.msk.u32 $0xffff, v10;
	_ =	sdelay $0x1  }
0x86: {  	v10, _, _ =	vpop (xrf2)  }
0x87: {  	v11, _, _ =	vpop (xrf2);
	(v2sf) =	vpush v10, $0xF  }
0x88: {  	v10, _, _ =	vpop (xrf2);
	(v2sf) =	vpush v11, $0xF  }
0x89: {  	(v2sf) =	vpush v10, $0xF;
	v10, _, _ =	vpop (xrf2)  }
0x8a: {  	(v2sf) =	vpush v10, $0xF;
	v10, _, _ =	vpop (xrf0)  }
0x8b: {  	(v2sf) =	vpush v10, $0xF;
	_ =	sdelay $0x2  }
0x8c: {  	v11 =	vxor.u32 $0x80000000, v14  }
0x8d: {  	(xrf0) =	vmax.scan.msk.u32 $0xffff, v11;
	_ =	sdelay $0x5  }
0x8e: {  	v10, _, _ =	vpop (xrf0)  }
0x8f: {  	(v2sf) =	vpush v10, $0xF;
	s15 =	spop (v2sf)  }
0x90: {  	s8 =	spop (v2sf)  }
0x91: {  	s2 =	spop (v2sf)  }
0x92: {  	s0 =	spop (v2sf)  }
0x93: {  	s1 =	spop (v2sf)  }
0x94: {  	s3 =	sxor.u32 $0x80000000, s1  }
0x95: {  	p0 =	sgt.s32 s3, $0x3F;
	s22 =	ssub.s32 $0x2000, s3;
	s16 =	ssub.s32 $0x40, s3  }
0x96: {  	s22 =	smov.u32 @p0 s3;
	s16 =	simm.s32 @p0 $0x40  }
0x97: {  	p2 =	sge.s32 s16, s22  }
0x98: {  	p1 =	slt.s32 @!p2 s22, $0x11  }
0x99: {  	p1 =	por p2, p1  }
.Ltmp5:
0x9a: {  	_ = 	snop;
	(pc) =	sbr.rel @!p1 .LBB2_6-.Ltmp5, $4  }
0x9b: {  	s19 =	simm.s32 $0x40000000  }
0x9c: {  	s24 =	simm.s32 $0x1D;
	s20 =	ssub.f32 s15, s2;
	s1 =	smov.u32 s3  }
0x9d: {  	s21 =	smov.u32 s2;
	s1 =	simm.s32 @p0 $0x0;
	s19 =	simm.s32 @!p0 $0x0  }
0x9e: {  	s21 =	simm.s32 @p0 $0x0;
	s20 =	smov.u32 @p0 s2;
	s23 =	spop (v2sf)  }
.Ltmp6:
0x9f: {  	(pc) =	sbr.rel .LBB2_18-.Ltmp6, $4  }
0xa0: {  	p0 =	slt.s32 s16, s22;
	s24 =	simm.s32 @p2 $0x1D  }
0xa1: {  	s1 =	smov.u32 @p2 s1;
	s16 =	smov.u32 @p2 s16;
	s22 =	smov.u32 @p2 s22  }
0xa2: {  	s19 =	smov.u32 @p2 s19;
	s21 =	smov.u32 @p2 s21;
	p1 =	por $0x1, $0x1  }
0xa3: {  	s20 =	smov.u32 @p2 s20;
	p1 =	por @!p2 p1, p1;
	p0 =	por @!p2 p0, p0  }
.LBB2_9:
0xa4: {  	v10 =	vimm.s32 $0x80000000  }
.LBB2_16:
0xa5: {  	(xrf0) =	vmax.scan.msk.u32 $0xffff, v10;
	_ =	sdelay $0x5  }
0xa6: {  	v10, _, _ =	vpop (xrf0)  }
0xa7: {  	(v2sf) =	vpush v10, $0xF;
	_ =	sdelay $0xe  }
0xa8: {  	s6 =	simm.s32 @p0 $0x0;
	s1 =	spop (v2sf)  }
0xa9: {  	p2 =	sne.s32 s24, $0x0;
	s16 =	ssub.s32 s16, s6;
	s22 =	sxor.u32 $0x80000000, s1  }
0xaa: {  	p1 =	sge.s32 @p2 s16, s22  }
0xab: {  	p3 =	por !p2, p1  }
0xac: {  	p1 =	sgt.s32 @!p3 s22, $0x10  }
0xad: {  	p1 =	por p3, !p1  }
.Ltmp7:
0xae: {  	s3 =	sadd.f32 s2, s21;
	(pc) =	sbr.rel @p1 .LBB2_17-.Ltmp7, $4  }
0xaf: {  	s20 =	ssub.f32 s20, s2  }
0xb0: {  	s4 =	sadd.s32 $0xFFFFFFFF, s24;
	s3 =	smov.u32 @p0 s21;
	s1 =	sshll.u32 s9, s24  }
0xb1: {  	s20 =	smov.u32 @p0 s2;
	s21 =	smov.u32 s3;
	s1 =	simm.s32 @!p0 $0x0  }
0xb2: {  	s24 =	smov.u32 s4;
	s19 =	sor.u32 s19, s1;
	s1 =	simm.s32 $0x0  }
.LBB2_6:
0xb3: {  	s2 =	sadd.s32 $0x7F, s22  }
0xb4: {  	s3 =	sand.u32 $0x7F, s2  }
0xb5: {  	s31 =	sshra.s32 s2, $0x1F;
	p1 =	slt.s32 s2, $0x0;
	p0 =	sne.s32 s3, $0x0  }
0xb6: {  	s3 =	sshrl.u32 s31, $0x19;
	p0 =	por !p1, !p0  }
0xb7: {  	s2 =	sadd.s32 s3, s2;
	s3 =	simm.s32 $0x1;
	p0 =	por !p0, !p0  }
0xb8: {  	s2 =	sshra.s32 s2, $0x7;
	s3 =	simm.s32 @!p0 $0x0  }
0xb9: {  	s13 =	ssub.s32 s2, s3  }
0xba: {  	p0 =	slt.s32 s13, $0x1  }
.Ltmp8:
0xbb: {  	_ = 	snop;
	(pc) =	sbr.rel @p0 .LBB2_7-.Ltmp8, $3  }
0xbc: {  	_ =	sdelay $0x1  }
0xbd: {  	s1 =	sshll.u32 s1, $0x2  }
0xbe: {  	v10 =	vmov s22;
	v11 =	vmov s24;
	s1 =	sshra.s32 s1, $0x2  }
0xbf: {  	s5 =	sadd.s32 $0x4040, s1  }
0xc0: {  	v13 =	vld [tilespmem:s5+$0x30]  }
0xc1: {  	v12 =	vld [tilespmem:s5+$0x20]  }
0xc2: {  	v16 =	vld [tilespmem:s5+$0x10]  }
0xc3: {  	v17 =	vld [tilespmem:s5+$0x0]  }
0xc4: {  	v14 =	vimm.s32 $0x0;
	v15 =	vimm.f32 $0.0e+00;
	s3 =	simm.s32 $0x0;
	s4 =	simm.s32 $0x60;
	s6 =	simm.s32 $0x70;
	v18 =	vld [tilespmem:s5+$0xFFFFFFF0]  }
0xc5: {  	s12 =	simm.s32 $0x30;
	s22 =	simm.s32 $0x40;
	s25 =	simm.s32 $0x50;
	v19 =	vor.u32 s3, v0;
	v20 =	vld [tilespmem:s5+$0xFFFFFFE0];
	v21 =	vor.u32 s4, v0;
	v22 =	vor.u32 s6, v0  }
0xc6: {  	s30 =	simm.s32 $0x10;
	s31 =	simm.s32 $0x20;
	v23 =	vld [tilespmem:s5+$0xFFFFFFD0];
	v24 =	vor.u32 s12, v0;
	v25 =	vor.u32 s22, v0;
	v26 =	vor.u32 s25, v0  }
0xc7: {  	v27 =	vld [tilespmem:s5+$0xFFFFFFC0];
	v28 =	vor.u32 s31, v0;
	vm5 =	vlt.s32 v19, v10;
	v19 =	vor.u32 s30, v0  }
0xc8: {  	vm1 =	vlt.s32 v26, v10;
	vm2 =	vlt.s32 v21, v10;
	vm0 =	vlt.s32 v22, v10  }
0xc9: {  	vm6 =	vlt.s32 v28, v10;
	vm4 =	vlt.s32 v24, v10;
	vm3 =	vlt.s32 v25, v10  }
0xca: {  	vm7 =	vlt.s32 v19, v10;
	v19 =	vshrl.u32 v12, v11;
	v55 =	vshrl.u32 v13, v11  }
0xcb: {  	v56 =	vshrl.u32 v18, v11;
	v57 =	vshrl.u32 v17, v11;
	v58 =	vshrl.u32 v16, v11  }
0xcc: {  	v59 =	vshrl.u32 v27, v11;
	v60 =	vshrl.u32 v23, v11;
	v29 =	vshrl.u32 v20, v11  }
0xcd: {  	v26 =	vand.u32 $0x1, v59;
	v19 =	vand.u32 $0x1, v19;
	v21 =	vand.u32 $0x1, v55  }
0xce: {  	v24 =	vand.u32 $0x1, v57;
	v25 =	vand.u32 $0x1, v58;
	vm8 =	veq.s32 v26, $0x1  }
0xcf: {  	v61 =	vand.u32 $0x1, v60;
	v22 =	vand.u32 $0x1, v56;
	vm5 =	vmand vm5, vm8  }
0xd0: {  	v62 =	vand.u32 $0x1, v29;
	vm15 =	veq.s32 v61, $0x1;
	v27 =	vnsel vm5, $0x0, v27  }
0xd1: {  	vm9 =	veq.s32 v62, $0x1;
	vm7 =	vmand vm7, vm15;
	v15 =	vadd.f32 v27, v15  }
0xd2: {  	vm10 =	veq.s32 v19, $0x1;
	vm11 =	veq.s32 v22, $0x1;
	v63 =	vnsel vm7, $0x0, v23  }
0xd3: {  	vm12 =	veq.s32 v24, $0x1;
	vm6 =	vmand vm6, vm9;
	v15 =	vadd.f32 v63, v15  }
0xd4: {  	s2 =	sshll.u32 s13, $0x3;
	vm8 =	veq.s32 v21, $0x1;
	vm9 =	veq.s32 v25, $0x1;
	v19 =	vnsel vm6, $0x0, v20  }
0xd5: {  	p0 =	sgt.s32 s2, $0x8;
	vm11 =	vmand vm4, vm11;
	vm0 =	vmand vm0, vm8;
	v15 =	vadd.f32 v19, v15  }
.Ltmp9:
0xd6: {  	v18 =	vnsel vm11, $0x0, v18;
	vm4 =	vmand vm1, vm9;
	vm1 =	vmand vm2, vm10;
	(pc) =	sbr.rel @!p0 .LBB2_12-.Ltmp9, $4  }
0xd7: {  	vm2 =	vmand vm3, vm12;
	v19 =	vsel vm5, $0x1, v1;
	v15 =	vadd.f32 v18, v15  }
0xd8: {  	v17 =	vnsel vm2, $0x0, v17;
	v14 =	vadd.s32 v19, v14;
	v18 =	vsel vm7, $0x1, v1  }
0xd9: {  	v19 =	vsel vm6, $0x1, v1;
	v18 =	vadd.s32 v18, v14;
	v14 =	vadd.f32 v17, v15  }
0xda: {  	s4 =	simm.s32 $0x8;
	s5 =	sadd.s32 $0x80, s5;
	v16 =	vnsel vm4, $0x0, v16;
	v15 =	vadd.s32 v19, v18;
	v17 =	vsel vm11, $0x1, v1  }
.LBB2_11:
0xdb: {  	v18 =	vld [tilespmem:s5+$0x30];
	v15 =	vadd.s32 v17, v15;
	v17 =	vsel vm2, $0x1, v1;
	v14 =	vadd.f32 v16, v14  }
0xdc: {  	v16 =	vsel vm4, $0x1, v1;
	v15 =	vadd.s32 v17, v15;
	v17 =	vnsel vm1, $0x0, v12;
	v12 =	vld [tilespmem:s5+$0x20]  }
0xdd: {  	v19 =	vld [tilespmem:s5+$0x10];
	v15 =	vadd.s32 v16, v15;
	v16 =	vsel vm1, $0x1, v1;
	v14 =	vadd.f32 v17, v14  }
0xde: {  	v24 =	vnsel vm0, $0x0, v13;
	s3 =	sadd.s32 $0x80, s3;
	v17 =	vld [tilespmem:s5+$0x0];
	v15 =	vadd.s32 v16, v15;
	v16 =	vsel vm0, $0x1, v1  }
0xdf: {  	s6 =	sadd.s32 $0x60, s3;
	s12 =	sadd.s32 $0x70, s3;
	v20 =	vld [tilespmem:s5+$0xFFFFFFF0];
	v15 =	vadd.s32 v16, v15;
	v14 =	vadd.f32 v24, v14  }
0xe0: {  	s22 =	sadd.s32 $0x30, s3;
	s25 =	sadd.s32 $0x40, s3;
	s26 =	sadd.s32 $0x50, s3;
	v22 =	vor.u32 s6, v0;
	v23 =	vor.u32 s12, v0;
	v16 =	vor.u32 s3, v0;
	v21 =	vld [tilespmem:s5+$0xFFFFFFE0];
	v13 =	vmovc v18  }
0xe1: {  	s6 =	sadd.s32 $0x10, s3;
	s12 =	sadd.s32 $0x20, s3;
	v25 =	vor.u32 s25, v0;
	v26 =	vor.u32 s26, v0;
	v24 =	vor.u32 s22, v0;
	v18 =	vld [tilespmem:s5+$0xFFFFFFD0]  }
0xe2: {  	s4 =	sadd.s32 $0x8, s4;
	v28 =	vor.u32 s12, v0;
	vm6 =	vlt.s32 v16, v10;
	v16 =	vor.u32 s6, v0;
	v27 =	vld [tilespmem:s5+$0xFFFFFFC0]  }
0xe3: {  	p0 =	slt.s32 s4, s2;
	vm1 =	vlt.s32 v26, v10;
	vm2 =	vlt.s32 v22, v10;
	vm0 =	vlt.s32 v23, v10  }
0xe4: {  	vm3 =	vlt.s32 v25, v10;
	vm5 =	vlt.s32 v28, v10;
	vm4 =	vlt.s32 v24, v10  }
0xe5: {  	vm7 =	vlt.s32 v16, v10;
	v16 =	vshrl.u32 v12, v11;
	v22 =	vshrl.u32 v13, v11  }
0xe6: {  	v25 =	vshrl.u32 v19, v11;
	v24 =	vshrl.u32 v17, v11;
	v23 =	vshrl.u32 v20, v11  }
0xe7: {  	v29 =	vshrl.u32 v21, v11;
	v28 =	vshrl.u32 v18, v11;
	v26 =	vshrl.u32 v27, v11  }
0xe8: {  	v16 =	vand.u32 $0x1, v16;
	v22 =	vand.u32 $0x1, v22;
	v26 =	vand.u32 $0x1, v26  }
0xe9: {  	v25 =	vand.u32 $0x1, v25;
	v24 =	vand.u32 $0x1, v24;
	vm8 =	veq.s32 v26, $0x1  }
0xea: {  	v23 =	vand.u32 $0x1, v23;
	v26 =	vand.u32 $0x1, v28;
	vm6 =	vmand vm6, vm8  }
0xeb: {  	vm8 =	veq.s32 v26, $0x1;
	v26 =	vand.u32 $0x1, v29;
	v27 =	vnsel vm6, $0x0, v27  }
0xec: {  	vm7 =	vmand vm7, vm8;
	vm8 =	veq.s32 v22, $0x1;
	v14 =	vadd.f32 v27, v14  }
0xed: {  	vm10 =	veq.s32 v16, $0x1;
	vm9 =	veq.s32 v26, $0x1;
	v18 =	vnsel vm7, $0x0, v18  }
0xee: {  	vm5 =	vmand vm5, vm9;
	vm9 =	veq.s32 v25, $0x1;
	v14 =	vadd.f32 v18, v14  }
0xef: {  	vm12 =	veq.s32 v24, $0x1;
	vm11 =	veq.s32 v23, $0x1;
	v16 =	vnsel vm5, $0x0, v21  }
0xf0: {  	vm11 =	vmand vm4, vm11;
	vm0 =	vmand vm0, vm8;
	v14 =	vadd.f32 v16, v14  }
.Ltmp10:
0xf1: {  	vm4 =	vmand vm1, vm9;
	vm1 =	vmand vm2, vm10;
	v16 =	vnsel vm11, $0x0, v20;
	(pc) =	sbr.rel @p0 .LBB2_11-.Ltmp10, $4  }
0xf2: {  	vm2 =	vmand vm3, vm12;
	v18 =	vsel vm6, $0x1, v1;
	v14 =	vadd.f32 v16, v14  }
0xf3: {  	v17 =	vnsel vm2, $0x0, v17;
	v15 =	vadd.s32 v18, v15;
	v16 =	vsel vm7, $0x1, v1  }
0xf4: {  	v15 =	vadd.s32 v16, v15;
	v16 =	vsel vm5, $0x1, v1;
	v14 =	vadd.f32 v17, v14  }
0xf5: {  	s5 =	sadd.s32 $0x80, s5;
	v15 =	vadd.s32 v16, v15;
	v17 =	vsel vm11, $0x1, v1;
	v16 =	vnsel vm4, $0x0, v19  }
.LBB2_12:
.Ltmp11:
0xf6: {  	v15 =	vadd.s32 v17, v15;
	v61 =	vsel vm2, $0x1, v1;
	v14 =	vadd.f32 v16, v14;
	(pc) =	sbr.rel .LBB2_8-.Ltmp11, $4  }
0xf7: {  	v62 =	vsel vm4, $0x1, v1;
	v12 =	vnsel vm1, $0x0, v12;
	v15 =	vadd.s32 v61, v15  }
0xf8: {  	v63 =	vsel vm1, $0x1, v1;
	v15 =	vadd.s32 v62, v15;
	v14 =	vadd.f32 v12, v14  }
0xf9: {  	v13 =	vnsel vm0, $0x0, v13;
	v12 =	vadd.s32 v63, v15;
	v15 =	vsel vm0, $0x1, v1  }
0xfa: {  	v12 =	vadd.s32 v15, v12;
	v13 =	vadd.f32 v13, v14  }
.LBB2_7:
0xfb: {  	v13 =	vimm.f32 $0.0e+00;
	v12 =	vimm.s32 $0x0  }
.LBB2_8:
0xfc: {  	_ = 	snop  }
0xfd: {  	(xrf2) =	vadd.scan.msk.f32 $0xffff, v13;
	_ =	sdelay $0x2  }
0xfe: {  	(xrf0) =	vadd.scan.msk.s32 $0xffff, v12;
	_ =	sdelay $0x5  }
0xff: {  	v12, _, _ =	vpop (xrf0)  }
0x100: {  	(v2sf) =	vpush v12, $0xF;
	v63, _, _ =	vpop (xrf2)  }
0x101: {  	(v2sf) =	vpush v63, $0xF;
	_ =	sdelay $0x9  }
0x102: {  	p1 =	sgt.s32 s13, $0x0  }
.Ltmp12:
0x103: {  	_ = 	snop;
	(pc) =	sbr.rel @!p1 .LBB2_9-.Ltmp12, $3  }
0x104: {  	_ =	sdelay $0x1  }
0x105: {  	s6 =	spop (v2sf)  }
0x106: {  	p0 =	sge.s32 s6, s16;
	s2 =	spop (v2sf)  }
0x107: {  	vm0 =	vmxor vm0, vm0  }
0x108: {  	vm0 =	vmneg @p0 vm0  }
0x109: {  	p1 =	sne.s32 s13, $0x1;
	vm0 =	vmneg vm0  }
.Ltmp13:
0x10a: {  	v14 =	vimm.s32 $0x0;
	s3 =	simm.s32 $0x0;
	s4 =	simm.s32 $0x10;
	v12 =	vsel vm0, $0x1, v1;
	(pc) =	sbr.rel @!p1 .LBB2_15-.Ltmp13, $4  }
0x10b: {  	s5 =	simm.s32 $0x30;
	s12 =	simm.s32 $0x40;
	s22 =	simm.s32 $0x50;
	v16 =	vor.u32 s3, v0;
	v17 =	vor.u32 s4, v0;
	v12 =	vbroadcast v12, $0x0  }
0x10c: {  	s1 =	sadd.s32 $0x4040, s1;
	s30 =	simm.s32 $0x20;
	s31 =	simm.s32 $0x70;
	v18 =	vor.u32 s5, v0;
	v20 =	vor.u32 s12, v0;
	v19 =	vor.u32 s22, v0  }
0x10d: {  	s25 =	simm.s32 $0x60;
	v21 =	vor.u32 s30, v0;
	v15 =	vor.u32 s31, v0;
	v13 =	vld [tilespmem:s1+$0x0];
	v12 =	vand.u32 $0x1, v12  }
0x10e: {  	s12 =	sadd.s32 $0xFFFFFFFF, s13;
	v24 =	vor.u32 s25, v0;
	s13 =	smov.u32 s1;
	vm2 =	vlt.s32 v21, v10;
	vm1 =	veq.s32 v12, $0x1;
	v12 =	vld [tilespmem:s1+$0x10]  }
.LBB2_14:
0x10f: {  	p1 =	sne.s32 s12, $0x1;
	v21 =	vld [tilespmem:s1+$0x30];
	s3 =	sadd.s32 $0x80, s3;
	s13 =	sadd.s32 $0x80, s13  }
0x110: {  	s12 =	sadd.s32 $0xFFFFFFFF, s12;
	vm0 =	vlt.s32 v24, v10;
	s4 =	sadd.s32 $0x10, s3;
	s5 =	sadd.s32 $0x30, s3;
	v26 =	vor.u32 s3, v0;
	v22 =	vld [tilespmem:s1+$0xFFFFFFE0]  }
0x111: {  	vm3 =	vlt.s32 v19, v10;
	s22 =	sadd.s32 $0x40, s3;
	s25 =	sadd.s32 $0x50, s3;
	s26 =	sadd.s32 $0x70, s3;
	v27 =	vor.u32 s4, v0;
	v28 =	vor.u32 s5, v0;
	v24 =	vld [tilespmem:s1+$0xFFFFFFC0]  }
0x112: {  	s4 =	sadd.s32 $0x60, s3;
	v29 =	vor.u32 s22, v0;
	v19 =	vor.u32 s25, v0;
	v30 =	vor.u32 s26, v0;
	v25 =	vld [tilespmem:s1+$0xFFFFFFD0]  }
0x113: {  	vm4 =	vlt.s32 v18, v10;
	vm8 =	vlt.s32 v20, v10;
	v18 =	vmovc v28;
	v23 =	vld [tilespmem:s1+$0x20];
	v33 =	vshrl.u32 v13, v11  }
0x114: {  	vm6 =	vlt.s32 v16, v10;
	vm5 =	vlt.s32 v17, v10;
	v16 =	vmovc v26;
	v32 =	vshrl.u32 v21, v11  }
0x115: {  	v17 =	vmovc v27;
	v20 =	vmovc v29;
	v28 =	vand.u32 $0x1, v33;
	v26 =	vshrl.u32 v22, v11;
	v31 =	vand.u32 $0x1, v32  }
0x116: {  	vm7 =	veq.s32 v28, $0x1;
	v26 =	vand.u32 $0x1, v26;
	vm12 =	veq.s32 v31, $0x1  }
0x117: {  	v29 =	vshrl.u32 v12, v11;
	v27 =	vshrl.u32 v24, v11;
	v28 =	vshrl.u32 v25, v11  }
0x118: {  	v29 =	vand.u32 $0x1, v29;
	vm9 =	vmxor vm1, vm7;
	v31 =	vld [tilespmem:s1+$0xFFFFFFF0];
	v32 =	vshrl.u32 v23, v11;
	s1 =	smov.u32 s13  }
0x119: {  	vm7 =	veq.s32 v29, $0x1;
	v28 =	vand.u32 $0x1, v28;
	v29 =	vand.u32 $0x1, v32  }
0x11a: {  	vm10 =	vmxor vm1, vm7;
	vm13 =	veq.s32 v28, $0x1;
	vm7 =	veq.s32 v29, $0x1  }
0x11b: {  	v27 =	vand.u32 $0x1, v27;
	vm14 =	veq.s32 v26, $0x1;
	vm11 =	vmxor vm1, vm7  }
0x11c: {  	vm12 =	vmxor vm1, vm12;
	vm14 =	vmxor vm1, vm14;
	vm7 =	veq.s32 v27, $0x1  }
0x11d: {  	vm2 =	vmand vm2, vm14;
	vm7 =	vmxor vm1, vm7;
	v26 =	vshrl.u32 v31, v11  }
0x11e: {  	vm6 =	vmand vm6, vm7;
	vm7 =	vmxor vm1, vm13;
	v26 =	vand.u32 $0x1, v26  }
0x11f: {  	v27 =	vsel vm6, $0x1, v1;
	vm5 =	vmand vm5, vm7;
	vm7 =	veq.s32 v26, $0x1  }
0x120: {  	vm13 =	vlt.s32 v15, v10;
	v15 =	vmovc v30;
	v26 =	vsel vm5, $0x1, v1;
	vm7 =	vmxor vm1, vm7;
	(xrf0) =	vadd.scan.msk.s32 $0xffff, v27  }
0x121: {  	v27 =	vsel vm2, $0x1, v1;
	vm7 =	vmand vm4, vm7;
	vm4 =	vmand vm13, vm12;
	(xrf0) =	vadd.scan.msk.s32 $0xffff, v26  }
0x122: {  	vm8 =	vmand vm8, vm9;
	v26 =	vsel vm7, $0x1, v1;
	v28 =	vmpcnt.ones.xlane vm7;
	(xrf0) =	vadd.scan.msk.s32 $0xffff, v27  }
0x123: {  	vm3 =	vmand vm3, vm10;
	v29 =	vmpcnt.ones.xlane vm8;
	v27 =	vsel vm8, $0x1, v1;
	(xrf0) =	vadd.scan.msk.s32 $0xffff, v26  }
0x124: {  	vm0 =	vmand vm0, vm11;
	v30 =	vmpcnt.ones.xlane vm4;
	v26 =	vsel vm3, $0x1, v1;
	(xrf0) =	vadd.scan.msk.s32 $0xffff, v27  }
0x125: {  	v32 =	vmpcnt.ones.xlane vm2;
	v33 =	vsel vm0, $0x1, v1;
	v27 =	vmpcnt.ones.xlane vm6;
	(xrf0) =	vadd.scan.msk.s32 $0xffff, v26  }
0x126: {  	v34 =	vmpcnt.ones.xlane vm3;
	v37 =	vmpcnt.ones.xlane vm5;
	v35 =	vsel vm4, $0x1, v1;
	v36, _, _ =	vpop (xrf0);
	(xrf0) =	vadd.scan.msk.s32 $0xffff, v33  }
0x127: {  	v33 =	vadd.s32 v36, v14;
	v14 =	vadd.s32 v14, v27;
	v27 =	vmpcnt.ones.xlane vm0;
	v36, _, _ =	vpop (xrf0);
	(xrf0) =	vadd.scan.msk.s32 $0xffff, v35  }
0x128: {  	v33 =	vadd.s32 $0xFFFFFFFF, v33;
	v35 =	vadd.s32 v14, v36;
	v14 =	vadd.s32 v14, v37;
	v26, _, _ =	vpop (xrf0)  }
0x129: {  	v35 =	vadd.s32 $0xFFFFFFFF, v35;
	v26 =	vadd.s32 v14, v26;
	v14 =	vadd.s32 v14, v32;
	v32, _, _ =	vpop (xrf0)  }
0x12a: {  	v26 =	vadd.s32 $0xFFFFFFFF, v26;
	v32 =	vadd.s32 v14, v32;
	v14 =	vadd.s32 v14, v28;
	v28, _, _ =	vpop (xrf0)  }
0x12b: {  	v32 =	vadd.s32 $0xFFFFFFFF, v32;
	v28 =	vadd.s32 v14, v28;
	v14 =	vadd.s32 v14, v29;
	v29, _, _ =	vpop (xrf0)  }
0x12c: {  	v28 =	vadd.s32 $0xFFFFFFFF, v28;
	v29 =	vadd.s32 v14, v29;
	v14 =	vadd.s32 v14, v34;
	v34, _, _ =	vpop (xrf0)  }
0x12d: {  	[tilespmem:v33+s10+$0x0] =	vst.idx.msk vm6, v24;
	v29 =	vadd.s32 $0xFFFFFFFF, v29;
	v24 =	vadd.s32 v14, v34;
	v14 =	vadd.s32 v14, v27;
	v27, _, _ =	vpop (xrf0)  }
0x12e: {  	[tilespmem:v35+s10+$0x0] =	vst.idx.msk vm5, v25;
	v25 =	vadd.s32 $0xFFFFFFFF, v24;
	v27 =	vadd.s32 v14, v27;
	v14 =	vadd.s32 v14, v30  }
0x12f: {  	v24 =	vor.u32 s4, v0;
	[tilespmem:v26+s10+$0x0] =	vst.idx.msk vm2, v22;
	v22 =	vadd.s32 $0xFFFFFFFF, v27  }
0x130: {  	[tilespmem:v32+s10+$0x0] =	vst.idx.msk vm7, v31  }
0x131: {  	[tilespmem:v28+s10+$0x0] =	vst.idx.msk vm8, v13  }
.Ltmp14:
0x132: {  	s4 =	sadd.s32 $0x20, s3;
	[tilespmem:v29+s10+$0x0] =	vst.idx.msk vm3, v12;
	(pc) =	sbr.rel @p1 .LBB2_14-.Ltmp14, $4  }
0x133: {  	[tilespmem:v25+s10+$0x0] =	vst.idx.msk vm0, v23  }
0x134: {  	v23 =	vor.u32 s4, v0;
	[tilespmem:v22+s10+$0x0] =	vst.idx.msk vm4, v21  }
0x135: {  	v12 =	vld [tilespmem:s13+$0x10]  }
0x136: {  	vm2 =	vlt.s32 v23, v10;
	v13 =	vld [tilespmem:s13+$0x0]  }
.LBB2_15:
0x137: {  	v21 =	vld [tilespmem:s1+$0x30]  }
0x138: {  	v22 =	vld [tilespmem:s1+$0xFFFFFFE0]  }
0x139: {  	v23 =	vld [tilespmem:s1+$0xFFFFFFC0]  }
0x13a: {  	v33 =	vld [tilespmem:s1+$0xFFFFFFD0]  }
0x13b: {  	v34 =	vld [tilespmem:s1+$0x20]  }
0x13c: {  	vm0 =	vlt.s32 v24, v10;
	v25 =	vld [tilespmem:s1+$0xFFFFFFF0]  }
0x13d: {  	vm6 =	vlt.s32 v19, v10;
	vm5 =	vlt.s32 v18, v10;
	vm7 =	vlt.s32 v20, v10  }
0x13e: {  	vm4 =	vlt.s32 v16, v10;
	vm3 =	vlt.s32 v17, v10;
	v35 =	vshrl.u32 v13, v11  }
0x13f: {  	v39 =	vshrl.u32 v12, v11;
	v36 =	vshrl.u32 v21, v11;
	v37 =	vshrl.u32 v22, v11  }
0x140: {  	v20 =	vand.u32 $0x1, v35;
	v38 =	vshrl.u32 v23, v11;
	v40 =	vshrl.u32 v33, v11  }
0x141: {  	v26 =	vshrl.u32 v34, v11;
	v11 =	vshrl.u32 v25, v11;
	v16 =	vand.u32 $0x1, v36  }
0x142: {  	v17 =	vand.u32 $0x1, v37;
	vm8 =	veq.s32 v20, $0x1;
	v20 =	vand.u32 $0x1, v39  }
0x143: {  	v24 =	vand.u32 $0x1, v40;
	v41 =	vand.u32 $0x1, v26;
	v11 =	vand.u32 $0x1, v11  }
0x144: {  	vm9 =	veq.s32 v16, $0x1;
	vm8 =	vmxor vm1, vm8;
	vm10 =	veq.s32 v20, $0x1  }
0x145: {  	vm11 =	veq.s32 v24, $0x1;
	vm12 =	veq.s32 v41, $0x1;
	v16 =	vand.u32 $0x1, v38  }
0x146: {  	vm13 =	veq.s32 v17, $0x1;
	vm15 =	veq.s32 v11, $0x1;
	vm14 =	veq.s32 v16, $0x1  }
0x147: {  	vm10 =	vmxor vm1, vm10;
	vm12 =	vmxor vm1, vm12;
	vm14 =	vmxor vm1, vm14  }
0x148: {  	vm13 =	vmxor vm1, vm13;
	vm11 =	vmxor vm1, vm11;
	vm4 =	vmand vm4, vm14  }
0x149: {  	vm9 =	vmxor vm1, vm9;
	vm3 =	vmand vm3, vm11;
	v42 =	vsel vm4, $0x1, v1  }
0x14a: {  	vm2 =	vmand vm2, vm13;
	vm13 =	vmxor vm1, vm15;
	v11 =	vsel vm3, $0x1, v1;
	(xrf0) =	vadd.scan.msk.s32 $0xffff, v42  }
0x14b: {  	vm14 =	vlt.s32 v15, v10;
	v10 =	vsel vm2, $0x1, v1;
	vm5 =	vmand vm5, vm13;
	(xrf0) =	vadd.scan.msk.s32 $0xffff, v11  }
0x14c: {  	vm7 =	vmand vm7, vm8;
	vm6 =	vmand vm6, vm10;
	v11 =	vsel vm5, $0x1, v1;
	(xrf0) =	vadd.scan.msk.s32 $0xffff, v10  }
0x14d: {  	v43 =	vsel vm7, $0x1, v1;
	vm0 =	vmand vm0, vm12;
	v44 =	vsel vm6, $0x1, v1;
	(xrf0) =	vadd.scan.msk.s32 $0xffff, v11  }
0x14e: {  	v46 =	vmpcnt.ones.xlane vm2;
	v47 =	vsel vm0, $0x1, v1;
	v45 =	vmpcnt.ones.xlane vm4;
	(xrf0) =	vadd.scan.msk.s32 $0xffff, v43  }
0x14f: {  	v48 =	vmpcnt.ones.xlane vm3;
	v49 =	vmpcnt.ones.xlane vm6;
	vm15 =	vmand vm14, vm9;
	(xrf0) =	vadd.scan.msk.s32 $0xffff, v44  }
0x150: {  	v53 =	vmpcnt.ones.xlane vm0;
	v50 =	vsel vm15, $0x1, v1;
	v52 =	vadd.s32 v14, v45;
	v27, _, _ =	vpop (xrf0);
	(xrf0) =	vadd.scan.msk.s32 $0xffff, v47  }
0x151: {  	v10 =	vmpcnt.ones.xlane vm5;
	v11 =	vmpcnt.ones.xlane vm7;
	v51 =	vadd.s32 v27, v14;
	v54, _, _ =	vpop (xrf0);
	(xrf0) =	vadd.scan.msk.s32 $0xffff, v50  }
0x152: {  	v14 =	vadd.s32 v52, v48;
	v20 =	vadd.s32 $0xFFFFFFFF, v51;
	v55 =	vadd.s32 v52, v54;
	v56, _, _ =	vpop (xrf0)  }
0x153: {  	v26 =	vadd.s32 $0xFFFFFFFF, v55;
	v16 =	vadd.s32 v14, v56;
	v14 =	vadd.s32 v14, v46;
	v57, _, _ =	vpop (xrf0)  }
0x154: {  	v16 =	vadd.s32 $0xFFFFFFFF, v16;
	v17 =	vadd.s32 v14, v57;
	v10 =	vadd.s32 v14, v10;
	v58, _, _ =	vpop (xrf0)  }
0x155: {  	v17 =	vadd.s32 $0xFFFFFFFF, v17;
	v14 =	vadd.s32 v10, v58;
	v10 =	vadd.s32 v10, v11;
	v11, _, _ =	vpop (xrf0)  }
0x156: {  	v14 =	vadd.s32 $0xFFFFFFFF, v14;
	v11 =	vadd.s32 v10, v11;
	v10 =	vadd.s32 v10, v49;
	v59, _, _ =	vpop (xrf0)  }
0x157: {  	[tilespmem:v20+s10+$0x0] =	vst.idx.msk vm4, v23;
	v11 =	vadd.s32 $0xFFFFFFFF, v11;
	v60 =	vadd.s32 v10, v59;
	v10 =	vadd.s32 v10, v53;
	v61, _, _ =	vpop (xrf0)  }
0x158: {  	[tilespmem:v26+s10+$0x0] =	vst.idx.msk vm3, v33;
	v62 =	vadd.s32 $0xFFFFFFFF, v60;
	v15 =	vadd.s32 v10, v61  }
0x159: {  	[tilespmem:v16+s10+$0x0] =	vst.idx.msk vm2, v22;
	v15 =	vadd.s32 $0xFFFFFFFF, v15  }
.Ltmp15:
0x15a: {  	[tilespmem:v17+s10+$0x0] =	vst.idx.msk vm5, v25;
	(pc) =	sbr.rel .LBB2_16-.Ltmp15, $4  }
0x15b: {  	v63 =	vmpcnt.ones.xlane vm15;
	[tilespmem:v14+s10+$0x0] =	vst.idx.msk vm7, v13  }
0x15c: {  	[tilespmem:v11+s10+$0x0] =	vst.idx.msk vm6, v12  }
0x15d: {  	v10 =	vadd.s32 v10, v63;
	[tilespmem:v62+s10+$0x0] =	vst.idx.msk vm0, v34  }
0x15e: {  	v10 =	vxor.u32 $0x80000000, v10;
	[tilespmem:v15+s10+$0x0] =	vst.idx.msk vm15, v21  }
.LBB2_17:
0x15f: {  	s2 =	smov.u32 s4;
	s1 =	simm.s32 @p2 $0x0  }
0x160: {  	s5 =	smov.u32 s16;
	s6 =	smov.u32 s22;
	s12 =	smov.u32 s19  }
0x161: {  	s13 =	smov.u32 s3;
	p4 =	slt.s32 s16, s22;
	s21 =	smov.u32 s20  }
0x162: {  	p1 =	por p2, p2;
	s2 =	smov.u32 @p2 s4;
	s5 =	smov.u32 @p2 s16  }
0x163: {  	s6 =	smov.u32 @p2 s22;
	s12 =	smov.u32 @p2 s19;
	s13 =	smov.u32 @p2 s3  }
0x164: {  	s21 =	smov.u32 @p2 s20;
	p1 =	por @!p2 p2, p2;
	p0 =	por p4, p4  }
0x165: {  	s1 =	simm.s32 @!p3 $0x0;
	p0 =	por @!p2 p4, p4;
	s4 =	smov.u32 @p3 s2  }
0x166: {  	s16 =	smov.u32 @p3 s5;
	s22 =	smov.u32 @p3 s6;
	s19 =	smov.u32 @p3 s12  }
0x167: {  	s3 =	smov.u32 @p3 s13;
	s20 =	smov.u32 @p3 s21;
	p1 =	por @!p3 p2, p2  }
0x168: {  	p0 =	por @!p3 p4, p4;
	s24 =	smov.u32 s4;
	s21 =	smov.u32 s3  }
.LBB2_18:
0x169: {  	p2 =	slt.s32 @p0 s24, $0x0  }
0x16a: {  	p2 =	por !p0, p2  }
.Ltmp16:
0x16b: {  	v10 =	vld [tilespmem:s1+$0x4000];
	(pc) =	sbr.rel @p2 .LBB2_50-.Ltmp16, $3  }
0x16c: {  	_ =	sdelay $0x1  }
0x16d: {  	[dreg:$0x7] =	wrdreg s7  }
0x16e: {  	v13 =	vmov s16;
	v12 =	vmov s19;
	v11 =	vmov s22;
	[dreg:$0x8] =	wrdreg s15  }
0x16f: {  	v14 =	vshrl.u32 v10, s24  }
0x170: {  	p2 =	sgt.s32 s24, $0x0;
	v14 =	vand.u32 $0x1, v14  }
.Ltmp17:
0x171: {  	vm0 =	vgt.s32 v11, v0;
	vm1 =	veq.s32 v14, $0x1;
	(pc) =	sbr.rel @!p2 .LBB2_21-.Ltmp17, $4  }
0x172: {  	vm2 =	vmand vm0, vm1  }
0x173: {  	v15 =	vmpcnt.ones.xlane vm2  }
0x174: {  	s2 =	sshll.u32 s9, s24  }
0x175: {  	s1 =	simm.s32 $0x0;
	v14 =	vmov s2;
	s2 =	sadd.s32 $0xFFFFFFFF, s24;
	vm2 =	vge.s32 v15, v13  }
.LBB2_20:
0x176: {  	v16 =	vshrl.u32 v10, s2;
	s3 =	sshll.u32 s9, s2;
	s1 =	sadd.s32 $0x1, s1;
	v15 =	vsel vm2, $0x0, v15;
	vm1 =	vmxor vm2, vm1  }
0x177: {  	v16 =	vand.u32 $0x1, v16;
	p2 =	sgt.s32 s24, s1;
	v13 =	vsub.s32 v13, v15;
	vm3 =	vmneg vm1  }
.Ltmp18:
0x178: {  	v15 =	vmov s3;
	vm1 =	veq.s32 v16, $0x1;
	vm0 =	vmand vm0, vm3;
	(pc) =	sbr.rel @p2 .LBB2_20-.Ltmp18, $3  }
0x179: {  	v16 =	vnsel vm2, $0x0, v14;
	v14 =	vmov v15;
	vm3 =	vmand vm0, vm1  }
0x17a: {  	v12 =	vor.u32 v12, v16;
	v15 =	vmpcnt.ones.xlane vm3;
	_ =	sdelay $0x1  }
0x17b: {  	s2 =	sadd.s32 $0xFFFFFFFF, s2;
	vm2 =	vge.s32 v15, v13  }
.LBB2_21:
.Ltmp19:
0x17c: {  	(pc) =	sbr.rel .LBB2_22-.Ltmp19, $3  }
0x17d: {  	_ =	sdelay $0x1  }
0x17e: {  	v15 =	vsel vm2, $0x0, v15;
	v14 =	vnsel vm2, $0x0, v14  }
0x17f: {  	v13 =	vsub.s32 v13, v15;
	v12 =	vor.u32 v12, v14  }
.LBB2_50:
0x180: {  	v13 =	vpsel p0, v13, v13;
	v12 =	vpsel p0, v12, v12  }
.LBB2_22:
0x181: {  	vm0 =	vgt.s32 v11, v0;
	vm1 =	vgt.s32 v10, v12  }
0x182: {  	vm1 =	vmand vm0, vm1  }
0x183: {  	v11 =	vnsel vm1, $0x0, v10;
	vm1 =	vmmov $0x1  }
0x184: {  	(xrf2) =	vadd.scan.msk.f32 $0xffff, v11;
	v11 =	vnsel vm1, $0x0, v12  }
0x185: {  	(xrf2) =	vadd.scan.msk.f32 $0xffff, v11;
	_ =	sdelay $0x3  }
0x186: {  	v11 =	vxor.u32 $0x80000000, v13  }
0x187: {  	(xrf0) =	vmax.scan.msk.u32 $0xffff, v11  }
0x188: {  	vm2 =	veq.s32 v10, v12  }
0x189: {  	vm0 =	vmand vm0, vm2;
	v10 =	vxor.u32 $0x80000000, v12  }
0x18a: {  	(xrf0) =	vmax.scan.msk.u32 $0xffff, v10;
	v10 =	vmpcnt.ones.xlane vm0  }
0x18b: {  	v11, _, _ =	vpop (xrf2)  }
0x18c: {  	v10 =	vxor.u32 $0x80000000, v10;
	(v2sf) =	vpush v11, $0xF;
	v11, _, _ =	vpop (xrf2)  }
0x18d: {  	(v2sf) =	vpush v11, $0xF;
	v11, _, _ =	vpop (xrf0);
	(xrf0) =	vmax.scan.msk.u32 $0xffff, v10;
	_ =	sdelay $0x4  }
0x18e: {  	(v2sf) =	vpush v11, $0xF;
	v10, _, _ =	vpop (xrf0)  }
0x18f: {  	(v2sf) =	vpush v10, $0xF;
	v10, _, _ =	vpop (xrf0)  }
0x190: {  	(v2sf) =	vpush v10, $0xF;
	_ =	sdelay $0x4  }
0x191: {  	s1 =	sxor.u32 $0x80000000, s23  }
0x192: {  	p2 =	sgt.s32 s1, $0x3F;
	s3 =	ssub.s32 $0x2000, s1;
	s23 =	ssub.s32 $0x40, s1  }
0x193: {  	s3 =	smov.u32 @p2 s1;
	s23 =	simm.s32 @p2 $0x40  }
0x194: {  	p4 =	sge.s32 s23, s3  }
0x195: {  	p3 =	slt.s32 @!p4 s3, $0x11  }
0x196: {  	s24 =	simm.s32 $0x40000000;
	p3 =	por p4, p3  }
.Ltmp20:
0x197: {  	s25 =	smov.u32 s0;
	s30 =	spop (v2sf);
	(pc) =	sbr.rel @!p3 .LBB2_24-.Ltmp20, $4  }
0x198: {  	s18 =	smov.u32 s8;
	s29 =	ssub.f32 s8, s0;
	s31 =	spop (v2sf)  }
0x199: {  	s2 =	simm.s32 $0x1D;
	s4 =	smov.u32 s1;
	s28 =	spop (v2sf)  }
0x19a: {  	s4 =	simm.s32 @p2 $0x0;
	s24 =	simm.s32 @!p2 $0x0;
	s26 =	spop (v2sf)  }
0x19b: {  	s25 =	simm.s32 @p2 $0x0;
	s29 =	smov.u32 @p2 s0;
	s0 =	spop (v2sf)  }
.Ltmp21:
0x19c: {  	(pc) =	sbr.rel .LBB2_36-.Ltmp21, $4  }
0x19d: {  	p2 =	slt.s32 s23, s3;
	s2 =	simm.s32 @p4 $0x1D  }
0x19e: {  	s4 =	smov.u32 @p4 s4;
	s23 =	smov.u32 @p4 s23;
	s3 =	smov.u32 @p4 s3  }
0x19f: {  	s24 =	smov.u32 @p4 s24;
	s25 =	smov.u32 @p4 s25;
	p3 =	por $0x1, $0x1  }
0x1a0: {  	s29 =	smov.u32 @p4 s29;
	p3 =	por @!p4 p3, p3;
	p2 =	por @!p4 p2, p2  }
.LBB2_27:
0x1a1: {  	v10 =	vimm.s32 $0x80000000  }
.LBB2_34:
0x1a2: {  	(xrf0) =	vmax.scan.msk.u32 $0xffff, v10;
	_ =	sdelay $0x5  }
0x1a3: {  	v10, _, _ =	vpop (xrf0)  }
0x1a4: {  	(v2sf) =	vpush v10, $0xF;
	_ =	sdelay $0xe  }
0x1a5: {  	s13 =	simm.s32 @p2 $0x0;
	s1 =	spop (v2sf)  }
0x1a6: {  	p4 =	sne.s32 s2, $0x0;
	s23 =	ssub.s32 s23, s13;
	s3 =	sxor.u32 $0x80000000, s1  }
0x1a7: {  	p3 =	sge.s32 @p4 s23, s3  }
0x1a8: {  	p5 =	por !p4, p3  }
0x1a9: {  	p3 =	sgt.s32 @!p5 s3, $0x10  }
0x1aa: {  	p3 =	por p5, !p3  }
.Ltmp22:
0x1ab: {  	s29 =	ssub.f32 s29, s6;
	(pc) =	sbr.rel @p3 .LBB2_35-.Ltmp22, $4  }
0x1ac: {  	s4 =	sshll.u32 s9, s2;
	s1 =	sadd.f32 s6, s25  }
0x1ad: {  	s5 =	sadd.s32 $0xFFFFFFFF, s2;
	s4 =	simm.s32 @!p2 $0x0  }
0x1ae: {  	s2 =	smov.u32 s5;
	s29 =	smov.u32 @p2 s6;
	s1 =	smov.u32 @p2 s25  }
0x1af: {  	s24 =	sor.u32 s24, s4;
	s4 =	simm.s32 $0x0;
	s25 =	smov.u32 s1  }
.LBB2_24:
0x1b0: {  	s1 =	sadd.s32 $0x7F, s3  }
0x1b1: {  	s5 =	sand.u32 $0x7F, s1  }
0x1b2: {  	s17 =	sshra.s32 s1, $0x1F;
	p3 =	slt.s32 s1, $0x0;
	p2 =	sne.s32 s5, $0x0  }
0x1b3: {  	s5 =	sshrl.u32 s17, $0x19;
	p2 =	por !p3, !p2  }
0x1b4: {  	s1 =	sadd.s32 s5, s1;
	s5 =	simm.s32 $0x1;
	p2 =	por !p2, !p2  }
0x1b5: {  	s1 =	sshra.s32 s1, $0x7;
	s5 =	simm.s32 @!p2 $0x0  }
0x1b6: {  	s1 =	ssub.s32 s1, s5  }
0x1b7: {  	p2 =	slt.s32 s1, $0x1  }
.Ltmp23:
0x1b8: {  	_ = 	snop;
	(pc) =	sbr.rel @p2 .LBB2_25-.Ltmp23, $3  }
0x1b9: {  	_ =	sdelay $0x1  }
0x1ba: {  	s4 =	sshll.u32 s4, $0x2  }
0x1bb: {  	v10 =	vmov s3;
	v11 =	vmov s2;
	s3 =	sshra.s32 s4, $0x2  }
0x1bc: {  	s5 =	sadd.s32 $0x60C0, s3  }
0x1bd: {  	v13 =	vld [tilespmem:s5+$0x30]  }
0x1be: {  	v12 =	vld [tilespmem:s5+$0x20]  }
0x1bf: {  	v16 =	vld [tilespmem:s5+$0x10]  }
0x1c0: {  	v17 =	vld [tilespmem:s5+$0x0]  }
0x1c1: {  	v14 =	vimm.s32 $0x0;
	v15 =	vimm.f32 $0.0e+00;
	s13 =	simm.s32 $0x0;
	s4 =	simm.s32 $0x60;
	s12 =	simm.s32 $0x70;
	v18 =	vld [tilespmem:s5+$0xFFFFFFF0]  }
0x1c2: {  	s7 =	simm.s32 $0x30;
	s8 =	simm.s32 $0x40;
	s15 =	simm.s32 $0x50;
	v19 =	vor.u32 s13, v0;
	v20 =	vld [tilespmem:s5+$0xFFFFFFE0];
	v21 =	vor.u32 s4, v0;
	v22 =	vor.u32 s12, v0  }
0x1c3: {  	s17 =	simm.s32 $0x20;
	s12 =	simm.s32 $0x10;
	v23 =	vld [tilespmem:s5+$0xFFFFFFD0];
	v24 =	vor.u32 s7, v0;
	v25 =	vor.u32 s8, v0;
	v26 =	vor.u32 s15, v0  }
0x1c4: {  	v27 =	vld [tilespmem:s5+$0xFFFFFFC0];
	v28 =	vor.u32 s17, v0;
	vm6 =	vlt.s32 v19, v10;
	v19 =	vor.u32 s12, v0  }
0x1c5: {  	vm2 =	vlt.s32 v26, v10;
	vm3 =	vlt.s32 v21, v10;
	vm0 =	vlt.s32 v22, v10  }
0x1c6: {  	vm7 =	vlt.s32 v28, v10;
	vm5 =	vlt.s32 v24, v10;
	vm4 =	vlt.s32 v25, v10  }
0x1c7: {  	vm8 =	vlt.s32 v19, v10;
	v19 =	vshrl.u32 v12, v11;
	v55 =	vshrl.u32 v13, v11  }
0x1c8: {  	v56 =	vshrl.u32 v18, v11;
	v57 =	vshrl.u32 v17, v11;
	v58 =	vshrl.u32 v16, v11  }
0x1c9: {  	v59 =	vshrl.u32 v27, v11;
	v60 =	vshrl.u32 v23, v11;
	v29 =	vshrl.u32 v20, v11  }
0x1ca: {  	v26 =	vand.u32 $0x1, v59;
	v19 =	vand.u32 $0x1, v19;
	v21 =	vand.u32 $0x1, v55  }
0x1cb: {  	v24 =	vand.u32 $0x1, v57;
	v25 =	vand.u32 $0x1, v58;
	vm9 =	veq.s32 v26, $0x1  }
0x1cc: {  	v61 =	vand.u32 $0x1, v60;
	v22 =	vand.u32 $0x1, v56;
	vm6 =	vmand vm6, vm9  }
0x1cd: {  	v62 =	vand.u32 $0x1, v29;
	vm15 =	veq.s32 v61, $0x1;
	v27 =	vnsel vm6, $0x0, v27  }
0x1ce: {  	vm10 =	veq.s32 v62, $0x1;
	vm8 =	vmand vm8, vm15;
	v15 =	vadd.f32 v27, v15  }
0x1cf: {  	vm11 =	veq.s32 v19, $0x1;
	vm12 =	veq.s32 v22, $0x1;
	v63 =	vnsel vm8, $0x0, v23  }
0x1d0: {  	vm13 =	veq.s32 v24, $0x1;
	vm7 =	vmand vm7, vm10;
	v15 =	vadd.f32 v63, v15  }
0x1d1: {  	s6 =	sshll.u32 s1, $0x3;
	vm9 =	veq.s32 v21, $0x1;
	vm10 =	veq.s32 v25, $0x1;
	v19 =	vnsel vm7, $0x0, v20  }
0x1d2: {  	p2 =	sgt.s32 s6, $0x8;
	vm12 =	vmand vm5, vm12;
	vm0 =	vmand vm0, vm9;
	v15 =	vadd.f32 v19, v15  }
.Ltmp24:
0x1d3: {  	v18 =	vnsel vm12, $0x0, v18;
	vm5 =	vmand vm2, vm10;
	vm2 =	vmand vm3, vm11;
	(pc) =	sbr.rel @!p2 .LBB2_30-.Ltmp24, $4  }
0x1d4: {  	vm3 =	vmand vm4, vm13;
	v19 =	vsel vm6, $0x1, v1;
	v15 =	vadd.f32 v18, v15  }
0x1d5: {  	v17 =	vnsel vm3, $0x0, v17;
	v14 =	vadd.s32 v19, v14;
	v18 =	vsel vm8, $0x1, v1  }
0x1d6: {  	v19 =	vsel vm7, $0x1, v1;
	v18 =	vadd.s32 v18, v14;
	v14 =	vadd.f32 v17, v15  }
0x1d7: {  	s4 =	simm.s32 $0x8;
	s5 =	sadd.s32 $0x80, s5;
	v16 =	vnsel vm5, $0x0, v16;
	v15 =	vadd.s32 v19, v18;
	v17 =	vsel vm12, $0x1, v1  }
.LBB2_29:
0x1d8: {  	v18 =	vld [tilespmem:s5+$0x30];
	v15 =	vadd.s32 v17, v15;
	v17 =	vsel vm3, $0x1, v1;
	v14 =	vadd.f32 v16, v14  }
0x1d9: {  	v16 =	vsel vm5, $0x1, v1;
	v15 =	vadd.s32 v17, v15;
	v17 =	vnsel vm2, $0x0, v12;
	v12 =	vld [tilespmem:s5+$0x20]  }
0x1da: {  	v19 =	vld [tilespmem:s5+$0x10];
	v15 =	vadd.s32 v16, v15;
	v16 =	vsel vm2, $0x1, v1;
	v14 =	vadd.f32 v17, v14  }
0x1db: {  	v24 =	vnsel vm0, $0x0, v13;
	s13 =	sadd.s32 $0x80, s13;
	v17 =	vld [tilespmem:s5+$0x0];
	v15 =	vadd.s32 v16, v15;
	v16 =	vsel vm0, $0x1, v1  }
0x1dc: {  	s7 =	sadd.s32 $0x60, s13;
	s8 =	sadd.s32 $0x70, s13;
	v20 =	vld [tilespmem:s5+$0xFFFFFFF0];
	v15 =	vadd.s32 v16, v15;
	v14 =	vadd.f32 v24, v14  }
0x1dd: {  	s12 =	sadd.s32 $0x30, s13;
	s15 =	sadd.s32 $0x40, s13;
	s17 =	sadd.s32 $0x50, s13;
	v22 =	vor.u32 s7, v0;
	v23 =	vor.u32 s8, v0;
	v16 =	vor.u32 s13, v0;
	v21 =	vld [tilespmem:s5+$0xFFFFFFE0];
	v13 =	vmovc v18  }
0x1de: {  	s7 =	sadd.s32 $0x10, s13;
	s8 =	sadd.s32 $0x20, s13;
	v25 =	vor.u32 s15, v0;
	v26 =	vor.u32 s17, v0;
	v24 =	vor.u32 s12, v0;
	v18 =	vld [tilespmem:s5+$0xFFFFFFD0]  }
0x1df: {  	s4 =	sadd.s32 $0x8, s4;
	v28 =	vor.u32 s8, v0;
	vm7 =	vlt.s32 v16, v10;
	v16 =	vor.u32 s7, v0;
	v27 =	vld [tilespmem:s5+$0xFFFFFFC0]  }
0x1e0: {  	p2 =	slt.s32 s4, s6;
	vm2 =	vlt.s32 v26, v10;
	vm3 =	vlt.s32 v22, v10;
	vm0 =	vlt.s32 v23, v10  }
0x1e1: {  	vm4 =	vlt.s32 v25, v10;
	vm6 =	vlt.s32 v28, v10;
	vm5 =	vlt.s32 v24, v10  }
0x1e2: {  	vm8 =	vlt.s32 v16, v10;
	v16 =	vshrl.u32 v12, v11;
	v22 =	vshrl.u32 v13, v11  }
0x1e3: {  	v25 =	vshrl.u32 v19, v11;
	v24 =	vshrl.u32 v17, v11;
	v23 =	vshrl.u32 v20, v11  }
0x1e4: {  	v29 =	vshrl.u32 v21, v11;
	v28 =	vshrl.u32 v18, v11;
	v26 =	vshrl.u32 v27, v11  }
0x1e5: {  	v16 =	vand.u32 $0x1, v16;
	v22 =	vand.u32 $0x1, v22;
	v26 =	vand.u32 $0x1, v26  }
0x1e6: {  	v25 =	vand.u32 $0x1, v25;
	v24 =	vand.u32 $0x1, v24;
	vm9 =	veq.s32 v26, $0x1  }
0x1e7: {  	v23 =	vand.u32 $0x1, v23;
	v26 =	vand.u32 $0x1, v28;
	vm7 =	vmand vm7, vm9  }
0x1e8: {  	vm9 =	veq.s32 v26, $0x1;
	v26 =	vand.u32 $0x1, v29;
	v27 =	vnsel vm7, $0x0, v27  }
0x1e9: {  	vm8 =	vmand vm8, vm9;
	vm9 =	veq.s32 v22, $0x1;
	v14 =	vadd.f32 v27, v14  }
0x1ea: {  	vm11 =	veq.s32 v16, $0x1;
	vm10 =	veq.s32 v26, $0x1;
	v18 =	vnsel vm8, $0x0, v18  }
0x1eb: {  	vm6 =	vmand vm6, vm10;
	vm10 =	veq.s32 v25, $0x1;
	v14 =	vadd.f32 v18, v14  }
0x1ec: {  	vm13 =	veq.s32 v24, $0x1;
	vm12 =	veq.s32 v23, $0x1;
	v16 =	vnsel vm6, $0x0, v21  }
0x1ed: {  	vm12 =	vmand vm5, vm12;
	vm0 =	vmand vm0, vm9;
	v14 =	vadd.f32 v16, v14  }
.Ltmp25:
0x1ee: {  	vm5 =	vmand vm2, vm10;
	vm2 =	vmand vm3, vm11;
	v16 =	vnsel vm12, $0x0, v20;
	(pc) =	sbr.rel @p2 .LBB2_29-.Ltmp25, $4  }
0x1ef: {  	vm3 =	vmand vm4, vm13;
	v18 =	vsel vm7, $0x1, v1;
	v14 =	vadd.f32 v16, v14  }
0x1f0: {  	v17 =	vnsel vm3, $0x0, v17;
	v15 =	vadd.s32 v18, v15;
	v16 =	vsel vm8, $0x1, v1  }
0x1f1: {  	v15 =	vadd.s32 v16, v15;
	v16 =	vsel vm6, $0x1, v1;
	v14 =	vadd.f32 v17, v14  }
0x1f2: {  	s5 =	sadd.s32 $0x80, s5;
	v15 =	vadd.s32 v16, v15;
	v17 =	vsel vm12, $0x1, v1;
	v16 =	vnsel vm5, $0x0, v19  }
.LBB2_30:
.Ltmp26:
0x1f3: {  	v15 =	vadd.s32 v17, v15;
	v61 =	vsel vm3, $0x1, v1;
	v14 =	vadd.f32 v16, v14;
	(pc) =	sbr.rel .LBB2_26-.Ltmp26, $4  }
0x1f4: {  	v62 =	vsel vm5, $0x1, v1;
	v12 =	vnsel vm2, $0x0, v12;
	v15 =	vadd.s32 v61, v15  }
0x1f5: {  	v63 =	vsel vm2, $0x1, v1;
	v15 =	vadd.s32 v62, v15;
	v14 =	vadd.f32 v12, v14  }
0x1f6: {  	v13 =	vnsel vm0, $0x0, v13;
	v12 =	vadd.s32 v63, v15;
	v15 =	vsel vm0, $0x1, v1  }
0x1f7: {  	v12 =	vadd.s32 v15, v12;
	v13 =	vadd.f32 v13, v14  }
.LBB2_25:
0x1f8: {  	v13 =	vimm.f32 $0.0e+00;
	v12 =	vimm.s32 $0x0  }
.LBB2_26:
0x1f9: {  	_ = 	snop  }
0x1fa: {  	(xrf2) =	vadd.scan.msk.f32 $0xffff, v13;
	_ =	sdelay $0x2  }
0x1fb: {  	(xrf0) =	vadd.scan.msk.s32 $0xffff, v12;
	_ =	sdelay $0x5  }
0x1fc: {  	v12, _, _ =	vpop (xrf0)  }
0x1fd: {  	(v2sf) =	vpush v12, $0xF;
	v63, _, _ =	vpop (xrf2)  }
0x1fe: {  	(v2sf) =	vpush v63, $0xF;
	_ =	sdelay $0x9  }
0x1ff: {  	p3 =	sgt.s32 s1, $0x0  }
.Ltmp27:
0x200: {  	_ = 	snop;
	(pc) =	sbr.rel @!p3 .LBB2_27-.Ltmp27, $3  }
0x201: {  	_ =	sdelay $0x1  }
0x202: {  	s13 =	spop (v2sf)  }
0x203: {  	p2 =	sge.s32 s13, s23;
	s6 =	spop (v2sf)  }
0x204: {  	vm0 =	vmxor vm0, vm0  }
0x205: {  	vm0 =	vmneg @p2 vm0  }
0x206: {  	p3 =	sne.s32 s1, $0x1;
	vm0 =	vmneg vm0  }
.Ltmp28:
0x207: {  	v14 =	vimm.s32 $0x0;
	s12 =	simm.s32 $0x0;
	s17 =	simm.s32 $0x10;
	v12 =	vsel vm0, $0x1, v1;
	(pc) =	sbr.rel @!p3 .LBB2_33-.Ltmp28, $4  }
0x208: {  	s5 =	simm.s32 $0x30;
	s7 =	simm.s32 $0x40;
	s8 =	simm.s32 $0x50;
	v16 =	vor.u32 s12, v0;
	v17 =	vor.u32 s17, v0;
	v12 =	vbroadcast v12, $0x0  }
0x209: {  	s4 =	sadd.s32 $0x60C0, s3;
	s15 =	simm.s32 $0x60;
	v18 =	vor.u32 s5, v0;
	s5 =	simm.s32 $0x20;
	v20 =	vor.u32 s7, v0;
	v19 =	vor.u32 s8, v0  }
0x20a: {  	s17 =	simm.s32 $0x70;
	v24 =	vor.u32 s15, v0;
	v13 =	vld [tilespmem:s4+$0x0];
	v21 =	vor.u32 s5, v0;
	v12 =	vand.u32 $0x1, v12  }
0x20b: {  	s1 =	sadd.s32 $0xFFFFFFFF, s1;
	s3 =	smov.u32 s4;
	v15 =	vor.u32 s17, v0;
	vm3 =	vlt.s32 v21, v10;
	vm2 =	veq.s32 v12, $0x1;
	v12 =	vld [tilespmem:s4+$0x10]  }
.LBB2_32:
0x20c: {  	p3 =	sne.s32 s1, $0x1;
	v21 =	vld [tilespmem:s4+$0x30];
	s12 =	sadd.s32 $0x80, s12;
	s3 =	sadd.s32 $0x80, s3  }
0x20d: {  	s1 =	sadd.s32 $0xFFFFFFFF, s1;
	vm0 =	vlt.s32 v24, v10;
	s5 =	sadd.s32 $0x10, s12;
	s7 =	sadd.s32 $0x30, s12;
	v26 =	vor.u32 s12, v0;
	v22 =	vld [tilespmem:s4+$0xFFFFFFE0]  }
0x20e: {  	vm4 =	vlt.s32 v19, v10;
	s8 =	sadd.s32 $0x40, s12;
	s15 =	sadd.s32 $0x50, s12;
	s17 =	sadd.s32 $0x70, s12;
	v27 =	vor.u32 s5, v0;
	v28 =	vor.u32 s7, v0;
	v24 =	vld [tilespmem:s4+$0xFFFFFFC0]  }
0x20f: {  	s5 =	sadd.s32 $0x60, s12;
	v29 =	vor.u32 s8, v0;
	v19 =	vor.u32 s15, v0;
	v30 =	vor.u32 s17, v0;
	v25 =	vld [tilespmem:s4+$0xFFFFFFD0]  }
0x210: {  	vm5 =	vlt.s32 v18, v10;
	vm9 =	vlt.s32 v20, v10;
	v18 =	vmovc v28;
	v23 =	vld [tilespmem:s4+$0x20];
	v33 =	vshrl.u32 v13, v11  }
0x211: {  	vm7 =	vlt.s32 v16, v10;
	vm6 =	vlt.s32 v17, v10;
	v16 =	vmovc v26;
	v32 =	vshrl.u32 v21, v11  }
0x212: {  	v17 =	vmovc v27;
	v20 =	vmovc v29;
	v28 =	vand.u32 $0x1, v33;
	v26 =	vshrl.u32 v22, v11;
	v31 =	vand.u32 $0x1, v32  }
0x213: {  	vm8 =	veq.s32 v28, $0x1;
	v26 =	vand.u32 $0x1, v26;
	vm13 =	veq.s32 v31, $0x1  }
0x214: {  	v29 =	vshrl.u32 v12, v11;
	v27 =	vshrl.u32 v24, v11;
	v28 =	vshrl.u32 v25, v11  }
0x215: {  	v29 =	vand.u32 $0x1, v29;
	vm10 =	vmxor vm2, vm8;
	v31 =	vld [tilespmem:s4+$0xFFFFFFF0];
	v32 =	vshrl.u32 v23, v11;
	s4 =	smov.u32 s3  }
0x216: {  	vm8 =	veq.s32 v29, $0x1;
	v28 =	vand.u32 $0x1, v28;
	v29 =	vand.u32 $0x1, v32  }
0x217: {  	vm11 =	vmxor vm2, vm8;
	vm14 =	veq.s32 v28, $0x1;
	vm8 =	veq.s32 v29, $0x1  }
0x218: {  	v27 =	vand.u32 $0x1, v27;
	vm15 =	veq.s32 v26, $0x1;
	vm12 =	vmxor vm2, vm8  }
0x219: {  	vm13 =	vmxor vm2, vm13;
	vm15 =	vmxor vm2, vm15;
	vm8 =	veq.s32 v27, $0x1  }
0x21a: {  	vm3 =	vmand vm3, vm15;
	vm8 =	vmxor vm2, vm8;
	v26 =	vshrl.u32 v31, v11  }
0x21b: {  	vm7 =	vmand vm7, vm8;
	vm8 =	vmxor vm2, vm14;
	v26 =	vand.u32 $0x1, v26  }
0x21c: {  	v27 =	vsel vm7, $0x1, v1;
	vm6 =	vmand vm6, vm8;
	vm8 =	veq.s32 v26, $0x1  }
0x21d: {  	vm14 =	vlt.s32 v15, v10;
	v15 =	vmovc v30;
	v26 =	vsel vm6, $0x1, v1;
	vm8 =	vmxor vm2, vm8;
	(xrf0) =	vadd.scan.msk.s32 $0xffff, v27  }
0x21e: {  	v27 =	vsel vm3, $0x1, v1;
	vm8 =	vmand vm5, vm8;
	vm5 =	vmand vm14, vm13;
	(xrf0) =	vadd.scan.msk.s32 $0xffff, v26  }
0x21f: {  	vm9 =	vmand vm9, vm10;
	v26 =	vsel vm8, $0x1, v1;
	v28 =	vmpcnt.ones.xlane vm8;
	(xrf0) =	vadd.scan.msk.s32 $0xffff, v27  }
0x220: {  	vm4 =	vmand vm4, vm11;
	v29 =	vmpcnt.ones.xlane vm9;
	v27 =	vsel vm9, $0x1, v1;
	(xrf0) =	vadd.scan.msk.s32 $0xffff, v26  }
0x221: {  	vm0 =	vmand vm0, vm12;
	v30 =	vmpcnt.ones.xlane vm5;
	v26 =	vsel vm4, $0x1, v1;
	(xrf0) =	vadd.scan.msk.s32 $0xffff, v27  }
0x222: {  	v32 =	vmpcnt.ones.xlane vm3;
	v33 =	vsel vm0, $0x1, v1;
	v27 =	vmpcnt.ones.xlane vm7;
	(xrf0) =	vadd.scan.msk.s32 $0xffff, v26  }
0x223: {  	v34 =	vmpcnt.ones.xlane vm4;
	v37 =	vmpcnt.ones.xlane vm6;
	v35 =	vsel vm5, $0x1, v1;
	v36, _, _ =	vpop (xrf0);
	(xrf0) =	vadd.scan.msk.s32 $0xffff, v33  }
0x224: {  	v33 =	vadd.s32 v36, v14;
	v14 =	vadd.s32 v14, v27;
	v27 =	vmpcnt.ones.xlane vm0;
	v36, _, _ =	vpop (xrf0);
	(xrf0) =	vadd.scan.msk.s32 $0xffff, v35  }
0x225: {  	v33 =	vadd.s32 $0xFFFFFFFF, v33;
	v35 =	vadd.s32 v14, v36;
	v14 =	vadd.s32 v14, v37;
	v26, _, _ =	vpop (xrf0)  }
0x226: {  	v35 =	vadd.s32 $0xFFFFFFFF, v35;
	v26 =	vadd.s32 v14, v26;
	v14 =	vadd.s32 v14, v32;
	v32, _, _ =	vpop (xrf0)  }
0x227: {  	v26 =	vadd.s32 $0xFFFFFFFF, v26;
	v32 =	vadd.s32 v14, v32;
	v14 =	vadd.s32 v14, v28;
	v28, _, _ =	vpop (xrf0)  }
0x228: {  	v32 =	vadd.s32 $0xFFFFFFFF, v32;
	v28 =	vadd.s32 v14, v28;
	v14 =	vadd.s32 v14, v29;
	v29, _, _ =	vpop (xrf0)  }
0x229: {  	v28 =	vadd.s32 $0xFFFFFFFF, v28;
	v29 =	vadd.s32 v14, v29;
	v14 =	vadd.s32 v14, v34;
	v34, _, _ =	vpop (xrf0)  }
0x22a: {  	[tilespmem:v33+s11+$0x0] =	vst.idx.msk vm7, v24;
	v29 =	vadd.s32 $0xFFFFFFFF, v29;
	v24 =	vadd.s32 v14, v34;
	v14 =	vadd.s32 v14, v27;
	v27, _, _ =	vpop (xrf0)  }
0x22b: {  	[tilespmem:v35+s11+$0x0] =	vst.idx.msk vm6, v25;
	v25 =	vadd.s32 $0xFFFFFFFF, v24;
	v27 =	vadd.s32 v14, v27;
	v14 =	vadd.s32 v14, v30  }
0x22c: {  	v24 =	vor.u32 s5, v0;
	[tilespmem:v26+s11+$0x0] =	vst.idx.msk vm3, v22;
	v22 =	vadd.s32 $0xFFFFFFFF, v27  }
0x22d: {  	[tilespmem:v32+s11+$0x0] =	vst.idx.msk vm8, v31  }
0x22e: {  	[tilespmem:v28+s11+$0x0] =	vst.idx.msk vm9, v13  }
.Ltmp29:
0x22f: {  	s5 =	sadd.s32 $0x20, s12;
	[tilespmem:v29+s11+$0x0] =	vst.idx.msk vm4, v12;
	(pc) =	sbr.rel @p3 .LBB2_32-.Ltmp29, $4  }
0x230: {  	[tilespmem:v25+s11+$0x0] =	vst.idx.msk vm0, v23  }
0x231: {  	v23 =	vor.u32 s5, v0;
	[tilespmem:v22+s11+$0x0] =	vst.idx.msk vm5, v21  }
0x232: {  	v12 =	vld [tilespmem:s3+$0x10]  }
0x233: {  	vm3 =	vlt.s32 v23, v10;
	v13 =	vld [tilespmem:s3+$0x0]  }
.LBB2_33:
0x234: {  	v21 =	vld [tilespmem:s4+$0x30]  }
0x235: {  	v22 =	vld [tilespmem:s4+$0xFFFFFFE0]  }
0x236: {  	v23 =	vld [tilespmem:s4+$0xFFFFFFC0]  }
0x237: {  	v33 =	vld [tilespmem:s4+$0xFFFFFFD0]  }
0x238: {  	v34 =	vld [tilespmem:s4+$0x20]  }
0x239: {  	vm0 =	vlt.s32 v24, v10;
	v25 =	vld [tilespmem:s4+$0xFFFFFFF0]  }
0x23a: {  	vm7 =	vlt.s32 v19, v10;
	vm6 =	vlt.s32 v18, v10;
	vm8 =	vlt.s32 v20, v10  }
0x23b: {  	vm5 =	vlt.s32 v16, v10;
	vm4 =	vlt.s32 v17, v10;
	v35 =	vshrl.u32 v13, v11  }
0x23c: {  	v39 =	vshrl.u32 v12, v11;
	v36 =	vshrl.u32 v21, v11;
	v37 =	vshrl.u32 v22, v11  }
0x23d: {  	v20 =	vand.u32 $0x1, v35;
	v38 =	vshrl.u32 v23, v11;
	v40 =	vshrl.u32 v33, v11  }
0x23e: {  	v26 =	vshrl.u32 v34, v11;
	v11 =	vshrl.u32 v25, v11;
	v16 =	vand.u32 $0x1, v36  }
0x23f: {  	v17 =	vand.u32 $0x1, v37;
	vm9 =	veq.s32 v20, $0x1;
	v20 =	vand.u32 $0x1, v39  }
0x240: {  	v24 =	vand.u32 $0x1, v40;
	v41 =	vand.u32 $0x1, v26;
	v11 =	vand.u32 $0x1, v11  }
0x241: {  	vm10 =	veq.s32 v16, $0x1;
	vm9 =	vmxor vm2, vm9;
	vm11 =	veq.s32 v20, $0x1  }
0x242: {  	vm12 =	veq.s32 v24, $0x1;
	vm13 =	veq.s32 v41, $0x1;
	v16 =	vand.u32 $0x1, v38  }
0x243: {  	vm14 =	veq.s32 v17, $0x1;
	vm11 =	vmxor vm2, vm11;
	vm15 =	veq.s32 v16, $0x1  }
0x244: {  	vm13 =	vmxor vm2, vm13;
	vm14 =	vmxor vm2, vm14;
	vm15 =	vmxor vm2, vm15  }
0x245: {  	vm10 =	vmxor vm2, vm10;
	vm12 =	vmxor vm2, vm12;
	vm5 =	vmand vm5, vm15  }
0x246: {  	vm4 =	vmand vm4, vm12;
	vm12 =	veq.s32 v11, $0x1;
	v42 =	vsel vm5, $0x1, v1  }
0x247: {  	vm3 =	vmand vm3, vm14;
	v11 =	vsel vm4, $0x1, v1;
	vm2 =	vmxor vm2, vm12;
	(xrf0) =	vadd.scan.msk.s32 $0xffff, v42  }
0x248: {  	vm12 =	vlt.s32 v15, v10;
	v10 =	vsel vm3, $0x1, v1;
	vm6 =	vmand vm6, vm2;
	(xrf0) =	vadd.scan.msk.s32 $0xffff, v11  }
0x249: {  	vm8 =	vmand vm8, vm9;
	vm7 =	vmand vm7, vm11;
	v11 =	vsel vm6, $0x1, v1;
	(xrf0) =	vadd.scan.msk.s32 $0xffff, v10  }
0x24a: {  	v43 =	vsel vm8, $0x1, v1;
	vm0 =	vmand vm0, vm13;
	v44 =	vsel vm7, $0x1, v1;
	(xrf0) =	vadd.scan.msk.s32 $0xffff, v11  }
0x24b: {  	v46 =	vmpcnt.ones.xlane vm3;
	v47 =	vsel vm0, $0x1, v1;
	v45 =	vmpcnt.ones.xlane vm5;
	(xrf0) =	vadd.scan.msk.s32 $0xffff, v43  }
0x24c: {  	v48 =	vmpcnt.ones.xlane vm4;
	v49 =	vmpcnt.ones.xlane vm7;
	vm2 =	vmand vm12, vm10;
	(xrf0) =	vadd.scan.msk.s32 $0xffff, v44  }
0x24d: {  	v53 =	vmpcnt.ones.xlane vm0;
	v50 =	vsel vm2, $0x1, v1;
	v52 =	vadd.s32 v14, v45;
	v27, _, _ =	vpop (xrf0);
	(xrf0) =	vadd.scan.msk.s32 $0xffff, v47  }
0x24e: {  	v10 =	vmpcnt.ones.xlane vm6;
	v11 =	vmpcnt.ones.xlane vm8;
	v51 =	vadd.s32 v27, v14;
	v54, _, _ =	vpop (xrf0);
	(xrf0) =	vadd.scan.msk.s32 $0xffff, v50  }
0x24f: {  	v14 =	vadd.s32 v52, v48;
	v20 =	vadd.s32 $0xFFFFFFFF, v51;
	v55 =	vadd.s32 v52, v54;
	v56, _, _ =	vpop (xrf0)  }
0x250: {  	v26 =	vadd.s32 $0xFFFFFFFF, v55;
	v16 =	vadd.s32 v14, v56;
	v14 =	vadd.s32 v14, v46;
	v57, _, _ =	vpop (xrf0)  }
0x251: {  	v16 =	vadd.s32 $0xFFFFFFFF, v16;
	v17 =	vadd.s32 v14, v57;
	v10 =	vadd.s32 v14, v10;
	v58, _, _ =	vpop (xrf0)  }
0x252: {  	v17 =	vadd.s32 $0xFFFFFFFF, v17;
	v14 =	vadd.s32 v10, v58;
	v10 =	vadd.s32 v10, v11;
	v11, _, _ =	vpop (xrf0)  }
0x253: {  	v14 =	vadd.s32 $0xFFFFFFFF, v14;
	v11 =	vadd.s32 v10, v11;
	v10 =	vadd.s32 v10, v49;
	v59, _, _ =	vpop (xrf0)  }
0x254: {  	[tilespmem:v20+s11+$0x0] =	vst.idx.msk vm5, v23;
	v11 =	vadd.s32 $0xFFFFFFFF, v11;
	v60 =	vadd.s32 v10, v59;
	v10 =	vadd.s32 v10, v53;
	v61, _, _ =	vpop (xrf0)  }
0x255: {  	[tilespmem:v26+s11+$0x0] =	vst.idx.msk vm4, v33;
	v62 =	vadd.s32 $0xFFFFFFFF, v60;
	v15 =	vadd.s32 v10, v61  }
0x256: {  	[tilespmem:v16+s11+$0x0] =	vst.idx.msk vm3, v22;
	v15 =	vadd.s32 $0xFFFFFFFF, v15  }
.Ltmp30:
0x257: {  	[tilespmem:v17+s11+$0x0] =	vst.idx.msk vm6, v25;
	(pc) =	sbr.rel .LBB2_34-.Ltmp30, $4  }
0x258: {  	v63 =	vmpcnt.ones.xlane vm2;
	[tilespmem:v14+s11+$0x0] =	vst.idx.msk vm8, v13  }
0x259: {  	[tilespmem:v11+s11+$0x0] =	vst.idx.msk vm7, v12  }
0x25a: {  	v10 =	vadd.s32 v10, v63;
	[tilespmem:v62+s11+$0x0] =	vst.idx.msk vm0, v34  }
0x25b: {  	v10 =	vxor.u32 $0x80000000, v10;
	[tilespmem:v15+s11+$0x0] =	vst.idx.msk vm2, v21  }
.LBB2_35:
0x25c: {  	s2 =	smov.u32 s5;
	s4 =	simm.s32 @p4 $0x0  }
0x25d: {  	s6 =	smov.u32 s23;
	s7 =	smov.u32 s3;
	s8 =	smov.u32 s24  }
0x25e: {  	s12 =	smov.u32 s1;
	p6 =	slt.s32 s23, s3;
	s13 =	smov.u32 s29  }
0x25f: {  	p3 =	por p4, p4;
	s2 =	smov.u32 @p4 s5;
	s6 =	smov.u32 @p4 s23  }
0x260: {  	s7 =	smov.u32 @p4 s3;
	s8 =	smov.u32 @p4 s24;
	s12 =	smov.u32 @p4 s1  }
0x261: {  	s13 =	smov.u32 @p4 s29;
	p3 =	por @!p4 p4, p4;
	p2 =	por p6, p6  }
0x262: {  	s4 =	simm.s32 @!p5 $0x0;
	p2 =	por @!p4 p6, p6;
	s5 =	smov.u32 @p5 s2  }
0x263: {  	s23 =	smov.u32 @p5 s6;
	s3 =	smov.u32 @p5 s7;
	s24 =	smov.u32 @p5 s8  }
0x264: {  	s1 =	smov.u32 @p5 s12;
	s29 =	smov.u32 @p5 s13;
	p3 =	por @!p5 p4, p4  }
0x265: {  	p2 =	por @!p5 p6, p6;
	s2 =	smov.u32 s5;
	s25 =	smov.u32 s1  }
.LBB2_36:
0x266: {  	p4 =	slt.s32 @p2 s2, $0x0  }
0x267: {  	p4 =	por !p2, p4  }
.Ltmp31:
0x268: {  	v10 =	vld [tilespmem:s4+$0x6080];
	(pc) =	sbr.rel @p4 .LBB2_51-.Ltmp31, $2  }
0x269: {  	_ =	sdelay $0x2  }
0x26a: {  	v13 =	vmov s23;
	v12 =	vmov s24;
	v11 =	vmov s3  }
0x26b: {  	v14 =	vshrl.u32 v10, s2  }
0x26c: {  	p4 =	sgt.s32 s2, $0x0;
	v14 =	vand.u32 $0x1, v14  }
.Ltmp32:
0x26d: {  	vm0 =	vgt.s32 v11, v0;
	vm2 =	veq.s32 v14, $0x1;
	(pc) =	sbr.rel @!p4 .LBB2_39-.Ltmp32, $4  }
0x26e: {  	vm3 =	vmand vm0, vm2  }
0x26f: {  	v15 =	vmpcnt.ones.xlane vm3  }
0x270: {  	s4 =	sshll.u32 s9, s2  }
0x271: {  	s1 =	simm.s32 $0x0;
	v14 =	vmov s4;
	s4 =	sadd.s32 $0xFFFFFFFF, s2;
	vm3 =	vge.s32 v15, v13  }
.LBB2_38:
0x272: {  	v16 =	vshrl.u32 v10, s4;
	s5 =	sshll.u32 s9, s4;
	s1 =	sadd.s32 $0x1, s1;
	v15 =	vsel vm3, $0x0, v15;
	vm2 =	vmxor vm3, vm2  }
0x273: {  	v16 =	vand.u32 $0x1, v16;
	p4 =	sgt.s32 s2, s1;
	v13 =	vsub.s32 v13, v15;
	vm4 =	vmneg vm2  }
.Ltmp33:
0x274: {  	v15 =	vmov s5;
	vm2 =	veq.s32 v16, $0x1;
	vm0 =	vmand vm0, vm4;
	(pc) =	sbr.rel @p4 .LBB2_38-.Ltmp33, $3  }
0x275: {  	v16 =	vnsel vm3, $0x0, v14;
	v14 =	vmov v15;
	vm4 =	vmand vm0, vm2  }
0x276: {  	v12 =	vor.u32 v12, v16;
	v15 =	vmpcnt.ones.xlane vm4;
	_ =	sdelay $0x1  }
0x277: {  	s4 =	sadd.s32 $0xFFFFFFFF, s4;
	vm3 =	vge.s32 v15, v13  }
.LBB2_39:
.Ltmp34:
0x278: {  	(pc) =	sbr.rel .LBB2_40-.Ltmp34, $3  }
0x279: {  	_ =	sdelay $0x1  }
0x27a: {  	v15 =	vsel vm3, $0x0, v15;
	v14 =	vnsel vm3, $0x0, v14  }
0x27b: {  	v13 =	vsub.s32 v13, v15;
	v12 =	vor.u32 v12, v14  }
.LBB2_51:
0x27c: {  	v13 =	vpsel p2, v13, v13;
	v12 =	vpsel p2, v12, v12  }
.LBB2_40:
0x27d: {  	vm0 =	vgt.s32 v11, v0;
	vm2 =	vgt.s32 v10, v12  }
0x27e: {  	vm2 =	vmand vm0, vm2  }
0x27f: {  	v11 =	vnsel vm2, $0x0, v10  }
0x280: {  	(xrf2) =	vadd.scan.msk.f32 $0xffff, v11;
	v11 =	vnsel vm1, $0x0, v12  }
0x281: {  	(xrf2) =	vadd.scan.msk.f32 $0xffff, v11;
	_ =	sdelay $0x3  }
0x282: {  	v11 =	vxor.u32 $0x80000000, v13  }
0x283: {  	(xrf0) =	vmax.scan.msk.u32 $0xffff, v11;
	_ =	sdelay $0x1  }
0x284: {  	vm2 =	veq.s32 v10, v12  }
0x285: {  	vm0 =	vmand vm0, vm2  }
0x286: {  	v11 =	vmpcnt.ones.xlane vm0;
	v10, _, _ =	vpop (xrf2)  }
0x287: {  	v63 =	vxor.u32 $0x80000000, v12;
	(v2sf) =	vpush v10, $0xF;
	v10, _, _ =	vpop (xrf2)  }
0x288: {  	v11 =	vxor.u32 $0x80000000, v11;
	(v2sf) =	vpush v10, $0xF;
	v10, _, _ =	vpop (xrf0);
	(xrf0) =	vmax.scan.msk.u32 $0xffff, v63  }
0x289: {  	(xrf0) =	vmax.scan.msk.u32 $0xffff, v11;
	_ =	sdelay $0x4  }
0x28a: {  	(v2sf) =	vpush v10, $0xF;
	v10, _, _ =	vpop (xrf0)  }
0x28b: {  	(v2sf) =	vpush v10, $0xF;
	v10, _, _ =	vpop (xrf0)  }
0x28c: {  	(v2sf) =	vpush v10, $0xF;
	_ =	sdelay $0xa  }
0x28d: {  	s7 =	sadd.f32 s30, s21;
	s4 =	spop (v2sf)  }
0x28e: {  	s1 =	sxor.u32 $0x80000000, s28;
	s12 =	sadd.f32 s20, s21;
	s5 =	spop (v2sf)  }
0x28f: {  	s2 =	scvt.s32.f32 s1;
	s6 =	spop (v2sf)  }
0x290: {  	p4 =	seq.s32 s0, s28;
	p5 =	sge.s32 s16, s22;
	s28 =	spop (v2sf)  }
0x291: {  	s8 =	smul.f32 s2, s31;
	s2 =	sxor.u32 $0x80000000, s6;
	s30 =	spop (v2sf)  }
0x292: {  	p1 =	por !p1, !p4;
	s17 =	scvt.s32.f32 s2;
	p6 =	seq.s32 s30, s6  }
0x293: {  	p1 =	por !p1, !p1;
	s4 =	sadd.f32 s4, s25;
	p3 =	por !p3, !p6  }
0x294: {  	s21 =	smul.f32 s17, s5;
	p6 =	sge.s32 s23, s3;
	p3 =	por !p3, !p3  }
0x295: {  	p1 =	por p5, p1;
	s7 =	sadd.f32 s7, s8;
	p3 =	por p6, p3  }
0x296: {  	s0 =	sadd.f32 s4, s21;
	p1 =	por !p1, !p3  }
0x297: {  	s4 =	sadd.f32 s29, s25;
	p1 =	por !p1, !p1  }
.Ltmp35:
0x298: {  	s31 =	rddreg [dreg:$0x8];
	s12 =	smov.u32 @p0 s7;
	(pc) =	sbr.rel @!p1 .LBB2_41-.Ltmp35, $4  }
0x299: {  	s4 =	smov.u32 @p2 s0;
	s0 =	ssub.f32 s31, s12  }
0x29a: {  	s7 =	sxor.u32 $0x80000000, s26;
	s3 =	sxor.u32 $0x80000000, s28;
	s4 =	ssub.f32 s18, s4  }
0x29b: {  	s19 =	smov.u32 @p0 s7;
	s24 =	smov.u32 @p2 s3;
	s3 =	smul.f32 $6.260000230e+00, s0  }
0x29c: {  	v10 =	vmov s19;
	s0 =	smul.f32 $6.260000230e+00, s4;
	v11 =	vmov s24  }
0x29d: {  	v11 =	vnsel vm1, $0x0, v11  }
0x29e: {  	v10 =	vnsel vm1, $0x0, v10;
	s1 =	simm.s32 $0x40;
	(xrf2) =	vadd.scan.msk.f32 $0xffff, v11  }
0x29f: {  	v14 =	vld [tilespmem:s1+$0xFFFFFFD0];
	(xrf2) =	vadd.scan.msk.f32 $0xffff, v10  }
0x2a0: {  	v16 =	vld [tilespmem:s1+$0x20]  }
0x2a1: {  	v19 =	vld [tilespmem:s1+$0xFFFFFFF0]  }
0x2a2: {  	v21 =	vld [tilespmem:s1+$0xFFFFFFC0]  }
0x2a3: {  	v20 =	vld [tilespmem:s1+$0x10];
	_ =	sdelay $0x1  }
0x2a4: {  	v12 =	vmov s3;
	v13 =	vmov s0;
	v17 =	vmax.f32 v14, $0.0e+00  }
0x2a5: {  	v18 =	vsub.f32 $0.0e+00, v14;
	v22 =	vmax.f32 v16, $0.0e+00;
	v16 =	vsub.f32 $0.0e+00, v16  }
0x2a6: {  	v15 =	vld [tilespmem:s1+$0x30];
	v25 =	vmax.f32 v19, $0.0e+00;
	v29 =	vmax.f32 v21, $0.0e+00;
	v21 =	vsub.f32 $0.0e+00, v21  }
0x2a7: {  	v27 =	vmax.f32 v20, $0.0e+00;
	v19 =	vsub.f32 $0.0e+00, v19;
	v14 =	vadd.f32 v17, v12;
	v10, _, _ =	vpop (xrf2)  }
0x2a8: {  	v23 =	vadd.f32 v22, v12;
	v18 =	vmax.f32 v18, $0.0e+00;
	v11, _, _ =	vpop (xrf2);
	v10 =	vbroadcast v10, $0xF  }
0x2a9: {  	v16 =	vmax.f32 v16, $0.0e+00;
	v21 =	vmax.f32 v21, $0.0e+00;
	v11 =	vbroadcast v11, $0xF  }
0x2aa: {  	v19 =	vmax.f32 v19, $0.0e+00;
	v28 =	vadd.f32 v16, v13;
	vm3 =	vge.f32 v16, v10  }
0x2ab: {  	vm0 =	vge.f32 v17, v11;
	v17 =	vmax.f32 v15, $0.0e+00;
	v15 =	vsub.f32 $0.0e+00, v15  }
0x2ac: {  	vm2 =	vge.f32 v22, v11;
	vm1 =	vge.f32 v17, v11;
	v17 =	vadd.f32 v17, v12  }
0x2ad: {  	v26 =	vld [tilespmem:s1+$0xFFFFFFE0];
	v14 =	vnsel vm0, $0x0, v14;
	vm0 =	vge.f32 v25, v11;
	v25 =	vadd.f32 v25, v12  }
0x2ae: {  	v16 =	vnsel vm2, $0x0, v23;
	v23 =	vnsel vm3, $0x0, v28;
	v28 =	vsub.f32 $0.0e+00, v20  }
0x2af: {  	v24 =	vmax.f32 v15, $0.0e+00;
	v15 =	vadd.f32 v18, v13;
	v23 =	vsub.f32 v16, v23  }
0x2b0: {  	v22 =	vld [tilespmem:s1+$0x0];
	vm2 =	vge.f32 v27, v11;
	v16 =	vadd.f32 v27, v12;
	v27 =	vadd.f32 v19, v13  }
0x2b1: {  	v30 =	vnsel vm0, $0x0, v25;
	v20 =	vnsel vm1, $0x0, v17;
	vm0 =	vge.f32 v18, v10  }
0x2b2: {  	v17 =	vmax.f32 v26, $0.0e+00;
	vm1 =	vge.f32 v24, v10;
	v24 =	vadd.f32 v24, v13  }
0x2b3: {  	v26 =	vsub.f32 $0.0e+00, v26;
	v16 =	vnsel vm2, $0x0, v16;
	vm2 =	vge.f32 v19, v10  }
0x2b4: {  	v24 =	vnsel vm1, $0x0, v24;
	vm1 =	vge.f32 v21, v10;
	v21 =	vadd.f32 v21, v13  }
0x2b5: {  	v25 =	vmax.f32 v22, $0.0e+00;
	v27 =	vnsel vm2, $0x0, v27;
	v24 =	vsub.f32 v20, v24  }
0x2b6: {  	s1 =	simm.s32 $0x2040;
	vm3 =	vge.f32 v25, v11;
	v20 =	vnsel vm1, $0x0, v21;
	v21 =	vsub.f32 $0.0e+00, v22  }
0x2b7: {  	[tilespmem:s1+$0x20] =	vst v23;
	v22 =	vadd.f32 v25, v12;
	v25 =	vmax.f32 v26, $0.0e+00;
	v26 =	vsub.f32 v30, v27  }
0x2b8: {  	v18 =	vadd.f32 v29, v12;
	v19 =	vadd.f32 v17, v12;
	v27 =	vmax.f32 v28, $0.0e+00;
	[tilespmem:s1+$0x30] =	vst v24  }
0x2b9: {  	s2 =	simm.s32 $0x0;
	s3 =	simm.s32 $0xC0;
	s4 =	simm.s32 $0x80;
	vm1 =	vge.f32 v29, v11;
	v24 =	vadd.f32 v25, v13;
	v23 =	vmax.f32 v21, $0.0e+00;
	[tilespmem:s1+$0xFFFFFFF0] =	vst v26  }
0x2ba: {  	s5 =	simm.s32 $0x400;
	s0 =	simm.s32 $0x2040;
	v22 =	vnsel vm3, $0x0, v22;
	v26 =	vadd.f32 v27, v13;
	v21 =	vadd.f32 v23, v13;
	s6 =	rddreg [dreg:$0x7]  }
.LBB2_45:
0x2bb: {  	v28 =	vld [tilespmem:s3+$0xFFFFFFD0];
	s2 =	sadd.s32 $0x8, s2;
	v18 =	vnsel vm1, $0x0, v18;
	v15 =	vnsel vm0, $0x0, v15;
	vm0 =	vge.f32 v27, v10;
	s1 =	sadd.s32 $0x80, s1  }
0x2bc: {  	v27 =	vld [tilespmem:s3+$0x30];
	p0 =	slt.u32 s2, $0x1F8;
	v18 =	vsub.f32 v18, v20;
	v14 =	vsub.f32 v14, v15;
	v15 =	vnsel vm0, $0x0, v26  }
0x2bd: {  	vm1 =	vge.f32 v25, v10;
	vm2 =	vge.f32 v23, v10;
	vm0 =	vge.f32 v17, v11;
	v20 =	vld [tilespmem:s3+$0x20]  }
0x2be: {  	v21 =	vnsel vm2, $0x0, v21;
	v17 =	vld [tilespmem:s3+$0x10];
	[tilespmem:s0+$0xFFFFFFC0] =	vst v18;
	v18 =	vnsel vm0, $0x0, v19;
	v19 =	vnsel vm1, $0x0, v24  }
0x2bf: {  	v23 =	vld [tilespmem:s3+$0xFFFFFFF0];
	[tilespmem:s0+$0xFFFFFFD0] =	vst v14;
	v14 =	vsub.f32 v18, v19;
	v18 =	vsub.f32 v22, v21  }
0x2c0: {  	v15 =	vsub.f32 v16, v15;
	v19 =	vmax.f32 v28, $0.0e+00;
	v21 =	vsub.f32 $0.0e+00, v28;
	v22 =	vld [tilespmem:s3+$0xFFFFFFE0]  }
0x2c1: {  	v16 =	vld [tilespmem:s3+$0xFFFFFFC0];
	vm1 =	vge.f32 v19, v11;
	v19 =	vadd.f32 v19, v12;
	v24 =	vmax.f32 v27, $0.0e+00;
	[tilespmem:s0+$0xFFFFFFE0] =	vst v14  }
0x2c2: {  	v26 =	vsub.f32 $0.0e+00, v27;
	v25 =	vld [tilespmem:s3+$0x0];
	vm0 =	vge.f32 v24, v11;
	v24 =	vadd.f32 v24, v12;
	[tilespmem:s0+$0x10] =	vst v15  }
0x2c3: {  	v14 =	vnsel vm1, $0x0, v19;
	v19 =	vmax.f32 v20, $0.0e+00;
	v20 =	vsub.f32 $0.0e+00, v20;
	[tilespmem:s0+$0x0] =	vst v18;
	s0 =	smov.u32 s1  }
0x2c4: {  	v18 =	vmax.f32 v21, $0.0e+00;
	v26 =	vmax.f32 v26, $0.0e+00;
	v21 =	vadd.f32 v19, v12  }
0x2c5: {  	v15 =	vadd.f32 v18, v13;
	v27 =	vmax.f32 v23, $0.0e+00;
	v20 =	vmax.f32 v20, $0.0e+00  }
0x2c6: {  	v28 =	vmax.f32 v17, $0.0e+00;
	vm1 =	vge.f32 v27, v11;
	v29 =	vadd.f32 v20, v13  }
0x2c7: {  	vm2 =	vge.f32 v19, v11;
	v27 =	vadd.f32 v27, v12;
	vm3 =	vge.f32 v20, v10  }
0x2c8: {  	v30 =	vmax.f32 v16, $0.0e+00;
	v19 =	vnsel vm2, $0x0, v21;
	v20 =	vnsel vm3, $0x0, v29  }
0x2c9: {  	vm2 =	vge.f32 v28, v11;
	v29 =	vsub.f32 $0.0e+00, v17;
	v19 =	vsub.f32 v19, v20  }
0x2ca: {  	v24 =	vnsel vm0, $0x0, v24;
	v21 =	vnsel vm1, $0x0, v27;
	v20 =	vadd.f32 v28, v12  }
0x2cb: {  	vm0 =	vge.f32 v18, v10;
	v16 =	vsub.f32 $0.0e+00, v16;
	v17 =	vmax.f32 v22, $0.0e+00;
	[tilespmem:s1+$0x20] =	vst v19  }
0x2cc: {  	v18 =	vadd.f32 v30, v12;
	vm1 =	vge.f32 v26, v10;
	v19 =	vadd.f32 v26, v13  }
0x2cd: {  	v23 =	vsub.f32 $0.0e+00, v23;
	v27 =	vmax.f32 v25, $0.0e+00;
	v26 =	vmax.f32 v16, $0.0e+00  }
0x2ce: {  	v16 =	vnsel vm2, $0x0, v20;
	v28 =	vadd.f32 v26, v13;
	v19 =	vnsel vm1, $0x0, v19  }
0x2cf: {  	v20 =	vmax.f32 v23, $0.0e+00;
	vm1 =	vge.f32 v26, v10;
	v19 =	vsub.f32 v24, v19  }
0x2d0: {  	v22 =	vsub.f32 $0.0e+00, v22;
	vm2 =	vge.f32 v20, v10;
	v23 =	vadd.f32 v20, v13  }
.Ltmp36:
0x2d1: {  	v26 =	vadd.f32 v27, v12;
	v20 =	vnsel vm1, $0x0, v28;
	v24 =	vsub.f32 $0.0e+00, v25;
	[tilespmem:s1+$0x30] =	vst v19;
	(pc) =	sbr.rel @p0 .LBB2_45-.Ltmp36, $4  }
0x2d2: {  	v23 =	vnsel vm2, $0x0, v23;
	vm2 =	vge.f32 v27, v11;
	v19 =	vadd.f32 v17, v12  }
0x2d3: {  	v25 =	vmax.f32 v22, $0.0e+00;
	v22 =	vsub.f32 v21, v23;
	v23 =	vmax.f32 v24, $0.0e+00  }
0x2d4: {  	v27 =	vmax.f32 v29, $0.0e+00;
	v24 =	vadd.f32 v25, v13;
	v21 =	vadd.f32 v23, v13  }
0x2d5: {  	s3 =	sadd.s32 $0x80, s3;
	vm1 =	vge.f32 v30, v11;
	[tilespmem:s1+$0xFFFFFFF0] =	vst v22;
	v22 =	vnsel vm2, $0x0, v26;
	v26 =	vadd.f32 v27, v13  }
0x2d6: {  	v12 =	vnsel vm1, $0x0, v18;
	v13 =	vnsel vm0, $0x0, v15;
	vm13 =	vge.f32 v27, v10  }
0x2d7: {  	vm14 =	vge.f32 v17, v11;
	vm2 =	vge.f32 v25, v10;
	v12 =	vsub.f32 v12, v20  }
0x2d8: {  	v11 =	vsub.f32 v14, v13;
	v60 =	vnsel vm14, $0x0, v19;
	v61 =	vnsel vm2, $0x0, v24  }
.Ltmp37:
0x2d9: {  	vm15 =	vge.f32 v23, v10;
	v62 =	vnsel vm13, $0x0, v26;
	v10 =	vsub.f32 v60, v61;
	[tilespmem:s0+$0xFFFFFFC0] =	vst v12;
	(pc) =	sbr.rel .LBB2_47-.Ltmp37, $4  }
0x2da: {  	v63 =	vnsel vm15, $0x0, v21;
	[tilespmem:s0+$0xFFFFFFD0] =	vst v11;
	v11 =	vsub.f32 v16, v62  }
0x2db: {  	v12 =	vsub.f32 v22, v63;
	[tilespmem:s0+$0xFFFFFFE0] =	vst v10  }
0x2dc: {  	[tilespmem:s0+$0x10] =	vst v11  }
0x2dd: {  	[tilespmem:s0+$0x0] =	vst v12  }
.LBB2_41:
0x2de: {  	s16 =	smov.u32 @p0 s1  }
0x2df: {  	s23 =	smov.u32 @p2 s2;
	v2 =	vmov s16  }
0x2e0: {  	[tilespmem:$0x1FF20] =	vst v2;
	v2 =	vmov s23  }
0x2e1: {  	[tilespmem:$0x1FF30] =	vst v2;
	v2 =	vmov s3  }
0x2e2: {  	[tilespmem:$0x1FF40] =	vst v2;
	v2 =	vmov s0  }
0x2e3: {  	s30 =	simm.s32 $0x40;
	[tilespmem:$0x1FF50] =	vst v2  }
0x2e4: {  	v16 =	vld [tilespmem:s30+$0xFFFFFFD0]  }
0x2e5: {  	v18 =	vld [tilespmem:s30+$0xFFFFFFE0]  }
0x2e6: {  	v21 =	vld [tilespmem:s30+$0xFFFFFFF0]  }
0x2e7: {  	v23 =	vld [tilespmem:s30+$0x0]  }
0x2e8: {  	v24 =	vld [tilespmem:s30+$0x10]  }
0x2e9: {  	v25 =	vld [tilespmem:s30+$0x20]  }
0x2ea: {  	v26 =	vld [tilespmem:s30+$0x30]  }
0x2eb: {  	v46 =	vimm.s32 $0x0;
	v27 =	vld [tilespmem:s30+$0xFFFFFFC0]  }
0x2ec: {  	v63 =	vimm.s32 $0x0;
	v22 =	vmax.f32 v16, $0.0e+00;
	v19 =	vmax.f32 v18, $0.0e+00  }
0x2ed: {  	v20 =	vmax.f32 v21, $0.0e+00;
	v31 =	vsub.f32 $0.0e+00, v16;
	v3 =	vmax.f32 v23, $0.0e+00  }
0x2ee: {  	v17 =	vmax.f32 v24, $0.0e+00;
	v32 =	vsub.f32 $0.0e+00, v18;
	v33 =	vsub.f32 $0.0e+00, v21  }
0x2ef: {  	v18 =	vmax.f32 v25, $0.0e+00;
	v34 =	vsub.f32 $0.0e+00, v23;
	v35 =	vsub.f32 $0.0e+00, v24  }
0x2f0: {  	v21 =	vmax.f32 v26, $0.0e+00;
	v23 =	vmax.f32 v27, $0.0e+00;
	v36 =	vsub.f32 $0.0e+00, v25  }
0x2f1: {  	v39 =	vsub.f32 $0.0e+00, v26;
	v40 =	vsub.f32 $0.0e+00, v27;
	v29 =	vand.u32 $0x7FFFFFFF, v22  }
0x2f2: {  	v27 =	vand.u32 $0x7FFFFFFF, v19;
	v28 =	vand.u32 $0x7FFFFFFF, v20;
	v26 =	vand.u32 $0x7FFFFFFF, v3  }
0x2f3: {  	v25 =	vand.u32 $0x7FFFFFFF, v17;
	v38 =	vand.u32 $0x7FFFFFFF, v23;
	v24 =	vand.u32 $0x7FFFFFFF, v18  }
0x2f4: {  	v30 =	vand.u32 $0x7FFFFFFF, v21;
	vm15 =	veq.s32 v10, v29;
	vm6 =	veq.s32 v10, v27  }
0x2f5: {  	vm5 =	veq.s32 v10, v28;
	vm4 =	veq.s32 v10, v26;
	vm3 =	veq.s32 v10, v25  }
0x2f6: {  	vm8 =	veq.s32 v10, v24;
	vm7 =	veq.s32 v10, v38;
	v37 =	vmax.f32 v31, $0.0e+00  }
0x2f7: {  	vm2 =	veq.s32 v10, v30;
	v32 =	vmax.f32 v32, $0.0e+00;
	v33 =	vmax.f32 v33, $0.0e+00  }
0x2f8: {  	v34 =	vmax.f32 v34, $0.0e+00;
	v35 =	vmax.f32 v35, $0.0e+00;
	v31 =	vmax.f32 v36, $0.0e+00  }
0x2f9: {  	v36 =	vmax.f32 v39, $0.0e+00;
	v39 =	vmax.f32 v40, $0.0e+00;
	v44 =	vand.u32 $0x7FFFFFFF, v37  }
0x2fa: {  	v45 =	vand.u32 $0x7FFFFFFF, v32;
	v41 =	vand.u32 $0x7FFFFFFF, v33;
	v47 =	vand.u32 $0x7FFFFFFF, v39  }
0x2fb: {  	v42 =	vand.u32 $0x7FFFFFFF, v34;
	v43 =	vand.u32 $0x7FFFFFFF, v35;
	vm0 =	veq.s32 v11, v47  }
0x2fc: {  	vm9 =	veq.s32 v11, v44;
	vm10 =	veq.s32 v11, v45;
	v52 =	vmpcnt.ones.xlane vm0  }
0x2fd: {  	vm11 =	veq.s32 v11, v41;
	vm12 =	veq.s32 v11, v42;
	v54 =	vmpcnt.ones.xlane vm9  }
0x2fe: {  	v53 =	vsel vm0, $0x1, v1;
	v4 =	vmpcnt.ones.xlane vm10;
	v52 =	vadd.s32 v46, v52  }
0x2ff: {  	vm13 =	veq.s32 v11, v43;
	v5 =	vmpcnt.ones.xlane vm11;
	(xrf0) =	vadd.scan.msk.s32 $0xffff, v53;
	v54 =	vadd.s32 v52, v54  }
0x300: {  	v55 =	vsel vm9, $0x1, v1;
	v6 =	vmpcnt.ones.xlane vm12;
	v53 =	vadd.s32 v54, v4  }
0x301: {  	v56 =	vsel vm10, $0x1, v1;
	v7 =	vmpcnt.ones.xlane vm13;
	(xrf0) =	vadd.scan.msk.s32 $0xffff, v55;
	v55 =	vadd.s32 v53, v5  }
0x302: {  	v48 =	vmpcnt.ones.xlane vm6;
	v57 =	vsel vm11, $0x1, v1;
	(xrf0) =	vadd.scan.msk.s32 $0xffff, v56;
	v56 =	vadd.s32 v55, v6  }
0x303: {  	v49 =	vmpcnt.ones.xlane vm5;
	v58 =	vsel vm12, $0x1, v1;
	(xrf0) =	vadd.scan.msk.s32 $0xffff, v57;
	v57 =	vadd.s32 v56, v7;
	v7 =	vld [tilespmem:$0x1FF30]  }
0x304: {  	v50 =	vmpcnt.ones.xlane vm7;
	v51 =	vmpcnt.ones.xlane vm15;
	v40 =	vand.u32 $0x7FFFFFFF, v31;
	(xrf0) =	vadd.scan.msk.s32 $0xffff, v58  }
0x305: {  	v12 =	vsel vm7, $0x1, v1;
	v61 =	vsel vm15, $0x1, v1;
	v59 =	vsel vm13, $0x1, v1;
	v62, _, _ =	vpop (xrf0)  }
0x306: {  	v2 =	vsel vm5, $0x1, v1;
	vm14 =	veq.s32 v11, v40;
	(xrf0) =	vadd.scan.msk.s32 $0xffff, v59;
	v62 =	vadd.s32 v46, v62  }
0x307: {  	v16 =	vsel vm4, $0x1, v1;
	v60 =	vsel vm14, $0x1, v1;
	v4 =	vimm.s32 $0x0;
	v13, _, _ =	vpop (xrf0)  }
0x308: {  	v58 =	vand.u32 $0x7FFFFFFF, v36;
	(xrf0) =	vadd.scan.msk.s32 $0xffff, v60;
	v60 =	vsel vm6, $0x1, v1;
	v14, _, _ =	vpop (xrf0);
	vm1 =	vle.s32 v62, v7  }
0x309: {  	v52 =	vadd.s32 v52, v13;
	v59 =	vadd.s32 v54, v14;
	v62, _, _ =	vpop (xrf0);
	vm0 =	vmand vm0, vm1  }
0x30a: {  	(xrf0) =	vadd.scan.msk.s32 $0xffff, v12;
	v12 =	vadd.s32 v53, v62;
	v13, _, _ =	vpop (xrf0);
	v4 =	vsel vm0, $0xFFFFFFFF, v4;
	vm0 =	vle.s32 v52, v7  }
0x30b: {  	(xrf0) =	vadd.scan.msk.s32 $0xffff, v61;
	v14 =	vadd.s32 v55, v13;
	v52 =	vmpcnt.ones.xlane vm14;
	vm0 =	vmand vm9, vm0  }
0x30c: {  	v55 =	vmpcnt.ones.xlane vm4;
	[tilespmem:$0x1FE10] =	vst v4;
	v4 =	vsel vm0, $0xFFFFFFFF, v63;
	vm0 =	vle.s32 v59, v7;
	v59, _, _ =	vpop (xrf0)  }
0x30d: {  	v6 =	vld [tilespmem:$0x1FF20];
	(xrf0) =	vadd.scan.msk.s32 $0xffff, v60;
	vm10 =	vmand vm10, vm0;
	vm0 =	vle.s32 v12, v7;
	v60 =	vadd.s32 v56, v59  }
0x30e: {  	[tilespmem:$0x1FE20] =	vst v4;
	v4 =	vsel vm3, $0x1, v1;
	v12 =	vsel vm8, $0x1, v1;
	v59 =	vmpcnt.ones.xlane vm3  }
0x30f: {  	v61, _, _ =	vpop (xrf0);
	(xrf0) =	vadd.scan.msk.s32 $0xffff, v2;
	v2 =	vimm.s32 $0x0;
	vm11 =	vmand vm11, vm0;
	vm0 =	vle.s32 v14, v7  }
0x310: {  	v62 =	vadd.s32 v57, v61;
	v63, _, _ =	vpop (xrf0);
	vm12 =	vmand vm12, vm0;
	vm0 =	vle.s32 v60, v7  }
0x311: {  	(xrf0) =	vadd.scan.msk.s32 $0xffff, v16;
	v53 =	vadd.s32 v46, v63;
	vm13 =	vmand vm13, vm0;
	vm0 =	vle.s32 v62, v7  }
0x312: {  	v16 =	vadd.s32 v46, v50;
	(xrf0) =	vadd.scan.msk.s32 $0xffff, v4;
	vm14 =	vmand vm14, vm0;
	vm0 =	vle.s32 v53, v6  }
0x313: {  	v14 =	vsel vm2, $0x1, v1;
	v5, _, _ =	vpop (xrf0);
	(xrf0) =	vadd.scan.msk.s32 $0xffff, v12;
	vm9 =	vmand vm7, vm0;
	vm0 =	veq.s32 v11, v58  }
0x314: {  	v51 =	vadd.s32 v16, v51;
	v13, _, _ =	vpop (xrf0);
	v16 =	vadd.s32 v16, v5;
	(xrf0) =	vadd.scan.msk.s32 $0xffff, v14;
	v53 =	vsel vm0, $0x1, v1  }
0x315: {  	v46 =	vadd.s32 v51, v13;
	vm1 =	vle.s32 v16, v6;
	v16 =	vadd.s32 v51, v48;
	v54, _, _ =	vpop (xrf0);
	(xrf0) =	vadd.scan.msk.s32 $0xffff, v53  }
0x316: {  	vm7 =	vle.s32 v46, v6;
	v49 =	vadd.s32 v16, v49;
	v16 =	vadd.s32 v16, v54  }
0x317: {  	vm15 =	vmand vm15, vm1;
	vm7 =	vmand vm6, vm7;
	v56, _, _ =	vpop (xrf0);
	vm1 =	vle.s32 v16, v6  }
0x318: {  	v46 =	vadd.s32 v49, v56;
	v16 =	vadd.s32 v49, v55;
	v60, _, _ =	vpop (xrf0);
	vm5 =	vmand vm5, vm1  }
0x319: {  	vm1 =	vle.s32 v46, v6;
	v61 =	vadd.s32 v16, v59;
	v16 =	vadd.s32 v16, v60;
	v62, _, _ =	vpop (xrf0)  }
0x31a: {  	v13 =	vmpcnt.ones.xlane vm0;
	vm4 =	vmand vm4, vm1;
	v4, _, _ =	vpop (xrf0);
	vm1 =	vle.s32 v16, v6  }
0x31b: {  	v48 =	vadd.s32 v61, v62;
	v16 =	vadd.s32 v57, v52;
	vm1 =	vmand vm3, vm1;
	v5, _, _ =	vpop (xrf0)  }
0x31c: {  	vm3 =	vle.s32 v48, v6;
	v2 =	vsel vm1, $0xFFFFFFFF, v2;
	v12 =	vadd.s32 v16, v5  }
0x31d: {  	vm1 =	vmand vm8, vm3;
	[tilespmem:$0x1FE30] =	vst v2;
	v2 =	vimm.s32 $0x0;
	vm3 =	vle.s32 v12, v7  }
0x31e: {  	vm6 =	vlt.s32 v11, v58;
	v2 =	vsel vm1, $0xFFFFFFFF, v2;
	vm0 =	vmand vm0, vm3  }
0x31f: {  	[tilespmem:$0x1FE40] =	vst v2;
	v2 =	vimm.s32 $0x0;
	vm0 =	vmor vm6, vm0  }
0x320: {  	v2 =	vsel vm0, $0xFFFFFFFF, v2  }
0x321: {  	[tilespmem:$0x1FE50] =	vst v2;
	v2 =	vld [tilespmem:$0x1FE10];
	_ =	sdelay $0x2  }
0x322: {  	v63 =	vmpcnt.ones.xlane vm8;
	_ =	sdelay $0x1  }
0x323: {  	v46 =	vadd.s32 v61, v63;
	vm1 =	vnez.u8 v2;
	v2 =	vld [tilespmem:$0x1FE20]  }
0x324: {  	v50 =	vadd.s32 v46, v4  }
0x325: {  	v14 =	vmpcnt.ones.xlane vm2;
	vm3 =	vle.s32 v50, v6  }
0x326: {  	vm2 =	vmand vm2, vm3;
	vm3 =	vlt.s32 v11, v47;
	vm0 =	vlt.s32 v11, v45  }
0x327: {  	v8 =	vld [tilespmem:$0x1FF40];
	vm8 =	vlt.s32 v11, v44;
	vm6 =	vmor vm3, vm1;
	vm3 =	vmor vm0, vm10  }
0x328: {  	vm0 =	vlt.s32 v11, v41;
	vm10 =	vlt.s32 v11, v42;
	vm1 =	vnez.u8 v2;
	v2 =	vld [tilespmem:$0x1FE30]  }
0x329: {  	vm11 =	vmor vm0, vm11;
	vm12 =	vmor vm10, vm12;
	vm0 =	vlt.s32 v11, v40  }
0x32a: {  	vm0 =	vmor vm0, vm14;
	vm8 =	vmor vm8, vm1;
	vm1 =	vlt.s32 v11, v43  }
0x32b: {  	v9 =	vld [tilespmem:$0x1FF50];
	vm10 =	vmor vm1, vm13;
	vm1 =	vlt.s32 v10, v38;
	vm13 =	vlt.s32 v10, v29  }
0x32c: {  	vm14 =	vmor vm1, vm9;
	vm9 =	vmor vm13, vm15;
	vm15 =	vlt.s32 v10, v30  }
0x32d: {  	v22 =	vadd.f32 v22, v8;
	vm15 =	vmor vm15, vm2;
	vm2 =	vnez.u8 v2;
	v2 =	vld [tilespmem:$0x1FE40]  }
0x32e: {  	s31 =	simm.s32 $0xC0;
	v19 =	vadd.f32 v19, v8;
	v20 =	vadd.f32 v20, v8  }
0x32f: {  	v17 =	vadd.f32 v17, v8;
	v18 =	vadd.f32 v18, v8;
	v53 =	vld [tilespmem:s31+$0xFFFFFFD0]  }
0x330: {  	v21 =	vadd.f32 v21, v8;
	v31 =	vadd.f32 v31, v9;
	v57 =	vld [tilespmem:s31+$0xFFFFFFE0]  }
0x331: {  	v51 =	vadd.f32 v35, v9;
	v55 =	vadd.f32 v3, v8;
	v58 =	vld [tilespmem:s31+$0xFFFFFFF0];
	vm13 =	vlt.s32 v10, v28  }
0x332: {  	v52 =	vadd.f32 v23, v8;
	vm5 =	vmor vm13, vm5;
	vm13 =	vnez.u8 v2;
	v2 =	vld [tilespmem:$0x1FE50]  }
0x333: {  	v56 =	vadd.s32 v46, v14;
	v50 =	vadd.f32 v34, v9;
	v59 =	vld [tilespmem:s31+$0x0];
	vm1 =	vlt.s32 v10, v27  }
0x334: {  	v5 =	vsub.f32 $0.0e+00, v53;
	vm7 =	vmor vm1, vm7;
	vm1 =	vlt.s32 v10, v26  }
0x335: {  	v29 =	vadd.f32 v33, v9;
	vm4 =	vmor vm1, vm4;
	vm1 =	vlt.s32 v10, v25  }
0x336: {  	v41 =	vsub.f32 $0.0e+00, v57;
	vm1 =	vmor vm1, vm2;
	vm2 =	vlt.s32 v10, v24  }
0x337: {  	vm2 =	vmor vm2, vm13;
	vm13 =	vnez.u8 v2;
	v2 =	vnsel vm11, $0x0, v29  }
0x338: {  	v60 =	vsub.f32 $0.0e+00, v58;
	v42 =	vsub.f32 $0.0e+00, v59;
	[tilespmem:$0x1FEC0] =	vst v2;
	v2 =	vnsel vm12, $0x0, v50  }
0x339: {  	v16 =	vadd.s32 v16, v13;
	v46 =	vmax.f32 v5, $0.0e+00;
	[tilespmem:$0x1FED0] =	vst v2;
	v2 =	vnsel vm0, $0x0, v31  }
0x33a: {  	v47 =	vmax.f32 v41, $0.0e+00;
	v44 =	vmax.f32 v60, $0.0e+00;
	v45 =	vmax.f32 v42, $0.0e+00;
	v61 =	vld [tilespmem:s31+$0x10];
	[tilespmem:$0x1FEE0] =	vst v2  }
0x33b: {  	v60 =	vand.u32 $0x7FFFFFFF, v44;
	v27 =	vadd.f32 v39, v9;
	v28 =	vadd.f32 v37, v9;
	v4 =	vld [tilespmem:s31+$0xFFFFFFC0]  }
0x33c: {  	v13 =	vnsel vm10, $0x0, v51;
	v26 =	vadd.f32 v32, v9;
	v33 =	vnsel vm14, $0x0, v52  }
0x33d: {  	v34 =	vnsel vm9, $0x0, v22;
	v25 =	vadd.f32 v36, v9;
	v30 =	vnsel vm6, $0x0, v27  }
0x33e: {  	v12 =	vnsel vm8, $0x0, v28;
	v39 =	vnsel vm15, $0x0, v21;
	v23 =	vnsel vm5, $0x0, v20  }
0x33f: {  	v27 =	vmax.f32 v57, $0.0e+00;
	v28 =	vmax.f32 v58, $0.0e+00;
	v36 =	vmax.f32 v59, $0.0e+00;
	v62 =	vld [tilespmem:s31+$0x20]  }
0x340: {  	v59 =	vand.u32 $0x7FFFFFFF, v46;
	v63 =	vld [tilespmem:s31+$0x30];
	v31 =	vmax.f32 v4, $0.0e+00;
	v4 =	vsub.f32 $0.0e+00, v4  }
0x341: {  	v15 =	vnsel vm3, $0x0, v26;
	v24 =	vnsel vm4, $0x0, v55;
	v49 =	vand.u32 $0x7FFFFFFF, v27  }
0x342: {  	v48 =	vand.u32 $0x7FFFFFFF, v36;
	vm9 =	veq.s32 v11, v59;
	v51 =	vmax.f32 v4, $0.0e+00  }
0x343: {  	vm4 =	veq.s32 v11, v60;
	v32 =	vnsel vm1, $0x0, v17;
	v57 =	vand.u32 $0x7FFFFFFF, v51  }
0x344: {  	v38 =	vmax.f32 v62, $0.0e+00;
	v62 =	vsub.f32 $0.0e+00, v62;
	vm11 =	veq.s32 v11, v57  }
0x345: {  	vm6 =	veq.s32 v10, v49;
	v35 =	vmax.f32 v63, $0.0e+00;
	v5 =	vsel vm11, $0x1, v1  }
0x346: {  	v63 =	vsub.f32 $0.0e+00, v63;
	v42 =	vmax.f32 v62, $0.0e+00;
	v62 =	vand.u32 $0x7FFFFFFF, v47;
	(xrf0) =	vadd.scan.msk.s32 $0xffff, v5  }
0x347: {  	vm10 =	veq.s32 v10, v48;
	v2 =	vsel vm9, $0x1, v1;
	vm8 =	veq.s32 v11, v62  }
0x348: {  	v3 =	vmpcnt.ones.xlane vm9;
	v54 =	vmax.f32 v63, $0.0e+00;
	v63 =	vsel vm8, $0x1, v1;
	(xrf0) =	vadd.scan.msk.s32 $0xffff, v2  }
0x349: {  	v21 =	vmpcnt.ones.xlane vm6;
	v26 =	vnsel vm2, $0x0, v18;
	(xrf0) =	vadd.scan.msk.s32 $0xffff, v63;
	v63 =	vsel vm4, $0x1, v1  }
0x34a: {  	v29 =	vnsel vm7, $0x0, v19;
	v14 =	vnsel vm13, $0x0, v25;
	v25 =	vmax.f32 v53, $0.0e+00  }
0x34b: {  	v50 =	vand.u32 $0x7FFFFFFF, v28;
	v52 =	vand.u32 $0x7FFFFFFF, v25;
	v2 =	vmpcnt.ones.xlane vm11  }
0x34c: {  	vm5 =	veq.s32 v10, v50;
	vm0 =	veq.s32 v10, v52;
	v37 =	vmax.f32 v61, $0.0e+00;
	(xrf0) =	vadd.scan.msk.s32 $0xffff, v63;
	v63, _, _ =	vpop (xrf0)  }
0x34d: {  	v61 =	vsub.f32 $0.0e+00, v61;
	v2 =	vadd.s32 v16, v2;
	v16 =	vadd.s32 v16, v63  }
0x34e: {  	v20 =	vmpcnt.ones.xlane vm0;
	v43 =	vand.u32 $0x7FFFFFFF, v37;
	v55 =	vand.u32 $0x7FFFFFFF, v31  }
0x34f: {  	v41 =	vmax.f32 v61, $0.0e+00;
	v61 =	vand.u32 $0x7FFFFFFF, v45;
	vm7 =	veq.s32 v10, v55  }
0x350: {  	v19 =	vand.u32 $0x7FFFFFFF, v41;
	v58 =	vand.u32 $0x7FFFFFFF, v42;
	vm15 =	vle.s32 v16, v7;
	v16, _, _ =	vpop (xrf0)  }
0x351: {  	v4 =	vmpcnt.ones.xlane vm8;
	v3 =	vadd.s32 v2, v3;
	v2 =	vadd.s32 v2, v16  }
0x352: {  	vm12 =	veq.s32 v11, v61;
	vm13 =	veq.s32 v11, v19;
	vm14 =	veq.s32 v11, v58  }
0x353: {  	v5 =	vmpcnt.ones.xlane vm4;
	v4 =	vadd.s32 v3, v4;
	v63 =	vsel vm12, $0x1, v1  }
0x354: {  	(xrf0) =	vadd.scan.msk.s32 $0xffff, v63;
	v63 =	vsel vm13, $0x1, v1;
	vm15 =	vmand vm11, vm15;
	vm11 =	vle.s32 v2, v7;
	v2, _, _ =	vpop (xrf0)  }
0x355: {  	(xrf0) =	vadd.scan.msk.s32 $0xffff, v63;
	v63 =	vmpcnt.ones.xlane vm12;
	v16 =	vsel vm14, $0x1, v1;
	v2 =	vadd.s32 v3, v2  }
0x356: {  	v40 =	vand.u32 $0x7FFFFFFF, v38;
	v5 =	vadd.s32 v4, v5;
	(xrf0) =	vadd.scan.msk.s32 $0xffff, v16;
	v16 =	vsel vm7, $0x1, v1  }
0x357: {  	vm9 =	vmand vm9, vm11;
	(xrf0) =	vadd.scan.msk.s32 $0xffff, v16;
	v16 =	vadd.s32 v5, v63;
	v63 =	vimm.s32 $0x0  }
0x358: {  	v53 =	vand.u32 $0x7FFFFFFF, v35;
	v63 =	vsel vm9, $0xFFFFFFFF, v63;
	vm9 =	vle.s32 v2, v7;
	v2, _, _ =	vpop (xrf0)  }
0x359: {  	vm3 =	veq.s32 v10, v43;
	v3 =	vmpcnt.ones.xlane vm13;
	v2 =	vadd.s32 v4, v2  }
0x35a: {  	vm2 =	veq.s32 v10, v40;
	v18 =	vmpcnt.ones.xlane vm7;
	[tilespmem:$0x1FE60] =	vst v63;
	v63 =	vsel vm0, $0x1, v1  }
0x35b: {  	v3 =	vadd.s32 v16, v3;
	vm8 =	vmand vm8, vm9;
	(xrf0) =	vadd.scan.msk.s32 $0xffff, v63;
	v63 =	vimm.s32 $0x0  }
0x35c: {  	v4 =	vsel vm6, $0x1, v1;
	v63 =	vsel vm8, $0xFFFFFFFF, v63;
	vm8 =	vle.s32 v2, v7;
	v2, _, _ =	vpop (xrf0)  }
0x35d: {  	[tilespmem:$0x1FE70] =	vst v63;
	v63 =	vimm.s32 $0x0;
	vm4 =	vmand vm4, vm8;
	v2 =	vadd.s32 v5, v2  }
0x35e: {  	(xrf0) =	vadd.scan.msk.s32 $0xffff, v4;
	v4 =	vsel vm5, $0x1, v1;
	v63 =	vsel vm4, $0xFFFFFFFF, v63;
	v5, _, _ =	vpop (xrf0);
	vm4 =	vle.s32 v2, v7  }
0x35f: {  	[tilespmem:$0x1FE80] =	vst v63;
	v63 =	vimm.s32 $0x0;
	v5 =	vadd.s32 v16, v5;
	v16, _, _ =	vpop (xrf0);
	vm4 =	vmand vm12, vm4  }
0x360: {  	v63 =	vsel vm4, $0xFFFFFFFF, v63;
	vm4 =	vle.s32 v5, v7;
	v5 =	vadd.s32 v3, v16;
	v16, _, _ =	vpop (xrf0)  }
0x361: {  	[tilespmem:$0x1FEA0] =	vst v63;
	v63 =	vadd.s32 v56, v16;
	vm4 =	vmand vm13, vm4;
	v16 =	vimm.s32 $0x0  }
0x362: {  	vm1 =	veq.s32 v10, v53;
	(xrf0) =	vadd.scan.msk.s32 $0xffff, v4;
	v2 =	vsel vm10, $0x1, v1;
	v16 =	vsel vm4, $0xFFFFFFFF, v16  }
0x363: {  	v17 =	vand.u32 $0x7FFFFFFF, v54;
	(xrf0) =	vadd.scan.msk.s32 $0xffff, v2;
	v2 =	vadd.s32 v56, v18;
	vm4 =	vle.s32 v5, v7  }
0x364: {  	vm11 =	vmand vm14, vm4;
	vm4 =	vle.s32 v63, v6;
	v63 =	vsel vm3, $0x1, v1  }
0x365: {  	v18 =	vadd.s32 v2, v20;
	v20 =	vsel vm2, $0x1, v1;
	[tilespmem:$0x1FEB0] =	vst v16;
	v16, _, _ =	vpop (xrf0);
	(xrf0) =	vadd.scan.msk.s32 $0xffff, v63  }
0x366: {  	vm12 =	veq.s32 v11, v17;
	(xrf0) =	vadd.scan.msk.s32 $0xffff, v20;
	v2 =	vadd.s32 v2, v16;
	v16 =	vsel vm1, $0x1, v1  }
0x367: {  	v22 =	vmpcnt.ones.xlane vm5;
	v5 =	vmpcnt.ones.xlane vm14;
	(xrf0) =	vadd.scan.msk.s32 $0xffff, v16;
	v16 =	vsel vm12, $0x1, v1  }
0x368: {  	vm9 =	vmand vm7, vm4;
	v56, _, _ =	vpop (xrf0);
	v20 =	vmpcnt.ones.xlane vm3;
	(xrf0) =	vadd.scan.msk.s32 $0xffff, v16;
	v16 =	vmpcnt.ones.xlane vm10  }
0x369: {  	v4 =	vadd.s32 v18, v56;
	vm4 =	vle.s32 v2, v6;
	v2 =	vadd.s32 v18, v21;
	v63, _, _ =	vpop (xrf0)  }
0x36a: {  	vm7 =	vle.s32 v4, v6;
	v18 =	vadd.s32 v2, v22;
	v2 =	vadd.s32 v2, v63  }
0x36b: {  	vm8 =	vmand vm0, vm4;
	v56, _, _ =	vpop (xrf0);
	vm6 =	vmand vm6, vm7;
	vm0 =	vle.s32 v2, v6  }
0x36c: {  	v4 =	vadd.s32 v18, v56;
	vm4 =	vmand vm5, vm0;
	v2 =	vadd.s32 v18, v16;
	v16, _, _ =	vpop (xrf0)  }
0x36d: {  	vm0 =	vle.s32 v4, v6;
	v63 =	vadd.s32 v2, v20;
	v2 =	vadd.s32 v2, v16;
	v16, _, _ =	vpop (xrf0)  }
0x36e: {  	vm10 =	vmand vm10, vm0;
	v16 =	vadd.s32 v63, v16;
	v20, _, _ =	vpop (xrf0);
	vm0 =	vle.s32 v2, v6  }
0x36f: {  	v2 =	vadd.s32 v3, v5;
	vm7 =	vmand vm3, vm0;
	v3, _, _ =	vpop (xrf0);
	vm0 =	vle.s32 v16, v6  }
0x370: {  	v56 =	vimm.s32 $0x0;
	vm0 =	vmand vm2, vm0;
	v3 =	vadd.s32 v2, v3  }
0x371: {  	v18 =	vmpcnt.ones.xlane vm2;
	v5 =	vsel vm0, $0xFFFFFFFF, v56;
	vm0 =	vle.s32 v3, v7  }
0x372: {  	vm3 =	vlt.s32 v11, v17;
	v56 =	vld [tilespmem:$0x1FE60];
	vm0 =	vmand vm12, vm0  }
0x373: {  	v4 =	vadd.s32 v63, v18;
	vm3 =	vmor vm3, vm0;
	vm0 =	vlt.s32 v11, v57;
	v57 =	vld [tilespmem:$0x1FE70]  }
0x374: {  	v16 =	vadd.s32 v4, v20  }
0x375: {  	v63 =	vimm.s32 $0x0;
	vm2 =	vle.s32 v16, v6  }
0x376: {  	[tilespmem:$0x1FEF0] =	vst v5;
	v5 =	vmpcnt.ones.xlane vm12;
	vm12 =	vmand vm1, vm2;
	vm0 =	vmor vm0, vm15  }
0x377: {  	vm2 =	vlt.s32 v11, v59;
	v6 =	vsel vm0, $0xFFFFFFFF, v63;
	vm0 =	vnez.u8 v56  }
0x378: {  	vm5 =	vlt.s32 v11, v62;
	vm2 =	vmor vm2, vm0;
	vm0 =	vnez.u8 v57  }
0x379: {  	v27 =	vadd.f32 v27, v8;
	vm0 =	vmor vm5, vm0;
	vm5 =	vlt.s32 v11, v60;
	v60 =	vld [tilespmem:$0x1FE80]  }
0x37a: {  	v28 =	vadd.f32 v28, v8;
	v25 =	vadd.f32 v25, v8  }
0x37b: {  	v22 =	vadd.f32 v54, v9;
	v62 =	vld [tilespmem:$0x1FEA0];
	v18 =	vsub.f32 v34, v12  }
0x37c: {  	v34 =	vadd.f32 v44, v9;
	v17 =	vsub.f32 v39, v14  }
0x37d: {  	v16 =	vsub.f32 v33, v30;
	v33 =	vadd.f32 v45, v9;
	v3 =	vmpcnt.ones.xlane vm1;
	v63 =	vld [tilespmem:$0x1FEB0]  }
0x37e: {  	v59 =	vimm.s32 $0x0;
	vm1 =	vlt.s32 v11, v61;
	v56 =	vld [tilespmem:$0x1FED0];
	vm13 =	vnez.u8 v60  }
0x37f: {  	v61 =	vimm.s32 $0x0;
	[tilespmem:$0x1FF00] =	vst v6;
	v6 =	vsel vm0, $0xFFFFFFFF, v59;
	vm5 =	vmor vm5, vm13  }
0x380: {  	v57 =	vsub.f32 v32, v13;
	[tilespmem:$0x1FF10] =	vst v6;
	v6 =	vsel vm5, $0xFFFFFFFF, v61;
	vm5 =	vnez.u8 v62  }
0x381: {  	v32 =	vadd.f32 v42, v9;
	vm15 =	vmor vm1, vm5;
	vm5 =	vlt.s32 v10, v55;
	v55 =	vld [tilespmem:$0x1FEC0]  }
0x382: {  	vm0 =	vlt.s32 v11, v19;
	v19 =	vsub.f32 v29, v15;
	v29 =	vadd.f32 v31, v8  }
0x383: {  	s16 =	simm.s32 $0x2040;
	v21 =	vsub.f32 v24, v56;
	v61 =	vadd.f32 v47, v9;
	[tilespmem:$0x1FE90] =	vst v6;
	vm1 =	vnez.u8 v63  }
0x384: {  	s6 =	rddreg [dreg:$0x7];
	vm14 =	vmor vm0, vm1;
	vm0 =	vlt.s32 v11, v58;
	vm1 =	vlt.s32 v10, v52;
	v58 =	vld [tilespmem:$0x1FEE0];
	[tilespmem:s16+$0x30] =	vst v17  }
0x385: {  	vm9 =	vmor vm5, vm9;
	v17 =	vadd.f32 v51, v9;
	vm13 =	vmor vm0, vm11;
	v60 =	vld [tilespmem:$0x1FEF0];
	[tilespmem:s16+$0xFFFFFFC0] =	vst v16  }
0x386: {  	vm5 =	vmor vm1, vm8;
	vm0 =	vlt.s32 v10, v49;
	[tilespmem:s16+$0xFFFFFFD0] =	vst v18;
	v20 =	vsub.f32 v23, v55  }
0x387: {  	vm1 =	vlt.s32 v10, v50;
	vm8 =	vlt.s32 v10, v53;
	v16 =	vadd.f32 v46, v9;
	v62 =	vld [tilespmem:$0x1FF00];
	[tilespmem:s16+$0xFFFFFFE0] =	vst v19  }
0x388: {  	v18 =	vadd.f32 v38, v8;
	vm11 =	vmor vm8, vm12;
	vm8 =	vmor vm0, vm6;
	[tilespmem:s16+$0xFFFFFFF0] =	vst v20  }
0x389: {  	vm6 =	vmor vm1, vm4;
	vm0 =	vlt.s32 v10, v48;
	v19 =	vadd.f32 v37, v8;
	v63 =	vld [tilespmem:$0x1FF10]  }
0x38a: {  	vm1 =	vmor vm0, vm10;
	vm0 =	vlt.s32 v10, v43;
	v24 =	vnsel vm2, $0x0, v16  }
0x38b: {  	v16 =	vadd.s32 v4, v3;
	vm7 =	vmor vm0, vm7;
	vm0 =	vlt.s32 v10, v40  }
0x38c: {  	v23 =	vnsel vm3, $0x0, v22;
	v59 =	vsub.f32 v26, v58;
	vm4 =	vnez.u8 v60  }
0x38d: {  	v26 =	vadd.f32 v41, v9;
	vm10 =	vmor vm0, vm4;
	vm0 =	vnez.u8 v62;
	[tilespmem:s16+$0x0] =	vst v21  }
0x38e: {  	s4 =	simm.s32 $0x80;
	v20 =	vadd.f32 v36, v8;
	[tilespmem:s16+$0x10] =	vst v57;
	v30 =	vnsel vm0, $0x0, v17;
	vm0 =	vnez.u8 v63  }
0x38f: {  	s5 =	simm.s32 $0x400;
	s2 =	simm.s32 $0x140;
	s0 =	simm.s32 $0x8;
	[tilespmem:s16+$0x20] =	vst v59;
	v21 =	vadd.f32 v35, v8;
	v17 =	vadd.s32 v2, v5;
	v22 =	vnsel vm0, $0x0, v61  }
.LBB2_42:
0x390: {  	v2 =	vld [tilespmem:s2+$0xFFFFFFD0]  }
0x391: {  	v3 =	vld [tilespmem:$0x1FE90]  }
0x392: {  	v31 =	vld [tilespmem:s2+$0xFFFFFFE0];
	v4 =	vnsel vm15, $0x0, v33  }
0x393: {  	v60 =	vld [tilespmem:s2+$0xFFFFFFF0];
	v5 =	vnsel vm14, $0x0, v26;
	v29 =	vnsel vm9, $0x0, v29;
	v32 =	vnsel vm13, $0x0, v32  }
0x394: {  	v61 =	vld [tilespmem:s2+$0x0];
	v21 =	vnsel vm11, $0x0, v21;
	v25 =	vnsel vm5, $0x0, v25;
	v27 =	vnsel vm8, $0x0, v27  }
0x395: {  	v35 =	vld [tilespmem:s2+$0x10];
	v28 =	vnsel vm6, $0x0, v28;
	v20 =	vnsel vm1, $0x0, v20;
	v29 =	vsub.f32 v29, v30  }
0x396: {  	v19 =	vnsel vm7, $0x0, v19;
	v21 =	vsub.f32 v21, v23;
	v23 =	vsub.f32 v25, v24  }
0x397: {  	v18 =	vnsel vm10, $0x0, v18;
	v30 =	vld [tilespmem:s2+$0x20];
	v24 =	vsub.f32 v27, v22;
	v4 =	vsub.f32 v20, v4  }
0x398: {  	s16 =	sadd.s32 $0x80, s16;
	v27 =	vld [tilespmem:s2+$0x30];
	v5 =	vsub.f32 v19, v5;
	vm0 =	vnez.u8 v3;
	v20 =	vmax.f32 v2, $0.0e+00  }
0x399: {  	[tilespmem:s16+$0x30] =	vst v21;
	v21 =	vmax.f32 v31, $0.0e+00;
	v2 =	vsub.f32 $0.0e+00, v2;
	v22 =	vmax.f32 v61, $0.0e+00  }
0x39a: {  	v19 =	vmax.f32 v35, $0.0e+00;
	v36 =	vsub.f32 $0.0e+00, v31;
	v38 =	vsub.f32 $0.0e+00, v60  }
0x39b: {  	[tilespmem:s16+$0xFFFFFFD0] =	vst v23;
	v40 =	vsub.f32 $0.0e+00, v35;
	v3 =	vnsel vm0, $0x0, v34;
	v33 =	vand.u32 $0x7FFFFFFF, v20  }
0x39c: {  	v3 =	vsub.f32 v28, v3;
	v28 =	vld [tilespmem:s2+$0xFFFFFFC0];
	[tilespmem:s16+$0xFFFFFFC0] =	vst v29;
	v29 =	vsub.f32 v18, v32;
	v18 =	vmax.f32 v60, $0.0e+00  }
0x39d: {  	[tilespmem:s16+$0xFFFFFFE0] =	vst v24;
	v23 =	vmax.f32 v30, $0.0e+00;
	v24 =	vmax.f32 v27, $0.0e+00;
	v62 =	vsub.f32 $0.0e+00, v30  }
0x39e: {  	v41 =	vsub.f32 $0.0e+00, v27;
	v32 =	vand.u32 $0x7FFFFFFF, v21;
	vm7 =	veq.s32 v10, v33  }
0x39f: {  	v39 =	vmax.f32 v2, $0.0e+00;
	v37 =	vmax.f32 v36, $0.0e+00;
	v38 =	vmax.f32 v38, $0.0e+00  }
0x3a0: {  	v36 =	vmax.f32 v40, $0.0e+00;
	v27 =	vand.u32 $0x7FFFFFFF, v18;
	v30 =	vand.u32 $0x7FFFFFFF, v23  }
0x3a1: {  	v31 =	vand.u32 $0x7FFFFFFF, v24;
	vm6 =	veq.s32 v10, v32;
	v48 =	vmpcnt.ones.xlane vm7  }
0x3a2: {  	v49 =	vand.u32 $0x7FFFFFFF, v39;
	v50 =	vand.u32 $0x7FFFFFFF, v37;
	v51 =	vand.u32 $0x7FFFFFFF, v38;
	[tilespmem:s16+$0xFFFFFFF0] =	vst v3  }
0x3a3: {  	v53 =	vand.u32 $0x7FFFFFFF, v36;
	v3 =	vsub.f32 $0.0e+00, v61;
	[tilespmem:s16+$0x20] =	vst v29;
	v29 =	vand.u32 $0x7FFFFFFF, v19  }
0x3a4: {  	vm4 =	veq.s32 v10, v27;
	vm12 =	veq.s32 v10, v30;
	vm5 =	veq.s32 v10, v31  }
0x3a5: {  	v40 =	vmax.f32 v62, $0.0e+00;
	v12 =	vmpcnt.ones.xlane vm6;
	vm14 =	veq.s32 v11, v49  }
0x3a6: {  	vm13 =	veq.s32 v11, v50;
	vm0 =	veq.s32 v11, v51;
	vm2 =	veq.s32 v11, v53  }
0x3a7: {  	vm11 =	veq.s32 v10, v29;
	v2 =	vmpcnt.ones.xlane vm12;
	v47 =	vmpcnt.ones.xlane vm4  }
0x3a8: {  	v54 =	vand.u32 $0x7FFFFFFF, v40;
	v57 =	vmpcnt.ones.xlane vm14;
	v35 =	vmax.f32 v3, $0.0e+00  }
0x3a9: {  	v3 =	vimm.s32 $0x0;
	v46 =	vmpcnt.ones.xlane vm11;
	v63 =	vsub.f32 $0.0e+00, v28  }
0x3aa: {  	vm3 =	veq.s32 v11, v54;
	v25 =	vmax.f32 v28, $0.0e+00;
	v28 =	vand.u32 $0x7FFFFFFF, v22  }
0x3ab: {  	v3 =	vsel vm12, $0xFFFFFFFF, v3;
	v34 =	vand.u32 $0x7FFFFFFF, v25;
	v43 =	vmax.f32 v63, $0.0e+00  }
0x3ac: {  	v52 =	vand.u32 $0x7FFFFFFF, v35;
	vm8 =	veq.s32 v10, v34;
	v55 =	vand.u32 $0x7FFFFFFF, v43  }
0x3ad: {  	vm10 =	veq.s32 v10, v28;
	v13 =	vmpcnt.ones.xlane vm8;
	vm15 =	veq.s32 v11, v55  }
0x3ae: {  	[tilespmem:$0x1FCA0] =	vst v3;
	v3 =	vmpcnt.ones.xlane vm5;
	vm1 =	veq.s32 v11, v52;
	v56 =	vmpcnt.ones.xlane vm15  }
0x3af: {  	v26 =	vmovc v16;
	[tilespmem:s16+$0x10] =	vst v5;
	v45 =	vmpcnt.ones.xlane vm10;
	v5 =	vadd.s32 v16, v13;
	v16 =	vmpcnt.ones.xlane vm13  }
0x3b0: {  	v62 =	vsel vm15, $0x1, v1;
	v48 =	vadd.s32 v5, v48;
	v56 =	vadd.s32 v17, v56  }
0x3b1: {  	v42 =	vmovc v17;
	[tilespmem:s16+$0x0] =	vst v4;
	v17 =	vmpcnt.ones.xlane vm0;
	v4 =	vadd.s32 v48, v12;
	v57 =	vadd.s32 v56, v57  }
0x3b2: {  	v47 =	vadd.s32 v4, v47;
	v58 =	vadd.s32 v57, v16;
	v16 =	vmpcnt.ones.xlane vm1  }
0x3b3: {  	v45 =	vadd.s32 v47, v45;
	v59 =	vadd.s32 v58, v17;
	v17 =	vmpcnt.ones.xlane vm2  }
0x3b4: {  	v46 =	vadd.s32 v45, v46;
	v60 =	vadd.s32 v59, v16;
	v16 =	vmpcnt.ones.xlane vm3  }
0x3b5: {  	v14 =	vsel vm14, $0x1, v1;
	(xrf0) =	vadd.scan.msk.s32 $0xffff, v62;
	v2 =	vadd.s32 v46, v2;
	v61 =	vadd.s32 v60, v17  }
0x3b6: {  	(xrf0) =	vadd.scan.msk.s32 $0xffff, v14;
	v63 =	vadd.s32 v61, v16;
	v16 =	vadd.s32 v2, v3;
	v3 =	vsel vm13, $0x1, v1  }
0x3b7: {  	v15 =	vsel vm12, $0x1, v1;
	v62 =	vsel vm0, $0x1, v1;
	(xrf0) =	vadd.scan.msk.s32 $0xffff, v3  }
0x3b8: {  	v7 =	vsel vm1, $0x1, v1;
	vm12 =	vlt.s32 v11, v55;
	v55 =	vimm.s32 $0x0;
	(xrf0) =	vadd.scan.msk.s32 $0xffff, v62  }
0x3b9: {  	v6 =	vimm.s32 $0x0;
	(xrf0) =	vadd.scan.msk.s32 $0xffff, v7;
	v7 =	vsel vm12, $0xFFFFFFFF, v55  }
0x3ba: {  	v6 =	vsel vm5, $0xFFFFFFFF, v6;
	v8 =	vsel vm2, $0x1, v1;
	[tilespmem:$0x1FCC0] =	vst v7  }
0x3bb: {  	v7 =	vsel vm5, $0x1, v1;
	(xrf0) =	vadd.scan.msk.s32 $0xffff, v8;
	vm5 =	vlt.s32 v11, v49;
	v8 =	vimm.s32 $0x0  }
0x3bc: {  	v8 =	vsel vm5, $0xFFFFFFFF, v8  }
0x3bd: {  	vm5 =	vlt.s32 v11, v50;
	[tilespmem:$0x1FCE0] =	vst v8;
	v8 =	vimm.s32 $0x0  }
0x3be: {  	v8 =	vsel vm5, $0xFFFFFFFF, v8;
	_ =	sdelay $0x1  }
0x3bf: {  	v9 =	vsel vm3, $0x1, v1;
	v50 =	vimm.s32 $0x0;
	vm5 =	vlt.s32 v11, v51;
	[tilespmem:$0x1FCF0] =	vst v8  }
0x3c0: {  	v49 =	vsel vm5, $0xFFFFFFFF, v50;
	vm5 =	vlt.s32 v11, v52;
	v8, _, _ =	vpop (xrf0);
	(xrf0) =	vadd.scan.msk.s32 $0xffff, v9;
	v9 =	vimm.s32 $0x0  }
0x3c1: {  	v9 =	vsel vm5, $0xFFFFFFFF, v9  }
0x3c2: {  	vm5 =	vlt.s32 v11, v53;
	[tilespmem:$0x1FD30] =	vst v9;
	v9 =	vimm.s32 $0x0  }
0x3c3: {  	v9 =	vsel vm5, $0xFFFFFFFF, v9  }
0x3c4: {  	[tilespmem:$0x1FD50] =	vst v9;
	v9 =	vld [tilespmem:$0x1FF30]  }
0x3c5: {  	v41 =	vmax.f32 v41, $0.0e+00  }
0x3c6: {  	v44 =	vand.u32 $0x7FFFFFFF, v41  }
0x3c7: {  	vm9 =	veq.s32 v11, v44  }
0x3c8: {  	[tilespmem:$0x1FCB0] =	vst v6;
	v6 =	vsel vm8, $0x1, v1;
	v3 =	vsel vm7, $0x1, v1;
	v8 =	vadd.s32 v42, v8  }
0x3c9: {  	vm12 =	vlt.s32 v11, v54;
	v52, _, _ =	vpop (xrf0);
	vm5 =	vle.s32 v8, v9;
	v8 =	vimm.s32 $0x0  }
0x3ca: {  	v12 =	vsel vm6, $0x1, v1;
	(xrf0) =	vadd.scan.msk.s32 $0xffff, v6;
	v53 =	vadd.s32 v56, v52;
	v8 =	vsel vm12, $0xFFFFFFFF, v8  }
0x3cb: {  	(xrf0) =	vadd.scan.msk.s32 $0xffff, v3;
	v3, _, _ =	vpop (xrf0);
	vm5 =	vmand vm15, vm5;
	[tilespmem:$0x1FD70] =	vst v8;
	v8 =	vimm.s32 $0x0  }
0x3cc: {  	v3 =	vadd.s32 v57, v3;
	v8 =	vsel vm5, $0xFFFFFFFF, v8;
	vm5 =	vle.s32 v53, v9  }
0x3cd: {  	v13 =	vsel vm4, $0x1, v1;
	(xrf0) =	vadd.scan.msk.s32 $0xffff, v12;
	v56, _, _ =	vpop (xrf0);
	vm14 =	vmand vm14, vm5;
	vm5 =	vle.s32 v3, v9  }
0x3ce: {  	[tilespmem:$0x1FCD0] =	vst v8;
	v3 =	vadd.s32 v58, v56;
	v8 =	vimm.s32 $0x0;
	vm5 =	vmand vm13, vm5  }
0x3cf: {  	v62 =	vsel vm10, $0x1, v1;
	(xrf0) =	vadd.scan.msk.s32 $0xffff, v13;
	v57, _, _ =	vpop (xrf0);
	v8 =	vsel vm5, $0xFFFFFFFF, v8;
	vm5 =	vle.s32 v3, v9  }
0x3d0: {  	v3 =	vadd.s32 v59, v57;
	[tilespmem:$0x1FD00] =	vst v8;
	vm0 =	vmand vm0, vm5;
	v8 =	vimm.s32 $0x0  }
0x3d1: {  	v14 =	vsel vm11, $0x1, v1;
	v42 =	vld [tilespmem:$0x1FF20];
	(xrf0) =	vadd.scan.msk.s32 $0xffff, v62;
	v58, _, _ =	vpop (xrf0);
	v8 =	vsel vm0, $0xFFFFFFFF, v8;
	vm0 =	vle.s32 v3, v9  }
0x3d2: {  	v59 =	vadd.s32 v60, v58;
	[tilespmem:$0x1FD20] =	vst v8;
	vm0 =	vmand vm1, vm0;
	v8 =	vimm.s32 $0x0  }
0x3d3: {  	v51 =	vimm.s32 $0x0;
	(xrf0) =	vadd.scan.msk.s32 $0xffff, v14;
	v60, _, _ =	vpop (xrf0);
	v8 =	vsel vm0, $0xFFFFFFFF, v8;
	vm0 =	vle.s32 v59, v9  }
0x3d4: {  	v62 =	vadd.s32 v61, v60;
	v14, _, _ =	vpop (xrf0);
	[tilespmem:$0x1FD40] =	vst v8;
	vm0 =	vmand vm2, vm0;
	v8 =	vimm.s32 $0x0  }
0x3d5: {  	v6 =	vadd.s32 v26, v14;
	v8 =	vsel vm0, $0xFFFFFFFF, v8;
	vm0 =	vle.s32 v62, v9  }
0x3d6: {  	v3, _, _ =	vpop (xrf0);
	vm1 =	vle.s32 v6, v42;
	[tilespmem:$0x1FD60] =	vst v8;
	vm0 =	vmand vm3, vm0;
	v8 =	vimm.s32 $0x0  }
0x3d7: {  	[tilespmem:$0x1FD10] =	vst v49;
	v3 =	vadd.s32 v5, v3;
	v49 =	vsel vm0, $0xFFFFFFFF, v8;
	vm0 =	vmand vm8, vm1  }
0x3d8: {  	v55 =	vsel vm9, $0x1, v1;
	v50, _, _ =	vpop (xrf0);
	v6 =	vsel vm0, $0xFFFFFFFF, v51;
	vm0 =	vle.s32 v3, v42  }
0x3d9: {  	v53 =	vimm.s32 $0x0;
	(xrf0) =	vadd.scan.msk.s32 $0xffff, v15;
	v3 =	vadd.s32 v48, v50;
	vm0 =	vmand vm7, vm0  }
0x3da: {  	(xrf0) =	vadd.scan.msk.s32 $0xffff, v7;
	v52, _, _ =	vpop (xrf0);
	[tilespmem:$0x1FD90] =	vst v6;
	v6 =	vsel vm0, $0xFFFFFFFF, v53;
	vm0 =	vle.s32 v3, v42  }
0x3db: {  	(xrf0) =	vadd.scan.msk.s32 $0xffff, v55;
	v55 =	vimm.s32 $0x0;
	v3 =	vadd.s32 v4, v52;
	vm0 =	vmand vm6, vm0  }
0x3dc: {  	v17 =	vmpcnt.ones.xlane vm9;
	v54, _, _ =	vpop (xrf0);
	v5 =	vsel vm0, $0xFFFFFFFF, v55;
	vm0 =	vle.s32 v3, v42  }
0x3dd: {  	v12 =	vld [tilespmem:$0x1FCA0];
	v57 =	vimm.s32 $0x0;
	v3 =	vadd.s32 v47, v54;
	vm0 =	vmand vm4, vm0  }
0x3de: {  	v13 =	vimm.s32 $0x0;
	v14 =	vld [tilespmem:$0x1FF50];
	v56, _, _ =	vpop (xrf0);
	[tilespmem:$0x1FDB0] =	vst v5;
	v5 =	vsel vm0, $0xFFFFFFFF, v57;
	vm0 =	vle.s32 v3, v42  }
0x3df: {  	v59 =	vimm.s32 $0x0;
	v8 =	vadd.s32 v45, v56;
	vm0 =	vmand vm10, vm0  }
0x3e0: {  	vm15 =	vlt.s32 v11, v44;
	v58, _, _ =	vpop (xrf0);
	[tilespmem:$0x1FDD0] =	vst v5;
	v5 =	vsel vm0, $0xFFFFFFFF, v59;
	vm0 =	vle.s32 v8, v42  }
0x3e1: {  	v62 =	vimm.s32 $0x0;
	v60 =	vadd.s32 v46, v58;
	vm0 =	vmand vm11, vm0  }
0x3e2: {  	v44 =	vld [tilespmem:$0x1FCE0];
	vm1 =	vnez.u8 v12;
	v61, _, _ =	vpop (xrf0);
	[tilespmem:$0x1FDE0] =	vst v5;
	v5 =	vsel vm0, $0xFFFFFFFF, v62;
	vm0 =	vle.s32 v60, v42  }
0x3e3: {  	v2 =	vadd.s32 v2, v61;
	v3, _, _ =	vpop (xrf0);
	[tilespmem:$0x1FDF0] =	vst v5;
	vm0 =	vmand vm1, vm0;
	v5 =	vadd.f32 v41, v14;
	v41 =	vld [tilespmem:$0x1FF40]  }
0x3e4: {  	v4 =	vsel vm0, $0xFFFFFFFF, v13;
	vm0 =	vle.s32 v2, v42;
	v2 =	vadd.s32 v63, v3;
	v3 =	vld [tilespmem:$0x1FCB0]  }
0x3e5: {  	v45 =	vld [tilespmem:$0x1FCF0]  }
0x3e6: {  	v17 =	vadd.s32 v63, v17;
	v46 =	vld [tilespmem:$0x1FD00]  }
0x3e7: {  	vm12 =	vlt.s32 v10, v28;
	vm5 =	vlt.s32 v10, v33;
	v37 =	vadd.f32 v37, v14;
	v48 =	vld [tilespmem:$0x1FD20]  }
0x3e8: {  	v33 =	vadd.f32 v35, v14;
	v26 =	vadd.f32 v36, v14;
	v50 =	vld [tilespmem:$0x1FD30];
	vm7 =	vlt.s32 v10, v29  }
0x3e9: {  	v42 =	vld [tilespmem:$0x1FCC0];
	v29 =	vadd.f32 v25, v41;
	v25 =	vadd.f32 v20, v41;
	vm1 =	vnez.u8 v3  }
0x3ea: {  	vm11 =	vmand vm1, vm0;
	vm0 =	vle.s32 v2, v9;
	v2 =	vadd.f32 v43, v14;
	v43 =	vld [tilespmem:$0x1FCD0]  }
0x3eb: {  	v51 =	vld [tilespmem:$0x1FD40];
	vm6 =	vlt.s32 v10, v27;
	v27 =	vadd.f32 v21, v41;
	v28 =	vadd.f32 v18, v41  }
0x3ec: {  	[tilespmem:$0x1FD80] =	vst v49;
	v49 =	vimm.s32 $0x0;
	v52 =	vld [tilespmem:$0x1FD50];
	v20 =	vadd.f32 v22, v41;
	v19 =	vadd.f32 v19, v41  }
0x3ed: {  	v47 =	vld [tilespmem:$0x1FD10];
	vm10 =	vlt.s32 v10, v30;
	v18 =	vadd.f32 v23, v41;
	v3 =	vadd.f32 v39, v14  }
0x3ee: {  	v53 =	vld [tilespmem:$0x1FD60];
	v39 =	vimm.s32 $0x0;
	vm8 =	vnez.u8 v42;
	vm1 =	vlt.s32 v10, v32  }
0x3ef: {  	v56 =	vld [tilespmem:$0x1FD90];
	[tilespmem:$0x1FDA0] =	vst v6;
	vm0 =	vmand vm9, vm0;
	v6 =	vsel vm1, $0xFFFFFFFF, v39;
	vm13 =	vnez.u8 v43  }
0x3f0: {  	v54 =	vld [tilespmem:$0x1FD70];
	vm3 =	vmor vm15, vm0;
	vm4 =	vmor vm8, vm13;
	vm8 =	vnez.u8 v44  }
0x3f1: {  	v55 =	vld [tilespmem:$0x1FD80];
	vm2 =	vmor vm8, vm14;
	vm14 =	vnez.u8 v45;
	vm8 =	vnez.u8 v46  }
0x3f2: {  	v57 =	vld [tilespmem:$0x1FDA0];
	vm13 =	vnez.u8 v48;
	vm0 =	vmor vm14, vm8;
	vm8 =	vnez.u8 v47  }
0x3f3: {  	v58 =	vld [tilespmem:$0x1FDB0];
	v21 =	vadd.f32 v24, v41;
	vm9 =	vlt.s32 v10, v34;
	[tilespmem:$0x1FDC0] =	vst v6;
	vm8 =	vmor vm8, vm13  }
0x3f4: {  	v59 =	vld [tilespmem:$0x1FDC0];
	vm13 =	vnez.u8 v51;
	v7 =	vsel vm8, $0xFFFFFFFF, v49;
	vm8 =	vnez.u8 v50  }
0x3f5: {  	v60 =	vld [tilespmem:$0x1FDD0];
	vm15 =	vmor vm8, vm13;
	vm8 =	vnez.u8 v52;
	vm13 =	vnez.u8 v53  }
0x3f6: {  	v61 =	vld [tilespmem:$0x1FDE0];
	vm14 =	vmor vm8, vm13;
	vm8 =	vnez.u8 v54;
	vm13 =	vnez.u8 v55  }
0x3f7: {  	v62 =	vld [tilespmem:$0x1FDF0];
	[tilespmem:$0x1FE00] =	vst v4;
	vm1 =	vlt.s32 v10, v31;
	vm13 =	vmor vm8, vm13;
	vm8 =	vnez.u8 v56  }
0x3f8: {  	s0 =	sadd.s32 $0x8, s0;
	v63 =	vld [tilespmem:$0x1FE00];
	vm11 =	vmor vm1, vm11;
	vm9 =	vmor vm9, vm8;
	vm8 =	vnez.u8 v57  }
0x3f9: {  	p0 =	slt.u32 s0, $0x1F8;
	vm1 =	vnez.u8 v58;
	vm5 =	vmor vm5, vm8;
	vm8 =	vnez.u8 v59  }
.Ltmp38:
0x3fa: {  	v32 =	vadd.f32 v40, v14;
	vm8 =	vmor vm8, vm1;
	vm1 =	vnez.u8 v60;
	(pc) =	sbr.rel @p0 .LBB2_42-.Ltmp38, $4  }
0x3fb: {  	v34 =	vadd.f32 v38, v14;
	vm6 =	vmor vm6, vm1;
	vm1 =	vnez.u8 v61  }
0x3fc: {  	v23 =	vnsel vm3, $0x0, v5;
	vm1 =	vmor vm12, vm1;
	vm12 =	vnez.u8 v62  }
0x3fd: {  	v30 =	vnsel vm4, $0x0, v2;
	vm7 =	vmor vm7, vm12;
	vm12 =	vnez.u8 v63  }
0x3fe: {  	s2 =	sadd.s32 $0x80, s2;
	v24 =	vnsel vm2, $0x0, v3;
	v22 =	vnsel vm0, $0x0, v37;
	[tilespmem:$0x1FE90] =	vst v7;
	vm10 =	vmor vm10, vm12  }
0x3ff: {  	v2 =	vnsel vm11, $0x0, v21  }
0x400: {  	v2 =	vsub.f32 v2, v23  }
0x401: {  	s0 =	sadd.s32 $0x80, s16  }
0x402: {  	[tilespmem:s0+$0x30] =	vst v2  }
0x403: {  	v2 =	vld [tilespmem:$0x1FE90];
	_ =	sdelay $0x1  }
0x404: {  	v3 =	vnsel vm9, $0x0, v29  }
0x405: {  	v4 =	vnsel vm5, $0x0, v25;
	v3 =	vsub.f32 v3, v30  }
0x406: {  	v5 =	vnsel vm8, $0x0, v27;
	v7 =	vnsel vm1, $0x0, v20;
	v4 =	vsub.f32 v4, v24  }
0x407: {  	v5 =	vsub.f32 v5, v22;
	[tilespmem:s0+$0xFFFFFFC0] =	vst v3;
	v3 =	vnsel vm15, $0x0, v33;
	vm0 =	vnez.u8 v2  }
0x408: {  	v6 =	vnsel vm6, $0x0, v28;
	[tilespmem:s0+$0xFFFFFFD0] =	vst v4;
	v3 =	vsub.f32 v7, v3;
	v2 =	vnsel vm0, $0x0, v34  }
0x409: {  	v4 =	vnsel vm14, $0x0, v26;
	[tilespmem:s0+$0xFFFFFFE0] =	vst v5;
	v2 =	vsub.f32 v6, v2;
	v6 =	vnsel vm7, $0x0, v19  }
0x40a: {  	v5 =	vnsel vm13, $0x0, v32;
	v7 =	vnsel vm10, $0x0, v18;
	[tilespmem:s0+$0x0] =	vst v3;
	v4 =	vsub.f32 v6, v4  }
0x40b: {  	[tilespmem:s0+$0xFFFFFFF0] =	vst v2;
	v2 =	vsub.f32 v7, v5  }
0x40c: {  	[tilespmem:s0+$0x10] =	vst v4  }
0x40d: {  	[tilespmem:s0+$0x20] =	vst v2  }
0x40e: {  	v2 =	vld [tilespmem:$0x1FF80]  }
0x40f: {  	v3 =	vld [tilespmem:$0x1FF90]  }
0x410: {  	v4 =	vld [tilespmem:$0x1FFA0]  }
.Ltmp39:
0x411: {  	v5 =	vld [tilespmem:$0x1FFB0];
	(pc) =	sbr.rel .LBB2_47-.Ltmp39, $4  }
0x412: {  	v6 =	vld [tilespmem:$0x1FFC0]  }
0x413: {  	v7 =	vld [tilespmem:$0x1FFD0]  }
0x414: {  	v8 =	vld [tilespmem:$0x1FFE0]  }
0x415: {  	v9 =	vld [tilespmem:$0x1FFF0]  }
.LBB2_49:
0x416: {  	_ =	sfence.sel $0x180000  }
0x417: {  	[bflag:$0x0] =	sbarrier.arrive $0xFFFF  }
0x418: {  	_ =	strace $0x90000047  }
0x419: {  	s0 =	stileid.u32;
	[bflag:$0x2] =	sbarrier.arrive $0xFFFF  }
0x41a: {  	p0 =	sne.s32 s0, $0x0;
	s0 =	rddreg [dreg:$0x2]  }
0x41b: {  	s0 =	sadd.s32 @!p0 $0x100000, s0  }
0x41c: {  	[sflag:s0] =	ssyncadd.tile.s32 @!p0 $0x1;
	_ =	shalt  }
.Lfunc_end2:
_tile_overlayer_lowered:
.L_overlay_start_2:
0x41d: {  	(tag) =	ssettag $0x2  }
0x41e: {  	s0 =	rddreg [dreg:$0x0];
	s2 =	stileid.u32  }
0x41f: {  	s1 =	rddreg [dreg:$0x1];
	p0 =	sne.s32 s2, $0x0  }
0x420: {  	s3 =	rddreg [dreg:$0x2];
	[bflag:$0x3] =	sbarrier.arrive $0xFFFF;
	s2 =	simm.s32 @!p0 $0x1C01  }
0x421: {  	[timem:s3], [sflag:s2] =	dma.local @!p0 [hbm:s0], s1  }
0x422: {  	s0 =	simm.s32 @!p0 $0x1  }
0x423: {  	_ =	swait.ge @!p0 [sflag:s0], s1  }
0x424: {  	s1 =	ssub.s32 @!p0 $0x0, s1;
	[sflag:s0] =	ssyncset.done @!p0 $0x0  }
0x425: {  	[sflag:s0] =	ssyncadd.s32 @!p0 s1  }
0x426: {  	[bflag:$0x3] =	sbarrier.arrive $0xFFFF  }
0x427: {  	_ =	shalt  }

</sc_bundles>
